<compile_context>
chip_gen: v7x
topology: tpu7x:2x2x1
jax: 0.10.2.dev20260603
libtpu: 0.0.44.dev20260713+nightly
codegen_flags: <defaults>
</compile_context>

<pallas_src>
import functools

import jax
import jax.numpy as jnp
from jax import lax
from jax.experimental import pallas as pl
from jax.experimental.pallas import tpu as pltpu
from jax.experimental.pallas import tpu_sc as plsc

N = 10000
E = 320000
IN = 128
H = 256
OUT = 128

NC = 2
NS = 16
CH = 128
EPAD = 327680
NROWS = 10112

_mesh = plsc.VectorSubcoreMesh(core_axis_name="c", subcore_axis_name="s")


def _edge_loop(u_hbm, acc, srcp1, dstp1, sxA, sxB, d0, d1, d2, d3,
               rowsA, rowsB, gsA, gsB, isA, isB, ss0, ss1, ss2, ss3,
               tid, cpt):
    base = tid * cpt

    def ldx(j, sx, dx, isem):
        pltpu.async_copy(srcp1.at[pl.ds((base + j) * CH, CH)], sx, isem)
        pltpu.async_copy(dstp1.at[pl.ds((base + j) * CH, CH)], dx, isem)

    def ldx_wait(j, sx, dx, isem):
        pltpu.make_async_copy(srcp1.at[pl.ds((base + j) * CH, CH)], sx, isem).wait()
        pltpu.make_async_copy(dstp1.at[pl.ds((base + j) * CH, CH)], dx, isem).wait()

    def gath(sx, rows, gsem):
        pltpu.async_copy(u_hbm.at[sx], rows, gsem)

    def gath_wait(sx, rows, gsem):
        pltpu.make_async_copy(u_hbm.at[sx], rows, gsem).wait()

    def scat(rows, dx, ssem):
        pltpu.async_copy(rows, acc.at[dx], ssem, add=True)

    def scat_wait(rows, dx, ssem):
        pltpu.make_async_copy(rows, acc.at[dx], ssem).wait()

    ldx(0, sxA, d0, isA)
    ldx_wait(0, sxA, d0, isA)
    gath(sxA, rowsA, gsA)
    ldx(1, sxB, d1, isB)

    def body(p, carry):
        j0 = 4 * p
        j4 = j0 + 4

        @pl.when(p > 0)
        def _():
            scat_wait(rowsB, d3, ss3)
        ldx_wait(j0 + 1, sxB, d1, isB)
        gath(sxB, rowsB, gsB)
        gath_wait(sxA, rowsA, gsA)
        scat(rowsA, d0, ss0)
        ldx(j0 + 2, sxA, d2, isA)
        gath_wait(sxB, rowsB, gsB)
        scat(rowsB, d1, ss1)
        scat_wait(rowsA, d0, ss0)
        ldx_wait(j0 + 2, sxA, d2, isA)
        gath(sxA, rowsA, gsA)
        ldx(j0 + 3, sxB, d3, isB)
        scat_wait(rowsB, d1, ss1)
        gath_wait(sxA, rowsA, gsA)
        scat(rowsA, d2, ss2)
        ldx_wait(j0 + 3, sxB, d3, isB)
        gath(sxB, rowsB, gsB)

        @pl.when(j4 < cpt)
        def _():
            ldx(j4, sxA, d0, isA)

        scat_wait(rowsA, d2, ss2)
        gath_wait(sxB, rowsB, gsB)
        scat(rowsB, d3, ss3)

        @pl.when(j4 < cpt)
        def _():
            ldx_wait(j4, sxA, d0, isA)
            gath(sxA, rowsA, gsA)

        @pl.when(j4 + 1 < cpt)
        def _():
            ldx(j4 + 1, sxB, d1, isB)

        return carry

    lax.fori_loop(0, cpt // 4, body, 0)
    scat_wait(rowsB, d3, ss3)


def _make_agg(wh):
    rpt = NROWS // NS
    cpt = EPAD // NS // CH
    _scr = (
        [pltpu.VMEM_SHARED((NROWS, wh), jnp.float32)]
        + [pltpu.VMEM((CH,), jnp.int32) for _ in range(6)]
        + [pltpu.VMEM((CH, wh), jnp.float32) for _ in range(2)]
        + [pltpu.SemaphoreType.DMA for _ in range(8)]
    )

    @functools.partial(
        pl.kernel,
        out_type=(
            jax.ShapeDtypeStruct((NROWS, wh), jnp.float32),
            jax.ShapeDtypeStruct((NROWS, wh), jnp.float32),
        ),
        mesh=_mesh,
        scratch_types=_scr,
    )
    def agg(uL, uR, srcp1, dstp1, aggL, aggR, acc, sxA, sxB, d0, d1, d2, d3,
            rowsA, rowsB, gsA, gsB, isA, isB, ss0, ss1, ss2, ss3):
        c = lax.axis_index("c")
        s = lax.axis_index("s")

        def half(u_hbm, out_hbm):
            @pl.when(s == 0)
            def _():
                pltpu.sync_copy(u_hbm, acc.at[pl.ds(0, N)])

            plsc.subcore_barrier()
            _edge_loop(u_hbm, acc, srcp1, dstp1, sxA, sxB, d0, d1, d2, d3,
                       rowsA, rowsB, gsA, gsB, isA, isB, ss0, ss1, ss2, ss3,
                       s, cpt)
            plsc.subcore_barrier()
            pltpu.sync_copy(
                acc.at[pl.ds(s * rpt, rpt)], out_hbm.at[pl.ds(s * rpt, rpt)]
            )

        @pl.when(c == 0)
        def _():
            half(uL, aggL)

        @pl.when(c == 1)
        def _():
            half(uR, aggR)

    return agg


_agg128 = _make_agg(H // 2)

_scr_l0 = (
    [pltpu.VMEM_SHARED((NROWS, IN), jnp.float32)]
    + [pltpu.VMEM((CH,), jnp.int32) for _ in range(6)]
    + [pltpu.VMEM((CH, IN), jnp.float32) for _ in range(2)]
    + [pltpu.SemaphoreType.DMA for _ in range(8)]
)


@functools.partial(
    pl.kernel,
    out_type=jax.ShapeDtypeStruct((NC, NROWS, IN), jnp.float32),
    mesh=_mesh,
    scratch_types=_scr_l0,
)
def _agg_l0(u, seed, srcp1, dstp1, out, acc, sxA, sxB, d0, d1, d2, d3,
            rowsA, rowsB, gsA, gsB, isA, isB, ss0, ss1, ss2, ss3):
    c = lax.axis_index("c")
    s = lax.axis_index("s")
    rpt = NROWS // NS
    cpt = EPAD // (NC * NS) // CH
    w = c * NS + s

    @pl.when(s == 0)
    def _():
        pltpu.sync_copy(seed, acc.at[pl.ds(0, N)])

    plsc.subcore_barrier()
    _edge_loop(u, acc, srcp1, dstp1, sxA, sxB, d0, d1, d2, d3,
               rowsA, rowsB, gsA, gsB, isA, isB, ss0, ss1, ss2, ss3,
               w, cpt)
    plsc.subcore_barrier()
    pltpu.sync_copy(acc.at[pl.ds(s * rpt, rpt)], out.at[c, pl.ds(s * rpt, rpt)])


def _prep_body(deg_ref, x_ref, dis_ref, u_ref, uh_ref):
    deg = deg_ref[:, 0:1] + deg_ref[:, 1:2] + 1.0
    dis = 1.0 / jnp.sqrt(deg)
    dis_ref[...] = dis
    u = x_ref[...] * dis
    u_ref[...] = u
    uh_ref[...] = u * 0.5


def _prep(degt, x):
    return pl.pallas_call(
        _prep_body,
        out_shape=(
            jax.ShapeDtypeStruct((N, 1), jnp.float32),
            jax.ShapeDtypeStruct((N, IN), jnp.float32),
            jax.ShapeDtypeStruct((N, IN), jnp.float32),
        ),
    )(degt, x)


BLK = 1000
NBLK = N // BLK


def _make_mm_body(combine_sum):
    def _mm_body(aggL_ref, aggR_ref, dis_ref, w_ref, b_ref, z_ref,
                 stats_ref, acc_ref):
        i = pl.program_id(0)
        if combine_sum:
            t = (aggL_ref[...] + aggR_ref[...]) * dis_ref[...]
        else:
            t = jnp.concatenate([aggL_ref[...], aggR_ref[...]], axis=1) * dis_ref[...]
        z = jnp.dot(t, w_ref[...], preferred_element_type=jnp.float32) + b_ref[...]
        z_ref[...] = z

        @pl.when(i == 0)
        def _():
            acc_ref[...] = jnp.zeros_like(acc_ref)

        acc_ref[0:1, :] += jnp.sum(z, axis=0, keepdims=True)
        acc_ref[1:2, :] += jnp.sum(z * z, axis=0, keepdims=True)
        stats_ref[...] = acc_ref[...]

    return _mm_body


def _matmul_stats(aggL, aggR, dis, w, b, combine_sum=False):
    wh = aggL.shape[1]
    win = w.shape[0]
    return pl.pallas_call(
        _make_mm_body(combine_sum),
        grid=(NBLK,),
        in_specs=[
            pl.BlockSpec((BLK, wh), lambda i: (i, 0)),
            pl.BlockSpec((BLK, wh), lambda i: (i, 0)),
            pl.BlockSpec((BLK, 1), lambda i: (i, 0)),
            pl.BlockSpec((win, H), lambda i: (0, 0)),
            pl.BlockSpec((1, H), lambda i: (0, 0)),
        ],
        out_specs=(
            pl.BlockSpec((BLK, H), lambda i: (i, 0)),
            pl.BlockSpec((2, H), lambda i: (0, 0)),
        ),
        out_shape=(
            jax.ShapeDtypeStruct((N, H), jnp.float32),
            jax.ShapeDtypeStruct((2, H), jnp.float32),
        ),
        scratch_shapes=[pltpu.VMEM((2, H), jnp.float32)],
    )(aggL, aggR, dis, w, b)


def _var_body(z_ref, stats_ref, vout_ref, acc_ref):
    i = pl.program_id(0)
    mu = stats_ref[0:1, :] * (1.0 / N)
    zc = z_ref[...] - mu

    @pl.when(i == 0)
    def _():
        acc_ref[...] = jnp.zeros_like(acc_ref)

    acc_ref[...] += jnp.sum(zc * zc, axis=0, keepdims=True)
    vout_ref[...] = acc_ref[...]


def _var_pass(z, stats):
    return pl.pallas_call(
        _var_body,
        grid=(NBLK,),
        in_specs=[
            pl.BlockSpec((BLK, H), lambda i: (i, 0)),
            pl.BlockSpec((2, H), lambda i: (0, 0)),
        ],
        out_specs=pl.BlockSpec((1, H), lambda i: (0, 0)),
        out_shape=jax.ShapeDtypeStruct((1, H), jnp.float32),
        scratch_shapes=[pltpu.VMEM((1, H), jnp.float32)],
    )(z, stats)


def _bn_body(z_ref, stats_ref, vsum_ref, g_ref, be_ref, dis_ref, m_ref,
             mo_ref, uL_ref, uR_ref):
    mu = stats_ref[0:1, :] * (1.0 / N)
    var = vsum_ref[...] * (1.0 / N)
    inv = 1.0 / jnp.sqrt(var + 1e-5)
    h = jnp.maximum((z_ref[...] - mu) * (inv * g_ref[...]) + be_ref[...], 0.0)
    mo_ref[...] = jnp.maximum(m_ref[...], h)
    u = h * dis_ref[...]
    uL_ref[...] = u[:, : H // 2]
    uR_ref[...] = u[:, H // 2 :]


def _bn_relu_max(z, stats, vsum, g, be, dis, m):
    return pl.pallas_call(
        _bn_body,
        grid=(NBLK,),
        in_specs=[
            pl.BlockSpec((BLK, H), lambda i: (i, 0)),
            pl.BlockSpec((2, H), lambda i: (0, 0)),
            pl.BlockSpec((1, H), lambda i: (0, 0)),
            pl.BlockSpec((1, H), lambda i: (0, 0)),
            pl.BlockSpec((1, H), lambda i: (0, 0)),
            pl.BlockSpec((BLK, 1), lambda i: (i, 0)),
            pl.BlockSpec((BLK, H), lambda i: (i, 0)),
        ],
        out_specs=(
            pl.BlockSpec((BLK, H), lambda i: (i, 0)),
            pl.BlockSpec((BLK, H // 2), lambda i: (i, 0)),
            pl.BlockSpec((BLK, H // 2), lambda i: (i, 0)),
        ),
        out_shape=(
            jax.ShapeDtypeStruct((N, H), jnp.float32),
            jax.ShapeDtypeStruct((N, H // 2), jnp.float32),
            jax.ShapeDtypeStruct((N, H // 2), jnp.float32),
        ),
    )(z, stats, vsum, g, be, dis, m)


def _head_body(m_ref, w1_ref, b1_ref, w2_ref, b2_ref, o_ref):
    h = jnp.maximum(
        jnp.dot(m_ref[...], w1_ref[...], preferred_element_type=jnp.float32)
        + b1_ref[...],
        0.0,
    )
    o_ref[...] = (
        jnp.dot(h, w2_ref[...], preferred_element_type=jnp.float32) + b2_ref[...]
    )


def _head(m, w1, b1, w2, b2):
    return pl.pallas_call(
        _head_body,
        grid=(NBLK,),
        in_specs=[
            pl.BlockSpec((BLK, H), lambda i: (i, 0)),
            pl.BlockSpec((H, H), lambda i: (0, 0)),
            pl.BlockSpec((1, H), lambda i: (0, 0)),
            pl.BlockSpec((H, OUT), lambda i: (0, 0)),
            pl.BlockSpec((1, OUT), lambda i: (0, 0)),
        ],
        out_specs=pl.BlockSpec((BLK, OUT), lambda i: (i, 0)),
        out_shape=jax.ShapeDtypeStruct((N, OUT), jnp.float32),
    )(m, w1, b1, w2, b2)


def kernel(x, edge_index, W0, b0, g0, be0, W1, b1, g1, be1, W2, b2, g2, be2,
           W3, b3, g3, be3, l1W, l1b, l2W, l2b):
    src = edge_index[0].astype(jnp.int32)
    dst = edge_index[1].astype(jnp.int32)
    pad = EPAD - E
    srcp = jnp.concatenate([src, jnp.zeros((pad,), jnp.int32)])
    dstp = jnp.concatenate([dst, jnp.full((pad,), N, jnp.int32)])

    onesN = jnp.ones((N, IN), jnp.float32)
    halfN = jnp.full((N, IN), 0.5, jnp.float32)
    d2 = _agg_l0(onesN, halfN, srcp, dstp)
    degt = jnp.stack([d2[0, :N, 0], d2[1, :N, 0] - 1.0], axis=1)

    dis, u0, u0h = _prep(degt, x)

    params = [(W0, b0, g0, be0), (W1, b1, g1, be1),
              (W2, b2, g2, be2), (W3, b3, g3, be3)]
    m = jnp.zeros((N, H), jnp.float32)
    uL = uR = None
    for i, (Wl, bl, gl, bel) in enumerate(params):
        if i == 0:
            agg2 = _agg_l0(u0, u0h, srcp, dstp)
            aggL, aggR = agg2[0], agg2[1]
        else:
            aggL, aggR = _agg128(uL, uR, srcp, dstp)
        aggL, aggR = aggL[:N], aggR[:N]
        z, stats = _matmul_stats(
            aggL, aggR, dis, Wl, bl.reshape(1, H), combine_sum=(i == 0)
        )
        vsum = _var_pass(z, stats)
        m, uL, uR = _bn_relu_max(
            z, stats, vsum, gl.reshape(1, H), bel.reshape(1, H), dis, m
        )

    return _head(m, l1W, l1b.reshape(1, H), l2W, l2b.reshape(1, OUT))

# --- scband reference (transcript-rebuilt; emitter-appended) ---
"""Pipeline reference for scband-jknet-44435731644447 (READ-ONLY COPY).

The authoritative reference and input builder live on the scoring server;
editing this copy changes nothing except your own understanding.
"""

import jax, jax.numpy as jnp
import numpy as np

N = 10000
E = 320000
IN = 128
H = 256
OUT = 128
L = 4


def setup_inputs(seed: int = 0):
    key = jax.random.key(seed)
    ks = jax.random.split(key, 40)
    inp = {}
    inp["x"] = jax.random.normal(ks[0], (N, IN), dtype=jnp.float32)
    inp["edge_index"] = jax.random.randint(ks[1], (2, E), 0, N)
    dims = [IN] + [H] * L
    for i in range(L):
        inp[f"W{i}"] = jax.random.normal(ks[2 + i], (dims[i], H), dtype=jnp.float32) * 0.05
        inp[f"b{i}"] = jnp.zeros((H,), dtype=jnp.float32)
        inp[f"g{i}"] = jnp.ones((H,), dtype=jnp.float32)
        inp[f"be{i}"] = jnp.zeros((H,), dtype=jnp.float32)
    inp["l1W"] = jax.random.normal(ks[10], (H, H), dtype=jnp.float32) * 0.05
    inp["l1b"] = jnp.zeros((H,), dtype=jnp.float32)
    inp["l2W"] = jax.random.normal(ks[11], (H, OUT), dtype=jnp.float32) * 0.05
    inp["l2b"] = jnp.zeros((OUT,), dtype=jnp.float32)
    return inp


def _gcn_norm(edge_index):
    src = edge_index[0]
    dst = edge_index[1]
    loop = jnp.arange(N, dtype=src.dtype)
    src = jnp.concatenate([src, loop])
    dst = jnp.concatenate([dst, loop])
    deg = jax.ops.segment_sum(jnp.ones_like(dst, dtype=jnp.float32), dst, num_segments=N)
    dis = jnp.where(deg > 0, 1.0 / jnp.sqrt(deg), 0.0)
    norm = dis[src] * dis[dst]
    return src, dst, norm


def _conv(x, src, dst, norm, W, b):
    h = x @ W
    msg = h[src] * norm[:, None]
    return jax.ops.segment_sum(msg, dst, num_segments=N) + b


def _bn(x, g, be):
    mu = jnp.mean(x, axis=0)
    var = jnp.var(x, axis=0)
    return (x - mu) / jnp.sqrt(var + 1e-5) * g + be


def reference(x, edge_index, W0, b0, g0, be0, W1, b1, g1, be1, W2, b2, g2, be2, W3, b3, g3, be3, l1W, l1b, l2W, l2b):
    p = {
        "W0": W0, "b0": b0, "g0": g0, "be0": be0,
        "W1": W1, "b1": b1, "g1": g1, "be1": be1,
        "W2": W2, "b2": b2, "g2": g2, "be2": be2,
        "W3": W3, "b3": b3, "g3": g3, "be3": be3,
        "l1W": l1W, "l1b": l1b, "l2W": l2W, "l2b": l2b,
    }
    src, dst, norm = _gcn_norm(edge_index)
    xs = []
    h = x
    for i in range(L):
        h = _conv(h, src, dst, norm, p[f"W{i}"], p[f"b{i}"])
        h = _bn(h, p[f"g{i}"], p[f"be{i}"])
        h = jax.nn.relu(h)
        xs.append(h)
    h = jnp.max(jnp.stack(xs, axis=0), axis=0)
    h = jax.nn.relu(h @ p["l1W"] + p["l1b"])
    return h @ p["l2W"] + p["l2b"]

if __name__ == "__main__":
    import jax
    _d = setup_inputs()
    print(jax.jit(kernel)(*tuple(_d.values())))

</pallas_src>

<mosaic_0001>
#map = affine_map<(d0, d1) -> (0, 0)>
#map1 = affine_map<(d0, d1) -> (0)>
#map2 = affine_map<(d0, d1) -> (0, 0, 0)>
module attributes {stable_mosaic.version = 14 : i64} {
  func.func @_agg_l0(%arg0: i32, %arg1: i32, %arg2: memref<10000x128xf32, #tpu.memory_space<hbm>>, %arg3: memref<10000x128xf32, #tpu.memory_space<hbm>>, %arg4: memref<327680xi32, #tpu.memory_space<hbm>>, %arg5: memref<327680xi32, #tpu.memory_space<hbm>>, %arg6: memref<2x10112x128xf32, #tpu.memory_space<hbm>>, %arg7: memref<10112x128xf32, #tpu.memory_space<vmem_shared>>, %arg8: memref<128xi32, #tpu.memory_space<vmem>>, %arg9: memref<128xi32, #tpu.memory_space<vmem>>, %arg10: memref<128xi32, #tpu.memory_space<vmem>>, %arg11: memref<128xi32, #tpu.memory_space<vmem>>, %arg12: memref<128xi32, #tpu.memory_space<vmem>>, %arg13: memref<128xi32, #tpu.memory_space<vmem>>, %arg14: memref<128x128xf32, #tpu.memory_space<vmem>>, %arg15: memref<128x128xf32, #tpu.memory_space<vmem>>, %arg16: memref<!tpu.dma_semaphore, #tpu.memory_space<semaphore_mem>>, %arg17: memref<!tpu.dma_semaphore, #tpu.memory_space<semaphore_mem>>, %arg18: memref<!tpu.dma_semaphore, #tpu.memory_space<semaphore_mem>>, %arg19: memref<!tpu.dma_semaphore, #tpu.memory_space<semaphore_mem>>, %arg20: memref<!tpu.dma_semaphore, #tpu.memory_space<semaphore_mem>>, %arg21: memref<!tpu.dma_semaphore, #tpu.memory_space<semaphore_mem>>, %arg22: memref<!tpu.dma_semaphore, #tpu.memory_space<semaphore_mem>>, %arg23: memref<!tpu.dma_semaphore, #tpu.memory_space<semaphore_mem>>) attributes {dimension_semantics = [#tpu.dimension_semantics<core_parallel>, #tpu.dimension_semantics<subcore_parallel>], iteration_bounds = array<i64: 2, 16>, scalar_prefetch = 0 : i64, scratch_operands = 17 : i64, tpu.core_type = #tpu.core_type<sc_vector_subcore>, window_params = [{transform_indices = #map}, {transform_indices = #map}, {transform_indices = #map1}, {transform_indices = #map1}, {transform_indices = #map2}]} {
    %mul3A = arith.constant 16 : i32
    %mul3A_0 = arith.muli %arg0, %mul3A : i32
    %add3A = arith.addi %mul3A_0, %arg1 : i32
    %eq3A = arith.constant 0 : i32
    %eq3A_1 = arith.cmpi eq, %arg1, %eq3A : i32
    %convert_element_type3A = arith.extui %eq3A_1 : i1 to i32
    %cond3A = arith.constant 0 : i32
    %cond3A_2 = arith.cmpi ne, %convert_element_type3A, %cond3A : i32
    scf.if %cond3A_2 {
      "tpu.region"() ({
        %run_scoped3A = tpu.sem_alloc : memref<!tpu.dma_semaphore, #tpu.memory_space<semaphore_mem>>
        %dma_start3A_55 = arith.constant 0 : i32
        %dma_start3A_56 = arith.constant 0 : i32
        %dma_start3A_57 = tpu.memref_slice %arg7[%dma_start3A_55, %dma_start3A_56] : memref<10112x128xf32, #tpu.memory_space<vmem_shared>> -> memref<10000x128xf32, #tpu.memory_space<vmem_shared>>
        tpu.enqueue_dma source(%arg3 : memref<10000x128xf32, #tpu.memory_space<hbm>>) target(%dma_start3A_57 : memref<10000x128xf32, #tpu.memory_space<vmem_shared>>) target_semaphore(%run_scoped3A : memref<!tpu.dma_semaphore, #tpu.memory_space<semaphore_mem>>)
        %dma_wait3A_58 = arith.constant 0 : i32
        %dma_wait3A_59 = arith.constant 0 : i32
        %dma_wait3A_60 = tpu.memref_slice %arg7[%dma_wait3A_58, %dma_wait3A_59] : memref<10112x128xf32, #tpu.memory_space<vmem_shared>> -> memref<10000x128xf32, #tpu.memory_space<vmem_shared>>
        tpu.wait_dma2 semaphore(%run_scoped3A : memref<!tpu.dma_semaphore, #tpu.memory_space<semaphore_mem>>) src(%arg3 : memref<10000x128xf32, #tpu.memory_space<hbm>>) dst(%dma_wait3A_60 : memref<10000x128xf32, #tpu.memory_space<vmem_shared>>)
        tpu.yield
      }) : () -> ()
    } else {
    }
    %barrier3A = arith.constant 0 : index
    tpu.barrier barrier_id(%barrier3A)
    %mul3A_3 = arith.constant 80 : i32
    %mul3A_4 = arith.muli %add3A, %mul3A_3 : i32
    %add3A_5 = arith.constant 0 : i32
    %add3A_6 = arith.addi %mul3A_4, %add3A_5 : i32
    %mul3A_7 = arith.constant 128 : i32
    %mul3A_8 = arith.muli %add3A_6, %mul3A_7 : i32
    %dma_start3A = tpu.memref_slice %arg4[%mul3A_8] : memref<327680xi32, #tpu.memory_space<hbm>> -> memref<128xi32, #tpu.memory_space<hbm>>
    %dma_start3A_9 = tpu.memref_slice %arg4[%mul3A_8] : memref<327680xi32, #tpu.memory_space<hbm>> -> memref<128xi32, #tpu.memory_space<hbm>>
    tpu.enqueue_dma source(%dma_start3A_9 : memref<128xi32, #tpu.memory_space<hbm>>) target(%arg8 : memref<128xi32, #tpu.memory_space<vmem>>) target_semaphore(%arg18 : memref<!tpu.dma_semaphore, #tpu.memory_space<semaphore_mem>>)
    %add3A_10 = arith.constant 0 : i32
    %add3A_11 = arith.addi %mul3A_4, %add3A_10 : i32
    %mul3A_12 = arith.constant 128 : i32
    %mul3A_13 = arith.muli %add3A_11, %mul3A_12 : i32
    %dma_start3A_14 = tpu.memref_slice %arg5[%mul3A_13] : memref<327680xi32, #tpu.memory_space<hbm>> -> memref<128xi32, #tpu.memory_space<hbm>>
    %dma_start3A_15 = tpu.memref_slice %arg5[%mul3A_13] : memref<327680xi32, #tpu.memory_space<hbm>> -> memref<128xi32, #tpu.memory_space<hbm>>
    tpu.enqueue_dma source(%dma_start3A_15 : memref<128xi32, #tpu.memory_space<hbm>>) target(%arg10 : memref<128xi32, #tpu.memory_space<vmem>>) target_semaphore(%arg18 : memref<!tpu.dma_semaphore, #tpu.memory_space<semaphore_mem>>)
    %add3A_16 = arith.constant 0 : i32
    %add3A_17 = arith.addi %mul3A_4, %add3A_16 : i32
    %mul3A_18 = arith.constant 128 : i32
    %mul3A_19 = arith.muli %add3A_17, %mul3A_18 : i32
    %dma_wait3A = tpu.memref_slice %arg4[%mul3A_19] : memref<327680xi32, #tpu.memory_space<hbm>> -> memref<128xi32, #tpu.memory_space<hbm>>
    %dma_wait3A_20 = tpu.memref_slice %arg4[%mul3A_19] : memref<327680xi32, #tpu.memory_space<hbm>> -> memref<128xi32, #tpu.memory_space<hbm>>
    tpu.wait_dma2 semaphore(%arg18 : memref<!tpu.dma_semaphore, #tpu.memory_space<semaphore_mem>>) src(%dma_wait3A_20 : memref<128xi32, #tpu.memory_space<hbm>>) dst(%arg8 : memref<128xi32, #tpu.memory_space<vmem>>)
    %add3A_21 = arith.constant 0 : i32
    %add3A_22 = arith.addi %mul3A_4, %add3A_21 : i32
    %mul3A_23 = arith.constant 128 : i32
    %mul3A_24 = arith.muli %add3A_22, %mul3A_23 : i32
    %dma_wait3A_25 = tpu.memref_slice %arg5[%mul3A_24] : memref<327680xi32, #tpu.memory_space<hbm>> -> memref<128xi32, #tpu.memory_space<hbm>>
    %dma_wait3A_26 = tpu.memref_slice %arg5[%mul3A_24] : memref<327680xi32, #tpu.memory_space<hbm>> -> memref<128xi32, #tpu.memory_space<hbm>>
    tpu.wait_dma2 semaphore(%arg18 : memref<!tpu.dma_semaphore, #tpu.memory_space<semaphore_mem>>) src(%dma_wait3A_26 : memref<128xi32, #tpu.memory_space<hbm>>) dst(%arg10 : memref<128xi32, #tpu.memory_space<vmem>>)
    %dma_start3A_27 = arith.constant 0 : i32
    %dma_start3A_28 = arith.constant 0 : i32
    %dma_start3A_29 = tpu.memref_slice %arg2[%dma_start3A_27, %dma_start3A_28] : memref<10000x128xf32, #tpu.memory_space<hbm>> -> memref<10000x128xf32, #tpu.memory_space<hbm>>
    tpu.enqueue_indirect_dma source(%dma_start3A_29 : memref<10000x128xf32, #tpu.memory_space<hbm>>) target(%arg14 : memref<128x128xf32, #tpu.memory_space<vmem>>) offsets(%arg8 : memref<128xi32, #tpu.memory_space<vmem>>) semaphore(%arg16 : memref<!tpu.dma_semaphore, #tpu.memory_space<semaphore_mem>>)
    %add3A_30 = arith.constant 1 : i32
    %add3A_31 = arith.addi %mul3A_4, %add3A_30 : i32
    %mul3A_32 = arith.constant 128 : i32
    %mul3A_33 = arith.muli %add3A_31, %mul3A_32 : i32
    %dma_start3A_34 = tpu.memref_slice %arg4[%mul3A_33] : memref<327680xi32, #tpu.memory_space<hbm>> -> memref<128xi32, #tpu.memory_space<hbm>>
    %dma_start3A_35 = tpu.memref_slice %arg4[%mul3A_33] : memref<327680xi32, #tpu.memory_space<hbm>> -> memref<128xi32, #tpu.memory_space<hbm>>
    tpu.enqueue_dma source(%dma_start3A_35 : memref<128xi32, #tpu.memory_space<hbm>>) target(%arg9 : memref<128xi32, #tpu.memory_space<vmem>>) target_semaphore(%arg19 : memref<!tpu.dma_semaphore, #tpu.memory_space<semaphore_mem>>)
    %add3A_36 = arith.constant 1 : i32
    %add3A_37 = arith.addi %mul3A_4, %add3A_36 : i32
    %mul3A_38 = arith.constant 128 : i32
    %mul3A_39 = arith.muli %add3A_37, %mul3A_38 : i32
    %dma_start3A_40 = tpu.memref_slice %arg5[%mul3A_39] : memref<327680xi32, #tpu.memory_space<hbm>> -> memref<128xi32, #tpu.memory_space<hbm>>
    %dma_start3A_41 = tpu.memref_slice %arg5[%mul3A_39] : memref<327680xi32, #tpu.memory_space<hbm>> -> memref<128xi32, #tpu.memory_space<hbm>>
    tpu.enqueue_dma source(%dma_start3A_41 : memref<128xi32, #tpu.memory_space<hbm>>) target(%arg11 : memref<128xi32, #tpu.memory_space<vmem>>) target_semaphore(%arg19 : memref<!tpu.dma_semaphore, #tpu.memory_space<semaphore_mem>>)
    %scan3A = arith.constant 0 : i32
    %scan3A_42 = arith.constant 0 : i32
    %scan3A_43 = arith.constant 20 : i32
    %scan3A_44 = arith.addi %scan3A_42, %scan3A_43 : i32
    %scan3A_45 = arith.constant 1 : i32
    scf.for %scan3A_55 = %scan3A_42 to %scan3A_44 step %scan3A_45  : i32 {
      %mul3A_56 = arith.constant 4 : i32
      %mul3A_57 = arith.muli %mul3A_56, %scan3A_55 : i32
      %add3A_58 = arith.constant 4 : i32
      %add3A_59 = arith.addi %mul3A_57, %add3A_58 : i32
      %gt3A = arith.constant 0 : i32
      %gt3A_60 = arith.cmpi sgt, %scan3A_55, %gt3A : i32
      %convert_element_type3A_61 = arith.extui %gt3A_60 : i1 to i32
      %cond3A_62 = arith.constant 0 : i32
      %cond3A_63 = arith.cmpi ne, %convert_element_type3A_61, %cond3A_62 : i32
      scf.if %cond3A_63 {
        %dma_wait3A_182 = arith.constant 0 : i32
        %dma_wait3A_183 = arith.constant 0 : i32
        %dma_wait3A_184 = tpu.memref_slice %arg7[%dma_wait3A_182, %dma_wait3A_183] : memref<10112x128xf32, #tpu.memory_space<vmem_shared>> -> memref<10112x128xf32, #tpu.memory_space<vmem_shared>>
        tpu.wait_indirect_dma semaphore(%arg23 : memref<!tpu.dma_semaphore, #tpu.memory_space<semaphore_mem>>) src(%arg15 : memref<128x128xf32, #tpu.memory_space<vmem>>) dst(%dma_wait3A_184 : memref<10112x128xf32, #tpu.memory_space<vmem_shared>>)
      } else {
      }
      %add3A_64 = arith.constant 1 : i32
      %add3A_65 = arith.addi %mul3A_57, %add3A_64 : i32
      %add3A_66 = arith.addi %mul3A_4, %add3A_65 : i32
      %mul3A_67 = arith.constant 128 : i32
      %mul3A_68 = arith.muli %add3A_66, %mul3A_67 : i32
      %dma_wait3A_69 = tpu.memref_slice %arg4[%mul3A_68] : memref<327680xi32, #tpu.memory_space<hbm>> -> memref<128xi32, #tpu.memory_space<hbm>>
      %dma_wait3A_70 = tpu.memref_slice %arg4[%mul3A_68] : memref<327680xi32, #tpu.memory_space<hbm>> -> memref<128xi32, #tpu.memory_space<hbm>>
      tpu.wait_dma2 semaphore(%arg19 : memref<!tpu.dma_semaphore, #tpu.memory_space<semaphore_mem>>) src(%dma_wait3A_70 : memref<128xi32, #tpu.memory_space<hbm>>) dst(%arg9 : memref<128xi32, #tpu.memory_space<vmem>>)
      %add3A_71 = arith.addi %mul3A_4, %add3A_65 : i32
      %mul3A_72 = arith.constant 128 : i32
      %mul3A_73 = arith.muli %add3A_71, %mul3A_72 : i32
      %dma_wait3A_74 = tpu.memref_slice %arg5[%mul3A_73] : memref<327680xi32, #tpu.memory_space<hbm>> -> memref<128xi32, #tpu.memory_space<hbm>>
      %dma_wait3A_75 = tpu.memref_slice %arg5[%mul3A_73] : memref<327680xi32, #tpu.memory_space<hbm>> -> memref<128xi32, #tpu.memory_space<hbm>>
      tpu.wait_dma2 semaphore(%arg19 : memref<!tpu.dma_semaphore, #tpu.memory_space<semaphore_mem>>) src(%dma_wait3A_75 : memref<128xi32, #tpu.memory_space<hbm>>) dst(%arg11 : memref<128xi32, #tpu.memory_space<vmem>>)
      %dma_start3A_76 = arith.constant 0 : i32
      %dma_start3A_77 = arith.constant 0 : i32
      %dma_start3A_78 = tpu.memref_slice %arg2[%dma_start3A_76, %dma_start3A_77] : memref<10000x128xf32, #tpu.memory_space<hbm>> -> memref<10000x128xf32, #tpu.memory_space<hbm>>
      tpu.enqueue_indirect_dma source(%dma_start3A_78 : memref<10000x128xf32, #tpu.memory_space<hbm>>) target(%arg15 : memref<128x128xf32, #tpu.memory_space<vmem>>) offsets(%arg9 : memref<128xi32, #tpu.memory_space<vmem>>) semaphore(%arg17 : memref<!tpu.dma_semaphore, #tpu.memory_space<semaphore_mem>>)
      %dma_wait3A_79 = arith.constant 0 : i32
      %dma_wait3A_80 = arith.constant 0 : i32
      %dma_wait3A_81 = tpu.memref_slice %arg2[%dma_wait3A_79, %dma_wait3A_80] : memref<10000x128xf32, #tpu.memory_space<hbm>> -> memref<10000x128xf32, #tpu.memory_space<hbm>>
      tpu.wait_indirect_dma semaphore(%arg16 : memref<!tpu.dma_semaphore, #tpu.memory_space<semaphore_mem>>) src(%dma_wait3A_81 : memref<10000x128xf32, #tpu.memory_space<hbm>>) dst(%arg14 : memref<128x128xf32, #tpu.memory_space<vmem>>)
      %dma_start3A_82 = arith.constant 0 : i32
      %dma_start3A_83 = arith.constant 0 : i32
      %dma_start3A_84 = tpu.memref_slice %arg7[%dma_start3A_82, %dma_start3A_83] : memref<10112x128xf32, #tpu.memory_space<vmem_shared>> -> memref<10112x128xf32, #tpu.memory_space<vmem_shared>>
      tpu.enqueue_indirect_dma source(%arg14 : memref<128x128xf32, #tpu.memory_space<vmem>>) target(%dma_start3A_84 : memref<10112x128xf32, #tpu.memory_space<vmem_shared>>) offsets(%arg10 : memref<128xi32, #tpu.memory_space<vmem>>) semaphore(%arg20 : memref<!tpu.dma_semaphore, #tpu.memory_space<semaphore_mem>>) {add = true}
      %add3A_85 = arith.constant 2 : i32
      %add3A_86 = arith.addi %mul3A_57, %add3A_85 : i32
      %add3A_87 = arith.addi %mul3A_4, %add3A_86 : i32
      %mul3A_88 = arith.constant 128 : i32
      %mul3A_89 = arith.muli %add3A_87, %mul3A_88 : i32
      %dma_start3A_90 = tpu.memref_slice %arg4[%mul3A_89] : memref<327680xi32, #tpu.memory_space<hbm>> -> memref<128xi32, #tpu.memory_space<hbm>>
      %dma_start3A_91 = tpu.memref_slice %arg4[%mul3A_89] : memref<327680xi32, #tpu.memory_space<hbm>> -> memref<128xi32, #tpu.memory_space<hbm>>
      tpu.enqueue_dma source(%dma_start3A_91 : memref<128xi32, #tpu.memory_space<hbm>>) target(%arg8 : memref<128xi32, #tpu.memory_space<vmem>>) target_semaphore(%arg18 : memref<!tpu.dma_semaphore, #tpu.memory_space<semaphore_mem>>)
      %add3A_92 = arith.addi %mul3A_4, %add3A_86 : i32
      %mul3A_93 = arith.constant 128 : i32
      %mul3A_94 = arith.muli %add3A_92, %mul3A_93 : i32
      %dma_start3A_95 = tpu.memref_slice %arg5[%mul3A_94] : memref<327680xi32, #tpu.memory_space<hbm>> -> memref<128xi32, #tpu.memory_space<hbm>>
      %dma_start3A_96 = tpu.memref_slice %arg5[%mul3A_94] : memref<327680xi32, #tpu.memory_space<hbm>> -> memref<128xi32, #tpu.memory_space<hbm>>
      tpu.enqueue_dma source(%dma_start3A_96 : memref<128xi32, #tpu.memory_space<hbm>>) target(%arg12 : memref<128xi32, #tpu.memory_space<vmem>>) target_semaphore(%arg18 : memref<!tpu.dma_semaphore, #tpu.memory_space<semaphore_mem>>)
      %dma_wait3A_97 = arith.constant 0 : i32
      %dma_wait3A_98 = arith.constant 0 : i32
      %dma_wait3A_99 = tpu.memref_slice %arg2[%dma_wait3A_97, %dma_wait3A_98] : memref<10000x128xf32, #tpu.memory_space<hbm>> -> memref<10000x128xf32, #tpu.memory_space<hbm>>
      tpu.wait_indirect_dma semaphore(%arg17 : memref<!tpu.dma_semaphore, #tpu.memory_space<semaphore_mem>>) src(%dma_wait3A_99 : memref<10000x128xf32, #tpu.memory_space<hbm>>) dst(%arg15 : memref<128x128xf32, #tpu.memory_space<vmem>>)
      %dma_start3A_100 = arith.constant 0 : i32
      %dma_start3A_101 = arith.constant 0 : i32
      %dma_start3A_102 = tpu.memref_slice %arg7[%dma_start3A_100, %dma_start3A_101] : memref<10112x128xf32, #tpu.memory_space<vmem_shared>> -> memref<10112x128xf32, #tpu.memory_space<vmem_shared>>
      tpu.enqueue_indirect_dma source(%arg15 : memref<128x128xf32, #tpu.memory_space<vmem>>) target(%dma_start3A_102 : memref<10112x128xf32, #tpu.memory_space<vmem_shared>>) offsets(%arg11 : memref<128xi32, #tpu.memory_space<vmem>>) semaphore(%arg21 : memref<!tpu.dma_semaphore, #tpu.memory_space<semaphore_mem>>) {add = true}
      %dma_wait3A_103 = arith.constant 0 : i32
      %dma_wait3A_104 = arith.constant 0 : i32
      %dma_wait3A_105 = tpu.memref_slice %arg7[%dma_wait3A_103, %dma_wait3A_104] : memref<10112x128xf32, #tpu.memory_space<vmem_shared>> -> memref<10112x128xf32, #tpu.memory_space<vmem_shared>>
      tpu.wait_indirect_dma semaphore(%arg20 : memref<!tpu.dma_semaphore, #tpu.memory_space<semaphore_mem>>) src(%arg14 : memref<128x128xf32, #tpu.memory_space<vmem>>) dst(%dma_wait3A_105 : memref<10112x128xf32, #tpu.memory_space<vmem_shared>>)
      %add3A_106 = arith.constant 2 : i32
      %add3A_107 = arith.addi %mul3A_57, %add3A_106 : i32
      %add3A_108 = arith.addi %mul3A_4, %add3A_107 : i32
      %mul3A_109 = arith.constant 128 : i32
      %mul3A_110 = arith.muli %add3A_108, %mul3A_109 : i32
      %dma_wait3A_111 = tpu.memref_slice %arg4[%mul3A_110] : memref<327680xi32, #tpu.memory_space<hbm>> -> memref<128xi32, #tpu.memory_space<hbm>>
      %dma_wait3A_112 = tpu.memref_slice %arg4[%mul3A_110] : memref<327680xi32, #tpu.memory_space<hbm>> -> memref<128xi32, #tpu.memory_space<hbm>>
      tpu.wait_dma2 semaphore(%arg18 : memref<!tpu.dma_semaphore, #tpu.memory_space<semaphore_mem>>) src(%dma_wait3A_112 : memref<128xi32, #tpu.memory_space<hbm>>) dst(%arg8 : memref<128xi32, #tpu.memory_space<vmem>>)
      %add3A_113 = arith.addi %mul3A_4, %add3A_107 : i32
      %mul3A_114 = arith.constant 128 : i32
      %mul3A_115 = arith.muli %add3A_113, %mul3A_114 : i32
      %dma_wait3A_116 = tpu.memref_slice %arg5[%mul3A_115] : memref<327680xi32, #tpu.memory_space<hbm>> -> memref<128xi32, #tpu.memory_space<hbm>>
      %dma_wait3A_117 = tpu.memref_slice %arg5[%mul3A_115] : memref<327680xi32, #tpu.memory_space<hbm>> -> memref<128xi32, #tpu.memory_space<hbm>>
      tpu.wait_dma2 semaphore(%arg18 : memref<!tpu.dma_semaphore, #tpu.memory_space<semaphore_mem>>) src(%dma_wait3A_117 : memref<128xi32, #tpu.memory_space<hbm>>) dst(%arg12 : memref<128xi32, #tpu.memory_space<vmem>>)
      %dma_start3A_118 = arith.constant 0 : i32
      %dma_start3A_119 = arith.constant 0 : i32
      %dma_start3A_120 = tpu.memref_slice %arg2[%dma_start3A_118, %dma_start3A_119] : memref<10000x128xf32, #tpu.memory_space<hbm>> -> memref<10000x128xf32, #tpu.memory_space<hbm>>
      tpu.enqueue_indirect_dma source(%dma_start3A_120 : memref<10000x128xf32, #tpu.memory_space<hbm>>) target(%arg14 : memref<128x128xf32, #tpu.memory_space<vmem>>) offsets(%arg8 : memref<128xi32, #tpu.memory_space<vmem>>) semaphore(%arg16 : memref<!tpu.dma_semaphore, #tpu.memory_space<semaphore_mem>>)
      %add3A_121 = arith.constant 3 : i32
      %add3A_122 = arith.addi %mul3A_57, %add3A_121 : i32
      %add3A_123 = arith.addi %mul3A_4, %add3A_122 : i32
      %mul3A_124 = arith.constant 128 : i32
      %mul3A_125 = arith.muli %add3A_123, %mul3A_124 : i32
      %dma_start3A_126 = tpu.memref_slice %arg4[%mul3A_125] : memref<327680xi32, #tpu.memory_space<hbm>> -> memref<128xi32, #tpu.memory_space<hbm>>
      %dma_start3A_127 = tpu.memref_slice %arg4[%mul3A_125] : memref<327680xi32, #tpu.memory_space<hbm>> -> memref<128xi32, #tpu.memory_space<hbm>>
      tpu.enqueue_dma source(%dma_start3A_127 : memref<128xi32, #tpu.memory_space<hbm>>) target(%arg9 : memref<128xi32, #tpu.memory_space<vmem>>) target_semaphore(%arg19 : memref<!tpu.dma_semaphore, #tpu.memory_space<semaphore_mem>>)
      %add3A_128 = arith.addi %mul3A_4, %add3A_122 : i32
      %mul3A_129 = arith.constant 128 : i32
      %mul3A_130 = arith.muli %add3A_128, %mul3A_129 : i32
      %dma_start3A_131 = tpu.memref_slice %arg5[%mul3A_130] : memref<327680xi32, #tpu.memory_space<hbm>> -> memref<128xi32, #tpu.memory_space<hbm>>
      %dma_start3A_132 = tpu.memref_slice %arg5[%mul3A_130] : memref<327680xi32, #tpu.memory_space<hbm>> -> memref<128xi32, #tpu.memory_space<hbm>>
      tpu.enqueue_dma source(%dma_start3A_132 : memref<128xi32, #tpu.memory_space<hbm>>) target(%arg13 : memref<128xi32, #tpu.memory_space<vmem>>) target_semaphore(%arg19 : memref<!tpu.dma_semaphore, #tpu.memory_space<semaphore_mem>>)
      %dma_wait3A_133 = arith.constant 0 : i32
      %dma_wait3A_134 = arith.constant 0 : i32
      %dma_wait3A_135 = tpu.memref_slice %arg7[%dma_wait3A_133, %dma_wait3A_134] : memref<10112x128xf32, #tpu.memory_space<vmem_shared>> -> memref<10112x128xf32, #tpu.memory_space<vmem_shared>>
      tpu.wait_indirect_dma semaphore(%arg21 : memref<!tpu.dma_semaphore, #tpu.memory_space<semaphore_mem>>) src(%arg15 : memref<128x128xf32, #tpu.memory_space<vmem>>) dst(%dma_wait3A_135 : memref<10112x128xf32, #tpu.memory_space<vmem_shared>>)
      %dma_wait3A_136 = arith.constant 0 : i32
      %dma_wait3A_137 = arith.constant 0 : i32
      %dma_wait3A_138 = tpu.memref_slice %arg2[%dma_wait3A_136, %dma_wait3A_137] : memref<10000x128xf32, #tpu.memory_space<hbm>> -> memref<10000x128xf32, #tpu.memory_space<hbm>>
      tpu.wait_indirect_dma semaphore(%arg16 : memref<!tpu.dma_semaphore, #tpu.memory_space<semaphore_mem>>) src(%dma_wait3A_138 : memref<10000x128xf32, #tpu.memory_space<hbm>>) dst(%arg14 : memref<128x128xf32, #tpu.memory_space<vmem>>)
      %dma_start3A_139 = arith.constant 0 : i32
      %dma_start3A_140 = arith.constant 0 : i32
      %dma_start3A_141 = tpu.memref_slice %arg7[%dma_start3A_139, %dma_start3A_140] : memref<10112x128xf32, #tpu.memory_space<vmem_shared>> -> memref<10112x128xf32, #tpu.memory_space<vmem_shared>>
      tpu.enqueue_indirect_dma source(%arg14 : memref<128x128xf32, #tpu.memory_space<vmem>>) target(%dma_start3A_141 : memref<10112x128xf32, #tpu.memory_space<vmem_shared>>) offsets(%arg12 : memref<128xi32, #tpu.memory_space<vmem>>) semaphore(%arg22 : memref<!tpu.dma_semaphore, #tpu.memory_space<semaphore_mem>>) {add = true}
      %add3A_142 = arith.constant 3 : i32
      %add3A_143 = arith.addi %mul3A_57, %add3A_142 : i32
      %add3A_144 = arith.addi %mul3A_4, %add3A_143 : i32
      %mul3A_145 = arith.constant 128 : i32
      %mul3A_146 = arith.muli %add3A_144, %mul3A_145 : i32
      %dma_wait3A_147 = tpu.memref_slice %arg4[%mul3A_146] : memref<327680xi32, #tpu.memory_space<hbm>> -> memref<128xi32, #tpu.memory_space<hbm>>
      %dma_wait3A_148 = tpu.memref_slice %arg4[%mul3A_146] : memref<327680xi32, #tpu.memory_space<hbm>> -> memref<128xi32, #tpu.memory_space<hbm>>
      tpu.wait_dma2 semaphore(%arg19 : memref<!tpu.dma_semaphore, #tpu.memory_space<semaphore_mem>>) src(%dma_wait3A_148 : memref<128xi32, #tpu.memory_space<hbm>>) dst(%arg9 : memref<128xi32, #tpu.memory_space<vmem>>)
      %add3A_149 = arith.addi %mul3A_4, %add3A_143 : i32
      %mul3A_150 = arith.constant 128 : i32
      %mul3A_151 = arith.muli %add3A_149, %mul3A_150 : i32
      %dma_wait3A_152 = tpu.memref_slice %arg5[%mul3A_151] : memref<327680xi32, #tpu.memory_space<hbm>> -> memref<128xi32, #tpu.memory_space<hbm>>
      %dma_wait3A_153 = tpu.memref_slice %arg5[%mul3A_151] : memref<327680xi32, #tpu.memory_space<hbm>> -> memref<128xi32, #tpu.memory_space<hbm>>
      tpu.wait_dma2 semaphore(%arg19 : memref<!tpu.dma_semaphore, #tpu.memory_space<semaphore_mem>>) src(%dma_wait3A_153 : memref<128xi32, #tpu.memory_space<hbm>>) dst(%arg13 : memref<128xi32, #tpu.memory_space<vmem>>)
      %dma_start3A_154 = arith.constant 0 : i32
      %dma_start3A_155 = arith.constant 0 : i32
      %dma_start3A_156 = tpu.memref_slice %arg2[%dma_start3A_154, %dma_start3A_155] : memref<10000x128xf32, #tpu.memory_space<hbm>> -> memref<10000x128xf32, #tpu.memory_space<hbm>>
      tpu.enqueue_indirect_dma source(%dma_start3A_156 : memref<10000x128xf32, #tpu.memory_space<hbm>>) target(%arg15 : memref<128x128xf32, #tpu.memory_space<vmem>>) offsets(%arg9 : memref<128xi32, #tpu.memory_space<vmem>>) semaphore(%arg17 : memref<!tpu.dma_semaphore, #tpu.memory_space<semaphore_mem>>)
      %lt3A = arith.constant 80 : i32
      %lt3A_157 = arith.cmpi slt, %add3A_59, %lt3A : i32
      %convert_element_type3A_158 = arith.extui %lt3A_157 : i1 to i32
      %cond3A_159 = arith.constant 0 : i32
      %cond3A_160 = arith.cmpi ne, %convert_element_type3A_158, %cond3A_159 : i32
      scf.if %cond3A_160 {
        %add3A_182 = arith.addi %mul3A_4, %add3A_59 : i32
        %mul3A_183 = arith.constant 128 : i32
        %mul3A_184 = arith.muli %add3A_182, %mul3A_183 : i32
        %dma_start3A_185 = tpu.memref_slice %arg4[%mul3A_184] : memref<327680xi32, #tpu.memory_space<hbm>> -> memref<128xi32, #tpu.memory_space<hbm>>
        %dma_start3A_186 = tpu.memref_slice %arg4[%mul3A_184] : memref<327680xi32, #tpu.memory_space<hbm>> -> memref<128xi32, #tpu.memory_space<hbm>>
        tpu.enqueue_dma source(%dma_start3A_186 : memref<128xi32, #tpu.memory_space<hbm>>) target(%arg8 : memref<128xi32, #tpu.memory_space<vmem>>) target_semaphore(%arg18 : memref<!tpu.dma_semaphore, #tpu.memory_space<semaphore_mem>>)
        %add3A_187 = arith.addi %mul3A_4, %add3A_59 : i32
        %mul3A_188 = arith.constant 128 : i32
        %mul3A_189 = arith.muli %add3A_187, %mul3A_188 : i32
        %dma_start3A_190 = tpu.memref_slice %arg5[%mul3A_189] : memref<327680xi32, #tpu.memory_space<hbm>> -> memref<128xi32, #tpu.memory_space<hbm>>
        %dma_start3A_191 = tpu.memref_slice %arg5[%mul3A_189] : memref<327680xi32, #tpu.memory_space<hbm>> -> memref<128xi32, #tpu.memory_space<hbm>>
        tpu.enqueue_dma source(%dma_start3A_191 : memref<128xi32, #tpu.memory_space<hbm>>) target(%arg10 : memref<128xi32, #tpu.memory_space<vmem>>) target_semaphore(%arg18 : memref<!tpu.dma_semaphore, #tpu.memory_space<semaphore_mem>>)
      } else {
      }
      %dma_wait3A_161 = arith.constant 0 : i32
      %dma_wait3A_162 = arith.constant 0 : i32
      %dma_wait3A_163 = tpu.memref_slice %arg7[%dma_wait3A_161, %dma_wait3A_162] : memref<10112x128xf32, #tpu.memory_space<vmem_shared>> -> memref<10112x128xf32, #tpu.memory_space<vmem_shared>>
      tpu.wait_indirect_dma semaphore(%arg22 : memref<!tpu.dma_semaphore, #tpu.memory_space<semaphore_mem>>) src(%arg14 : memref<128x128xf32, #tpu.memory_space<vmem>>) dst(%dma_wait3A_163 : memref<10112x128xf32, #tpu.memory_space<vmem_shared>>)
      %dma_wait3A_164 = arith.constant 0 : i32
      %dma_wait3A_165 = arith.constant 0 : i32
      %dma_wait3A_166 = tpu.memref_slice %arg2[%dma_wait3A_164, %dma_wait3A_165] : memref<10000x128xf32, #tpu.memory_space<hbm>> -> memref<10000x128xf32, #tpu.memory_space<hbm>>
      tpu.wait_indirect_dma semaphore(%arg17 : memref<!tpu.dma_semaphore, #tpu.memory_space<semaphore_mem>>) src(%dma_wait3A_166 : memref<10000x128xf32, #tpu.memory_space<hbm>>) dst(%arg15 : memref<128x128xf32, #tpu.memory_space<vmem>>)
      %dma_start3A_167 = arith.constant 0 : i32
      %dma_start3A_168 = arith.constant 0 : i32
      %dma_start3A_169 = tpu.memref_slice %arg7[%dma_start3A_167, %dma_start3A_168] : memref<10112x128xf32, #tpu.memory_space<vmem_shared>> -> memref<10112x128xf32, #tpu.memory_space<vmem_shared>>
      tpu.enqueue_indirect_dma source(%arg15 : memref<128x128xf32, #tpu.memory_space<vmem>>) target(%dma_start3A_169 : memref<10112x128xf32, #tpu.memory_space<vmem_shared>>) offsets(%arg13 : memref<128xi32, #tpu.memory_space<vmem>>) semaphore(%arg23 : memref<!tpu.dma_semaphore, #tpu.memory_space<semaphore_mem>>) {add = true}
      %lt3A_170 = arith.constant 80 : i32
      %lt3A_171 = arith.cmpi slt, %add3A_59, %lt3A_170 : i32
      %convert_element_type3A_172 = arith.extui %lt3A_171 : i1 to i32
      %cond3A_173 = arith.constant 0 : i32
      %cond3A_174 = arith.cmpi ne, %convert_element_type3A_172, %cond3A_173 : i32
      scf.if %cond3A_174 {
        %add3A_182 = arith.addi %mul3A_4, %add3A_59 : i32
        %mul3A_183 = arith.constant 128 : i32
        %mul3A_184 = arith.muli %add3A_182, %mul3A_183 : i32
        %dma_wait3A_185 = tpu.memref_slice %arg4[%mul3A_184] : memref<327680xi32, #tpu.memory_space<hbm>> -> memref<128xi32, #tpu.memory_space<hbm>>
        %dma_wait3A_186 = tpu.memref_slice %arg4[%mul3A_184] : memref<327680xi32, #tpu.memory_space<hbm>> -> memref<128xi32, #tpu.memory_space<hbm>>
        tpu.wait_dma2 semaphore(%arg18 : memref<!tpu.dma_semaphore, #tpu.memory_space<semaphore_mem>>) src(%dma_wait3A_186 : memref<128xi32, #tpu.memory_space<hbm>>) dst(%arg8 : memref<128xi32, #tpu.memory_space<vmem>>)
        %add3A_187 = arith.addi %mul3A_4, %add3A_59 : i32
        %mul3A_188 = arith.constant 128 : i32
        %mul3A_189 = arith.muli %add3A_187, %mul3A_188 : i32
        %dma_wait3A_190 = tpu.memref_slice %arg5[%mul3A_189] : memref<327680xi32, #tpu.memory_space<hbm>> -> memref<128xi32, #tpu.memory_space<hbm>>
        %dma_wait3A_191 = tpu.memref_slice %arg5[%mul3A_189] : memref<327680xi32, #tpu.memory_space<hbm>> -> memref<128xi32, #tpu.memory_space<hbm>>
        tpu.wait_dma2 semaphore(%arg18 : memref<!tpu.dma_semaphore, #tpu.memory_space<semaphore_mem>>) src(%dma_wait3A_191 : memref<128xi32, #tpu.memory_space<hbm>>) dst(%arg10 : memref<128xi32, #tpu.memory_space<vmem>>)
        %dma_start3A_192 = arith.constant 0 : i32
        %dma_start3A_193 = arith.constant 0 : i32
        %dma_start3A_194 = tpu.memref_slice %arg2[%dma_start3A_192, %dma_start3A_193] : memref<10000x128xf32, #tpu.memory_space<hbm>> -> memref<10000x128xf32, #tpu.memory_space<hbm>>
        tpu.enqueue_indirect_dma source(%dma_start3A_194 : memref<10000x128xf32, #tpu.memory_space<hbm>>) target(%arg14 : memref<128x128xf32, #tpu.memory_space<vmem>>) offsets(%arg8 : memref<128xi32, #tpu.memory_space<vmem>>) semaphore(%arg16 : memref<!tpu.dma_semaphore, #tpu.memory_space<semaphore_mem>>)
      } else {
      }
      %add3A_175 = arith.constant 1 : i32
      %add3A_176 = arith.addi %add3A_59, %add3A_175 : i32
      %lt3A_177 = arith.constant 80 : i32
      %lt3A_178 = arith.cmpi slt, %add3A_176, %lt3A_177 : i32
      %convert_element_type3A_179 = arith.extui %lt3A_178 : i1 to i32
      %cond3A_180 = arith.constant 0 : i32
      %cond3A_181 = arith.cmpi ne, %convert_element_type3A_179, %cond3A_180 : i32
      scf.if %cond3A_181 {
        %add3A_182 = arith.constant 1 : i32
        %add3A_183 = arith.addi %add3A_59, %add3A_182 : i32
        %add3A_184 = arith.addi %mul3A_4, %add3A_183 : i32
        %mul3A_185 = arith.constant 128 : i32
        %mul3A_186 = arith.muli %add3A_184, %mul3A_185 : i32
        %dma_start3A_187 = tpu.memref_slice %arg4[%mul3A_186] : memref<327680xi32, #tpu.memory_space<hbm>> -> memref<128xi32, #tpu.memory_space<hbm>>
        %dma_start3A_188 = tpu.memref_slice %arg4[%mul3A_186] : memref<327680xi32, #tpu.memory_space<hbm>> -> memref<128xi32, #tpu.memory_space<hbm>>
        tpu.enqueue_dma source(%dma_start3A_188 : memref<128xi32, #tpu.memory_space<hbm>>) target(%arg9 : memref<128xi32, #tpu.memory_space<vmem>>) target_semaphore(%arg19 : memref<!tpu.dma_semaphore, #tpu.memory_space<semaphore_mem>>)
        %add3A_189 = arith.addi %mul3A_4, %add3A_183 : i32
        %mul3A_190 = arith.constant 128 : i32
        %mul3A_191 = arith.muli %add3A_189, %mul3A_190 : i32
        %dma_start3A_192 = tpu.memref_slice %arg5[%mul3A_191] : memref<327680xi32, #tpu.memory_space<hbm>> -> memref<128xi32, #tpu.memory_space<hbm>>
        %dma_start3A_193 = tpu.memref_slice %arg5[%mul3A_191] : memref<327680xi32, #tpu.memory_space<hbm>> -> memref<128xi32, #tpu.memory_space<hbm>>
        tpu.enqueue_dma source(%dma_start3A_193 : memref<128xi32, #tpu.memory_space<hbm>>) target(%arg11 : memref<128xi32, #tpu.memory_space<vmem>>) target_semaphore(%arg19 : memref<!tpu.dma_semaphore, #tpu.memory_space<semaphore_mem>>)
      } else {
      }
    }
    %scan3A_46 = arith.constant 20 : i32
    %dma_wait3A_47 = arith.constant 0 : i32
    %dma_wait3A_48 = arith.constant 0 : i32
    %dma_wait3A_49 = tpu.memref_slice %arg7[%dma_wait3A_47, %dma_wait3A_48] : memref<10112x128xf32, #tpu.memory_space<vmem_shared>> -> memref<10112x128xf32, #tpu.memory_space<vmem_shared>>
    tpu.wait_indirect_dma semaphore(%arg23 : memref<!tpu.dma_semaphore, #tpu.memory_space<semaphore_mem>>) src(%arg15 : memref<128x128xf32, #tpu.memory_space<vmem>>) dst(%dma_wait3A_49 : memref<10112x128xf32, #tpu.memory_space<vmem_shared>>)
    %barrier3A_50 = arith.constant 0 : index
    tpu.barrier barrier_id(%barrier3A_50)
    %mul3A_51 = arith.constant 632 : i32
    %mul3A_52 = arith.muli %arg1, %mul3A_51 : i32
    %mul3A_53 = arith.constant 632 : i32
    %mul3A_54 = arith.muli %arg1, %mul3A_53 : i32
    "tpu.region"() ({
      %run_scoped3A = tpu.sem_alloc : memref<!tpu.dma_semaphore, #tpu.memory_space<semaphore_mem>>
      %dma_start3A_55 = arith.constant 0 : i32
      %dma_start3A_56 = tpu.memref_slice %arg6[%arg0, %mul3A_54, %dma_start3A_55] : memref<2x10112x128xf32, #tpu.memory_space<hbm>> -> memref<1x632x128xf32, #tpu.memory_space<hbm>>
      %dma_start3A_57 = tpu.memref_squeeze %dma_start3A_56 : memref<1x632x128xf32, #tpu.memory_space<hbm>> -> memref<632x128xf32, #tpu.memory_space<hbm>>
      %dma_start3A_58 = arith.constant 0 : i32
      %dma_start3A_59 = tpu.memref_slice %arg7[%mul3A_52, %dma_start3A_58] : memref<10112x128xf32, #tpu.memory_space<vmem_shared>> -> memref<632x128xf32, #tpu.memory_space<vmem_shared>>
      tpu.enqueue_dma source(%dma_start3A_59 : memref<632x128xf32, #tpu.memory_space<vmem_shared>>) target(%dma_start3A_57 : memref<632x128xf32, #tpu.memory_space<hbm>>) target_semaphore(%run_scoped3A : memref<!tpu.dma_semaphore, #tpu.memory_space<semaphore_mem>>)
      %dma_wait3A_60 = arith.constant 0 : i32
      %dma_wait3A_61 = tpu.memref_slice %arg6[%arg0, %mul3A_54, %dma_wait3A_60] : memref<2x10112x128xf32, #tpu.memory_space<hbm>> -> memref<1x632x128xf32, #tpu.memory_space<hbm>>
      %dma_wait3A_62 = tpu.memref_squeeze %dma_wait3A_61 : memref<1x632x128xf32, #tpu.memory_space<hbm>> -> memref<632x128xf32, #tpu.memory_space<hbm>>
      %dma_wait3A_63 = arith.constant 0 : i32
      %dma_wait3A_64 = tpu.memref_slice %arg7[%mul3A_52, %dma_wait3A_63] : memref<10112x128xf32, #tpu.memory_space<vmem_shared>> -> memref<632x128xf32, #tpu.memory_space<vmem_shared>>
      tpu.wait_dma2 semaphore(%run_scoped3A : memref<!tpu.dma_semaphore, #tpu.memory_space<semaphore_mem>>) src(%dma_wait3A_64 : memref<632x128xf32, #tpu.memory_space<vmem_shared>>) dst(%dma_wait3A_62 : memref<632x128xf32, #tpu.memory_space<hbm>>)
      tpu.yield
    }) : () -> ()
    return
  }
}

#map = affine_map<(d0, d1) -> (0, 0)>
#map1 = affine_map<(d0, d1) -> (0)>
#map2 = affine_map<(d0, d1) -> (0, 0, 0)>
module attributes {stable_mosaic.version = 14 : i64} {
  func.func @_agg_l0(%arg0: i32, %arg1: i32, %arg2: memref<10000x128xf32, #tpu.memory_space<hbm>>, %arg3: memref<10000x128xf32, #tpu.memory_space<hbm>>, %arg4: memref<327680xi32, #tpu.memory_space<hbm>>, %arg5: memref<327680xi32, #tpu.memory_space<hbm>>, %arg6: memref<2x10112x128xf32, #tpu.memory_space<hbm>>, %arg7: memref<10112x128xf32, #tpu.memory_space<vmem_shared>>, %arg8: memref<128xi32, #tpu.memory_space<vmem>>, %arg9: memref<128xi32, #tpu.memory_space<vmem>>, %arg10: memref<128xi32, #tpu.memory_space<vmem>>, %arg11: memref<128xi32, #tpu.memory_space<vmem>>, %arg12: memref<128xi32, #tpu.memory_space<vmem>>, %arg13: memref<128xi32, #tpu.memory_space<vmem>>, %arg14: memref<128x128xf32, #tpu.memory_space<vmem>>, %arg15: memref<128x128xf32, #tpu.memory_space<vmem>>, %arg16: memref<!tpu.dma_semaphore, #tpu.memory_space<semaphore_mem>>, %arg17: memref<!tpu.dma_semaphore, #tpu.memory_space<semaphore_mem>>, %arg18: memref<!tpu.dma_semaphore, #tpu.memory_space<semaphore_mem>>, %arg19: memref<!tpu.dma_semaphore, #tpu.memory_space<semaphore_mem>>, %arg20: memref<!tpu.dma_semaphore, #tpu.memory_space<semaphore_mem>>, %arg21: memref<!tpu.dma_semaphore, #tpu.memory_space<semaphore_mem>>, %arg22: memref<!tpu.dma_semaphore, #tpu.memory_space<semaphore_mem>>, %arg23: memref<!tpu.dma_semaphore, #tpu.memory_space<semaphore_mem>>) attributes {dimension_semantics = [#tpu.dimension_semantics<core_parallel>, #tpu.dimension_semantics<subcore_parallel>], iteration_bounds = array<i64: 2, 16>, scalar_prefetch = 0 : i64, scratch_operands = 17 : i64, tpu.core_type = #tpu.core_type<sc_vector_subcore>, window_params = [{transform_indices = #map}, {transform_indices = #map}, {transform_indices = #map1}, {transform_indices = #map1}, {transform_indices = #map2}]} {
    %mul3A = arith.constant 16 : i32
    %mul3A_0 = arith.muli %arg0, %mul3A : i32
    %add3A = arith.addi %mul3A_0, %arg1 : i32
    %eq3A = arith.constant 0 : i32
    %eq3A_1 = arith.cmpi eq, %arg1, %eq3A : i32
    %convert_element_type3A = arith.extui %eq3A_1 : i1 to i32
    %cond3A = arith.constant 0 : i32
    %cond3A_2 = arith.cmpi ne, %convert_element_type3A, %cond3A : i32
    scf.if %cond3A_2 {
      "tpu.region"() ({
        %run_scoped3A = tpu.sem_alloc : memref<!tpu.dma_semaphore, #tpu.memory_space<semaphore_mem>>
        %dma_start3A_55 = arith.constant 0 : i32
        %dma_start3A_56 = arith.constant 0 : i32
        %dma_start3A_57 = tpu.memref_slice %arg7[%dma_start3A_55, %dma_start3A_56] : memref<10112x128xf32, #tpu.memory_space<vmem_shared>> -> memref<10000x128xf32, #tpu.memory_space<vmem_shared>>
        tpu.enqueue_dma source(%arg3 : memref<10000x128xf32, #tpu.memory_space<hbm>>) target(%dma_start3A_57 : memref<10000x128xf32, #tpu.memory_space<vmem_shared>>) target_semaphore(%run_scoped3A : memref<!tpu.dma_semaphore, #tpu.memory_space<semaphore_mem>>)
        %dma_wait3A_58 = arith.constant 0 : i32
        %dma_wait3A_59 = arith.constant 0 : i32
        %dma_wait3A_60 = tpu.memref_slice %arg7[%dma_wait3A_58, %dma_wait3A_59] : memref<10112x128xf32, #tpu.memory_space<vmem_shared>> -> memref<10000x128xf32, #tpu.memory_space<vmem_shared>>
        tpu.wait_dma2 semaphore(%run_scoped3A : memref<!tpu.dma_semaphore, #tpu.memory_space<semaphore_mem>>) src(%arg3 : memref<10000x128xf32, #tpu.memory_space<hbm>>) dst(%dma_wait3A_60 : memref<10000x128xf32, #tpu.memory_space<vmem_shared>>)
        tpu.yield
      }) : () -> ()
    } else {
    }
    %barrier3A = arith.constant 0 : index
    tpu.barrier barrier_id(%barrier3A)
    %mul3A_3 = arith.constant 80 : i32
    %mul3A_4 = arith.muli %add3A, %mul3A_3 : i32
    %add3A_5 = arith.constant 0 : i32
    %add3A_6 = arith.addi %mul3A_4, %add3A_5 : i32
    %mul3A_7 = arith.constant 128 : i32
    %mul3A_8 = arith.muli %add3A_6, %mul3A_7 : i32
    %dma_start3A = tpu.memref_slice %arg4[%mul3A_8] : memref<327680xi32, #tpu.memory_space<hbm>> -> memref<128xi32, #tpu.memory_space<hbm>>
    %dma_start3A_9 = tpu.memref_slice %arg4[%mul3A_8] : memref<327680xi32, #tpu.memory_space<hbm>> -> memref<128xi32, #tpu.memory_space<hbm>>
    tpu.enqueue_dma source(%dma_start3A_9 : memref<128xi32, #tpu.memory_space<hbm>>) target(%arg8 : memref<128xi32, #tpu.memory_space<vmem>>) target_semaphore(%arg18 : memref<!tpu.dma_semaphore, #tpu.memory_space<semaphore_mem>>)
    %add3A_10 = arith.constant 0 : i32
    %add3A_11 = arith.addi %mul3A_4, %add3A_10 : i32
    %mul3A_12 = arith.constant 128 : i32
    %mul3A_13 = arith.muli %add3A_11, %mul3A_12 : i32
    %dma_start3A_14 = tpu.memref_slice %arg5[%mul3A_13] : memref<327680xi32, #tpu.memory_space<hbm>> -> memref<128xi32, #tpu.memory_space<hbm>>
    %dma_start3A_15 = tpu.memref_slice %arg5[%mul3A_13] : memref<327680xi32, #tpu.memory_space<hbm>> -> memref<128xi32, #tpu.memory_space<hbm>>
    tpu.enqueue_dma source(%dma_start3A_15 : memref<128xi32, #tpu.memory_space<hbm>>) target(%arg10 : memref<128xi32, #tpu.memory_space<vmem>>) target_semaphore(%arg18 : memref<!tpu.dma_semaphore, #tpu.memory_space<semaphore_mem>>)
    %add3A_16 = arith.constant 0 : i32
    %add3A_17 = arith.addi %mul3A_4, %add3A_16 : i32
    %mul3A_18 = arith.constant 128 : i32
    %mul3A_19 = arith.muli %add3A_17, %mul3A_18 : i32
    %dma_wait3A = tpu.memref_slice %arg4[%mul3A_19] : memref<327680xi32, #tpu.memory_space<hbm>> -> memref<128xi32, #tpu.memory_space<hbm>>
    %dma_wait3A_20 = tpu.memref_slice %arg4[%mul3A_19] : memref<327680xi32, #tpu.memory_space<hbm>> -> memref<128xi32, #tpu.memory_space<hbm>>
    tpu.wait_dma2 semaphore(%arg18 : memref<!tpu.dma_semaphore, #tpu.memory_space<semaphore_mem>>) src(%dma_wait3A_20 : memref<128xi32, #tpu.memory_space<hbm>>) dst(%arg8 : memref<128xi32, #tpu.memory_space<vmem>>)
    %add3A_21 = arith.constant 0 : i32
    %add3A_22 = arith.addi %mul3A_4, %add3A_21 : i32
    %mul3A_23 = arith.constant 128 : i32
    %mul3A_24 = arith.muli %add3A_22, %mul3A_23 : i32
    %dma_wait3A_25 = tpu.memref_slice %arg5[%mul3A_24] : memref<327680xi32, #tpu.memory_space<hbm>> -> memref<128xi32, #tpu.memory_space<hbm>>
    %dma_wait3A_26 = tpu.memref_slice %arg5[%mul3A_24] : memref<327680xi32, #tpu.memory_space<hbm>> -> memref<128xi32, #tpu.memory_space<hbm>>
    tpu.wait_dma2 semaphore(%arg18 : memref<!tpu.dma_semaphore, #tpu.memory_space<semaphore_mem>>) src(%dma_wait3A_26 : memref<128xi32, #tpu.memory_space<hbm>>) dst(%arg10 : memref<128xi32, #tpu.memory_space<vmem>>)
    %dma_start3A_27 = arith.constant 0 : i32
    %dma_start3A_28 = arith.constant 0 : i32
    %dma_start3A_29 = tpu.memref_slice %arg2[%dma_start3A_27, %dma_start3A_28] : memref<10000x128xf32, #tpu.memory_space<hbm>> -> memref<10000x128xf32, #tpu.memory_space<hbm>>
    tpu.enqueue_indirect_dma source(%dma_start3A_29 : memref<10000x128xf32, #tpu.memory_space<hbm>>) target(%arg14 : memref<128x128xf32, #tpu.memory_space<vmem>>) offsets(%arg8 : memref<128xi32, #tpu.memory_space<vmem>>) semaphore(%arg16 : memref<!tpu.dma_semaphore, #tpu.memory_space<semaphore_mem>>)
    %add3A_30 = arith.constant 1 : i32
    %add3A_31 = arith.addi %mul3A_4, %add3A_30 : i32
    %mul3A_32 = arith.constant 128 : i32
    %mul3A_33 = arith.muli %add3A_31, %mul3A_32 : i32
    %dma_start3A_34 = tpu.memref_slice %arg4[%mul3A_33] : memref<327680xi32, #tpu.memory_space<hbm>> -> memref<128xi32, #tpu.memory_space<hbm>>
    %dma_start3A_35 = tpu.memref_slice %arg4[%mul3A_33] : memref<327680xi32, #tpu.memory_space<hbm>> -> memref<128xi32, #tpu.memory_space<hbm>>
    tpu.enqueue_dma source(%dma_start3A_35 : memref<128xi32, #tpu.memory_space<hbm>>) target(%arg9 : memref<128xi32, #tpu.memory_space<vmem>>) target_semaphore(%arg19 : memref<!tpu.dma_semaphore, #tpu.memory_space<semaphore_mem>>)
    %add3A_36 = arith.constant 1 : i32
    %add3A_37 = arith.addi %mul3A_4, %add3A_36 : i32
    %mul3A_38 = arith.constant 128 : i32
    %mul3A_39 = arith.muli %add3A_37, %mul3A_38 : i32
    %dma_start3A_40 = tpu.memref_slice %arg5[%mul3A_39] : memref<327680xi32, #tpu.memory_space<hbm>> -> memref<128xi32, #tpu.memory_space<hbm>>
    %dma_start3A_41 = tpu.memref_slice %arg5[%mul3A_39] : memref<327680xi32, #tpu.memory_space<hbm>> -> memref<128xi32, #tpu.memory_space<hbm>>
    tpu.enqueue_dma source(%dma_start3A_41 : memref<128xi32, #tpu.memory_space<hbm>>) target(%arg11 : memref<128xi32, #tpu.memory_space<vmem>>) target_semaphore(%arg19 : memref<!tpu.dma_semaphore, #tpu.memory_space<semaphore_mem>>)
    %scan3A = arith.constant 0 : i32
    %scan3A_42 = arith.constant 0 : i32
    %scan3A_43 = arith.constant 20 : i32
    %scan3A_44 = arith.addi %scan3A_42, %scan3A_43 : i32
    %scan3A_45 = arith.constant 1 : i32
    scf.for %scan3A_55 = %scan3A_42 to %scan3A_44 step %scan3A_45  : i32 {
      %mul3A_56 = arith.constant 4 : i32
      %mul3A_57 = arith.muli %mul3A_56, %scan3A_55 : i32
      %add3A_58 = arith.constant 4 : i32
      %add3A_59 = arith.addi %mul3A_57, %add3A_58 : i32
      %gt3A = arith.constant 0 : i32
      %gt3A_60 = arith.cmpi sgt, %scan3A_55, %gt3A : i32
      %convert_element_type3A_61 = arith.extui %gt3A_60 : i1 to i32
      %cond3A_62 = arith.constant 0 : i32
      %cond3A_63 = arith.cmpi ne, %convert_element_type3A_61, %cond3A_62 : i32
      scf.if %cond3A_63 {
        %dma_wait3A_182 = arith.constant 0 : i32
        %dma_wait3A_183 = arith.constant 0 : i32
        %dma_wait3A_184 = tpu.memref_slice %arg7[%dma_wait3A_182, %dma_wait3A_183] : memref<10112x128xf32, #tpu.memory_space<vmem_shared>> -> memref<10112x128xf32, #tpu.memory_space<vmem_shared>>
        tpu.wait_indirect_dma semaphore(%arg23 : memref<!tpu.dma_semaphore, #tpu.memory_space<semaphore_mem>>) src(%arg15 : memref<128x128xf32, #tpu.memory_space<vmem>>) dst(%dma_wait3A_184 : memref<10112x128xf32, #tpu.memory_space<vmem_shared>>)
      } else {
      }
      %add3A_64 = arith.constant 1 : i32
      %add3A_65 = arith.addi %mul3A_57, %add3A_64 : i32
      %add3A_66 = arith.addi %mul3A_4, %add3A_65 : i32
      %mul3A_67 = arith.constant 128 : i32
      %mul3A_68 = arith.muli %add3A_66, %mul3A_67 : i32
      %dma_wait3A_69 = tpu.memref_slice %arg4[%mul3A_68] : memref<327680xi32, #tpu.memory_space<hbm>> -> memref<128xi32, #tpu.memory_space<hbm>>
      %dma_wait3A_70 = tpu.memref_slice %arg4[%mul3A_68] : memref<327680xi32, #tpu.memory_space<hbm>> -> memref<128xi32, #tpu.memory_space<hbm>>
      tpu.wait_dma2 semaphore(%arg19 : memref<!tpu.dma_semaphore, #tpu.memory_space<semaphore_mem>>) src(%dma_wait3A_70 : memref<128xi32, #tpu.memory_space<hbm>>) dst(%arg9 : memref<128xi32, #tpu.memory_space<vmem>>)
      %add3A_71 = arith.addi %mul3A_4, %add3A_65 : i32
      %mul3A_72 = arith.constant 128 : i32
      %mul3A_73 = arith.muli %add3A_71, %mul3A_72 : i32
      %dma_wait3A_74 = tpu.memref_slice %arg5[%mul3A_73] : memref<327680xi32, #tpu.memory_space<hbm>> -> memref<128xi32, #tpu.memory_space<hbm>>
      %dma_wait3A_75 = tpu.memref_slice %arg5[%mul3A_73] : memref<327680xi32, #tpu.memory_space<hbm>> -> memref<128xi32, #tpu.memory_space<hbm>>
      tpu.wait_dma2 semaphore(%arg19 : memref<!tpu.dma_semaphore, #tpu.memory_space<semaphore_mem>>) src(%dma_wait3A_75 : memref<128xi32, #tpu.memory_space<hbm>>) dst(%arg11 : memref<128xi32, #tpu.memory_space<vmem>>)
      %dma_start3A_76 = arith.constant 0 : i32
      %dma_start3A_77 = arith.constant 0 : i32
      %dma_start3A_78 = tpu.memref_slice %arg2[%dma_start3A_76, %dma_start3A_77] : memref<10000x128xf32, #tpu.memory_space<hbm>> -> memref<10000x128xf32, #tpu.memory_space<hbm>>
      tpu.enqueue_indirect_dma source(%dma_start3A_78 : memref<10000x128xf32, #tpu.memory_space<hbm>>) target(%arg15 : memref<128x128xf32, #tpu.memory_space<vmem>>) offsets(%arg9 : memref<128xi32, #tpu.memory_space<vmem>>) semaphore(%arg17 : memref<!tpu.dma_semaphore, #tpu.memory_space<semaphore_mem>>)
      %dma_wait3A_79 = arith.constant 0 : i32
      %dma_wait3A_80 = arith.constant 0 : i32
      %dma_wait3A_81 = tpu.memref_slice %arg2[%dma_wait3A_79, %dma_wait3A_80] : memref<10000x128xf32, #tpu.memory_space<hbm>> -> memref<10000x128xf32, #tpu.memory_space<hbm>>
      tpu.wait_indirect_dma semaphore(%arg16 : memref<!tpu.dma_semaphore, #tpu.memory_space<semaphore_mem>>) src(%dma_wait3A_81 : memref<10000x128xf32, #tpu.memory_space<hbm>>) dst(%arg14 : memref<128x128xf32, #tpu.memory_space<vmem>>)
      %dma_start3A_82 = arith.constant 0 : i32
      %dma_start3A_83 = arith.constant 0 : i32
      %dma_start3A_84 = tpu.memref_slice %arg7[%dma_start3A_82, %dma_start3A_83] : memref<10112x128xf32, #tpu.memory_space<vmem_shared>> -> memref<10112x128xf32, #tpu.memory_space<vmem_shared>>
      tpu.enqueue_indirect_dma source(%arg14 : memref<128x128xf32, #tpu.memory_space<vmem>>) target(%dma_start3A_84 : memref<10112x128xf32, #tpu.memory_space<vmem_shared>>) offsets(%arg10 : memref<128xi32, #tpu.memory_space<vmem>>) semaphore(%arg20 : memref<!tpu.dma_semaphore, #tpu.memory_space<semaphore_mem>>) {add = true}
      %add3A_85 = arith.constant 2 : i32
      %add3A_86 = arith.addi %mul3A_57, %add3A_85 : i32
      %add3A_87 = arith.addi %mul3A_4, %add3A_86 : i32
      %mul3A_88 = arith.constant 128 : i32
      %mul3A_89 = arith.muli %add3A_87, %mul3A_88 : i32
      %dma_start3A_90 = tpu.memref_slice %arg4[%mul3A_89] : memref<327680xi32, #tpu.memory_space<hbm>> -> memref<128xi32, #tpu.memory_space<hbm>>
      %dma_start3A_91 = tpu.memref_slice %arg4[%mul3A_89] : memref<327680xi32, #tpu.memory_space<hbm>> -> memref<128xi32, #tpu.memory_space<hbm>>
      tpu.enqueue_dma source(%dma_start3A_91 : memref<128xi32, #tpu.memory_space<hbm>>) target(%arg8 : memref<128xi32, #tpu.memory_space<vmem>>) target_semaphore(%arg18 : memref<!tpu.dma_semaphore, #tpu.memory_space<semaphore_mem>>)
      %add3A_92 = arith.addi %mul3A_4, %add3A_86 : i32
      %mul3A_93 = arith.constant 128 : i32
      %mul3A_94 = arith.muli %add3A_92, %mul3A_93 : i32
      %dma_start3A_95 = tpu.memref_slice %arg5[%mul3A_94] : memref<327680xi32, #tpu.memory_space<hbm>> -> memref<128xi32, #tpu.memory_space<hbm>>
      %dma_start3A_96 = tpu.memref_slice %arg5[%mul3A_94] : memref<327680xi32, #tpu.memory_space<hbm>> -> memref<128xi32, #tpu.memory_space<hbm>>
      tpu.enqueue_dma source(%dma_start3A_96 : memref<128xi32, #tpu.memory_space<hbm>>) target(%arg12 : memref<128xi32, #tpu.memory_space<vmem>>) target_semaphore(%arg18 : memref<!tpu.dma_semaphore, #tpu.memory_space<semaphore_mem>>)
      %dma_wait3A_97 = arith.constant 0 : i32
      %dma_wait3A_98 = arith.constant 0 : i32
      %dma_wait3A_99 = tpu.memref_slice %arg2[%dma_wait3A_97, %dma_wait3A_98] : memref<10000x128xf32, #tpu.memory_space<hbm>> -> memref<10000x128xf32, #tpu.memory_space<hbm>>
      tpu.wait_indirect_dma semaphore(%arg17 : memref<!tpu.dma_semaphore, #tpu.memory_space<semaphore_mem>>) src(%dma_wait3A_99 : memref<10000x128xf32, #tpu.memory_space<hbm>>) dst(%arg15 : memref<128x128xf32, #tpu.memory_space<vmem>>)
      %dma_start3A_100 = arith.constant 0 : i32
      %dma_start3A_101 = arith.constant 0 : i32
      %dma_start3A_102 = tpu.memref_slice %arg7[%dma_start3A_100, %dma_start3A_101] : memref<10112x128xf32, #tpu.memory_space<vmem_shared>> -> memref<10112x128xf32, #tpu.memory_space<vmem_shared>>
      tpu.enqueue_indirect_dma source(%arg15 : memref<128x128xf32, #tpu.memory_space<vmem>>) target(%dma_start3A_102 : memref<10112x128xf32, #tpu.memory_space<vmem_shared>>) offsets(%arg11 : memref<128xi32, #tpu.memory_space<vmem>>) semaphore(%arg21 : memref<!tpu.dma_semaphore, #tpu.memory_space<semaphore_mem>>) {add = true}
      %dma_wait3A_103 = arith.constant 0 : i32
      %dma_wait3A_104 = arith.constant 0 : i32
      %dma_wait3A_105 = tpu.memref_slice %arg7[%dma_wait3A_103, %dma_wait3A_104] : memref<10112x128xf32, #tpu.memory_space<vmem_shared>> -> memref<10112x128xf32, #tpu.memory_space<vmem_shared>>
      tpu.wait_indirect_dma semaphore(%arg20 : memref<!tpu.dma_semaphore, #tpu.memory_space<semaphore_mem>>) src(%arg14 : memref<128x128xf32, #tpu.memory_space<vmem>>) dst(%dma_wait3A_105 : memref<10112x128xf32, #tpu.memory_space<vmem_shared>>)
      %add3A_106 = arith.constant 2 : i32
      %add3A_107 = arith.addi %mul3A_57, %add3A_106 : i32
      %add3A_108 = arith.addi %mul3A_4, %add3A_107 : i32
      %mul3A_109 = arith.constant 128 : i32
      %mul3A_110 = arith.muli %add3A_108, %mul3A_109 : i32
      %dma_wait3A_111 = tpu.memref_slice %arg4[%mul3A_110] : memref<327680xi32, #tpu.memory_space<hbm>> -> memref<128xi32, #tpu.memory_space<hbm>>
      %dma_wait3A_112 = tpu.memref_slice %arg4[%mul3A_110] : memref<327680xi32, #tpu.memory_space<hbm>> -> memref<128xi32, #tpu.memory_space<hbm>>
      tpu.wait_dma2 semaphore(%arg18 : memref<!tpu.dma_semaphore, #tpu.memory_space<semaphore_mem>>) src(%dma_wait3A_112 : memref<128xi32, #tpu.memory_space<hbm>>) dst(%arg8 : memref<128xi32, #tpu.memory_space<vmem>>)
      %add3A_113 = arith.addi %mul3A_4, %add3A_107 : i32
      %mul3A_114 = arith.constant 128 : i32
      %mul3A_115 = arith.muli %add3A_113, %mul3A_114 : i32
      %dma_wait3A_116 = tpu.memref_slice %arg5[%mul3A_115] : memref<327680xi32, #tpu.memory_space<hbm>> -> memref<128xi32, #tpu.memory_space<hbm>>
      %dma_wait3A_117 = tpu.memref_slice %arg5[%mul3A_115] : memref<327680xi32, #tpu.memory_space<hbm>> -> memref<128xi32, #tpu.memory_space<hbm>>
      tpu.wait_dma2 semaphore(%arg18 : memref<!tpu.dma_semaphore, #tpu.memory_space<semaphore_mem>>) src(%dma_wait3A_117 : memref<128xi32, #tpu.memory_space<hbm>>) dst(%arg12 : memref<128xi32, #tpu.memory_space<vmem>>)
      %dma_start3A_118 = arith.constant 0 : i32
      %dma_start3A_119 = arith.constant 0 : i32
      %dma_start3A_120 = tpu.memref_slice %arg2[%dma_start3A_118, %dma_start3A_119] : memref<10000x128xf32, #tpu.memory_space<hbm>> -> memref<10000x128xf32, #tpu.memory_space<hbm>>
      tpu.enqueue_indirect_dma source(%dma_start3A_120 : memref<10000x128xf32, #tpu.memory_space<hbm>>) target(%arg14 : memref<128x128xf32, #tpu.memory_space<vmem>>) offsets(%arg8 : memref<128xi32, #tpu.memory_space<vmem>>) semaphore(%arg16 : memref<!tpu.dma_semaphore, #tpu.memory_space<semaphore_mem>>)
      %add3A_121 = arith.constant 3 : i32
      %add3A_122 = arith.addi %mul3A_57, %add3A_121 : i32
      %add3A_123 = arith.addi %mul3A_4, %add3A_122 : i32
      %mul3A_124 = arith.constant 128 : i32
      %mul3A_125 = arith.muli %add3A_123, %mul3A_124 : i32
      %dma_start3A_126 = tpu.memref_slice %arg4[%mul3A_125] : memref<327680xi32, #tpu.memory_space<hbm>> -> memref<128xi32, #tpu.memory_space<hbm>>
      %dma_start3A_127 = tpu.memref_slice %arg4[%mul3A_125] : memref<327680xi32, #tpu.memory_space<hbm>> -> memref<128xi32, #tpu.memory_space<hbm>>
      tpu.enqueue_dma source(%dma_start3A_127 : memref<128xi32, #tpu.memory_space<hbm>>) target(%arg9 : memref<128xi32, #tpu.memory_space<vmem>>) target_semaphore(%arg19 : memref<!tpu.dma_semaphore, #tpu.memory_space<semaphore_mem>>)
      %add3A_128 = arith.addi %mul3A_4, %add3A_122 : i32
      %mul3A_129 = arith.constant 128 : i32
      %mul3A_130 = arith.muli %add3A_128, %mul3A_129 : i32
      %dma_start3A_131 = tpu.memref_slice %arg5[%mul3A_130] : memref<327680xi32, #tpu.memory_space<hbm>> -> memref<128xi32, #tpu.memory_space<hbm>>
      %dma_start3A_132 = tpu.memref_slice %arg5[%mul3A_130] : memref<327680xi32, #tpu.memory_space<hbm>> -> memref<128xi32, #tpu.memory_space<hbm>>
      tpu.enqueue_dma source(%dma_start3A_132 : memref<128xi32, #tpu.memory_space<hbm>>) target(%arg13 : memref<128xi32, #tpu.memory_space<vmem>>) target_semaphore(%arg19 : memref<!tpu.dma_semaphore, #tpu.memory_space<semaphore_mem>>)
      %dma_wait3A_133 = arith.constant 0 : i32
      %dma_wait3A_134 = arith.constant 0 : i32
      %dma_wait3A_135 = tpu.memref_slice %arg7[%dma_wait3A_133, %dma_wait3A_134] : memref<10112x128xf32, #tpu.memory_space<vmem_shared>> -> memref<10112x128xf32, #tpu.memory_space<vmem_shared>>
      tpu.wait_indirect_dma semaphore(%arg21 : memref<!tpu.dma_semaphore, #tpu.memory_space<semaphore_mem>>) src(%arg15 : memref<128x128xf32, #tpu.memory_space<vmem>>) dst(%dma_wait3A_135 : memref<10112x128xf32, #tpu.memory_space<vmem_shared>>)
      %dma_wait3A_136 = arith.constant 0 : i32
      %dma_wait3A_137 = arith.constant 0 : i32
      %dma_wait3A_138 = tpu.memref_slice %arg2[%dma_wait3A_136, %dma_wait3A_137] : memref<10000x128xf32, #tpu.memory_space<hbm>> -> memref<10000x128xf32, #tpu.memory_space<hbm>>
      tpu.wait_indirect_dma semaphore(%arg16 : memref<!tpu.dma_semaphore, #tpu.memory_space<semaphore_mem>>) src(%dma_wait3A_138 : memref<10000x128xf32, #tpu.memory_space<hbm>>) dst(%arg14 : memref<128x128xf32, #tpu.memory_space<vmem>>)
      %dma_start3A_139 = arith.constant 0 : i32
      %dma_start3A_140 = arith.constant 0 : i32
      %dma_start3A_141 = tpu.memref_slice %arg7[%dma_start3A_139, %dma_start3A_140] : memref<10112x128xf32, #tpu.memory_space<vmem_shared>> -> memref<10112x128xf32, #tpu.memory_space<vmem_shared>>
      tpu.enqueue_indirect_dma source(%arg14 : memref<128x128xf32, #tpu.memory_space<vmem>>) target(%dma_start3A_141 : memref<10112x128xf32, #tpu.memory_space<vmem_shared>>) offsets(%arg12 : memref<128xi32, #tpu.memory_space<vmem>>) semaphore(%arg22 : memref<!tpu.dma_semaphore, #tpu.memory_space<semaphore_mem>>) {add = true}
      %add3A_142 = arith.constant 3 : i32
      %add3A_143 = arith.addi %mul3A_57, %add3A_142 : i32
      %add3A_144 = arith.addi %mul3A_4, %add3A_143 : i32
      %mul3A_145 = arith.constant 128 : i32
      %mul3A_146 = arith.muli %add3A_144, %mul3A_145 : i32
      %dma_wait3A_147 = tpu.memref_slice %arg4[%mul3A_146] : memref<327680xi32, #tpu.memory_space<hbm>> -> memref<128xi32, #tpu.memory_space<hbm>>
      %dma_wait3A_148 = tpu.memref_slice %arg4[%mul3A_146] : memref<327680xi32, #tpu.memory_space<hbm>> -> memref<128xi32, #tpu.memory_space<hbm>>
      tpu.wait_dma2 semaphore(%arg19 : memref<!tpu.dma_semaphore, #tpu.memory_space<semaphore_mem>>) src(%dma_wait3A_148 : memref<128xi32, #tpu.memory_space<hbm>>) dst(%arg9 : memref<128xi32, #tpu.memory_space<vmem>>)
      %add3A_149 = arith.addi %mul3A_4, %add3A_143 : i32
      %mul3A_150 = arith.constant 128 : i32
      %mul3A_151 = arith.muli %add3A_149, %mul3A_150 : i32
      %dma_wait3A_152 = tpu.memref_slice %arg5[%mul3A_151] : memref<327680xi32, #tpu.memory_space<hbm>> -> memref<128xi32, #tpu.memory_space<hbm>>
      %dma_wait3A_153 = tpu.memref_slice %arg5[%mul3A_151] : memref<327680xi32, #tpu.memory_space<hbm>> -> memref<128xi32, #tpu.memory_space<hbm>>
      tpu.wait_dma2 semaphore(%arg19 : memref<!tpu.dma_semaphore, #tpu.memory_space<semaphore_mem>>) src(%dma_wait3A_153 : memref<128xi32, #tpu.memory_space<hbm>>) dst(%arg13 : memref<128xi32, #tpu.memory_space<vmem>>)
      %dma_start3A_154 = arith.constant 0 : i32
      %dma_start3A_155 = arith.constant 0 : i32
      %dma_start3A_156 = tpu.memref_slice %arg2[%dma_start3A_154, %dma_start3A_155] : memref<10000x128xf32, #tpu.memory_space<hbm>> -> memref<10000x128xf32, #tpu.memory_space<hbm>>
      tpu.enqueue_indirect_dma source(%dma_start3A_156 : memref<10000x128xf32, #tpu.memory_space<hbm>>) target(%arg15 : memref<128x128xf32, #tpu.memory_space<vmem>>) offsets(%arg9 : memref<128xi32, #tpu.memory_space<vmem>>) semaphore(%arg17 : memref<!tpu.dma_semaphore, #tpu.memory_space<semaphore_mem>>)
      %lt3A = arith.constant 80 : i32
      %lt3A_157 = arith.cmpi slt, %add3A_59, %lt3A : i32
      %convert_element_type3A_158 = arith.extui %lt3A_157 : i1 to i32
      %cond3A_159 = arith.constant 0 : i32
      %cond3A_160 = arith.cmpi ne, %convert_element_type3A_158, %cond3A_159 : i32
      scf.if %cond3A_160 {
        %add3A_182 = arith.addi %mul3A_4, %add3A_59 : i32
        %mul3A_183 = arith.constant 128 : i32
        %mul3A_184 = arith.muli %add3A_182, %mul3A_183 : i32
        %dma_start3A_185 = tpu.memref_slice %arg4[%mul3A_184] : memref<327680xi32, #tpu.memory_space<hbm>> -> memref<128xi32, #tpu.memory_space<hbm>>
        %dma_start3A_186 = tpu.memref_slice %arg4[%mul3A_184] : memref<327680xi32, #tpu.memory_space<hbm>> -> memref<128xi32, #tpu.memory_space<hbm>>
        tpu.enqueue_dma source(%dma_start3A_186 : memref<128xi32, #tpu.memory_space<hbm>>) target(%arg8 : memref<128xi32, #tpu.memory_space<vmem>>) target_semaphore(%arg18 : memref<!tpu.dma_semaphore, #tpu.memory_space<semaphore_mem>>)
        %add3A_187 = arith.addi %mul3A_4, %add3A_59 : i32
        %mul3A_188 = arith.constant 128 : i32
        %mul3A_189 = arith.muli %add3A_187, %mul3A_188 : i32
        %dma_start3A_190 = tpu.memref_slice %arg5[%mul3A_189] : memref<327680xi32, #tpu.memory_space<hbm>> -> memref<128xi32, #tpu.memory_space<hbm>>
        %dma_start3A_191 = tpu.memref_slice %arg5[%mul3A_189] : memref<327680xi32, #tpu.memory_space<hbm>> -> memref<128xi32, #tpu.memory_space<hbm>>
        tpu.enqueue_dma source(%dma_start3A_191 : memref<128xi32, #tpu.memory_space<hbm>>) target(%arg10 : memref<128xi32, #tpu.memory_space<vmem>>) target_semaphore(%arg18 : memref<!tpu.dma_semaphore, #tpu.memory_space<semaphore_mem>>)
      } else {
      }
      %dma_wait3A_161 = arith.constant 0 : i32
      %dma_wait3A_162 = arith.constant 0 : i32
      %dma_wait3A_163 = tpu.memref_slice %arg7[%dma_wait3A_161, %dma_wait3A_162] : memref<10112x128xf32, #tpu.memory_space<vmem_shared>> -> memref<10112x128xf32, #tpu.memory_space<vmem_shared>>
      tpu.wait_indirect_dma semaphore(%arg22 : memref<!tpu.dma_semaphore, #tpu.memory_space<semaphore_mem>>) src(%arg14 : memref<128x128xf32, #tpu.memory_space<vmem>>) dst(%dma_wait3A_163 : memref<10112x128xf32, #tpu.memory_space<vmem_shared>>)
      %dma_wait3A_164 = arith.constant 0 : i32
      %dma_wait3A_165 = arith.constant 0 : i32
      %dma_wait3A_166 = tpu.memref_slice %arg2[%dma_wait3A_164, %dma_wait3A_165] : memref<10000x128xf32, #tpu.memory_space<hbm>> -> memref<10000x128xf32, #tpu.memory_space<hbm>>
      tpu.wait_indirect_dma semaphore(%arg17 : memref<!tpu.dma_semaphore, #tpu.memory_space<semaphore_mem>>) src(%dma_wait3A_166 : memref<10000x128xf32, #tpu.memory_space<hbm>>) dst(%arg15 : memref<128x128xf32, #tpu.memory_space<vmem>>)
      %dma_start3A_167 = arith.constant 0 : i32
      %dma_start3A_168 = arith.constant 0 : i32
      %dma_start3A_169 = tpu.memref_slice %arg7[%dma_start3A_167, %dma_start3A_168] : memref<10112x128xf32, #tpu.memory_space<vmem_shared>> -> memref<10112x128xf32, #tpu.memory_space<vmem_shared>>
      tpu.enqueue_indirect_dma source(%arg15 : memref<128x128xf32, #tpu.memory_space<vmem>>) target(%dma_start3A_169 : memref<10112x128xf32, #tpu.memory_space<vmem_shared>>) offsets(%arg13 : memref<128xi32, #tpu.memory_space<vmem>>) semaphore(%arg23 : memref<!tpu.dma_semaphore, #tpu.memory_space<semaphore_mem>>) {add = true}
      %lt3A_170 = arith.constant 80 : i32
      %lt3A_171 = arith.cmpi slt, %add3A_59, %lt3A_170 : i32
      %convert_element_type3A_172 = arith.extui %lt3A_171 : i1 to i32
      %cond3A_173 = arith.constant 0 : i32
      %cond3A_174 = arith.cmpi ne, %convert_element_type3A_172, %cond3A_173 : i32
      scf.if %cond3A_174 {
        %add3A_182 = arith.addi %mul3A_4, %add3A_59 : i32
        %mul3A_183 = arith.constant 128 : i32
        %mul3A_184 = arith.muli %add3A_182, %mul3A_183 : i32
        %dma_wait3A_185 = tpu.memref_slice %arg4[%mul3A_184] : memref<327680xi32, #tpu.memory_space<hbm>> -> memref<128xi32, #tpu.memory_space<hbm>>
        %dma_wait3A_186 = tpu.memref_slice %arg4[%mul3A_184] : memref<327680xi32, #tpu.memory_space<hbm>> -> memref<128xi32, #tpu.memory_space<hbm>>
        tpu.wait_dma2 semaphore(%arg18 : memref<!tpu.dma_semaphore, #tpu.memory_space<semaphore_mem>>) src(%dma_wait3A_186 : memref<128xi32, #tpu.memory_space<hbm>>) dst(%arg8 : memref<128xi32, #tpu.memory_space<vmem>>)
        %add3A_187 = arith.addi %mul3A_4, %add3A_59 : i32
        %mul3A_188 = arith.constant 128 : i32
        %mul3A_189 = arith.muli %add3A_187, %mul3A_188 : i32
        %dma_wait3A_190 = tpu.memref_slice %arg5[%mul3A_189] : memref<327680xi32, #tpu.memory_space<hbm>> -> memref<128xi32, #tpu.memory_space<hbm>>
        %dma_wait3A_191 = tpu.memref_slice %arg5[%mul3A_189] : memref<327680xi32, #tpu.memory_space<hbm>> -> memref<128xi32, #tpu.memory_space<hbm>>
        tpu.wait_dma2 semaphore(%arg18 : memref<!tpu.dma_semaphore, #tpu.memory_space<semaphore_mem>>) src(%dma_wait3A_191 : memref<128xi32, #tpu.memory_space<hbm>>) dst(%arg10 : memref<128xi32, #tpu.memory_space<vmem>>)
        %dma_start3A_192 = arith.constant 0 : i32
        %dma_start3A_193 = arith.constant 0 : i32
        %dma_start3A_194 = tpu.memref_slice %arg2[%dma_start3A_192, %dma_start3A_193] : memref<10000x128xf32, #tpu.memory_space<hbm>> -> memref<10000x128xf32, #tpu.memory_space<hbm>>
        tpu.enqueue_indirect_dma source(%dma_start3A_194 : memref<10000x128xf32, #tpu.memory_space<hbm>>) target(%arg14 : memref<128x128xf32, #tpu.memory_space<vmem>>) offsets(%arg8 : memref<128xi32, #tpu.memory_space<vmem>>) semaphore(%arg16 : memref<!tpu.dma_semaphore, #tpu.memory_space<semaphore_mem>>)
      } else {
      }
      %add3A_175 = arith.constant 1 : i32
      %add3A_176 = arith.addi %add3A_59, %add3A_175 : i32
      %lt3A_177 = arith.constant 80 : i32
      %lt3A_178 = arith.cmpi slt, %add3A_176, %lt3A_177 : i32
      %convert_element_type3A_179 = arith.extui %lt3A_178 : i1 to i32
      %cond3A_180 = arith.constant 0 : i32
      %cond3A_181 = arith.cmpi ne, %convert_element_type3A_179, %cond3A_180 : i32
      scf.if %cond3A_181 {
        %add3A_182 = arith.constant 1 : i32
        %add3A_183 = arith.addi %add3A_59, %add3A_182 : i32
        %add3A_184 = arith.addi %mul3A_4, %add3A_183 : i32
        %mul3A_185 = arith.constant 128 : i32
        %mul3A_186 = arith.muli %add3A_184, %mul3A_185 : i32
        %dma_start3A_187 = tpu.memref_slice %arg4[%mul3A_186] : memref<327680xi32, #tpu.memory_space<hbm>> -> memref<128xi32, #tpu.memory_space<hbm>>
        %dma_start3A_188 = tpu.memref_slice %arg4[%mul3A_186] : memref<327680xi32, #tpu.memory_space<hbm>> -> memref<128xi32, #tpu.memory_space<hbm>>
        tpu.enqueue_dma source(%dma_start3A_188 : memref<128xi32, #tpu.memory_space<hbm>>) target(%arg9 : memref<128xi32, #tpu.memory_space<vmem>>) target_semaphore(%arg19 : memref<!tpu.dma_semaphore, #tpu.memory_space<semaphore_mem>>)
        %add3A_189 = arith.addi %mul3A_4, %add3A_183 : i32
        %mul3A_190 = arith.constant 128 : i32
        %mul3A_191 = arith.muli %add3A_189, %mul3A_190 : i32
        %dma_start3A_192 = tpu.memref_slice %arg5[%mul3A_191] : memref<327680xi32, #tpu.memory_space<hbm>> -> memref<128xi32, #tpu.memory_space<hbm>>
        %dma_start3A_193 = tpu.memref_slice %arg5[%mul3A_191] : memref<327680xi32, #tpu.memory_space<hbm>> -> memref<128xi32, #tpu.memory_space<hbm>>
        tpu.enqueue_dma source(%dma_start3A_193 : memref<128xi32, #tpu.memory_space<hbm>>) target(%arg11 : memref<128xi32, #tpu.memory_space<vmem>>) target_semaphore(%arg19 : memref<!tpu.dma_semaphore, #tpu.memory_space<semaphore_mem>>)
      } else {
      }
    }
    %scan3A_46 = arith.constant 20 : i32
    %dma_wait3A_47 = arith.constant 0 : i32
    %dma_wait3A_48 = arith.constant 0 : i32
    %dma_wait3A_49 = tpu.memref_slice %arg7[%dma_wait3A_47, %dma_wait3A_48] : memref<10112x128xf32, #tpu.memory_space<vmem_shared>> -> memref<10112x128xf32, #tpu.memory_space<vmem_shared>>
    tpu.wait_indirect_dma semaphore(%arg23 : memref<!tpu.dma_semaphore, #tpu.memory_space<semaphore_mem>>) src(%arg15 : memref<128x128xf32, #tpu.memory_space<vmem>>) dst(%dma_wait3A_49 : memref<10112x128xf32, #tpu.memory_space<vmem_shared>>)
    %barrier3A_50 = arith.constant 0 : index
    tpu.barrier barrier_id(%barrier3A_50)
    %mul3A_51 = arith.constant 632 : i32
    %mul3A_52 = arith.muli %arg1, %mul3A_51 : i32
    %mul3A_53 = arith.constant 632 : i32
    %mul3A_54 = arith.muli %arg1, %mul3A_53 : i32
    "tpu.region"() ({
      %run_scoped3A = tpu.sem_alloc : memref<!tpu.dma_semaphore, #tpu.memory_space<semaphore_mem>>
      %dma_start3A_55 = arith.constant 0 : i32
      %dma_start3A_56 = tpu.memref_slice %arg6[%arg0, %mul3A_54, %dma_start3A_55] : memref<2x10112x128xf32, #tpu.memory_space<hbm>> -> memref<1x632x128xf32, #tpu.memory_space<hbm>>
      %dma_start3A_57 = tpu.memref_squeeze %dma_start3A_56 : memref<1x632x128xf32, #tpu.memory_space<hbm>> -> memref<632x128xf32, #tpu.memory_space<hbm>>
      %dma_start3A_58 = arith.constant 0 : i32
      %dma_start3A_59 = tpu.memref_slice %arg7[%mul3A_52, %dma_start3A_58] : memref<10112x128xf32, #tpu.memory_space<vmem_shared>> -> memref<632x128xf32, #tpu.memory_space<vmem_shared>>
      tpu.enqueue_dma source(%dma_start3A_59 : memref<632x128xf32, #tpu.memory_space<vmem_shared>>) target(%dma_start3A_57 : memref<632x128xf32, #tpu.memory_space<hbm>>) target_semaphore(%run_scoped3A : memref<!tpu.dma_semaphore, #tpu.memory_space<semaphore_mem>>)
      %dma_wait3A_60 = arith.constant 0 : i32
      %dma_wait3A_61 = tpu.memref_slice %arg6[%arg0, %mul3A_54, %dma_wait3A_60] : memref<2x10112x128xf32, #tpu.memory_space<hbm>> -> memref<1x632x128xf32, #tpu.memory_space<hbm>>
      %dma_wait3A_62 = tpu.memref_squeeze %dma_wait3A_61 : memref<1x632x128xf32, #tpu.memory_space<hbm>> -> memref<632x128xf32, #tpu.memory_space<hbm>>
      %dma_wait3A_63 = arith.constant 0 : i32
      %dma_wait3A_64 = tpu.memref_slice %arg7[%mul3A_52, %dma_wait3A_63] : memref<10112x128xf32, #tpu.memory_space<vmem_shared>> -> memref<632x128xf32, #tpu.memory_space<vmem_shared>>
      tpu.wait_dma2 semaphore(%run_scoped3A : memref<!tpu.dma_semaphore, #tpu.memory_space<semaphore_mem>>) src(%dma_wait3A_64 : memref<632x128xf32, #tpu.memory_space<vmem_shared>>) dst(%dma_wait3A_62 : memref<632x128xf32, #tpu.memory_space<hbm>>)
      tpu.yield
    }) : () -> ()
    return
  }
}

#map = affine_map<(d0, d1) -> (0, 0)>
#map1 = affine_map<(d0, d1) -> (0)>
module attributes {stable_mosaic.version = 14 : i64} {
  func.func @agg(%arg0: i32, %arg1: i32, %arg2: memref<10000x128xf32, #tpu.memory_space<hbm>>, %arg3: memref<10000x128xf32, #tpu.memory_space<hbm>>, %arg4: memref<327680xi32, #tpu.memory_space<hbm>>, %arg5: memref<327680xi32, #tpu.memory_space<hbm>>, %arg6: memref<10112x128xf32, #tpu.memory_space<hbm>>, %arg7: memref<10112x128xf32, #tpu.memory_space<hbm>>, %arg8: memref<10112x128xf32, #tpu.memory_space<vmem_shared>>, %arg9: memref<128xi32, #tpu.memory_space<vmem>>, %arg10: memref<128xi32, #tpu.memory_space<vmem>>, %arg11: memref<128xi32, #tpu.memory_space<vmem>>, %arg12: memref<128xi32, #tpu.memory_space<vmem>>, %arg13: memref<128xi32, #tpu.memory_space<vmem>>, %arg14: memref<128xi32, #tpu.memory_space<vmem>>, %arg15: memref<128x128xf32, #tpu.memory_space<vmem>>, %arg16: memref<128x128xf32, #tpu.memory_space<vmem>>, %arg17: memref<!tpu.dma_semaphore, #tpu.memory_space<semaphore_mem>>, %arg18: memref<!tpu.dma_semaphore, #tpu.memory_space<semaphore_mem>>, %arg19: memref<!tpu.dma_semaphore, #tpu.memory_space<semaphore_mem>>, %arg20: memref<!tpu.dma_semaphore, #tpu.memory_space<semaphore_mem>>, %arg21: memref<!tpu.dma_semaphore, #tpu.memory_space<semaphore_mem>>, %arg22: memref<!tpu.dma_semaphore, #tpu.memory_space<semaphore_mem>>, %arg23: memref<!tpu.dma_semaphore, #tpu.memory_space<semaphore_mem>>, %arg24: memref<!tpu.dma_semaphore, #tpu.memory_space<semaphore_mem>>) attributes {dimension_semantics = [#tpu.dimension_semantics<core_parallel>, #tpu.dimension_semantics<subcore_parallel>], iteration_bounds = array<i64: 2, 16>, scalar_prefetch = 0 : i64, scratch_operands = 17 : i64, tpu.core_type = #tpu.core_type<sc_vector_subcore>, window_params = [{transform_indices = #map}, {transform_indices = #map}, {transform_indices = #map1}, {transform_indices = #map1}, {transform_indices = #map}, {transform_indices = #map}]} {
    %eq3A = arith.constant 0 : i32
    %eq3A_0 = arith.cmpi eq, %arg0, %eq3A : i32
    %convert_element_type3A = arith.extui %eq3A_0 : i1 to i32
    %cond3A = arith.constant 0 : i32
    %cond3A_1 = arith.cmpi ne, %convert_element_type3A, %cond3A : i32
    scf.if %cond3A_1 {
      %eq3A_7 = arith.constant 0 : i32
      %eq3A_8 = arith.cmpi eq, %arg1, %eq3A_7 : i32
      %convert_element_type3A_9 = arith.extui %eq3A_8 : i1 to i32
      %cond3A_10 = arith.constant 0 : i32
      %cond3A_11 = arith.cmpi ne, %convert_element_type3A_9, %cond3A_10 : i32
      scf.if %cond3A_11 {
        "tpu.region"() ({
          %run_scoped3A = tpu.sem_alloc : memref<!tpu.dma_semaphore, #tpu.memory_space<semaphore_mem>>
          %dma_start3A_62 = arith.constant 0 : i32
          %dma_start3A_63 = arith.constant 0 : i32
          %dma_start3A_64 = tpu.memref_slice %arg8[%dma_start3A_62, %dma_start3A_63] : memref<10112x128xf32, #tpu.memory_space<vmem_shared>> -> memref<10000x128xf32, #tpu.memory_space<vmem_shared>>
          tpu.enqueue_dma source(%arg2 : memref<10000x128xf32, #tpu.memory_space<hbm>>) target(%dma_start3A_64 : memref<10000x128xf32, #tpu.memory_space<vmem_shared>>) target_semaphore(%run_scoped3A : memref<!tpu.dma_semaphore, #tpu.memory_space<semaphore_mem>>)
          %dma_wait3A_65 = arith.constant 0 : i32
          %dma_wait3A_66 = arith.constant 0 : i32
          %dma_wait3A_67 = tpu.memref_slice %arg8[%dma_wait3A_65, %dma_wait3A_66] : memref<10112x128xf32, #tpu.memory_space<vmem_shared>> -> memref<10000x128xf32, #tpu.memory_space<vmem_shared>>
          tpu.wait_dma2 semaphore(%run_scoped3A : memref<!tpu.dma_semaphore, #tpu.memory_space<semaphore_mem>>) src(%arg2 : memref<10000x128xf32, #tpu.memory_space<hbm>>) dst(%dma_wait3A_67 : memref<10000x128xf32, #tpu.memory_space<vmem_shared>>)
          tpu.yield
        }) : () -> ()
      } else {
      }
      %barrier3A = arith.constant 0 : index
      tpu.barrier barrier_id(%barrier3A)
      %mul3A = arith.constant 160 : i32
      %mul3A_12 = arith.muli %arg1, %mul3A : i32
      %add3A = arith.constant 0 : i32
      %add3A_13 = arith.addi %mul3A_12, %add3A : i32
      %mul3A_14 = arith.constant 128 : i32
      %mul3A_15 = arith.muli %add3A_13, %mul3A_14 : i32
      %dma_start3A = tpu.memref_slice %arg4[%mul3A_15] : memref<327680xi32, #tpu.memory_space<hbm>> -> memref<128xi32, #tpu.memory_space<hbm>>
      %dma_start3A_16 = tpu.memref_slice %arg4[%mul3A_15] : memref<327680xi32, #tpu.memory_space<hbm>> -> memref<128xi32, #tpu.memory_space<hbm>>
      tpu.enqueue_dma source(%dma_start3A_16 : memref<128xi32, #tpu.memory_space<hbm>>) target(%arg9 : memref<128xi32, #tpu.memory_space<vmem>>) target_semaphore(%arg19 : memref<!tpu.dma_semaphore, #tpu.memory_space<semaphore_mem>>)
      %add3A_17 = arith.constant 0 : i32
      %add3A_18 = arith.addi %mul3A_12, %add3A_17 : i32
      %mul3A_19 = arith.constant 128 : i32
      %mul3A_20 = arith.muli %add3A_18, %mul3A_19 : i32
      %dma_start3A_21 = tpu.memref_slice %arg5[%mul3A_20] : memref<327680xi32, #tpu.memory_space<hbm>> -> memref<128xi32, #tpu.memory_space<hbm>>
      %dma_start3A_22 = tpu.memref_slice %arg5[%mul3A_20] : memref<327680xi32, #tpu.memory_space<hbm>> -> memref<128xi32, #tpu.memory_space<hbm>>
      tpu.enqueue_dma source(%dma_start3A_22 : memref<128xi32, #tpu.memory_space<hbm>>) target(%arg11 : memref<128xi32, #tpu.memory_space<vmem>>) target_semaphore(%arg19 : memref<!tpu.dma_semaphore, #tpu.memory_space<semaphore_mem>>)
      %add3A_23 = arith.constant 0 : i32
      %add3A_24 = arith.addi %mul3A_12, %add3A_23 : i32
      %mul3A_25 = arith.constant 128 : i32
      %mul3A_26 = arith.muli %add3A_24, %mul3A_25 : i32
      %dma_wait3A = tpu.memref_slice %arg4[%mul3A_26] : memref<327680xi32, #tpu.memory_space<hbm>> -> memref<128xi32, #tpu.memory_space<hbm>>
      %dma_wait3A_27 = tpu.memref_slice %arg4[%mul3A_26] : memref<327680xi32, #tpu.memory_space<hbm>> -> memref<128xi32, #tpu.memory_space<hbm>>
      tpu.wait_dma2 semaphore(%arg19 : memref<!tpu.dma_semaphore, #tpu.memory_space<semaphore_mem>>) src(%dma_wait3A_27 : memref<128xi32, #tpu.memory_space<hbm>>) dst(%arg9 : memref<128xi32, #tpu.memory_space<vmem>>)
      %add3A_28 = arith.constant 0 : i32
      %add3A_29 = arith.addi %mul3A_12, %add3A_28 : i32
      %mul3A_30 = arith.constant 128 : i32
      %mul3A_31 = arith.muli %add3A_29, %mul3A_30 : i32
      %dma_wait3A_32 = tpu.memref_slice %arg5[%mul3A_31] : memref<327680xi32, #tpu.memory_space<hbm>> -> memref<128xi32, #tpu.memory_space<hbm>>
      %dma_wait3A_33 = tpu.memref_slice %arg5[%mul3A_31] : memref<327680xi32, #tpu.memory_space<hbm>> -> memref<128xi32, #tpu.memory_space<hbm>>
      tpu.wait_dma2 semaphore(%arg19 : memref<!tpu.dma_semaphore, #tpu.memory_space<semaphore_mem>>) src(%dma_wait3A_33 : memref<128xi32, #tpu.memory_space<hbm>>) dst(%arg11 : memref<128xi32, #tpu.memory_space<vmem>>)
      %dma_start3A_34 = arith.constant 0 : i32
      %dma_start3A_35 = arith.constant 0 : i32
      %dma_start3A_36 = tpu.memref_slice %arg2[%dma_start3A_34, %dma_start3A_35] : memref<10000x128xf32, #tpu.memory_space<hbm>> -> memref<10000x128xf32, #tpu.memory_space<hbm>>
      tpu.enqueue_indirect_dma source(%dma_start3A_36 : memref<10000x128xf32, #tpu.memory_space<hbm>>) target(%arg15 : memref<128x128xf32, #tpu.memory_space<vmem>>) offsets(%arg9 : memref<128xi32, #tpu.memory_space<vmem>>) semaphore(%arg17 : memref<!tpu.dma_semaphore, #tpu.memory_space<semaphore_mem>>)
      %add3A_37 = arith.constant 1 : i32
      %add3A_38 = arith.addi %mul3A_12, %add3A_37 : i32
      %mul3A_39 = arith.constant 128 : i32
      %mul3A_40 = arith.muli %add3A_38, %mul3A_39 : i32
      %dma_start3A_41 = tpu.memref_slice %arg4[%mul3A_40] : memref<327680xi32, #tpu.memory_space<hbm>> -> memref<128xi32, #tpu.memory_space<hbm>>
      %dma_start3A_42 = tpu.memref_slice %arg4[%mul3A_40] : memref<327680xi32, #tpu.memory_space<hbm>> -> memref<128xi32, #tpu.memory_space<hbm>>
      tpu.enqueue_dma source(%dma_start3A_42 : memref<128xi32, #tpu.memory_space<hbm>>) target(%arg10 : memref<128xi32, #tpu.memory_space<vmem>>) target_semaphore(%arg20 : memref<!tpu.dma_semaphore, #tpu.memory_space<semaphore_mem>>)
      %add3A_43 = arith.constant 1 : i32
      %add3A_44 = arith.addi %mul3A_12, %add3A_43 : i32
      %mul3A_45 = arith.constant 128 : i32
      %mul3A_46 = arith.muli %add3A_44, %mul3A_45 : i32
      %dma_start3A_47 = tpu.memref_slice %arg5[%mul3A_46] : memref<327680xi32, #tpu.memory_space<hbm>> -> memref<128xi32, #tpu.memory_space<hbm>>
      %dma_start3A_48 = tpu.memref_slice %arg5[%mul3A_46] : memref<327680xi32, #tpu.memory_space<hbm>> -> memref<128xi32, #tpu.memory_space<hbm>>
      tpu.enqueue_dma source(%dma_start3A_48 : memref<128xi32, #tpu.memory_space<hbm>>) target(%arg12 : memref<128xi32, #tpu.memory_space<vmem>>) target_semaphore(%arg20 : memref<!tpu.dma_semaphore, #tpu.memory_space<semaphore_mem>>)
      %scan3A = arith.constant 0 : i32
      %scan3A_49 = arith.constant 0 : i32
      %scan3A_50 = arith.constant 40 : i32
      %scan3A_51 = arith.addi %scan3A_49, %scan3A_50 : i32
      %scan3A_52 = arith.constant 1 : i32
      scf.for %scan3A_62 = %scan3A_49 to %scan3A_51 step %scan3A_52  : i32 {
        %mul3A_63 = arith.constant 4 : i32
        %mul3A_64 = arith.muli %mul3A_63, %scan3A_62 : i32
        %add3A_65 = arith.constant 4 : i32
        %add3A_66 = arith.addi %mul3A_64, %add3A_65 : i32
        %gt3A = arith.constant 0 : i32
        %gt3A_67 = arith.cmpi sgt, %scan3A_62, %gt3A : i32
        %convert_element_type3A_68 = arith.extui %gt3A_67 : i1 to i32
        %cond3A_69 = arith.constant 0 : i32
        %cond3A_70 = arith.cmpi ne, %convert_element_type3A_68, %cond3A_69 : i32
        scf.if %cond3A_70 {
          %dma_wait3A_189 = arith.constant 0 : i32
          %dma_wait3A_190 = arith.constant 0 : i32
          %dma_wait3A_191 = tpu.memref_slice %arg8[%dma_wait3A_189, %dma_wait3A_190] : memref<10112x128xf32, #tpu.memory_space<vmem_shared>> -> memref<10112x128xf32, #tpu.memory_space<vmem_shared>>
          tpu.wait_indirect_dma semaphore(%arg24 : memref<!tpu.dma_semaphore, #tpu.memory_space<semaphore_mem>>) src(%arg16 : memref<128x128xf32, #tpu.memory_space<vmem>>) dst(%dma_wait3A_191 : memref<10112x128xf32, #tpu.memory_space<vmem_shared>>)
        } else {
        }
        %add3A_71 = arith.constant 1 : i32
        %add3A_72 = arith.addi %mul3A_64, %add3A_71 : i32
        %add3A_73 = arith.addi %mul3A_12, %add3A_72 : i32
        %mul3A_74 = arith.constant 128 : i32
        %mul3A_75 = arith.muli %add3A_73, %mul3A_74 : i32
        %dma_wait3A_76 = tpu.memref_slice %arg4[%mul3A_75] : memref<327680xi32, #tpu.memory_space<hbm>> -> memref<128xi32, #tpu.memory_space<hbm>>
        %dma_wait3A_77 = tpu.memref_slice %arg4[%mul3A_75] : memref<327680xi32, #tpu.memory_space<hbm>> -> memref<128xi32, #tpu.memory_space<hbm>>
        tpu.wait_dma2 semaphore(%arg20 : memref<!tpu.dma_semaphore, #tpu.memory_space<semaphore_mem>>) src(%dma_wait3A_77 : memref<128xi32, #tpu.memory_space<hbm>>) dst(%arg10 : memref<128xi32, #tpu.memory_space<vmem>>)
        %add3A_78 = arith.addi %mul3A_12, %add3A_72 : i32
        %mul3A_79 = arith.constant 128 : i32
        %mul3A_80 = arith.muli %add3A_78, %mul3A_79 : i32
        %dma_wait3A_81 = tpu.memref_slice %arg5[%mul3A_80] : memref<327680xi32, #tpu.memory_space<hbm>> -> memref<128xi32, #tpu.memory_space<hbm>>
        %dma_wait3A_82 = tpu.memref_slice %arg5[%mul3A_80] : memref<327680xi32, #tpu.memory_space<hbm>> -> memref<128xi32, #tpu.memory_space<hbm>>
        tpu.wait_dma2 semaphore(%arg20 : memref<!tpu.dma_semaphore, #tpu.memory_space<semaphore_mem>>) src(%dma_wait3A_82 : memref<128xi32, #tpu.memory_space<hbm>>) dst(%arg12 : memref<128xi32, #tpu.memory_space<vmem>>)
        %dma_start3A_83 = arith.constant 0 : i32
        %dma_start3A_84 = arith.constant 0 : i32
        %dma_start3A_85 = tpu.memref_slice %arg2[%dma_start3A_83, %dma_start3A_84] : memref<10000x128xf32, #tpu.memory_space<hbm>> -> memref<10000x128xf32, #tpu.memory_space<hbm>>
        tpu.enqueue_indirect_dma source(%dma_start3A_85 : memref<10000x128xf32, #tpu.memory_space<hbm>>) target(%arg16 : memref<128x128xf32, #tpu.memory_space<vmem>>) offsets(%arg10 : memref<128xi32, #tpu.memory_space<vmem>>) semaphore(%arg18 : memref<!tpu.dma_semaphore, #tpu.memory_space<semaphore_mem>>)
        %dma_wait3A_86 = arith.constant 0 : i32
        %dma_wait3A_87 = arith.constant 0 : i32
        %dma_wait3A_88 = tpu.memref_slice %arg2[%dma_wait3A_86, %dma_wait3A_87] : memref<10000x128xf32, #tpu.memory_space<hbm>> -> memref<10000x128xf32, #tpu.memory_space<hbm>>
        tpu.wait_indirect_dma semaphore(%arg17 : memref<!tpu.dma_semaphore, #tpu.memory_space<semaphore_mem>>) src(%dma_wait3A_88 : memref<10000x128xf32, #tpu.memory_space<hbm>>) dst(%arg15 : memref<128x128xf32, #tpu.memory_space<vmem>>)
        %dma_start3A_89 = arith.constant 0 : i32
        %dma_start3A_90 = arith.constant 0 : i32
        %dma_start3A_91 = tpu.memref_slice %arg8[%dma_start3A_89, %dma_start3A_90] : memref<10112x128xf32, #tpu.memory_space<vmem_shared>> -> memref<10112x128xf32, #tpu.memory_space<vmem_shared>>
        tpu.enqueue_indirect_dma source(%arg15 : memref<128x128xf32, #tpu.memory_space<vmem>>) target(%dma_start3A_91 : memref<10112x128xf32, #tpu.memory_space<vmem_shared>>) offsets(%arg11 : memref<128xi32, #tpu.memory_space<vmem>>) semaphore(%arg21 : memref<!tpu.dma_semaphore, #tpu.memory_space<semaphore_mem>>) {add = true}
        %add3A_92 = arith.constant 2 : i32
        %add3A_93 = arith.addi %mul3A_64, %add3A_92 : i32
        %add3A_94 = arith.addi %mul3A_12, %add3A_93 : i32
        %mul3A_95 = arith.constant 128 : i32
        %mul3A_96 = arith.muli %add3A_94, %mul3A_95 : i32
        %dma_start3A_97 = tpu.memref_slice %arg4[%mul3A_96] : memref<327680xi32, #tpu.memory_space<hbm>> -> memref<128xi32, #tpu.memory_space<hbm>>
        %dma_start3A_98 = tpu.memref_slice %arg4[%mul3A_96] : memref<327680xi32, #tpu.memory_space<hbm>> -> memref<128xi32, #tpu.memory_space<hbm>>
        tpu.enqueue_dma source(%dma_start3A_98 : memref<128xi32, #tpu.memory_space<hbm>>) target(%arg9 : memref<128xi32, #tpu.memory_space<vmem>>) target_semaphore(%arg19 : memref<!tpu.dma_semaphore, #tpu.memory_space<semaphore_mem>>)
        %add3A_99 = arith.addi %mul3A_12, %add3A_93 : i32
        %mul3A_100 = arith.constant 128 : i32
        %mul3A_101 = arith.muli %add3A_99, %mul3A_100 : i32
        %dma_start3A_102 = tpu.memref_slice %arg5[%mul3A_101] : memref<327680xi32, #tpu.memory_space<hbm>> -> memref<128xi32, #tpu.memory_space<hbm>>
        %dma_start3A_103 = tpu.memref_slice %arg5[%mul3A_101] : memref<327680xi32, #tpu.memory_space<hbm>> -> memref<128xi32, #tpu.memory_space<hbm>>
        tpu.enqueue_dma source(%dma_start3A_103 : memref<128xi32, #tpu.memory_space<hbm>>) target(%arg13 : memref<128xi32, #tpu.memory_space<vmem>>) target_semaphore(%arg19 : memref<!tpu.dma_semaphore, #tpu.memory_space<semaphore_mem>>)
        %dma_wait3A_104 = arith.constant 0 : i32
        %dma_wait3A_105 = arith.constant 0 : i32
        %dma_wait3A_106 = tpu.memref_slice %arg2[%dma_wait3A_104, %dma_wait3A_105] : memref<10000x128xf32, #tpu.memory_space<hbm>> -> memref<10000x128xf32, #tpu.memory_space<hbm>>
        tpu.wait_indirect_dma semaphore(%arg18 : memref<!tpu.dma_semaphore, #tpu.memory_space<semaphore_mem>>) src(%dma_wait3A_106 : memref<10000x128xf32, #tpu.memory_space<hbm>>) dst(%arg16 : memref<128x128xf32, #tpu.memory_space<vmem>>)
        %dma_start3A_107 = arith.constant 0 : i32
        %dma_start3A_108 = arith.constant 0 : i32
        %dma_start3A_109 = tpu.memref_slice %arg8[%dma_start3A_107, %dma_start3A_108] : memref<10112x128xf32, #tpu.memory_space<vmem_shared>> -> memref<10112x128xf32, #tpu.memory_space<vmem_shared>>
        tpu.enqueue_indirect_dma source(%arg16 : memref<128x128xf32, #tpu.memory_space<vmem>>) target(%dma_start3A_109 : memref<10112x128xf32, #tpu.memory_space<vmem_shared>>) offsets(%arg12 : memref<128xi32, #tpu.memory_space<vmem>>) semaphore(%arg22 : memref<!tpu.dma_semaphore, #tpu.memory_space<semaphore_mem>>) {add = true}
        %dma_wait3A_110 = arith.constant 0 : i32
        %dma_wait3A_111 = arith.constant 0 : i32
        %dma_wait3A_112 = tpu.memref_slice %arg8[%dma_wait3A_110, %dma_wait3A_111] : memref<10112x128xf32, #tpu.memory_space<vmem_shared>> -> memref<10112x128xf32, #tpu.memory_space<vmem_shared>>
        tpu.wait_indirect_dma semaphore(%arg21 : memref<!tpu.dma_semaphore, #tpu.memory_space<semaphore_mem>>) src(%arg15 : memref<128x128xf32, #tpu.memory_space<vmem>>) dst(%dma_wait3A_112 : memref<10112x128xf32, #tpu.memory_space<vmem_shared>>)
        %add3A_113 = arith.constant 2 : i32
        %add3A_114 = arith.addi %mul3A_64, %add3A_113 : i32
        %add3A_115 = arith.addi %mul3A_12, %add3A_114 : i32
        %mul3A_116 = arith.constant 128 : i32
        %mul3A_117 = arith.muli %add3A_115, %mul3A_116 : i32
        %dma_wait3A_118 = tpu.memref_slice %arg4[%mul3A_117] : memref<327680xi32, #tpu.memory_space<hbm>> -> memref<128xi32, #tpu.memory_space<hbm>>
        %dma_wait3A_119 = tpu.memref_slice %arg4[%mul3A_117] : memref<327680xi32, #tpu.memory_space<hbm>> -> memref<128xi32, #tpu.memory_space<hbm>>
        tpu.wait_dma2 semaphore(%arg19 : memref<!tpu.dma_semaphore, #tpu.memory_space<semaphore_mem>>) src(%dma_wait3A_119 : memref<128xi32, #tpu.memory_space<hbm>>) dst(%arg9 : memref<128xi32, #tpu.memory_space<vmem>>)
        %add3A_120 = arith.addi %mul3A_12, %add3A_114 : i32
        %mul3A_121 = arith.constant 128 : i32
        %mul3A_122 = arith.muli %add3A_120, %mul3A_121 : i32
        %dma_wait3A_123 = tpu.memref_slice %arg5[%mul3A_122] : memref<327680xi32, #tpu.memory_space<hbm>> -> memref<128xi32, #tpu.memory_space<hbm>>
        %dma_wait3A_124 = tpu.memref_slice %arg5[%mul3A_122] : memref<327680xi32, #tpu.memory_space<hbm>> -> memref<128xi32, #tpu.memory_space<hbm>>
        tpu.wait_dma2 semaphore(%arg19 : memref<!tpu.dma_semaphore, #tpu.memory_space<semaphore_mem>>) src(%dma_wait3A_124 : memref<128xi32, #tpu.memory_space<hbm>>) dst(%arg13 : memref<128xi32, #tpu.memory_space<vmem>>)
        %dma_start3A_125 = arith.constant 0 : i32
        %dma_start3A_126 = arith.constant 0 : i32
        %dma_start3A_127 = tpu.memref_slice %arg2[%dma_start3A_125, %dma_start3A_126] : memref<10000x128xf32, #tpu.memory_space<hbm>> -> memref<10000x128xf32, #tpu.memory_space<hbm>>
        tpu.enqueue_indirect_dma source(%dma_start3A_127 : memref<10000x128xf32, #tpu.memory_space<hbm>>) target(%arg15 : memref<128x128xf32, #tpu.memory_space<vmem>>) offsets(%arg9 : memref<128xi32, #tpu.memory_space<vmem>>) semaphore(%arg17 : memref<!tpu.dma_semaphore, #tpu.memory_space<semaphore_mem>>)
        %add3A_128 = arith.constant 3 : i32
        %add3A_129 = arith.addi %mul3A_64, %add3A_128 : i32
        %add3A_130 = arith.addi %mul3A_12, %add3A_129 : i32
        %mul3A_131 = arith.constant 128 : i32
        %mul3A_132 = arith.muli %add3A_130, %mul3A_131 : i32
        %dma_start3A_133 = tpu.memref_slice %arg4[%mul3A_132] : memref<327680xi32, #tpu.memory_space<hbm>> -> memref<128xi32, #tpu.memory_space<hbm>>
        %dma_start3A_134 = tpu.memref_slice %arg4[%mul3A_132] : memref<327680xi32, #tpu.memory_space<hbm>> -> memref<128xi32, #tpu.memory_space<hbm>>
        tpu.enqueue_dma source(%dma_start3A_134 : memref<128xi32, #tpu.memory_space<hbm>>) target(%arg10 : memref<128xi32, #tpu.memory_space<vmem>>) target_semaphore(%arg20 : memref<!tpu.dma_semaphore, #tpu.memory_space<semaphore_mem>>)
        %add3A_135 = arith.addi %mul3A_12, %add3A_129 : i32
        %mul3A_136 = arith.constant 128 : i32
        %mul3A_137 = arith.muli %add3A_135, %mul3A_136 : i32
        %dma_start3A_138 = tpu.memref_slice %arg5[%mul3A_137] : memref<327680xi32, #tpu.memory_space<hbm>> -> memref<128xi32, #tpu.memory_space<hbm>>
        %dma_start3A_139 = tpu.memref_slice %arg5[%mul3A_137] : memref<327680xi32, #tpu.memory_space<hbm>> -> memref<128xi32, #tpu.memory_space<hbm>>
        tpu.enqueue_dma source(%dma_start3A_139 : memref<128xi32, #tpu.memory_space<hbm>>) target(%arg14 : memref<128xi32, #tpu.memory_space<vmem>>) target_semaphore(%arg20 : memref<!tpu.dma_semaphore, #tpu.memory_space<semaphore_mem>>)
        %dma_wait3A_140 = arith.constant 0 : i32
        %dma_wait3A_141 = arith.constant 0 : i32
        %dma_wait3A_142 = tpu.memref_slice %arg8[%dma_wait3A_140, %dma_wait3A_141] : memref<10112x128xf32, #tpu.memory_space<vmem_shared>> -> memref<10112x128xf32, #tpu.memory_space<vmem_shared>>
        tpu.wait_indirect_dma semaphore(%arg22 : memref<!tpu.dma_semaphore, #tpu.memory_space<semaphore_mem>>) src(%arg16 : memref<128x128xf32, #tpu.memory_space<vmem>>) dst(%dma_wait3A_142 : memref<10112x128xf32, #tpu.memory_space<vmem_shared>>)
        %dma_wait3A_143 = arith.constant 0 : i32
        %dma_wait3A_144 = arith.constant 0 : i32
        %dma_wait3A_145 = tpu.memref_slice %arg2[%dma_wait3A_143, %dma_wait3A_144] : memref<10000x128xf32, #tpu.memory_space<hbm>> -> memref<10000x128xf32, #tpu.memory_space<hbm>>
        tpu.wait_indirect_dma semaphore(%arg17 : memref<!tpu.dma_semaphore, #tpu.memory_space<semaphore_mem>>) src(%dma_wait3A_145 : memref<10000x128xf32, #tpu.memory_space<hbm>>) dst(%arg15 : memref<128x128xf32, #tpu.memory_space<vmem>>)
        %dma_start3A_146 = arith.constant 0 : i32
        %dma_start3A_147 = arith.constant 0 : i32
        %dma_start3A_148 = tpu.memref_slice %arg8[%dma_start3A_146, %dma_start3A_147] : memref<10112x128xf32, #tpu.memory_space<vmem_shared>> -> memref<10112x128xf32, #tpu.memory_space<vmem_shared>>
        tpu.enqueue_indirect_dma source(%arg15 : memref<128x128xf32, #tpu.memory_space<vmem>>) target(%dma_start3A_148 : memref<10112x128xf32, #tpu.memory_space<vmem_shared>>) offsets(%arg13 : memref<128xi32, #tpu.memory_space<vmem>>) semaphore(%arg23 : memref<!tpu.dma_semaphore, #tpu.memory_space<semaphore_mem>>) {add = true}
        %add3A_149 = arith.constant 3 : i32
        %add3A_150 = arith.addi %mul3A_64, %add3A_149 : i32
        %add3A_151 = arith.addi %mul3A_12, %add3A_150 : i32
        %mul3A_152 = arith.constant 128 : i32
        %mul3A_153 = arith.muli %add3A_151, %mul3A_152 : i32
        %dma_wait3A_154 = tpu.memref_slice %arg4[%mul3A_153] : memref<327680xi32, #tpu.memory_space<hbm>> -> memref<128xi32, #tpu.memory_space<hbm>>
        %dma_wait3A_155 = tpu.memref_slice %arg4[%mul3A_153] : memref<327680xi32, #tpu.memory_space<hbm>> -> memref<128xi32, #tpu.memory_space<hbm>>
        tpu.wait_dma2 semaphore(%arg20 : memref<!tpu.dma_semaphore, #tpu.memory_space<semaphore_mem>>) src(%dma_wait3A_155 : memref<128xi32, #tpu.memory_space<hbm>>) dst(%arg10 : memref<128xi32, #tpu.memory_space<vmem>>)
        %add3A_156 = arith.addi %mul3A_12, %add3A_150 : i32
        %mul3A_157 = arith.constant 128 : i32
        %mul3A_158 = arith.muli %add3A_156, %mul3A_157 : i32
        %dma_wait3A_159 = tpu.memref_slice %arg5[%mul3A_158] : memref<327680xi32, #tpu.memory_space<hbm>> -> memref<128xi32, #tpu.memory_space<hbm>>
        %dma_wait3A_160 = tpu.memref_slice %arg5[%mul3A_158] : memref<327680xi32, #tpu.memory_space<hbm>> -> memref<128xi32, #tpu.memory_space<hbm>>
        tpu.wait_dma2 semaphore(%arg20 : memref<!tpu.dma_semaphore, #tpu.memory_space<semaphore_mem>>) src(%dma_wait3A_160 : memref<128xi32, #tpu.memory_space<hbm>>) dst(%arg14 : memref<128xi32, #tpu.memory_space<vmem>>)
        %dma_start3A_161 = arith.constant 0 : i32
        %dma_start3A_162 = arith.constant 0 : i32
        %dma_start3A_163 = tpu.memref_slice %arg2[%dma_start3A_161, %dma_start3A_162] : memref<10000x128xf32, #tpu.memory_space<hbm>> -> memref<10000x128xf32, #tpu.memory_space<hbm>>
        tpu.enqueue_indirect_dma source(%dma_start3A_163 : memref<10000x128xf32, #tpu.memory_space<hbm>>) target(%arg16 : memref<128x128xf32, #tpu.memory_space<vmem>>) offsets(%arg10 : memref<128xi32, #tpu.memory_space<vmem>>) semaphore(%arg18 : memref<!tpu.dma_semaphore, #tpu.memory_space<semaphore_mem>>)
        %lt3A = arith.constant 160 : i32
        %lt3A_164 = arith.cmpi slt, %add3A_66, %lt3A : i32
        %convert_element_type3A_165 = arith.extui %lt3A_164 : i1 to i32
        %cond3A_166 = arith.constant 0 : i32
        %cond3A_167 = arith.cmpi ne, %convert_element_type3A_165, %cond3A_166 : i32
        scf.if %cond3A_167 {
          %add3A_189 = arith.addi %mul3A_12, %add3A_66 : i32
          %mul3A_190 = arith.constant 128 : i32
          %mul3A_191 = arith.muli %add3A_189, %mul3A_190 : i32
          %dma_start3A_192 = tpu.memref_slice %arg4[%mul3A_191] : memref<327680xi32, #tpu.memory_space<hbm>> -> memref<128xi32, #tpu.memory_space<hbm>>
          %dma_start3A_193 = tpu.memref_slice %arg4[%mul3A_191] : memref<327680xi32, #tpu.memory_space<hbm>> -> memref<128xi32, #tpu.memory_space<hbm>>
          tpu.enqueue_dma source(%dma_start3A_193 : memref<128xi32, #tpu.memory_space<hbm>>) target(%arg9 : memref<128xi32, #tpu.memory_space<vmem>>) target_semaphore(%arg19 : memref<!tpu.dma_semaphore, #tpu.memory_space<semaphore_mem>>)
          %add3A_194 = arith.addi %mul3A_12, %add3A_66 : i32
          %mul3A_195 = arith.constant 128 : i32
          %mul3A_196 = arith.muli %add3A_194, %mul3A_195 : i32
          %dma_start3A_197 = tpu.memref_slice %arg5[%mul3A_196] : memref<327680xi32, #tpu.memory_space<hbm>> -> memref<128xi32, #tpu.memory_space<hbm>>
          %dma_start3A_198 = tpu.memref_slice %arg5[%mul3A_196] : memref<327680xi32, #tpu.memory_space<hbm>> -> memref<128xi32, #tpu.memory_space<hbm>>
          tpu.enqueue_dma source(%dma_start3A_198 : memref<128xi32, #tpu.memory_space<hbm>>) target(%arg11 : memref<128xi32, #tpu.memory_space<vmem>>) target_semaphore(%arg19 : memref<!tpu.dma_semaphore, #tpu.memory_space<semaphore_mem>>)
        } else {
        }
        %dma_wait3A_168 = arith.constant 0 : i32
        %dma_wait3A_169 = arith.constant 0 : i32
        %dma_wait3A_170 = tpu.memref_slice %arg8[%dma_wait3A_168, %dma_wait3A_169] : memref<10112x128xf32, #tpu.memory_space<vmem_shared>> -> memref<10112x128xf32, #tpu.memory_space<vmem_shared>>
        tpu.wait_indirect_dma semaphore(%arg23 : memref<!tpu.dma_semaphore, #tpu.memory_space<semaphore_mem>>) src(%arg15 : memref<128x128xf32, #tpu.memory_space<vmem>>) dst(%dma_wait3A_170 : memref<10112x128xf32, #tpu.memory_space<vmem_shared>>)
        %dma_wait3A_171 = arith.constant 0 : i32
        %dma_wait3A_172 = arith.constant 0 : i32
        %dma_wait3A_173 = tpu.memref_slice %arg2[%dma_wait3A_171, %dma_wait3A_172] : memref<10000x128xf32, #tpu.memory_space<hbm>> -> memref<10000x128xf32, #tpu.memory_space<hbm>>
        tpu.wait_indirect_dma semaphore(%arg18 : memref<!tpu.dma_semaphore, #tpu.memory_space<semaphore_mem>>) src(%dma_wait3A_173 : memref<10000x128xf32, #tpu.memory_space<hbm>>) dst(%arg16 : memref<128x128xf32, #tpu.memory_space<vmem>>)
        %dma_start3A_174 = arith.constant 0 : i32
        %dma_start3A_175 = arith.constant 0 : i32
        %dma_start3A_176 = tpu.memref_slice %arg8[%dma_start3A_174, %dma_start3A_175] : memref<10112x128xf32, #tpu.memory_space<vmem_shared>> -> memref<10112x128xf32, #tpu.memory_space<vmem_shared>>
        tpu.enqueue_indirect_dma source(%arg16 : memref<128x128xf32, #tpu.memory_space<vmem>>) target(%dma_start3A_176 : memref<10112x128xf32, #tpu.memory_space<vmem_shared>>) offsets(%arg14 : memref<128xi32, #tpu.memory_space<vmem>>) semaphore(%arg24 : memref<!tpu.dma_semaphore, #tpu.memory_space<semaphore_mem>>) {add = true}
        %lt3A_177 = arith.constant 160 : i32
        %lt3A_178 = arith.cmpi slt, %add3A_66, %lt3A_177 : i32
        %convert_element_type3A_179 = arith.extui %lt3A_178 : i1 to i32
        %cond3A_180 = arith.constant 0 : i32
        %cond3A_181 = arith.cmpi ne, %convert_element_type3A_179, %cond3A_180 : i32
        scf.if %cond3A_181 {
          %add3A_189 = arith.addi %mul3A_12, %add3A_66 : i32
          %mul3A_190 = arith.constant 128 : i32
          %mul3A_191 = arith.muli %add3A_189, %mul3A_190 : i32
          %dma_wait3A_192 = tpu.memref_slice %arg4[%mul3A_191] : memref<327680xi32, #tpu.memory_space<hbm>> -> memref<128xi32, #tpu.memory_space<hbm>>
          %dma_wait3A_193 = tpu.memref_slice %arg4[%mul3A_191] : memref<327680xi32, #tpu.memory_space<hbm>> -> memref<128xi32, #tpu.memory_space<hbm>>
          tpu.wait_dma2 semaphore(%arg19 : memref<!tpu.dma_semaphore, #tpu.memory_space<semaphore_mem>>) src(%dma_wait3A_193 : memref<128xi32, #tpu.memory_space<hbm>>) dst(%arg9 : memref<128xi32, #tpu.memory_space<vmem>>)
          %add3A_194 = arith.addi %mul3A_12, %add3A_66 : i32
          %mul3A_195 = arith.constant 128 : i32
          %mul3A_196 = arith.muli %add3A_194, %mul3A_195 : i32
          %dma_wait3A_197 = tpu.memref_slice %arg5[%mul3A_196] : memref<327680xi32, #tpu.memory_space<hbm>> -> memref<128xi32, #tpu.memory_space<hbm>>
          %dma_wait3A_198 = tpu.memref_slice %arg5[%mul3A_196] : memref<327680xi32, #tpu.memory_space<hbm>> -> memref<128xi32, #tpu.memory_space<hbm>>
          tpu.wait_dma2 semaphore(%arg19 : memref<!tpu.dma_semaphore, #tpu.memory_space<semaphore_mem>>) src(%dma_wait3A_198 : memref<128xi32, #tpu.memory_space<hbm>>) dst(%arg11 : memref<128xi32, #tpu.memory_space<vmem>>)
          %dma_start3A_199 = arith.constant 0 : i32
          %dma_start3A_200 = arith.constant 0 : i32
          %dma_start3A_201 = tpu.memref_slice %arg2[%dma_start3A_199, %dma_start3A_200] : memref<10000x128xf32, #tpu.memory_space<hbm>> -> memref<10000x128xf32, #tpu.memory_space<hbm>>
          tpu.enqueue_indirect_dma source(%dma_start3A_201 : memref<10000x128xf32, #tpu.memory_space<hbm>>) target(%arg15 : memref<128x128xf32, #tpu.memory_space<vmem>>) offsets(%arg9 : memref<128xi32, #tpu.memory_space<vmem>>) semaphore(%arg17 : memref<!tpu.dma_semaphore, #tpu.memory_space<semaphore_mem>>)
        } else {
        }
        %add3A_182 = arith.constant 1 : i32
        %add3A_183 = arith.addi %add3A_66, %add3A_182 : i32
        %lt3A_184 = arith.constant 160 : i32
        %lt3A_185 = arith.cmpi slt, %add3A_183, %lt3A_184 : i32
        %convert_element_type3A_186 = arith.extui %lt3A_185 : i1 to i32
        %cond3A_187 = arith.constant 0 : i32
        %cond3A_188 = arith.cmpi ne, %convert_element_type3A_186, %cond3A_187 : i32
        scf.if %cond3A_188 {
          %add3A_189 = arith.constant 1 : i32
          %add3A_190 = arith.addi %add3A_66, %add3A_189 : i32
          %add3A_191 = arith.addi %mul3A_12, %add3A_190 : i32
          %mul3A_192 = arith.constant 128 : i32
          %mul3A_193 = arith.muli %add3A_191, %mul3A_192 : i32
          %dma_start3A_194 = tpu.memref_slice %arg4[%mul3A_193] : memref<327680xi32, #tpu.memory_space<hbm>> -> memref<128xi32, #tpu.memory_space<hbm>>
          %dma_start3A_195 = tpu.memref_slice %arg4[%mul3A_193] : memref<327680xi32, #tpu.memory_space<hbm>> -> memref<128xi32, #tpu.memory_space<hbm>>
          tpu.enqueue_dma source(%dma_start3A_195 : memref<128xi32, #tpu.memory_space<hbm>>) target(%arg10 : memref<128xi32, #tpu.memory_space<vmem>>) target_semaphore(%arg20 : memref<!tpu.dma_semaphore, #tpu.memory_space<semaphore_mem>>)
          %add3A_196 = arith.addi %mul3A_12, %add3A_190 : i32
          %mul3A_197 = arith.constant 128 : i32
          %mul3A_198 = arith.muli %add3A_196, %mul3A_197 : i32
          %dma_start3A_199 = tpu.memref_slice %arg5[%mul3A_198] : memref<327680xi32, #tpu.memory_space<hbm>> -> memref<128xi32, #tpu.memory_space<hbm>>
          %dma_start3A_200 = tpu.memref_slice %arg5[%mul3A_198] : memref<327680xi32, #tpu.memory_space<hbm>> -> memref<128xi32, #tpu.memory_space<hbm>>
          tpu.enqueue_dma source(%dma_start3A_200 : memref<128xi32, #tpu.memory_space<hbm>>) target(%arg12 : memref<128xi32, #tpu.memory_space<vmem>>) target_semaphore(%arg20 : memref<!tpu.dma_semaphore, #tpu.memory_space<semaphore_mem>>)
        } else {
        }
      }
      %scan3A_53 = arith.constant 40 : i32
      %dma_wait3A_54 = arith.constant 0 : i32
      %dma_wait3A_55 = arith.constant 0 : i32
      %dma_wait3A_56 = tpu.memref_slice %arg8[%dma_wait3A_54, %dma_wait3A_55] : memref<10112x128xf32, #tpu.memory_space<vmem_shared>> -> memref<10112x128xf32, #tpu.memory_space<vmem_shared>>
      tpu.wait_indirect_dma semaphore(%arg24 : memref<!tpu.dma_semaphore, #tpu.memory_space<semaphore_mem>>) src(%arg16 : memref<128x128xf32, #tpu.memory_space<vmem>>) dst(%dma_wait3A_56 : memref<10112x128xf32, #tpu.memory_space<vmem_shared>>)
      %barrier3A_57 = arith.constant 0 : index
      tpu.barrier barrier_id(%barrier3A_57)
      %mul3A_58 = arith.constant 632 : i32
      %mul3A_59 = arith.muli %arg1, %mul3A_58 : i32
      %mul3A_60 = arith.constant 632 : i32
      %mul3A_61 = arith.muli %arg1, %mul3A_60 : i32
      "tpu.region"() ({
        %run_scoped3A = tpu.sem_alloc : memref<!tpu.dma_semaphore, #tpu.memory_space<semaphore_mem>>
        %dma_start3A_62 = arith.constant 0 : i32
        %dma_start3A_63 = tpu.memref_slice %arg6[%mul3A_61, %dma_start3A_62] : memref<10112x128xf32, #tpu.memory_space<hbm>> -> memref<632x128xf32, #tpu.memory_space<hbm>>
        %dma_start3A_64 = arith.constant 0 : i32
        %dma_start3A_65 = tpu.memref_slice %arg8[%mul3A_59, %dma_start3A_64] : memref<10112x128xf32, #tpu.memory_space<vmem_shared>> -> memref<632x128xf32, #tpu.memory_space<vmem_shared>>
        tpu.enqueue_dma source(%dma_start3A_65 : memref<632x128xf32, #tpu.memory_space<vmem_shared>>) target(%dma_start3A_63 : memref<632x128xf32, #tpu.memory_space<hbm>>) target_semaphore(%run_scoped3A : memref<!tpu.dma_semaphore, #tpu.memory_space<semaphore_mem>>)
        %dma_wait3A_66 = arith.constant 0 : i32
        %dma_wait3A_67 = tpu.memref_slice %arg6[%mul3A_61, %dma_wait3A_66] : memref<10112x128xf32, #tpu.memory_space<hbm>> -> memref<632x128xf32, #tpu.memory_space<hbm>>
        %dma_wait3A_68 = arith.constant 0 : i32
        %dma_wait3A_69 = tpu.memref_slice %arg8[%mul3A_59, %dma_wait3A_68] : memref<10112x128xf32, #tpu.memory_space<vmem_shared>> -> memref<632x128xf32, #tpu.memory_space<vmem_shared>>
        tpu.wait_dma2 semaphore(%run_scoped3A : memref<!tpu.dma_semaphore, #tpu.memory_space<semaphore_mem>>) src(%dma_wait3A_69 : memref<632x128xf32, #tpu.memory_space<vmem_shared>>) dst(%dma_wait3A_67 : memref<632x128xf32, #tpu.memory_space<hbm>>)
        tpu.yield
      }) : () -> ()
    } else {
    }
    %eq3A_2 = arith.constant 1 : i32
    %eq3A_3 = arith.cmpi eq, %arg0, %eq3A_2 : i32
    %convert_element_type3A_4 = arith.extui %eq3A_3 : i1 to i32
    %cond3A_5 = arith.constant 0 : i32
    %cond3A_6 = arith.cmpi ne, %convert_element_type3A_4, %cond3A_5 : i32
    scf.if %cond3A_6 {
      %eq3A_7 = arith.constant 0 : i32
      %eq3A_8 = arith.cmpi eq, %arg1, %eq3A_7 : i32
      %convert_element_type3A_9 = arith.extui %eq3A_8 : i1 to i32
      %cond3A_10 = arith.constant 0 : i32
      %cond3A_11 = arith.cmpi ne, %convert_element_type3A_9, %cond3A_10 : i32
      scf.if %cond3A_11 {
        "tpu.region"() ({
          %run_scoped3A = tpu.sem_alloc : memref<!tpu.dma_semaphore, #tpu.memory_space<semaphore_mem>>
          %dma_start3A_62 = arith.constant 0 : i32
          %dma_start3A_63 = arith.constant 0 : i32
          %dma_start3A_64 = tpu.memref_slice %arg8[%dma_start3A_62, %dma_start3A_63] : memref<10112x128xf32, #tpu.memory_space<vmem_shared>> -> memref<10000x128xf32, #tpu.memory_space<vmem_shared>>
          tpu.enqueue_dma source(%arg3 : memref<10000x128xf32, #tpu.memory_space<hbm>>) target(%dma_start3A_64 : memref<10000x128xf32, #tpu.memory_space<vmem_shared>>) target_semaphore(%run_scoped3A : memref<!tpu.dma_semaphore, #tpu.memory_space<semaphore_mem>>)
          %dma_wait3A_65 = arith.constant 0 : i32
          %dma_wait3A_66 = arith.constant 0 : i32
          %dma_wait3A_67 = tpu.memref_slice %arg8[%dma_wait3A_65, %dma_wait3A_66] : memref<10112x128xf32, #tpu.memory_space<vmem_shared>> -> memref<10000x128xf32, #tpu.memory_space<vmem_shared>>
          tpu.wait_dma2 semaphore(%run_scoped3A : memref<!tpu.dma_semaphore, #tpu.memory_space<semaphore_mem>>) src(%arg3 : memref<10000x128xf32, #tpu.memory_space<hbm>>) dst(%dma_wait3A_67 : memref<10000x128xf32, #tpu.memory_space<vmem_shared>>)
          tpu.yield
        }) : () -> ()
      } else {
      }
      %barrier3A = arith.constant 0 : index
      tpu.barrier barrier_id(%barrier3A)
      %mul3A = arith.constant 160 : i32
      %mul3A_12 = arith.muli %arg1, %mul3A : i32
      %add3A = arith.constant 0 : i32
      %add3A_13 = arith.addi %mul3A_12, %add3A : i32
      %mul3A_14 = arith.constant 128 : i32
      %mul3A_15 = arith.muli %add3A_13, %mul3A_14 : i32
      %dma_start3A = tpu.memref_slice %arg4[%mul3A_15] : memref<327680xi32, #tpu.memory_space<hbm>> -> memref<128xi32, #tpu.memory_space<hbm>>
      %dma_start3A_16 = tpu.memref_slice %arg4[%mul3A_15] : memref<327680xi32, #tpu.memory_space<hbm>> -> memref<128xi32, #tpu.memory_space<hbm>>
      tpu.enqueue_dma source(%dma_start3A_16 : memref<128xi32, #tpu.memory_space<hbm>>) target(%arg9 : memref<128xi32, #tpu.memory_space<vmem>>) target_semaphore(%arg19 : memref<!tpu.dma_semaphore, #tpu.memory_space<semaphore_mem>>)
      %add3A_17 = arith.constant 0 : i32
      %add3A_18 = arith.addi %mul3A_12, %add3A_17 : i32
      %mul3A_19 = arith.constant 128 : i32
      %mul3A_20 = arith.muli %add3A_18, %mul3A_19 : i32
      %dma_start3A_21 = tpu.memref_slice %arg5[%mul3A_20] : memref<327680xi32, #tpu.memory_space<hbm>> -> memref<128xi32, #tpu.memory_space<hbm>>
      %dma_start3A_22 = tpu.memref_slice %arg5[%mul3A_20] : memref<327680xi32, #tpu.memory_space<hbm>> -> memref<128xi32, #tpu.memory_space<hbm>>
      tpu.enqueue_dma source(%dma_start3A_22 : memref<128xi32, #tpu.memory_space<hbm>>) target(%arg11 : memref<128xi32, #tpu.memory_space<vmem>>) target_semaphore(%arg19 : memref<!tpu.dma_semaphore, #tpu.memory_space<semaphore_mem>>)
      %add3A_23 = arith.constant 0 : i32
      %add3A_24 = arith.addi %mul3A_12, %add3A_23 : i32
      %mul3A_25 = arith.constant 128 : i32
      %mul3A_26 = arith.muli %add3A_24, %mul3A_25 : i32
      %dma_wait3A = tpu.memref_slice %arg4[%mul3A_26] : memref<327680xi32, #tpu.memory_space<hbm>> -> memref<128xi32, #tpu.memory_space<hbm>>
      %dma_wait3A_27 = tpu.memref_slice %arg4[%mul3A_26] : memref<327680xi32, #tpu.memory_space<hbm>> -> memref<128xi32, #tpu.memory_space<hbm>>
      tpu.wait_dma2 semaphore(%arg19 : memref<!tpu.dma_semaphore, #tpu.memory_space<semaphore_mem>>) src(%dma_wait3A_27 : memref<128xi32, #tpu.memory_space<hbm>>) dst(%arg9 : memref<128xi32, #tpu.memory_space<vmem>>)
      %add3A_28 = arith.constant 0 : i32
      %add3A_29 = arith.addi %mul3A_12, %add3A_28 : i32
      %mul3A_30 = arith.constant 128 : i32
      %mul3A_31 = arith.muli %add3A_29, %mul3A_30 : i32
      %dma_wait3A_32 = tpu.memref_slice %arg5[%mul3A_31] : memref<327680xi32, #tpu.memory_space<hbm>> -> memref<128xi32, #tpu.memory_space<hbm>>
      %dma_wait3A_33 = tpu.memref_slice %arg5[%mul3A_31] : memref<327680xi32, #tpu.memory_space<hbm>> -> memref<128xi32, #tpu.memory_space<hbm>>
      tpu.wait_dma2 semaphore(%arg19 : memref<!tpu.dma_semaphore, #tpu.memory_space<semaphore_mem>>) src(%dma_wait3A_33 : memref<128xi32, #tpu.memory_space<hbm>>) dst(%arg11 : memref<128xi32, #tpu.memory_space<vmem>>)
      %dma_start3A_34 = arith.constant 0 : i32
      %dma_start3A_35 = arith.constant 0 : i32
      %dma_start3A_36 = tpu.memref_slice %arg3[%dma_start3A_34, %dma_start3A_35] : memref<10000x128xf32, #tpu.memory_space<hbm>> -> memref<10000x128xf32, #tpu.memory_space<hbm>>
      tpu.enqueue_indirect_dma source(%dma_start3A_36 : memref<10000x128xf32, #tpu.memory_space<hbm>>) target(%arg15 : memref<128x128xf32, #tpu.memory_space<vmem>>) offsets(%arg9 : memref<128xi32, #tpu.memory_space<vmem>>) semaphore(%arg17 : memref<!tpu.dma_semaphore, #tpu.memory_space<semaphore_mem>>)
      %add3A_37 = arith.constant 1 : i32
      %add3A_38 = arith.addi %mul3A_12, %add3A_37 : i32
      %mul3A_39 = arith.constant 128 : i32
      %mul3A_40 = arith.muli %add3A_38, %mul3A_39 : i32
      %dma_start3A_41 = tpu.memref_slice %arg4[%mul3A_40] : memref<327680xi32, #tpu.memory_space<hbm>> -> memref<128xi32, #tpu.memory_space<hbm>>
      %dma_start3A_42 = tpu.memref_slice %arg4[%mul3A_40] : memref<327680xi32, #tpu.memory_space<hbm>> -> memref<128xi32, #tpu.memory_space<hbm>>
      tpu.enqueue_dma source(%dma_start3A_42 : memref<128xi32, #tpu.memory_space<hbm>>) target(%arg10 : memref<128xi32, #tpu.memory_space<vmem>>) target_semaphore(%arg20 : memref<!tpu.dma_semaphore, #tpu.memory_space<semaphore_mem>>)
      %add3A_43 = arith.constant 1 : i32
      %add3A_44 = arith.addi %mul3A_12, %add3A_43 : i32
      %mul3A_45 = arith.constant 128 : i32
      %mul3A_46 = arith.muli %add3A_44, %mul3A_45 : i32
      %dma_start3A_47 = tpu.memref_slice %arg5[%mul3A_46] : memref<327680xi32, #tpu.memory_space<hbm>> -> memref<128xi32, #tpu.memory_space<hbm>>
      %dma_start3A_48 = tpu.memref_slice %arg5[%mul3A_46] : memref<327680xi32, #tpu.memory_space<hbm>> -> memref<128xi32, #tpu.memory_space<hbm>>
      tpu.enqueue_dma source(%dma_start3A_48 : memref<128xi32, #tpu.memory_space<hbm>>) target(%arg12 : memref<128xi32, #tpu.memory_space<vmem>>) target_semaphore(%arg20 : memref<!tpu.dma_semaphore, #tpu.memory_space<semaphore_mem>>)
      %scan3A = arith.constant 0 : i32
      %scan3A_49 = arith.constant 0 : i32
      %scan3A_50 = arith.constant 40 : i32
      %scan3A_51 = arith.addi %scan3A_49, %scan3A_50 : i32
      %scan3A_52 = arith.constant 1 : i32
      scf.for %scan3A_62 = %scan3A_49 to %scan3A_51 step %scan3A_52  : i32 {
        %mul3A_63 = arith.constant 4 : i32
        %mul3A_64 = arith.muli %mul3A_63, %scan3A_62 : i32
        %add3A_65 = arith.constant 4 : i32
        %add3A_66 = arith.addi %mul3A_64, %add3A_65 : i32
        %gt3A = arith.constant 0 : i32
        %gt3A_67 = arith.cmpi sgt, %scan3A_62, %gt3A : i32
        %convert_element_type3A_68 = arith.extui %gt3A_67 : i1 to i32
        %cond3A_69 = arith.constant 0 : i32
        %cond3A_70 = arith.cmpi ne, %convert_element_type3A_68, %cond3A_69 : i32
        scf.if %cond3A_70 {
          %dma_wait3A_189 = arith.constant 0 : i32
          %dma_wait3A_190 = arith.constant 0 : i32
          %dma_wait3A_191 = tpu.memref_slice %arg8[%dma_wait3A_189, %dma_wait3A_190] : memref<10112x128xf32, #tpu.memory_space<vmem_shared>> -> memref<10112x128xf32, #tpu.memory_space<vmem_shared>>
          tpu.wait_indirect_dma semaphore(%arg24 : memref<!tpu.dma_semaphore, #tpu.memory_space<semaphore_mem>>) src(%arg16 : memref<128x128xf32, #tpu.memory_space<vmem>>) dst(%dma_wait3A_191 : memref<10112x128xf32, #tpu.memory_space<vmem_shared>>)
        } else {
        }
        %add3A_71 = arith.constant 1 : i32
        %add3A_72 = arith.addi %mul3A_64, %add3A_71 : i32
        %add3A_73 = arith.addi %mul3A_12, %add3A_72 : i32
        %mul3A_74 = arith.constant 128 : i32
        %mul3A_75 = arith.muli %add3A_73, %mul3A_74 : i32
        %dma_wait3A_76 = tpu.memref_slice %arg4[%mul3A_75] : memref<327680xi32, #tpu.memory_space<hbm>> -> memref<128xi32, #tpu.memory_space<hbm>>
        %dma_wait3A_77 = tpu.memref_slice %arg4[%mul3A_75] : memref<327680xi32, #tpu.memory_space<hbm>> -> memref<128xi32, #tpu.memory_space<hbm>>
        tpu.wait_dma2 semaphore(%arg20 : memref<!tpu.dma_semaphore, #tpu.memory_space<semaphore_mem>>) src(%dma_wait3A_77 : memref<128xi32, #tpu.memory_space<hbm>>) dst(%arg10 : memref<128xi32, #tpu.memory_space<vmem>>)
        %add3A_78 = arith.addi %mul3A_12, %add3A_72 : i32
        %mul3A_79 = arith.constant 128 : i32
        %mul3A_80 = arith.muli %add3A_78, %mul3A_79 : i32
        %dma_wait3A_81 = tpu.memref_slice %arg5[%mul3A_80] : memref<327680xi32, #tpu.memory_space<hbm>> -> memref<128xi32, #tpu.memory_space<hbm>>
        %dma_wait3A_82 = tpu.memref_slice %arg5[%mul3A_80] : memref<327680xi32, #tpu.memory_space<hbm>> -> memref<128xi32, #tpu.memory_space<hbm>>
        tpu.wait_dma2 semaphore(%arg20 : memref<!tpu.dma_semaphore, #tpu.memory_space<semaphore_mem>>) src(%dma_wait3A_82 : memref<128xi32, #tpu.memory_space<hbm>>) dst(%arg12 : memref<128xi32, #tpu.memory_space<vmem>>)
        %dma_start3A_83 = arith.constant 0 : i32
        %dma_start3A_84 = arith.constant 0 : i32
        %dma_start3A_85 = tpu.memref_slice %arg3[%dma_start3A_83, %dma_start3A_84] : memref<10000x128xf32, #tpu.memory_space<hbm>> -> memref<10000x128xf32, #tpu.memory_space<hbm>>
        tpu.enqueue_indirect_dma source(%dma_start3A_85 : memref<10000x128xf32, #tpu.memory_space<hbm>>) target(%arg16 : memref<128x128xf32, #tpu.memory_space<vmem>>) offsets(%arg10 : memref<128xi32, #tpu.memory_space<vmem>>) semaphore(%arg18 : memref<!tpu.dma_semaphore, #tpu.memory_space<semaphore_mem>>)
        %dma_wait3A_86 = arith.constant 0 : i32
        %dma_wait3A_87 = arith.constant 0 : i32
        %dma_wait3A_88 = tpu.memref_slice %arg3[%dma_wait3A_86, %dma_wait3A_87] : memref<10000x128xf32, #tpu.memory_space<hbm>> -> memref<10000x128xf32, #tpu.memory_space<hbm>>
        tpu.wait_indirect_dma semaphore(%arg17 : memref<!tpu.dma_semaphore, #tpu.memory_space<semaphore_mem>>) src(%dma_wait3A_88 : memref<10000x128xf32, #tpu.memory_space<hbm>>) dst(%arg15 : memref<128x128xf32, #tpu.memory_space<vmem>>)
        %dma_start3A_89 = arith.constant 0 : i32
        %dma_start3A_90 = arith.constant 0 : i32
        %dma_start3A_91 = tpu.memref_slice %arg8[%dma_start3A_89, %dma_start3A_90] : memref<10112x128xf32, #tpu.memory_space<vmem_shared>> -> memref<10112x128xf32, #tpu.memory_space<vmem_shared>>
        tpu.enqueue_indirect_dma source(%arg15 : memref<128x128xf32, #tpu.memory_space<vmem>>) target(%dma_start3A_91 : memref<10112x128xf32, #tpu.memory_space<vmem_shared>>) offsets(%arg11 : memref<128xi32, #tpu.memory_space<vmem>>) semaphore(%arg21 : memref<!tpu.dma_semaphore, #tpu.memory_space<semaphore_mem>>) {add = true}
        %add3A_92 = arith.constant 2 : i32
        %add3A_93 = arith.addi %mul3A_64, %add3A_92 : i32
        %add3A_94 = arith.addi %mul3A_12, %add3A_93 : i32
        %mul3A_95 = arith.constant 128 : i32
        %mul3A_96 = arith.muli %add3A_94, %mul3A_95 : i32
        %dma_start3A_97 = tpu.memref_slice %arg4[%mul3A_96] : memref<327680xi32, #tpu.memory_space<hbm>> -> memref<128xi32, #tpu.memory_space<hbm>>
        %dma_start3A_98 = tpu.memref_slice %arg4[%mul3A_96] : memref<327680xi32, #tpu.memory_space<hbm>> -> memref<128xi32, #tpu.memory_space<hbm>>
        tpu.enqueue_dma source(%dma_start3A_98 : memref<128xi32, #tpu.memory_space<hbm>>) target(%arg9 : memref<128xi32, #tpu.memory_space<vmem>>) target_semaphore(%arg19 : memref<!tpu.dma_semaphore, #tpu.memory_space<semaphore_mem>>)
        %add3A_99 = arith.addi %mul3A_12, %add3A_93 : i32
        %mul3A_100 = arith.constant 128 : i32
        %mul3A_101 = arith.muli %add3A_99, %mul3A_100 : i32
        %dma_start3A_102 = tpu.memref_slice %arg5[%mul3A_101] : memref<327680xi32, #tpu.memory_space<hbm>> -> memref<128xi32, #tpu.memory_space<hbm>>
        %dma_start3A_103 = tpu.memref_slice %arg5[%mul3A_101] : memref<327680xi32, #tpu.memory_space<hbm>> -> memref<128xi32, #tpu.memory_space<hbm>>
        tpu.enqueue_dma source(%dma_start3A_103 : memref<128xi32, #tpu.memory_space<hbm>>) target(%arg13 : memref<128xi32, #tpu.memory_space<vmem>>) target_semaphore(%arg19 : memref<!tpu.dma_semaphore, #tpu.memory_space<semaphore_mem>>)
        %dma_wait3A_104 = arith.constant 0 : i32
        %dma_wait3A_105 = arith.constant 0 : i32
        %dma_wait3A_106 = tpu.memref_slice %arg3[%dma_wait3A_104, %dma_wait3A_105] : memref<10000x128xf32, #tpu.memory_space<hbm>> -> memref<10000x128xf32, #tpu.memory_space<hbm>>
        tpu.wait_indirect_dma semaphore(%arg18 : memref<!tpu.dma_semaphore, #tpu.memory_space<semaphore_mem>>) src(%dma_wait3A_106 : memref<10000x128xf32, #tpu.memory_space<hbm>>) dst(%arg16 : memref<128x128xf32, #tpu.memory_space<vmem>>)
        %dma_start3A_107 = arith.constant 0 : i32
        %dma_start3A_108 = arith.constant 0 : i32
        %dma_start3A_109 = tpu.memref_slice %arg8[%dma_start3A_107, %dma_start3A_108] : memref<10112x128xf32, #tpu.memory_space<vmem_shared>> -> memref<10112x128xf32, #tpu.memory_space<vmem_shared>>
        tpu.enqueue_indirect_dma source(%arg16 : memref<128x128xf32, #tpu.memory_space<vmem>>) target(%dma_start3A_109 : memref<10112x128xf32, #tpu.memory_space<vmem_shared>>) offsets(%arg12 : memref<128xi32, #tpu.memory_space<vmem>>) semaphore(%arg22 : memref<!tpu.dma_semaphore, #tpu.memory_space<semaphore_mem>>) {add = true}
        %dma_wait3A_110 = arith.constant 0 : i32
        %dma_wait3A_111 = arith.constant 0 : i32
        %dma_wait3A_112 = tpu.memref_slice %arg8[%dma_wait3A_110, %dma_wait3A_111] : memref<10112x128xf32, #tpu.memory_space<vmem_shared>> -> memref<10112x128xf32, #tpu.memory_space<vmem_shared>>
        tpu.wait_indirect_dma semaphore(%arg21 : memref<!tpu.dma_semaphore, #tpu.memory_space<semaphore_mem>>) src(%arg15 : memref<128x128xf32, #tpu.memory_space<vmem>>) dst(%dma_wait3A_112 : memref<10112x128xf32, #tpu.memory_space<vmem_shared>>)
        %add3A_113 = arith.constant 2 : i32
        %add3A_114 = arith.addi %mul3A_64, %add3A_113 : i32
        %add3A_115 = arith.addi %mul3A_12, %add3A_114 : i32
        %mul3A_116 = arith.constant 128 : i32
        %mul3A_117 = arith.muli %add3A_115, %mul3A_116 : i32
        %dma_wait3A_118 = tpu.memref_slice %arg4[%mul3A_117] : memref<327680xi32, #tpu.memory_space<hbm>> -> memref<128xi32, #tpu.memory_space<hbm>>
        %dma_wait3A_119 = tpu.memref_slice %arg4[%mul3A_117] : memref<327680xi32, #tpu.memory_space<hbm>> -> memref<128xi32, #tpu.memory_space<hbm>>
        tpu.wait_dma2 semaphore(%arg19 : memref<!tpu.dma_semaphore, #tpu.memory_space<semaphore_mem>>) src(%dma_wait3A_119 : memref<128xi32, #tpu.memory_space<hbm>>) dst(%arg9 : memref<128xi32, #tpu.memory_space<vmem>>)
        %add3A_120 = arith.addi %mul3A_12, %add3A_114 : i32
        %mul3A_121 = arith.constant 128 : i32
        %mul3A_122 = arith.muli %add3A_120, %mul3A_121 : i32
        %dma_wait3A_123 = tpu.memref_slice %arg5[%mul3A_122] : memref<327680xi32, #tpu.memory_space<hbm>> -> memref<128xi32, #tpu.memory_space<hbm>>
        %dma_wait3A_124 = tpu.memref_slice %arg5[%mul3A_122] : memref<327680xi32, #tpu.memory_space<hbm>> -> memref<128xi32, #tpu.memory_space<hbm>>
        tpu.wait_dma2 semaphore(%arg19 : memref<!tpu.dma_semaphore, #tpu.memory_space<semaphore_mem>>) src(%dma_wait3A_124 : memref<128xi32, #tpu.memory_space<hbm>>) dst(%arg13 : memref<128xi32, #tpu.memory_space<vmem>>)
        %dma_start3A_125 = arith.constant 0 : i32
        %dma_start3A_126 = arith.constant 0 : i32
        %dma_start3A_127 = tpu.memref_slice %arg3[%dma_start3A_125, %dma_start3A_126] : memref<10000x128xf32, #tpu.memory_space<hbm>> -> memref<10000x128xf32, #tpu.memory_space<hbm>>
        tpu.enqueue_indirect_dma source(%dma_start3A_127 : memref<10000x128xf32, #tpu.memory_space<hbm>>) target(%arg15 : memref<128x128xf32, #tpu.memory_space<vmem>>) offsets(%arg9 : memref<128xi32, #tpu.memory_space<vmem>>) semaphore(%arg17 : memref<!tpu.dma_semaphore, #tpu.memory_space<semaphore_mem>>)
        %add3A_128 = arith.constant 3 : i32
        %add3A_129 = arith.addi %mul3A_64, %add3A_128 : i32
        %add3A_130 = arith.addi %mul3A_12, %add3A_129 : i32
        %mul3A_131 = arith.constant 128 : i32
        %mul3A_132 = arith.muli %add3A_130, %mul3A_131 : i32
        %dma_start3A_133 = tpu.memref_slice %arg4[%mul3A_132] : memref<327680xi32, #tpu.memory_space<hbm>> -> memref<128xi32, #tpu.memory_space<hbm>>
        %dma_start3A_134 = tpu.memref_slice %arg4[%mul3A_132] : memref<327680xi32, #tpu.memory_space<hbm>> -> memref<128xi32, #tpu.memory_space<hbm>>
        tpu.enqueue_dma source(%dma_start3A_134 : memref<128xi32, #tpu.memory_space<hbm>>) target(%arg10 : memref<128xi32, #tpu.memory_space<vmem>>) target_semaphore(%arg20 : memref<!tpu.dma_semaphore, #tpu.memory_space<semaphore_mem>>)
        %add3A_135 = arith.addi %mul3A_12, %add3A_129 : i32
        %mul3A_136 = arith.constant 128 : i32
        %mul3A_137 = arith.muli %add3A_135, %mul3A_136 : i32
        %dma_start3A_138 = tpu.memref_slice %arg5[%mul3A_137] : memref<327680xi32, #tpu.memory_space<hbm>> -> memref<128xi32, #tpu.memory_space<hbm>>
        %dma_start3A_139 = tpu.memref_slice %arg5[%mul3A_137] : memref<327680xi32, #tpu.memory_space<hbm>> -> memref<128xi32, #tpu.memory_space<hbm>>
        tpu.enqueue_dma source(%dma_start3A_139 : memref<128xi32, #tpu.memory_space<hbm>>) target(%arg14 : memref<128xi32, #tpu.memory_space<vmem>>) target_semaphore(%arg20 : memref<!tpu.dma_semaphore, #tpu.memory_space<semaphore_mem>>)
        %dma_wait3A_140 = arith.constant 0 : i32
        %dma_wait3A_141 = arith.constant 0 : i32
        %dma_wait3A_142 = tpu.memref_slice %arg8[%dma_wait3A_140, %dma_wait3A_141] : memref<10112x128xf32, #tpu.memory_space<vmem_shared>> -> memref<10112x128xf32, #tpu.memory_space<vmem_shared>>
        tpu.wait_indirect_dma semaphore(%arg22 : memref<!tpu.dma_semaphore, #tpu.memory_space<semaphore_mem>>) src(%arg16 : memref<128x128xf32, #tpu.memory_space<vmem>>) dst(%dma_wait3A_142 : memref<10112x128xf32, #tpu.memory_space<vmem_shared>>)
        %dma_wait3A_143 = arith.constant 0 : i32
        %dma_wait3A_144 = arith.constant 0 : i32
        %dma_wait3A_145 = tpu.memref_slice %arg3[%dma_wait3A_143, %dma_wait3A_144] : memref<10000x128xf32, #tpu.memory_space<hbm>> -> memref<10000x128xf32, #tpu.memory_space<hbm>>
        tpu.wait_indirect_dma semaphore(%arg17 : memref<!tpu.dma_semaphore, #tpu.memory_space<semaphore_mem>>) src(%dma_wait3A_145 : memref<10000x128xf32, #tpu.memory_space<hbm>>) dst(%arg15 : memref<128x128xf32, #tpu.memory_space<vmem>>)
        %dma_start3A_146 = arith.constant 0 : i32
        %dma_start3A_147 = arith.constant 0 : i32
        %dma_start3A_148 = tpu.memref_slice %arg8[%dma_start3A_146, %dma_start3A_147] : memref<10112x128xf32, #tpu.memory_space<vmem_shared>> -> memref<10112x128xf32, #tpu.memory_space<vmem_shared>>
        tpu.enqueue_indirect_dma source(%arg15 : memref<128x128xf32, #tpu.memory_space<vmem>>) target(%dma_start3A_148 : memref<10112x128xf32, #tpu.memory_space<vmem_shared>>) offsets(%arg13 : memref<128xi32, #tpu.memory_space<vmem>>) semaphore(%arg23 : memref<!tpu.dma_semaphore, #tpu.memory_space<semaphore_mem>>) {add = true}
        %add3A_149 = arith.constant 3 : i32
        %add3A_150 = arith.addi %mul3A_64, %add3A_149 : i32
        %add3A_151 = arith.addi %mul3A_12, %add3A_150 : i32
        %mul3A_152 = arith.constant 128 : i32
        %mul3A_153 = arith.muli %add3A_151, %mul3A_152 : i32
        %dma_wait3A_154 = tpu.memref_slice %arg4[%mul3A_153] : memref<327680xi32, #tpu.memory_space<hbm>> -> memref<128xi32, #tpu.memory_space<hbm>>
        %dma_wait3A_155 = tpu.memref_slice %arg4[%mul3A_153] : memref<327680xi32, #tpu.memory_space<hbm>> -> memref<128xi32, #tpu.memory_space<hbm>>
        tpu.wait_dma2 semaphore(%arg20 : memref<!tpu.dma_semaphore, #tpu.memory_space<semaphore_mem>>) src(%dma_wait3A_155 : memref<128xi32, #tpu.memory_space<hbm>>) dst(%arg10 : memref<128xi32, #tpu.memory_space<vmem>>)
        %add3A_156 = arith.addi %mul3A_12, %add3A_150 : i32
        %mul3A_157 = arith.constant 128 : i32
        %mul3A_158 = arith.muli %add3A_156, %mul3A_157 : i32
        %dma_wait3A_159 = tpu.memref_slice %arg5[%mul3A_158] : memref<327680xi32, #tpu.memory_space<hbm>> -> memref<128xi32, #tpu.memory_space<hbm>>
        %dma_wait3A_160 = tpu.memref_slice %arg5[%mul3A_158] : memref<327680xi32, #tpu.memory_space<hbm>> -> memref<128xi32, #tpu.memory_space<hbm>>
        tpu.wait_dma2 semaphore(%arg20 : memref<!tpu.dma_semaphore, #tpu.memory_space<semaphore_mem>>) src(%dma_wait3A_160 : memref<128xi32, #tpu.memory_space<hbm>>) dst(%arg14 : memref<128xi32, #tpu.memory_space<vmem>>)
        %dma_start3A_161 = arith.constant 0 : i32
        %dma_start3A_162 = arith.constant 0 : i32
        %dma_start3A_163 = tpu.memref_slice %arg3[%dma_start3A_161, %dma_start3A_162] : memref<10000x128xf32, #tpu.memory_space<hbm>> -> memref<10000x128xf32, #tpu.memory_space<hbm>>
        tpu.enqueue_indirect_dma source(%dma_start3A_163 : memref<10000x128xf32, #tpu.memory_space<hbm>>) target(%arg16 : memref<128x128xf32, #tpu.memory_space<vmem>>) offsets(%arg10 : memref<128xi32, #tpu.memory_space<vmem>>) semaphore(%arg18 : memref<!tpu.dma_semaphore, #tpu.memory_space<semaphore_mem>>)
        %lt3A = arith.constant 160 : i32
        %lt3A_164 = arith.cmpi slt, %add3A_66, %lt3A : i32
        %convert_element_type3A_165 = arith.extui %lt3A_164 : i1 to i32
        %cond3A_166 = arith.constant 0 : i32
        %cond3A_167 = arith.cmpi ne, %convert_element_type3A_165, %cond3A_166 : i32
        scf.if %cond3A_167 {
          %add3A_189 = arith.addi %mul3A_12, %add3A_66 : i32
          %mul3A_190 = arith.constant 128 : i32
          %mul3A_191 = arith.muli %add3A_189, %mul3A_190 : i32
          %dma_start3A_192 = tpu.memref_slice %arg4[%mul3A_191] : memref<327680xi32, #tpu.memory_space<hbm>> -> memref<128xi32, #tpu.memory_space<hbm>>
          %dma_start3A_193 = tpu.memref_slice %arg4[%mul3A_191] : memref<327680xi32, #tpu.memory_space<hbm>> -> memref<128xi32, #tpu.memory_space<hbm>>
          tpu.enqueue_dma source(%dma_start3A_193 : memref<128xi32, #tpu.memory_space<hbm>>) target(%arg9 : memref<128xi32, #tpu.memory_space<vmem>>) target_semaphore(%arg19 : memref<!tpu.dma_semaphore, #tpu.memory_space<semaphore_mem>>)
          %add3A_194 = arith.addi %mul3A_12, %add3A_66 : i32
          %mul3A_195 = arith.constant 128 : i32
          %mul3A_196 = arith.muli %add3A_194, %mul3A_195 : i32
          %dma_start3A_197 = tpu.memref_slice %arg5[%mul3A_196] : memref<327680xi32, #tpu.memory_space<hbm>> -> memref<128xi32, #tpu.memory_space<hbm>>
          %dma_start3A_198 = tpu.memref_slice %arg5[%mul3A_196] : memref<327680xi32, #tpu.memory_space<hbm>> -> memref<128xi32, #tpu.memory_space<hbm>>
          tpu.enqueue_dma source(%dma_start3A_198 : memref<128xi32, #tpu.memory_space<hbm>>) target(%arg11 : memref<128xi32, #tpu.memory_space<vmem>>) target_semaphore(%arg19 : memref<!tpu.dma_semaphore, #tpu.memory_space<semaphore_mem>>)
        } else {
        }
        %dma_wait3A_168 = arith.constant 0 : i32
        %dma_wait3A_169 = arith.constant 0 : i32
        %dma_wait3A_170 = tpu.memref_slice %arg8[%dma_wait3A_168, %dma_wait3A_169] : memref<10112x128xf32, #tpu.memory_space<vmem_shared>> -> memref<10112x128xf32, #tpu.memory_space<vmem_shared>>
        tpu.wait_indirect_dma semaphore(%arg23 : memref<!tpu.dma_semaphore, #tpu.memory_space<semaphore_mem>>) src(%arg15 : memref<128x128xf32, #tpu.memory_space<vmem>>) dst(%dma_wait3A_170 : memref<10112x128xf32, #tpu.memory_space<vmem_shared>>)
        %dma_wait3A_171 = arith.constant 0 : i32
        %dma_wait3A_172 = arith.constant 0 : i32
        %dma_wait3A_173 = tpu.memref_slice %arg3[%dma_wait3A_171, %dma_wait3A_172] : memref<10000x128xf32, #tpu.memory_space<hbm>> -> memref<10000x128xf32, #tpu.memory_space<hbm>>
        tpu.wait_indirect_dma semaphore(%arg18 : memref<!tpu.dma_semaphore, #tpu.memory_space<semaphore_mem>>) src(%dma_wait3A_173 : memref<10000x128xf32, #tpu.memory_space<hbm>>) dst(%arg16 : memref<128x128xf32, #tpu.memory_space<vmem>>)
        %dma_start3A_174 = arith.constant 0 : i32
        %dma_start3A_175 = arith.constant 0 : i32
        %dma_start3A_176 = tpu.memref_slice %arg8[%dma_start3A_174, %dma_start3A_175] : memref<10112x128xf32, #tpu.memory_space<vmem_shared>> -> memref<10112x128xf32, #tpu.memory_space<vmem_shared>>
        tpu.enqueue_indirect_dma source(%arg16 : memref<128x128xf32, #tpu.memory_space<vmem>>) target(%dma_start3A_176 : memref<10112x128xf32, #tpu.memory_space<vmem_shared>>) offsets(%arg14 : memref<128xi32, #tpu.memory_space<vmem>>) semaphore(%arg24 : memref<!tpu.dma_semaphore, #tpu.memory_space<semaphore_mem>>) {add = true}
        %lt3A_177 = arith.constant 160 : i32
        %lt3A_178 = arith.cmpi slt, %add3A_66, %lt3A_177 : i32
        %convert_element_type3A_179 = arith.extui %lt3A_178 : i1 to i32
        %cond3A_180 = arith.constant 0 : i32
        %cond3A_181 = arith.cmpi ne, %convert_element_type3A_179, %cond3A_180 : i32
        scf.if %cond3A_181 {
          %add3A_189 = arith.addi %mul3A_12, %add3A_66 : i32
          %mul3A_190 = arith.constant 128 : i32
          %mul3A_191 = arith.muli %add3A_189, %mul3A_190 : i32
          %dma_wait3A_192 = tpu.memref_slice %arg4[%mul3A_191] : memref<327680xi32, #tpu.memory_space<hbm>> -> memref<128xi32, #tpu.memory_space<hbm>>
          %dma_wait3A_193 = tpu.memref_slice %arg4[%mul3A_191] : memref<327680xi32, #tpu.memory_space<hbm>> -> memref<128xi32, #tpu.memory_space<hbm>>
          tpu.wait_dma2 semaphore(%arg19 : memref<!tpu.dma_semaphore, #tpu.memory_space<semaphore_mem>>) src(%dma_wait3A_193 : memref<128xi32, #tpu.memory_space<hbm>>) dst(%arg9 : memref<128xi32, #tpu.memory_space<vmem>>)
          %add3A_194 = arith.addi %mul3A_12, %add3A_66 : i32
          %mul3A_195 = arith.constant 128 : i32
          %mul3A_196 = arith.muli %add3A_194, %mul3A_195 : i32
          %dma_wait3A_197 = tpu.memref_slice %arg5[%mul3A_196] : memref<327680xi32, #tpu.memory_space<hbm>> -> memref<128xi32, #tpu.memory_space<hbm>>
          %dma_wait3A_198 = tpu.memref_slice %arg5[%mul3A_196] : memref<327680xi32, #tpu.memory_space<hbm>> -> memref<128xi32, #tpu.memory_space<hbm>>
          tpu.wait_dma2 semaphore(%arg19 : memref<!tpu.dma_semaphore, #tpu.memory_space<semaphore_mem>>) src(%dma_wait3A_198 : memref<128xi32, #tpu.memory_space<hbm>>) dst(%arg11 : memref<128xi32, #tpu.memory_space<vmem>>)
          %dma_start3A_199 = arith.constant 0 : i32
          %dma_start3A_200 = arith.constant 0 : i32
          %dma_start3A_201 = tpu.memref_slice %arg3[%dma_start3A_199, %dma_start3A_200] : memref<10000x128xf32, #tpu.memory_space<hbm>> -> memref<10000x128xf32, #tpu.memory_space<hbm>>
          tpu.enqueue_indirect_dma source(%dma_start3A_201 : memref<10000x128xf32, #tpu.memory_space<hbm>>) target(%arg15 : memref<128x128xf32, #tpu.memory_space<vmem>>) offsets(%arg9 : memref<128xi32, #tpu.memory_space<vmem>>) semaphore(%arg17 : memref<!tpu.dma_semaphore, #tpu.memory_space<semaphore_mem>>)
        } else {
        }
        %add3A_182 = arith.constant 1 : i32
        %add3A_183 = arith.addi %add3A_66, %add3A_182 : i32
        %lt3A_184 = arith.constant 160 : i32
        %lt3A_185 = arith.cmpi slt, %add3A_183, %lt3A_184 : i32
        %convert_element_type3A_186 = arith.extui %lt3A_185 : i1 to i32
        %cond3A_187 = arith.constant 0 : i32
        %cond3A_188 = arith.cmpi ne, %convert_element_type3A_186, %cond3A_187 : i32
        scf.if %cond3A_188 {
          %add3A_189 = arith.constant 1 : i32
          %add3A_190 = arith.addi %add3A_66, %add3A_189 : i32
          %add3A_191 = arith.addi %mul3A_12, %add3A_190 : i32
          %mul3A_192 = arith.constant 128 : i32
          %mul3A_193 = arith.muli %add3A_191, %mul3A_192 : i32
          %dma_start3A_194 = tpu.memref_slice %arg4[%mul3A_193] : memref<327680xi32, #tpu.memory_space<hbm>> -> memref<128xi32, #tpu.memory_space<hbm>>
          %dma_start3A_195 = tpu.memref_slice %arg4[%mul3A_193] : memref<327680xi32, #tpu.memory_space<hbm>> -> memref<128xi32, #tpu.memory_space<hbm>>
          tpu.enqueue_dma source(%dma_start3A_195 : memref<128xi32, #tpu.memory_space<hbm>>) target(%arg10 : memref<128xi32, #tpu.memory_space<vmem>>) target_semaphore(%arg20 : memref<!tpu.dma_semaphore, #tpu.memory_space<semaphore_mem>>)
          %add3A_196 = arith.addi %mul3A_12, %add3A_190 : i32
          %mul3A_197 = arith.constant 128 : i32
          %mul3A_198 = arith.muli %add3A_196, %mul3A_197 : i32
          %dma_start3A_199 = tpu.memref_slice %arg5[%mul3A_198] : memref<327680xi32, #tpu.memory_space<hbm>> -> memref<128xi32, #tpu.memory_space<hbm>>
          %dma_start3A_200 = tpu.memref_slice %arg5[%mul3A_198] : memref<327680xi32, #tpu.memory_space<hbm>> -> memref<128xi32, #tpu.memory_space<hbm>>
          tpu.enqueue_dma source(%dma_start3A_200 : memref<128xi32, #tpu.memory_space<hbm>>) target(%arg12 : memref<128xi32, #tpu.memory_space<vmem>>) target_semaphore(%arg20 : memref<!tpu.dma_semaphore, #tpu.memory_space<semaphore_mem>>)
        } else {
        }
      }
      %scan3A_53 = arith.constant 40 : i32
      %dma_wait3A_54 = arith.constant 0 : i32
      %dma_wait3A_55 = arith.constant 0 : i32
      %dma_wait3A_56 = tpu.memref_slice %arg8[%dma_wait3A_54, %dma_wait3A_55] : memref<10112x128xf32, #tpu.memory_space<vmem_shared>> -> memref<10112x128xf32, #tpu.memory_space<vmem_shared>>
      tpu.wait_indirect_dma semaphore(%arg24 : memref<!tpu.dma_semaphore, #tpu.memory_space<semaphore_mem>>) src(%arg16 : memref<128x128xf32, #tpu.memory_space<vmem>>) dst(%dma_wait3A_56 : memref<10112x128xf32, #tpu.memory_space<vmem_shared>>)
      %barrier3A_57 = arith.constant 0 : index
      tpu.barrier barrier_id(%barrier3A_57)
      %mul3A_58 = arith.constant 632 : i32
      %mul3A_59 = arith.muli %arg1, %mul3A_58 : i32
      %mul3A_60 = arith.constant 632 : i32
      %mul3A_61 = arith.muli %arg1, %mul3A_60 : i32
      "tpu.region"() ({
        %run_scoped3A = tpu.sem_alloc : memref<!tpu.dma_semaphore, #tpu.memory_space<semaphore_mem>>
        %dma_start3A_62 = arith.constant 0 : i32
        %dma_start3A_63 = tpu.memref_slice %arg7[%mul3A_61, %dma_start3A_62] : memref<10112x128xf32, #tpu.memory_space<hbm>> -> memref<632x128xf32, #tpu.memory_space<hbm>>
        %dma_start3A_64 = arith.constant 0 : i32
        %dma_start3A_65 = tpu.memref_slice %arg8[%mul3A_59, %dma_start3A_64] : memref<10112x128xf32, #tpu.memory_space<vmem_shared>> -> memref<632x128xf32, #tpu.memory_space<vmem_shared>>
        tpu.enqueue_dma source(%dma_start3A_65 : memref<632x128xf32, #tpu.memory_space<vmem_shared>>) target(%dma_start3A_63 : memref<632x128xf32, #tpu.memory_space<hbm>>) target_semaphore(%run_scoped3A : memref<!tpu.dma_semaphore, #tpu.memory_space<semaphore_mem>>)
        %dma_wait3A_66 = arith.constant 0 : i32
        %dma_wait3A_67 = tpu.memref_slice %arg7[%mul3A_61, %dma_wait3A_66] : memref<10112x128xf32, #tpu.memory_space<hbm>> -> memref<632x128xf32, #tpu.memory_space<hbm>>
        %dma_wait3A_68 = arith.constant 0 : i32
        %dma_wait3A_69 = tpu.memref_slice %arg8[%mul3A_59, %dma_wait3A_68] : memref<10112x128xf32, #tpu.memory_space<vmem_shared>> -> memref<632x128xf32, #tpu.memory_space<vmem_shared>>
        tpu.wait_dma2 semaphore(%run_scoped3A : memref<!tpu.dma_semaphore, #tpu.memory_space<semaphore_mem>>) src(%dma_wait3A_69 : memref<632x128xf32, #tpu.memory_space<vmem_shared>>) dst(%dma_wait3A_67 : memref<632x128xf32, #tpu.memory_space<hbm>>)
        tpu.yield
      }) : () -> ()
    } else {
    }
    return
  }
}

#map = affine_map<(d0, d1) -> (0, 0)>
#map1 = affine_map<(d0, d1) -> (0)>
module attributes {stable_mosaic.version = 14 : i64} {
  func.func @agg(%arg0: i32, %arg1: i32, %arg2: memref<10000x128xf32, #tpu.memory_space<hbm>>, %arg3: memref<10000x128xf32, #tpu.memory_space<hbm>>, %arg4: memref<327680xi32, #tpu.memory_space<hbm>>, %arg5: memref<327680xi32, #tpu.memory_space<hbm>>, %arg6: memref<10112x128xf32, #tpu.memory_space<hbm>>, %arg7: memref<10112x128xf32, #tpu.memory_space<hbm>>, %arg8: memref<10112x128xf32, #tpu.memory_space<vmem_shared>>, %arg9: memref<128xi32, #tpu.memory_space<vmem>>, %arg10: memref<128xi32, #tpu.memory_space<vmem>>, %arg11: memref<128xi32, #tpu.memory_space<vmem>>, %arg12: memref<128xi32, #tpu.memory_space<vmem>>, %arg13: memref<128xi32, #tpu.memory_space<vmem>>, %arg14: memref<128xi32, #tpu.memory_space<vmem>>, %arg15: memref<128x128xf32, #tpu.memory_space<vmem>>, %arg16: memref<128x128xf32, #tpu.memory_space<vmem>>, %arg17: memref<!tpu.dma_semaphore, #tpu.memory_space<semaphore_mem>>, %arg18: memref<!tpu.dma_semaphore, #tpu.memory_space<semaphore_mem>>, %arg19: memref<!tpu.dma_semaphore, #tpu.memory_space<semaphore_mem>>, %arg20: memref<!tpu.dma_semaphore, #tpu.memory_space<semaphore_mem>>, %arg21: memref<!tpu.dma_semaphore, #tpu.memory_space<semaphore_mem>>, %arg22: memref<!tpu.dma_semaphore, #tpu.memory_space<semaphore_mem>>, %arg23: memref<!tpu.dma_semaphore, #tpu.memory_space<semaphore_mem>>, %arg24: memref<!tpu.dma_semaphore, #tpu.memory_space<semaphore_mem>>) attributes {dimension_semantics = [#tpu.dimension_semantics<core_parallel>, #tpu.dimension_semantics<subcore_parallel>], iteration_bounds = array<i64: 2, 16>, scalar_prefetch = 0 : i64, scratch_operands = 17 : i64, tpu.core_type = #tpu.core_type<sc_vector_subcore>, window_params = [{transform_indices = #map}, {transform_indices = #map}, {transform_indices = #map1}, {transform_indices = #map1}, {transform_indices = #map}, {transform_indices = #map}]} {
    %eq3A = arith.constant 0 : i32
    %eq3A_0 = arith.cmpi eq, %arg0, %eq3A : i32
    %convert_element_type3A = arith.extui %eq3A_0 : i1 to i32
    %cond3A = arith.constant 0 : i32
    %cond3A_1 = arith.cmpi ne, %convert_element_type3A, %cond3A : i32
    scf.if %cond3A_1 {
      %eq3A_7 = arith.constant 0 : i32
      %eq3A_8 = arith.cmpi eq, %arg1, %eq3A_7 : i32
      %convert_element_type3A_9 = arith.extui %eq3A_8 : i1 to i32
      %cond3A_10 = arith.constant 0 : i32
      %cond3A_11 = arith.cmpi ne, %convert_element_type3A_9, %cond3A_10 : i32
      scf.if %cond3A_11 {
        "tpu.region"() ({
          %run_scoped3A = tpu.sem_alloc : memref<!tpu.dma_semaphore, #tpu.memory_space<semaphore_mem>>
          %dma_start3A_62 = arith.constant 0 : i32
          %dma_start3A_63 = arith.constant 0 : i32
          %dma_start3A_64 = tpu.memref_slice %arg8[%dma_start3A_62, %dma_start3A_63] : memref<10112x128xf32, #tpu.memory_space<vmem_shared>> -> memref<10000x128xf32, #tpu.memory_space<vmem_shared>>
          tpu.enqueue_dma source(%arg2 : memref<10000x128xf32, #tpu.memory_space<hbm>>) target(%dma_start3A_64 : memref<10000x128xf32, #tpu.memory_space<vmem_shared>>) target_semaphore(%run_scoped3A : memref<!tpu.dma_semaphore, #tpu.memory_space<semaphore_mem>>)
          %dma_wait3A_65 = arith.constant 0 : i32
          %dma_wait3A_66 = arith.constant 0 : i32
          %dma_wait3A_67 = tpu.memref_slice %arg8[%dma_wait3A_65, %dma_wait3A_66] : memref<10112x128xf32, #tpu.memory_space<vmem_shared>> -> memref<10000x128xf32, #tpu.memory_space<vmem_shared>>
          tpu.wait_dma2 semaphore(%run_scoped3A : memref<!tpu.dma_semaphore, #tpu.memory_space<semaphore_mem>>) src(%arg2 : memref<10000x128xf32, #tpu.memory_space<hbm>>) dst(%dma_wait3A_67 : memref<10000x128xf32, #tpu.memory_space<vmem_shared>>)
          tpu.yield
        }) : () -> ()
      } else {
      }
      %barrier3A = arith.constant 0 : index
      tpu.barrier barrier_id(%barrier3A)
      %mul3A = arith.constant 160 : i32
      %mul3A_12 = arith.muli %arg1, %mul3A : i32
      %add3A = arith.constant 0 : i32
      %add3A_13 = arith.addi %mul3A_12, %add3A : i32
      %mul3A_14 = arith.constant 128 : i32
      %mul3A_15 = arith.muli %add3A_13, %mul3A_14 : i32
      %dma_start3A = tpu.memref_slice %arg4[%mul3A_15] : memref<327680xi32, #tpu.memory_space<hbm>> -> memref<128xi32, #tpu.memory_space<hbm>>
      %dma_start3A_16 = tpu.memref_slice %arg4[%mul3A_15] : memref<327680xi32, #tpu.memory_space<hbm>> -> memref<128xi32, #tpu.memory_space<hbm>>
      tpu.enqueue_dma source(%dma_start3A_16 : memref<128xi32, #tpu.memory_space<hbm>>) target(%arg9 : memref<128xi32, #tpu.memory_space<vmem>>) target_semaphore(%arg19 : memref<!tpu.dma_semaphore, #tpu.memory_space<semaphore_mem>>)
      %add3A_17 = arith.constant 0 : i32
      %add3A_18 = arith.addi %mul3A_12, %add3A_17 : i32
      %mul3A_19 = arith.constant 128 : i32
      %mul3A_20 = arith.muli %add3A_18, %mul3A_19 : i32
      %dma_start3A_21 = tpu.memref_slice %arg5[%mul3A_20] : memref<327680xi32, #tpu.memory_space<hbm>> -> memref<128xi32, #tpu.memory_space<hbm>>
      %dma_start3A_22 = tpu.memref_slice %arg5[%mul3A_20] : memref<327680xi32, #tpu.memory_space<hbm>> -> memref<128xi32, #tpu.memory_space<hbm>>
      tpu.enqueue_dma source(%dma_start3A_22 : memref<128xi32, #tpu.memory_space<hbm>>) target(%arg11 : memref<128xi32, #tpu.memory_space<vmem>>) target_semaphore(%arg19 : memref<!tpu.dma_semaphore, #tpu.memory_space<semaphore_mem>>)
      %add3A_23 = arith.constant 0 : i32
      %add3A_24 = arith.addi %mul3A_12, %add3A_23 : i32
      %mul3A_25 = arith.constant 128 : i32
      %mul3A_26 = arith.muli %add3A_24, %mul3A_25 : i32
      %dma_wait3A = tpu.memref_slice %arg4[%mul3A_26] : memref<327680xi32, #tpu.memory_space<hbm>> -> memref<128xi32, #tpu.memory_space<hbm>>
      %dma_wait3A_27 = tpu.memref_slice %arg4[%mul3A_26] : memref<327680xi32, #tpu.memory_space<hbm>> -> memref<128xi32, #tpu.memory_space<hbm>>
      tpu.wait_dma2 semaphore(%arg19 : memref<!tpu.dma_semaphore, #tpu.memory_space<semaphore_mem>>) src(%dma_wait3A_27 : memref<128xi32, #tpu.memory_space<hbm>>) dst(%arg9 : memref<128xi32, #tpu.memory_space<vmem>>)
      %add3A_28 = arith.constant 0 : i32
      %add3A_29 = arith.addi %mul3A_12, %add3A_28 : i32
      %mul3A_30 = arith.constant 128 : i32
      %mul3A_31 = arith.muli %add3A_29, %mul3A_30 : i32
      %dma_wait3A_32 = tpu.memref_slice %arg5[%mul3A_31] : memref<327680xi32, #tpu.memory_space<hbm>> -> memref<128xi32, #tpu.memory_space<hbm>>
      %dma_wait3A_33 = tpu.memref_slice %arg5[%mul3A_31] : memref<327680xi32, #tpu.memory_space<hbm>> -> memref<128xi32, #tpu.memory_space<hbm>>
      tpu.wait_dma2 semaphore(%arg19 : memref<!tpu.dma_semaphore, #tpu.memory_space<semaphore_mem>>) src(%dma_wait3A_33 : memref<128xi32, #tpu.memory_space<hbm>>) dst(%arg11 : memref<128xi32, #tpu.memory_space<vmem>>)
      %dma_start3A_34 = arith.constant 0 : i32
      %dma_start3A_35 = arith.constant 0 : i32
      %dma_start3A_36 = tpu.memref_slice %arg2[%dma_start3A_34, %dma_start3A_35] : memref<10000x128xf32, #tpu.memory_space<hbm>> -> memref<10000x128xf32, #tpu.memory_space<hbm>>
      tpu.enqueue_indirect_dma source(%dma_start3A_36 : memref<10000x128xf32, #tpu.memory_space<hbm>>) target(%arg15 : memref<128x128xf32, #tpu.memory_space<vmem>>) offsets(%arg9 : memref<128xi32, #tpu.memory_space<vmem>>) semaphore(%arg17 : memref<!tpu.dma_semaphore, #tpu.memory_space<semaphore_mem>>)
      %add3A_37 = arith.constant 1 : i32
      %add3A_38 = arith.addi %mul3A_12, %add3A_37 : i32
      %mul3A_39 = arith.constant 128 : i32
      %mul3A_40 = arith.muli %add3A_38, %mul3A_39 : i32
      %dma_start3A_41 = tpu.memref_slice %arg4[%mul3A_40] : memref<327680xi32, #tpu.memory_space<hbm>> -> memref<128xi32, #tpu.memory_space<hbm>>
      %dma_start3A_42 = tpu.memref_slice %arg4[%mul3A_40] : memref<327680xi32, #tpu.memory_space<hbm>> -> memref<128xi32, #tpu.memory_space<hbm>>
      tpu.enqueue_dma source(%dma_start3A_42 : memref<128xi32, #tpu.memory_space<hbm>>) target(%arg10 : memref<128xi32, #tpu.memory_space<vmem>>) target_semaphore(%arg20 : memref<!tpu.dma_semaphore, #tpu.memory_space<semaphore_mem>>)
      %add3A_43 = arith.constant 1 : i32
      %add3A_44 = arith.addi %mul3A_12, %add3A_43 : i32
      %mul3A_45 = arith.constant 128 : i32
      %mul3A_46 = arith.muli %add3A_44, %mul3A_45 : i32
      %dma_start3A_47 = tpu.memref_slice %arg5[%mul3A_46] : memref<327680xi32, #tpu.memory_space<hbm>> -> memref<128xi32, #tpu.memory_space<hbm>>
      %dma_start3A_48 = tpu.memref_slice %arg5[%mul3A_46] : memref<327680xi32, #tpu.memory_space<hbm>> -> memref<128xi32, #tpu.memory_space<hbm>>
      tpu.enqueue_dma source(%dma_start3A_48 : memref<128xi32, #tpu.memory_space<hbm>>) target(%arg12 : memref<128xi32, #tpu.memory_space<vmem>>) target_semaphore(%arg20 : memref<!tpu.dma_semaphore, #tpu.memory_space<semaphore_mem>>)
      %scan3A = arith.constant 0 : i32
      %scan3A_49 = arith.constant 0 : i32
      %scan3A_50 = arith.constant 40 : i32
      %scan3A_51 = arith.addi %scan3A_49, %scan3A_50 : i32
      %scan3A_52 = arith.constant 1 : i32
      scf.for %scan3A_62 = %scan3A_49 to %scan3A_51 step %scan3A_52  : i32 {
        %mul3A_63 = arith.constant 4 : i32
        %mul3A_64 = arith.muli %mul3A_63, %scan3A_62 : i32
        %add3A_65 = arith.constant 4 : i32
        %add3A_66 = arith.addi %mul3A_64, %add3A_65 : i32
        %gt3A = arith.constant 0 : i32
        %gt3A_67 = arith.cmpi sgt, %scan3A_62, %gt3A : i32
        %convert_element_type3A_68 = arith.extui %gt3A_67 : i1 to i32
        %cond3A_69 = arith.constant 0 : i32
        %cond3A_70 = arith.cmpi ne, %convert_element_type3A_68, %cond3A_69 : i32
        scf.if %cond3A_70 {
          %dma_wait3A_189 = arith.constant 0 : i32
          %dma_wait3A_190 = arith.constant 0 : i32
          %dma_wait3A_191 = tpu.memref_slice %arg8[%dma_wait3A_189, %dma_wait3A_190] : memref<10112x128xf32, #tpu.memory_space<vmem_shared>> -> memref<10112x128xf32, #tpu.memory_space<vmem_shared>>
          tpu.wait_indirect_dma semaphore(%arg24 : memref<!tpu.dma_semaphore, #tpu.memory_space<semaphore_mem>>) src(%arg16 : memref<128x128xf32, #tpu.memory_space<vmem>>) dst(%dma_wait3A_191 : memref<10112x128xf32, #tpu.memory_space<vmem_shared>>)
        } else {
        }
        %add3A_71 = arith.constant 1 : i32
        %add3A_72 = arith.addi %mul3A_64, %add3A_71 : i32
        %add3A_73 = arith.addi %mul3A_12, %add3A_72 : i32
        %mul3A_74 = arith.constant 128 : i32
        %mul3A_75 = arith.muli %add3A_73, %mul3A_74 : i32
        %dma_wait3A_76 = tpu.memref_slice %arg4[%mul3A_75] : memref<327680xi32, #tpu.memory_space<hbm>> -> memref<128xi32, #tpu.memory_space<hbm>>
        %dma_wait3A_77 = tpu.memref_slice %arg4[%mul3A_75] : memref<327680xi32, #tpu.memory_space<hbm>> -> memref<128xi32, #tpu.memory_space<hbm>>
        tpu.wait_dma2 semaphore(%arg20 : memref<!tpu.dma_semaphore, #tpu.memory_space<semaphore_mem>>) src(%dma_wait3A_77 : memref<128xi32, #tpu.memory_space<hbm>>) dst(%arg10 : memref<128xi32, #tpu.memory_space<vmem>>)
        %add3A_78 = arith.addi %mul3A_12, %add3A_72 : i32
        %mul3A_79 = arith.constant 128 : i32
        %mul3A_80 = arith.muli %add3A_78, %mul3A_79 : i32
        %dma_wait3A_81 = tpu.memref_slice %arg5[%mul3A_80] : memref<327680xi32, #tpu.memory_space<hbm>> -> memref<128xi32, #tpu.memory_space<hbm>>
        %dma_wait3A_82 = tpu.memref_slice %arg5[%mul3A_80] : memref<327680xi32, #tpu.memory_space<hbm>> -> memref<128xi32, #tpu.memory_space<hbm>>
        tpu.wait_dma2 semaphore(%arg20 : memref<!tpu.dma_semaphore, #tpu.memory_space<semaphore_mem>>) src(%dma_wait3A_82 : memref<128xi32, #tpu.memory_space<hbm>>) dst(%arg12 : memref<128xi32, #tpu.memory_space<vmem>>)
        %dma_start3A_83 = arith.constant 0 : i32
        %dma_start3A_84 = arith.constant 0 : i32
        %dma_start3A_85 = tpu.memref_slice %arg2[%dma_start3A_83, %dma_start3A_84] : memref<10000x128xf32, #tpu.memory_space<hbm>> -> memref<10000x128xf32, #tpu.memory_space<hbm>>
        tpu.enqueue_indirect_dma source(%dma_start3A_85 : memref<10000x128xf32, #tpu.memory_space<hbm>>) target(%arg16 : memref<128x128xf32, #tpu.memory_space<vmem>>) offsets(%arg10 : memref<128xi32, #tpu.memory_space<vmem>>) semaphore(%arg18 : memref<!tpu.dma_semaphore, #tpu.memory_space<semaphore_mem>>)
        %dma_wait3A_86 = arith.constant 0 : i32
        %dma_wait3A_87 = arith.constant 0 : i32
        %dma_wait3A_88 = tpu.memref_slice %arg2[%dma_wait3A_86, %dma_wait3A_87] : memref<10000x128xf32, #tpu.memory_space<hbm>> -> memref<10000x128xf32, #tpu.memory_space<hbm>>
        tpu.wait_indirect_dma semaphore(%arg17 : memref<!tpu.dma_semaphore, #tpu.memory_space<semaphore_mem>>) src(%dma_wait3A_88 : memref<10000x128xf32, #tpu.memory_space<hbm>>) dst(%arg15 : memref<128x128xf32, #tpu.memory_space<vmem>>)
        %dma_start3A_89 = arith.constant 0 : i32
        %dma_start3A_90 = arith.constant 0 : i32
        %dma_start3A_91 = tpu.memref_slice %arg8[%dma_start3A_89, %dma_start3A_90] : memref<10112x128xf32, #tpu.memory_space<vmem_shared>> -> memref<10112x128xf32, #tpu.memory_space<vmem_shared>>
        tpu.enqueue_indirect_dma source(%arg15 : memref<128x128xf32, #tpu.memory_space<vmem>>) target(%dma_start3A_91 : memref<10112x128xf32, #tpu.memory_space<vmem_shared>>) offsets(%arg11 : memref<128xi32, #tpu.memory_space<vmem>>) semaphore(%arg21 : memref<!tpu.dma_semaphore, #tpu.memory_space<semaphore_mem>>) {add = true}
        %add3A_92 = arith.constant 2 : i32
        %add3A_93 = arith.addi %mul3A_64, %add3A_92 : i32
        %add3A_94 = arith.addi %mul3A_12, %add3A_93 : i32
        %mul3A_95 = arith.constant 128 : i32
        %mul3A_96 = arith.muli %add3A_94, %mul3A_95 : i32
        %dma_start3A_97 = tpu.memref_slice %arg4[%mul3A_96] : memref<327680xi32, #tpu.memory_space<hbm>> -> memref<128xi32, #tpu.memory_space<hbm>>
        %dma_start3A_98 = tpu.memref_slice %arg4[%mul3A_96] : memref<327680xi32, #tpu.memory_space<hbm>> -> memref<128xi32, #tpu.memory_space<hbm>>
        tpu.enqueue_dma source(%dma_start3A_98 : memref<128xi32, #tpu.memory_space<hbm>>) target(%arg9 : memref<128xi32, #tpu.memory_space<vmem>>) target_semaphore(%arg19 : memref<!tpu.dma_semaphore, #tpu.memory_space<semaphore_mem>>)
        %add3A_99 = arith.addi %mul3A_12, %add3A_93 : i32
        %mul3A_100 = arith.constant 128 : i32
        %mul3A_101 = arith.muli %add3A_99, %mul3A_100 : i32
        %dma_start3A_102 = tpu.memref_slice %arg5[%mul3A_101] : memref<327680xi32, #tpu.memory_space<hbm>> -> memref<128xi32, #tpu.memory_space<hbm>>
        %dma_start3A_103 = tpu.memref_slice %arg5[%mul3A_101] : memref<327680xi32, #tpu.memory_space<hbm>> -> memref<128xi32, #tpu.memory_space<hbm>>
        tpu.enqueue_dma source(%dma_start3A_103 : memref<128xi32, #tpu.memory_space<hbm>>) target(%arg13 : memref<128xi32, #tpu.memory_space<vmem>>) target_semaphore(%arg19 : memref<!tpu.dma_semaphore, #tpu.memory_space<semaphore_mem>>)
        %dma_wait3A_104 = arith.constant 0 : i32
        %dma_wait3A_105 = arith.constant 0 : i32
        %dma_wait3A_106 = tpu.memref_slice %arg2[%dma_wait3A_104, %dma_wait3A_105] : memref<10000x128xf32, #tpu.memory_space<hbm>> -> memref<10000x128xf32, #tpu.memory_space<hbm>>
        tpu.wait_indirect_dma semaphore(%arg18 : memref<!tpu.dma_semaphore, #tpu.memory_space<semaphore_mem>>) src(%dma_wait3A_106 : memref<10000x128xf32, #tpu.memory_space<hbm>>) dst(%arg16 : memref<128x128xf32, #tpu.memory_space<vmem>>)
        %dma_start3A_107 = arith.constant 0 : i32
        %dma_start3A_108 = arith.constant 0 : i32
        %dma_start3A_109 = tpu.memref_slice %arg8[%dma_start3A_107, %dma_start3A_108] : memref<10112x128xf32, #tpu.memory_space<vmem_shared>> -> memref<10112x128xf32, #tpu.memory_space<vmem_shared>>
        tpu.enqueue_indirect_dma source(%arg16 : memref<128x128xf32, #tpu.memory_space<vmem>>) target(%dma_start3A_109 : memref<10112x128xf32, #tpu.memory_space<vmem_shared>>) offsets(%arg12 : memref<128xi32, #tpu.memory_space<vmem>>) semaphore(%arg22 : memref<!tpu.dma_semaphore, #tpu.memory_space<semaphore_mem>>) {add = true}
        %dma_wait3A_110 = arith.constant 0 : i32
        %dma_wait3A_111 = arith.constant 0 : i32
        %dma_wait3A_112 = tpu.memref_slice %arg8[%dma_wait3A_110, %dma_wait3A_111] : memref<10112x128xf32, #tpu.memory_space<vmem_shared>> -> memref<10112x128xf32, #tpu.memory_space<vmem_shared>>
        tpu.wait_indirect_dma semaphore(%arg21 : memref<!tpu.dma_semaphore, #tpu.memory_space<semaphore_mem>>) src(%arg15 : memref<128x128xf32, #tpu.memory_space<vmem>>) dst(%dma_wait3A_112 : memref<10112x128xf32, #tpu.memory_space<vmem_shared>>)
        %add3A_113 = arith.constant 2 : i32
        %add3A_114 = arith.addi %mul3A_64, %add3A_113 : i32
        %add3A_115 = arith.addi %mul3A_12, %add3A_114 : i32
        %mul3A_116 = arith.constant 128 : i32
        %mul3A_117 = arith.muli %add3A_115, %mul3A_116 : i32
        %dma_wait3A_118 = tpu.memref_slice %arg4[%mul3A_117] : memref<327680xi32, #tpu.memory_space<hbm>> -> memref<128xi32, #tpu.memory_space<hbm>>
        %dma_wait3A_119 = tpu.memref_slice %arg4[%mul3A_117] : memref<327680xi32, #tpu.memory_space<hbm>> -> memref<128xi32, #tpu.memory_space<hbm>>
        tpu.wait_dma2 semaphore(%arg19 : memref<!tpu.dma_semaphore, #tpu.memory_space<semaphore_mem>>) src(%dma_wait3A_119 : memref<128xi32, #tpu.memory_space<hbm>>) dst(%arg9 : memref<128xi32, #tpu.memory_space<vmem>>)
        %add3A_120 = arith.addi %mul3A_12, %add3A_114 : i32
        %mul3A_121 = arith.constant 128 : i32
        %mul3A_122 = arith.muli %add3A_120, %mul3A_121 : i32
        %dma_wait3A_123 = tpu.memref_slice %arg5[%mul3A_122] : memref<327680xi32, #tpu.memory_space<hbm>> -> memref<128xi32, #tpu.memory_space<hbm>>
        %dma_wait3A_124 = tpu.memref_slice %arg5[%mul3A_122] : memref<327680xi32, #tpu.memory_space<hbm>> -> memref<128xi32, #tpu.memory_space<hbm>>
        tpu.wait_dma2 semaphore(%arg19 : memref<!tpu.dma_semaphore, #tpu.memory_space<semaphore_mem>>) src(%dma_wait3A_124 : memref<128xi32, #tpu.memory_space<hbm>>) dst(%arg13 : memref<128xi32, #tpu.memory_space<vmem>>)
        %dma_start3A_125 = arith.constant 0 : i32
        %dma_start3A_126 = arith.constant 0 : i32
        %dma_start3A_127 = tpu.memref_slice %arg2[%dma_start3A_125, %dma_start3A_126] : memref<10000x128xf32, #tpu.memory_space<hbm>> -> memref<10000x128xf32, #tpu.memory_space<hbm>>
        tpu.enqueue_indirect_dma source(%dma_start3A_127 : memref<10000x128xf32, #tpu.memory_space<hbm>>) target(%arg15 : memref<128x128xf32, #tpu.memory_space<vmem>>) offsets(%arg9 : memref<128xi32, #tpu.memory_space<vmem>>) semaphore(%arg17 : memref<!tpu.dma_semaphore, #tpu.memory_space<semaphore_mem>>)
        %add3A_128 = arith.constant 3 : i32
        %add3A_129 = arith.addi %mul3A_64, %add3A_128 : i32
        %add3A_130 = arith.addi %mul3A_12, %add3A_129 : i32
        %mul3A_131 = arith.constant 128 : i32
        %mul3A_132 = arith.muli %add3A_130, %mul3A_131 : i32
        %dma_start3A_133 = tpu.memref_slice %arg4[%mul3A_132] : memref<327680xi32, #tpu.memory_space<hbm>> -> memref<128xi32, #tpu.memory_space<hbm>>
        %dma_start3A_134 = tpu.memref_slice %arg4[%mul3A_132] : memref<327680xi32, #tpu.memory_space<hbm>> -> memref<128xi32, #tpu.memory_space<hbm>>
        tpu.enqueue_dma source(%dma_start3A_134 : memref<128xi32, #tpu.memory_space<hbm>>) target(%arg10 : memref<128xi32, #tpu.memory_space<vmem>>) target_semaphore(%arg20 : memref<!tpu.dma_semaphore, #tpu.memory_space<semaphore_mem>>)
        %add3A_135 = arith.addi %mul3A_12, %add3A_129 : i32
        %mul3A_136 = arith.constant 128 : i32
        %mul3A_137 = arith.muli %add3A_135, %mul3A_136 : i32
        %dma_start3A_138 = tpu.memref_slice %arg5[%mul3A_137] : memref<327680xi32, #tpu.memory_space<hbm>> -> memref<128xi32, #tpu.memory_space<hbm>>
        %dma_start3A_139 = tpu.memref_slice %arg5[%mul3A_137] : memref<327680xi32, #tpu.memory_space<hbm>> -> memref<128xi32, #tpu.memory_space<hbm>>
        tpu.enqueue_dma source(%dma_start3A_139 : memref<128xi32, #tpu.memory_space<hbm>>) target(%arg14 : memref<128xi32, #tpu.memory_space<vmem>>) target_semaphore(%arg20 : memref<!tpu.dma_semaphore, #tpu.memory_space<semaphore_mem>>)
        %dma_wait3A_140 = arith.constant 0 : i32
        %dma_wait3A_141 = arith.constant 0 : i32
        %dma_wait3A_142 = tpu.memref_slice %arg8[%dma_wait3A_140, %dma_wait3A_141] : memref<10112x128xf32, #tpu.memory_space<vmem_shared>> -> memref<10112x128xf32, #tpu.memory_space<vmem_shared>>
        tpu.wait_indirect_dma semaphore(%arg22 : memref<!tpu.dma_semaphore, #tpu.memory_space<semaphore_mem>>) src(%arg16 : memref<128x128xf32, #tpu.memory_space<vmem>>) dst(%dma_wait3A_142 : memref<10112x128xf32, #tpu.memory_space<vmem_shared>>)
        %dma_wait3A_143 = arith.constant 0 : i32
        %dma_wait3A_144 = arith.constant 0 : i32
        %dma_wait3A_145 = tpu.memref_slice %arg2[%dma_wait3A_143, %dma_wait3A_144] : memref<10000x128xf32, #tpu.memory_space<hbm>> -> memref<10000x128xf32, #tpu.memory_space<hbm>>
        tpu.wait_indirect_dma semaphore(%arg17 : memref<!tpu.dma_semaphore, #tpu.memory_space<semaphore_mem>>) src(%dma_wait3A_145 : memref<10000x128xf32, #tpu.memory_space<hbm>>) dst(%arg15 : memref<128x128xf32, #tpu.memory_space<vmem>>)
        %dma_start3A_146 = arith.constant 0 : i32
        %dma_start3A_147 = arith.constant 0 : i32
        %dma_start3A_148 = tpu.memref_slice %arg8[%dma_start3A_146, %dma_start3A_147] : memref<10112x128xf32, #tpu.memory_space<vmem_shared>> -> memref<10112x128xf32, #tpu.memory_space<vmem_shared>>
        tpu.enqueue_indirect_dma source(%arg15 : memref<128x128xf32, #tpu.memory_space<vmem>>) target(%dma_start3A_148 : memref<10112x128xf32, #tpu.memory_space<vmem_shared>>) offsets(%arg13 : memref<128xi32, #tpu.memory_space<vmem>>) semaphore(%arg23 : memref<!tpu.dma_semaphore, #tpu.memory_space<semaphore_mem>>) {add = true}
        %add3A_149 = arith.constant 3 : i32
        %add3A_150 = arith.addi %mul3A_64, %add3A_149 : i32
        %add3A_151 = arith.addi %mul3A_12, %add3A_150 : i32
        %mul3A_152 = arith.constant 128 : i32
        %mul3A_153 = arith.muli %add3A_151, %mul3A_152 : i32
        %dma_wait3A_154 = tpu.memref_slice %arg4[%mul3A_153] : memref<327680xi32, #tpu.memory_space<hbm>> -> memref<128xi32, #tpu.memory_space<hbm>>
        %dma_wait3A_155 = tpu.memref_slice %arg4[%mul3A_153] : memref<327680xi32, #tpu.memory_space<hbm>> -> memref<128xi32, #tpu.memory_space<hbm>>
        tpu.wait_dma2 semaphore(%arg20 : memref<!tpu.dma_semaphore, #tpu.memory_space<semaphore_mem>>) src(%dma_wait3A_155 : memref<128xi32, #tpu.memory_space<hbm>>) dst(%arg10 : memref<128xi32, #tpu.memory_space<vmem>>)
        %add3A_156 = arith.addi %mul3A_12, %add3A_150 : i32
        %mul3A_157 = arith.constant 128 : i32
        %mul3A_158 = arith.muli %add3A_156, %mul3A_157 : i32
        %dma_wait3A_159 = tpu.memref_slice %arg5[%mul3A_158] : memref<327680xi32, #tpu.memory_space<hbm>> -> memref<128xi32, #tpu.memory_space<hbm>>
        %dma_wait3A_160 = tpu.memref_slice %arg5[%mul3A_158] : memref<327680xi32, #tpu.memory_space<hbm>> -> memref<128xi32, #tpu.memory_space<hbm>>
        tpu.wait_dma2 semaphore(%arg20 : memref<!tpu.dma_semaphore, #tpu.memory_space<semaphore_mem>>) src(%dma_wait3A_160 : memref<128xi32, #tpu.memory_space<hbm>>) dst(%arg14 : memref<128xi32, #tpu.memory_space<vmem>>)
        %dma_start3A_161 = arith.constant 0 : i32
        %dma_start3A_162 = arith.constant 0 : i32
        %dma_start3A_163 = tpu.memref_slice %arg2[%dma_start3A_161, %dma_start3A_162] : memref<10000x128xf32, #tpu.memory_space<hbm>> -> memref<10000x128xf32, #tpu.memory_space<hbm>>
        tpu.enqueue_indirect_dma source(%dma_start3A_163 : memref<10000x128xf32, #tpu.memory_space<hbm>>) target(%arg16 : memref<128x128xf32, #tpu.memory_space<vmem>>) offsets(%arg10 : memref<128xi32, #tpu.memory_space<vmem>>) semaphore(%arg18 : memref<!tpu.dma_semaphore, #tpu.memory_space<semaphore_mem>>)
        %lt3A = arith.constant 160 : i32
        %lt3A_164 = arith.cmpi slt, %add3A_66, %lt3A : i32
        %convert_element_type3A_165 = arith.extui %lt3A_164 : i1 to i32
        %cond3A_166 = arith.constant 0 : i32
        %cond3A_167 = arith.cmpi ne, %convert_element_type3A_165, %cond3A_166 : i32
        scf.if %cond3A_167 {
          %add3A_189 = arith.addi %mul3A_12, %add3A_66 : i32
          %mul3A_190 = arith.constant 128 : i32
          %mul3A_191 = arith.muli %add3A_189, %mul3A_190 : i32
          %dma_start3A_192 = tpu.memref_slice %arg4[%mul3A_191] : memref<327680xi32, #tpu.memory_space<hbm>> -> memref<128xi32, #tpu.memory_space<hbm>>
          %dma_start3A_193 = tpu.memref_slice %arg4[%mul3A_191] : memref<327680xi32, #tpu.memory_space<hbm>> -> memref<128xi32, #tpu.memory_space<hbm>>
          tpu.enqueue_dma source(%dma_start3A_193 : memref<128xi32, #tpu.memory_space<hbm>>) target(%arg9 : memref<128xi32, #tpu.memory_space<vmem>>) target_semaphore(%arg19 : memref<!tpu.dma_semaphore, #tpu.memory_space<semaphore_mem>>)
          %add3A_194 = arith.addi %mul3A_12, %add3A_66 : i32
          %mul3A_195 = arith.constant 128 : i32
          %mul3A_196 = arith.muli %add3A_194, %mul3A_195 : i32
          %dma_start3A_197 = tpu.memref_slice %arg5[%mul3A_196] : memref<327680xi32, #tpu.memory_space<hbm>> -> memref<128xi32, #tpu.memory_space<hbm>>
          %dma_start3A_198 = tpu.memref_slice %arg5[%mul3A_196] : memref<327680xi32, #tpu.memory_space<hbm>> -> memref<128xi32, #tpu.memory_space<hbm>>
          tpu.enqueue_dma source(%dma_start3A_198 : memref<128xi32, #tpu.memory_space<hbm>>) target(%arg11 : memref<128xi32, #tpu.memory_space<vmem>>) target_semaphore(%arg19 : memref<!tpu.dma_semaphore, #tpu.memory_space<semaphore_mem>>)
        } else {
        }
        %dma_wait3A_168 = arith.constant 0 : i32
        %dma_wait3A_169 = arith.constant 0 : i32
        %dma_wait3A_170 = tpu.memref_slice %arg8[%dma_wait3A_168, %dma_wait3A_169] : memref<10112x128xf32, #tpu.memory_space<vmem_shared>> -> memref<10112x128xf32, #tpu.memory_space<vmem_shared>>
        tpu.wait_indirect_dma semaphore(%arg23 : memref<!tpu.dma_semaphore, #tpu.memory_space<semaphore_mem>>) src(%arg15 : memref<128x128xf32, #tpu.memory_space<vmem>>) dst(%dma_wait3A_170 : memref<10112x128xf32, #tpu.memory_space<vmem_shared>>)
        %dma_wait3A_171 = arith.constant 0 : i32
        %dma_wait3A_172 = arith.constant 0 : i32
        %dma_wait3A_173 = tpu.memref_slice %arg2[%dma_wait3A_171, %dma_wait3A_172] : memref<10000x128xf32, #tpu.memory_space<hbm>> -> memref<10000x128xf32, #tpu.memory_space<hbm>>
        tpu.wait_indirect_dma semaphore(%arg18 : memref<!tpu.dma_semaphore, #tpu.memory_space<semaphore_mem>>) src(%dma_wait3A_173 : memref<10000x128xf32, #tpu.memory_space<hbm>>) dst(%arg16 : memref<128x128xf32, #tpu.memory_space<vmem>>)
        %dma_start3A_174 = arith.constant 0 : i32
        %dma_start3A_175 = arith.constant 0 : i32
        %dma_start3A_176 = tpu.memref_slice %arg8[%dma_start3A_174, %dma_start3A_175] : memref<10112x128xf32, #tpu.memory_space<vmem_shared>> -> memref<10112x128xf32, #tpu.memory_space<vmem_shared>>
        tpu.enqueue_indirect_dma source(%arg16 : memref<128x128xf32, #tpu.memory_space<vmem>>) target(%dma_start3A_176 : memref<10112x128xf32, #tpu.memory_space<vmem_shared>>) offsets(%arg14 : memref<128xi32, #tpu.memory_space<vmem>>) semaphore(%arg24 : memref<!tpu.dma_semaphore, #tpu.memory_space<semaphore_mem>>) {add = true}
        %lt3A_177 = arith.constant 160 : i32
        %lt3A_178 = arith.cmpi slt, %add3A_66, %lt3A_177 : i32
        %convert_element_type3A_179 = arith.extui %lt3A_178 : i1 to i32
        %cond3A_180 = arith.constant 0 : i32
        %cond3A_181 = arith.cmpi ne, %convert_element_type3A_179, %cond3A_180 : i32
        scf.if %cond3A_181 {
          %add3A_189 = arith.addi %mul3A_12, %add3A_66 : i32
          %mul3A_190 = arith.constant 128 : i32
          %mul3A_191 = arith.muli %add3A_189, %mul3A_190 : i32
          %dma_wait3A_192 = tpu.memref_slice %arg4[%mul3A_191] : memref<327680xi32, #tpu.memory_space<hbm>> -> memref<128xi32, #tpu.memory_space<hbm>>
          %dma_wait3A_193 = tpu.memref_slice %arg4[%mul3A_191] : memref<327680xi32, #tpu.memory_space<hbm>> -> memref<128xi32, #tpu.memory_space<hbm>>
          tpu.wait_dma2 semaphore(%arg19 : memref<!tpu.dma_semaphore, #tpu.memory_space<semaphore_mem>>) src(%dma_wait3A_193 : memref<128xi32, #tpu.memory_space<hbm>>) dst(%arg9 : memref<128xi32, #tpu.memory_space<vmem>>)
          %add3A_194 = arith.addi %mul3A_12, %add3A_66 : i32
          %mul3A_195 = arith.constant 128 : i32
          %mul3A_196 = arith.muli %add3A_194, %mul3A_195 : i32
          %dma_wait3A_197 = tpu.memref_slice %arg5[%mul3A_196] : memref<327680xi32, #tpu.memory_space<hbm>> -> memref<128xi32, #tpu.memory_space<hbm>>
          %dma_wait3A_198 = tpu.memref_slice %arg5[%mul3A_196] : memref<327680xi32, #tpu.memory_space<hbm>> -> memref<128xi32, #tpu.memory_space<hbm>>
          tpu.wait_dma2 semaphore(%arg19 : memref<!tpu.dma_semaphore, #tpu.memory_space<semaphore_mem>>) src(%dma_wait3A_198 : memref<128xi32, #tpu.memory_space<hbm>>) dst(%arg11 : memref<128xi32, #tpu.memory_space<vmem>>)
          %dma_start3A_199 = arith.constant 0 : i32
          %dma_start3A_200 = arith.constant 0 : i32
          %dma_start3A_201 = tpu.memref_slice %arg2[%dma_start3A_199, %dma_start3A_200] : memref<10000x128xf32, #tpu.memory_space<hbm>> -> memref<10000x128xf32, #tpu.memory_space<hbm>>
          tpu.enqueue_indirect_dma source(%dma_start3A_201 : memref<10000x128xf32, #tpu.memory_space<hbm>>) target(%arg15 : memref<128x128xf32, #tpu.memory_space<vmem>>) offsets(%arg9 : memref<128xi32, #tpu.memory_space<vmem>>) semaphore(%arg17 : memref<!tpu.dma_semaphore, #tpu.memory_space<semaphore_mem>>)
        } else {
        }
        %add3A_182 = arith.constant 1 : i32
        %add3A_183 = arith.addi %add3A_66, %add3A_182 : i32
        %lt3A_184 = arith.constant 160 : i32
        %lt3A_185 = arith.cmpi slt, %add3A_183, %lt3A_184 : i32
        %convert_element_type3A_186 = arith.extui %lt3A_185 : i1 to i32
        %cond3A_187 = arith.constant 0 : i32
        %cond3A_188 = arith.cmpi ne, %convert_element_type3A_186, %cond3A_187 : i32
        scf.if %cond3A_188 {
          %add3A_189 = arith.constant 1 : i32
          %add3A_190 = arith.addi %add3A_66, %add3A_189 : i32
          %add3A_191 = arith.addi %mul3A_12, %add3A_190 : i32
          %mul3A_192 = arith.constant 128 : i32
          %mul3A_193 = arith.muli %add3A_191, %mul3A_192 : i32
          %dma_start3A_194 = tpu.memref_slice %arg4[%mul3A_193] : memref<327680xi32, #tpu.memory_space<hbm>> -> memref<128xi32, #tpu.memory_space<hbm>>
          %dma_start3A_195 = tpu.memref_slice %arg4[%mul3A_193] : memref<327680xi32, #tpu.memory_space<hbm>> -> memref<128xi32, #tpu.memory_space<hbm>>
          tpu.enqueue_dma source(%dma_start3A_195 : memref<128xi32, #tpu.memory_space<hbm>>) target(%arg10 : memref<128xi32, #tpu.memory_space<vmem>>) target_semaphore(%arg20 : memref<!tpu.dma_semaphore, #tpu.memory_space<semaphore_mem>>)
          %add3A_196 = arith.addi %mul3A_12, %add3A_190 : i32
          %mul3A_197 = arith.constant 128 : i32
          %mul3A_198 = arith.muli %add3A_196, %mul3A_197 : i32
          %dma_start3A_199 = tpu.memref_slice %arg5[%mul3A_198] : memref<327680xi32, #tpu.memory_space<hbm>> -> memref<128xi32, #tpu.memory_space<hbm>>
          %dma_start3A_200 = tpu.memref_slice %arg5[%mul3A_198] : memref<327680xi32, #tpu.memory_space<hbm>> -> memref<128xi32, #tpu.memory_space<hbm>>
          tpu.enqueue_dma source(%dma_start3A_200 : memref<128xi32, #tpu.memory_space<hbm>>) target(%arg12 : memref<128xi32, #tpu.memory_space<vmem>>) target_semaphore(%arg20 : memref<!tpu.dma_semaphore, #tpu.memory_space<semaphore_mem>>)
        } else {
        }
      }
      %scan3A_53 = arith.constant 40 : i32
      %dma_wait3A_54 = arith.constant 0 : i32
      %dma_wait3A_55 = arith.constant 0 : i32
      %dma_wait3A_56 = tpu.memref_slice %arg8[%dma_wait3A_54, %dma_wait3A_55] : memref<10112x128xf32, #tpu.memory_space<vmem_shared>> -> memref<10112x128xf32, #tpu.memory_space<vmem_shared>>
      tpu.wait_indirect_dma semaphore(%arg24 : memref<!tpu.dma_semaphore, #tpu.memory_space<semaphore_mem>>) src(%arg16 : memref<128x128xf32, #tpu.memory_space<vmem>>) dst(%dma_wait3A_56 : memref<10112x128xf32, #tpu.memory_space<vmem_shared>>)
      %barrier3A_57 = arith.constant 0 : index
      tpu.barrier barrier_id(%barrier3A_57)
      %mul3A_58 = arith.constant 632 : i32
      %mul3A_59 = arith.muli %arg1, %mul3A_58 : i32
      %mul3A_60 = arith.constant 632 : i32
      %mul3A_61 = arith.muli %arg1, %mul3A_60 : i32
      "tpu.region"() ({
        %run_scoped3A = tpu.sem_alloc : memref<!tpu.dma_semaphore, #tpu.memory_space<semaphore_mem>>
        %dma_start3A_62 = arith.constant 0 : i32
        %dma_start3A_63 = tpu.memref_slice %arg6[%mul3A_61, %dma_start3A_62] : memref<10112x128xf32, #tpu.memory_space<hbm>> -> memref<632x128xf32, #tpu.memory_space<hbm>>
        %dma_start3A_64 = arith.constant 0 : i32
        %dma_start3A_65 = tpu.memref_slice %arg8[%mul3A_59, %dma_start3A_64] : memref<10112x128xf32, #tpu.memory_space<vmem_shared>> -> memref<632x128xf32, #tpu.memory_space<vmem_shared>>
        tpu.enqueue_dma source(%dma_start3A_65 : memref<632x128xf32, #tpu.memory_space<vmem_shared>>) target(%dma_start3A_63 : memref<632x128xf32, #tpu.memory_space<hbm>>) target_semaphore(%run_scoped3A : memref<!tpu.dma_semaphore, #tpu.memory_space<semaphore_mem>>)
        %dma_wait3A_66 = arith.constant 0 : i32
        %dma_wait3A_67 = tpu.memref_slice %arg6[%mul3A_61, %dma_wait3A_66] : memref<10112x128xf32, #tpu.memory_space<hbm>> -> memref<632x128xf32, #tpu.memory_space<hbm>>
        %dma_wait3A_68 = arith.constant 0 : i32
        %dma_wait3A_69 = tpu.memref_slice %arg8[%mul3A_59, %dma_wait3A_68] : memref<10112x128xf32, #tpu.memory_space<vmem_shared>> -> memref<632x128xf32, #tpu.memory_space<vmem_shared>>
        tpu.wait_dma2 semaphore(%run_scoped3A : memref<!tpu.dma_semaphore, #tpu.memory_space<semaphore_mem>>) src(%dma_wait3A_69 : memref<632x128xf32, #tpu.memory_space<vmem_shared>>) dst(%dma_wait3A_67 : memref<632x128xf32, #tpu.memory_space<hbm>>)
        tpu.yield
      }) : () -> ()
    } else {
    }
    %eq3A_2 = arith.constant 1 : i32
    %eq3A_3 = arith.cmpi eq, %arg0, %eq3A_2 : i32
    %convert_element_type3A_4 = arith.extui %eq3A_3 : i1 to i32
    %cond3A_5 = arith.constant 0 : i32
    %cond3A_6 = arith.cmpi ne, %convert_element_type3A_4, %cond3A_5 : i32
    scf.if %cond3A_6 {
      %eq3A_7 = arith.constant 0 : i32
      %eq3A_8 = arith.cmpi eq, %arg1, %eq3A_7 : i32
      %convert_element_type3A_9 = arith.extui %eq3A_8 : i1 to i32
      %cond3A_10 = arith.constant 0 : i32
      %cond3A_11 = arith.cmpi ne, %convert_element_type3A_9, %cond3A_10 : i32
      scf.if %cond3A_11 {
        "tpu.region"() ({
          %run_scoped3A = tpu.sem_alloc : memref<!tpu.dma_semaphore, #tpu.memory_space<semaphore_mem>>
          %dma_start3A_62 = arith.constant 0 : i32
          %dma_start3A_63 = arith.constant 0 : i32
          %dma_start3A_64 = tpu.memref_slice %arg8[%dma_start3A_62, %dma_start3A_63] : memref<10112x128xf32, #tpu.memory_space<vmem_shared>> -> memref<10000x128xf32, #tpu.memory_space<vmem_shared>>
          tpu.enqueue_dma source(%arg3 : memref<10000x128xf32, #tpu.memory_space<hbm>>) target(%dma_start3A_64 : memref<10000x128xf32, #tpu.memory_space<vmem_shared>>) target_semaphore(%run_scoped3A : memref<!tpu.dma_semaphore, #tpu.memory_space<semaphore_mem>>)
          %dma_wait3A_65 = arith.constant 0 : i32
          %dma_wait3A_66 = arith.constant 0 : i32
          %dma_wait3A_67 = tpu.memref_slice %arg8[%dma_wait3A_65, %dma_wait3A_66] : memref<10112x128xf32, #tpu.memory_space<vmem_shared>> -> memref<10000x128xf32, #tpu.memory_space<vmem_shared>>
          tpu.wait_dma2 semaphore(%run_scoped3A : memref<!tpu.dma_semaphore, #tpu.memory_space<semaphore_mem>>) src(%arg3 : memref<10000x128xf32, #tpu.memory_space<hbm>>) dst(%dma_wait3A_67 : memref<10000x128xf32, #tpu.memory_space<vmem_shared>>)
          tpu.yield
        }) : () -> ()
      } else {
      }
      %barrier3A = arith.constant 0 : index
      tpu.barrier barrier_id(%barrier3A)
      %mul3A = arith.constant 160 : i32
      %mul3A_12 = arith.muli %arg1, %mul3A : i32
      %add3A = arith.constant 0 : i32
      %add3A_13 = arith.addi %mul3A_12, %add3A : i32
      %mul3A_14 = arith.constant 128 : i32
      %mul3A_15 = arith.muli %add3A_13, %mul3A_14 : i32
      %dma_start3A = tpu.memref_slice %arg4[%mul3A_15] : memref<327680xi32, #tpu.memory_space<hbm>> -> memref<128xi32, #tpu.memory_space<hbm>>
      %dma_start3A_16 = tpu.memref_slice %arg4[%mul3A_15] : memref<327680xi32, #tpu.memory_space<hbm>> -> memref<128xi32, #tpu.memory_space<hbm>>
      tpu.enqueue_dma source(%dma_start3A_16 : memref<128xi32, #tpu.memory_space<hbm>>) target(%arg9 : memref<128xi32, #tpu.memory_space<vmem>>) target_semaphore(%arg19 : memref<!tpu.dma_semaphore, #tpu.memory_space<semaphore_mem>>)
      %add3A_17 = arith.constant 0 : i32
      %add3A_18 = arith.addi %mul3A_12, %add3A_17 : i32
      %mul3A_19 = arith.constant 128 : i32
      %mul3A_20 = arith.muli %add3A_18, %mul3A_19 : i32
      %dma_start3A_21 = tpu.memref_slice %arg5[%mul3A_20] : memref<327680xi32, #tpu.memory_space<hbm>> -> memref<128xi32, #tpu.memory_space<hbm>>
      %dma_start3A_22 = tpu.memref_slice %arg5[%mul3A_20] : memref<327680xi32, #tpu.memory_space<hbm>> -> memref<128xi32, #tpu.memory_space<hbm>>
      tpu.enqueue_dma source(%dma_start3A_22 : memref<128xi32, #tpu.memory_space<hbm>>) target(%arg11 : memref<128xi32, #tpu.memory_space<vmem>>) target_semaphore(%arg19 : memref<!tpu.dma_semaphore, #tpu.memory_space<semaphore_mem>>)
      %add3A_23 = arith.constant 0 : i32
      %add3A_24 = arith.addi %mul3A_12, %add3A_23 : i32
      %mul3A_25 = arith.constant 128 : i32
      %mul3A_26 = arith.muli %add3A_24, %mul3A_25 : i32
      %dma_wait3A = tpu.memref_slice %arg4[%mul3A_26] : memref<327680xi32, #tpu.memory_space<hbm>> -> memref<128xi32, #tpu.memory_space<hbm>>
      %dma_wait3A_27 = tpu.memref_slice %arg4[%mul3A_26] : memref<327680xi32, #tpu.memory_space<hbm>> -> memref<128xi32, #tpu.memory_space<hbm>>
      tpu.wait_dma2 semaphore(%arg19 : memref<!tpu.dma_semaphore, #tpu.memory_space<semaphore_mem>>) src(%dma_wait3A_27 : memref<128xi32, #tpu.memory_space<hbm>>) dst(%arg9 : memref<128xi32, #tpu.memory_space<vmem>>)
      %add3A_28 = arith.constant 0 : i32
      %add3A_29 = arith.addi %mul3A_12, %add3A_28 : i32
      %mul3A_30 = arith.constant 128 : i32
      %mul3A_31 = arith.muli %add3A_29, %mul3A_30 : i32
      %dma_wait3A_32 = tpu.memref_slice %arg5[%mul3A_31] : memref<327680xi32, #tpu.memory_space<hbm>> -> memref<128xi32, #tpu.memory_space<hbm>>
      %dma_wait3A_33 = tpu.memref_slice %arg5[%mul3A_31] : memref<327680xi32, #tpu.memory_space<hbm>> -> memref<128xi32, #tpu.memory_space<hbm>>
      tpu.wait_dma2 semaphore(%arg19 : memref<!tpu.dma_semaphore, #tpu.memory_space<semaphore_mem>>) src(%dma_wait3A_33 : memref<128xi32, #tpu.memory_space<hbm>>) dst(%arg11 : memref<128xi32, #tpu.memory_space<vmem>>)
      %dma_start3A_34 = arith.constant 0 : i32
      %dma_start3A_35 = arith.constant 0 : i32
      %dma_start3A_36 = tpu.memref_slice %arg3[%dma_start3A_34, %dma_start3A_35] : memref<10000x128xf32, #tpu.memory_space<hbm>> -> memref<10000x128xf32, #tpu.memory_space<hbm>>
      tpu.enqueue_indirect_dma source(%dma_start3A_36 : memref<10000x128xf32, #tpu.memory_space<hbm>>) target(%arg15 : memref<128x128xf32, #tpu.memory_space<vmem>>) offsets(%arg9 : memref<128xi32, #tpu.memory_space<vmem>>) semaphore(%arg17 : memref<!tpu.dma_semaphore, #tpu.memory_space<semaphore_mem>>)
      %add3A_37 = arith.constant 1 : i32
      %add3A_38 = arith.addi %mul3A_12, %add3A_37 : i32
      %mul3A_39 = arith.constant 128 : i32
      %mul3A_40 = arith.muli %add3A_38, %mul3A_39 : i32
      %dma_start3A_41 = tpu.memref_slice %arg4[%mul3A_40] : memref<327680xi32, #tpu.memory_space<hbm>> -> memref<128xi32, #tpu.memory_space<hbm>>
      %dma_start3A_42 = tpu.memref_slice %arg4[%mul3A_40] : memref<327680xi32, #tpu.memory_space<hbm>> -> memref<128xi32, #tpu.memory_space<hbm>>
      tpu.enqueue_dma source(%dma_start3A_42 : memref<128xi32, #tpu.memory_space<hbm>>) target(%arg10 : memref<128xi32, #tpu.memory_space<vmem>>) target_semaphore(%arg20 : memref<!tpu.dma_semaphore, #tpu.memory_space<semaphore_mem>>)
      %add3A_43 = arith.constant 1 : i32
      %add3A_44 = arith.addi %mul3A_12, %add3A_43 : i32
      %mul3A_45 = arith.constant 128 : i32
      %mul3A_46 = arith.muli %add3A_44, %mul3A_45 : i32
      %dma_start3A_47 = tpu.memref_slice %arg5[%mul3A_46] : memref<327680xi32, #tpu.memory_space<hbm>> -> memref<128xi32, #tpu.memory_space<hbm>>
      %dma_start3A_48 = tpu.memref_slice %arg5[%mul3A_46] : memref<327680xi32, #tpu.memory_space<hbm>> -> memref<128xi32, #tpu.memory_space<hbm>>
      tpu.enqueue_dma source(%dma_start3A_48 : memref<128xi32, #tpu.memory_space<hbm>>) target(%arg12 : memref<128xi32, #tpu.memory_space<vmem>>) target_semaphore(%arg20 : memref<!tpu.dma_semaphore, #tpu.memory_space<semaphore_mem>>)
      %scan3A = arith.constant 0 : i32
      %scan3A_49 = arith.constant 0 : i32
      %scan3A_50 = arith.constant 40 : i32
      %scan3A_51 = arith.addi %scan3A_49, %scan3A_50 : i32
      %scan3A_52 = arith.constant 1 : i32
      scf.for %scan3A_62 = %scan3A_49 to %scan3A_51 step %scan3A_52  : i32 {
        %mul3A_63 = arith.constant 4 : i32
        %mul3A_64 = arith.muli %mul3A_63, %scan3A_62 : i32
        %add3A_65 = arith.constant 4 : i32
        %add3A_66 = arith.addi %mul3A_64, %add3A_65 : i32
        %gt3A = arith.constant 0 : i32
        %gt3A_67 = arith.cmpi sgt, %scan3A_62, %gt3A : i32
        %convert_element_type3A_68 = arith.extui %gt3A_67 : i1 to i32
        %cond3A_69 = arith.constant 0 : i32
        %cond3A_70 = arith.cmpi ne, %convert_element_type3A_68, %cond3A_69 : i32
        scf.if %cond3A_70 {
          %dma_wait3A_189 = arith.constant 0 : i32
          %dma_wait3A_190 = arith.constant 0 : i32
          %dma_wait3A_191 = tpu.memref_slice %arg8[%dma_wait3A_189, %dma_wait3A_190] : memref<10112x128xf32, #tpu.memory_space<vmem_shared>> -> memref<10112x128xf32, #tpu.memory_space<vmem_shared>>
          tpu.wait_indirect_dma semaphore(%arg24 : memref<!tpu.dma_semaphore, #tpu.memory_space<semaphore_mem>>) src(%arg16 : memref<128x128xf32, #tpu.memory_space<vmem>>) dst(%dma_wait3A_191 : memref<10112x128xf32, #tpu.memory_space<vmem_shared>>)
        } else {
        }
        %add3A_71 = arith.constant 1 : i32
        %add3A_72 = arith.addi %mul3A_64, %add3A_71 : i32
        %add3A_73 = arith.addi %mul3A_12, %add3A_72 : i32
        %mul3A_74 = arith.constant 128 : i32
        %mul3A_75 = arith.muli %add3A_73, %mul3A_74 : i32
        %dma_wait3A_76 = tpu.memref_slice %arg4[%mul3A_75] : memref<327680xi32, #tpu.memory_space<hbm>> -> memref<128xi32, #tpu.memory_space<hbm>>
        %dma_wait3A_77 = tpu.memref_slice %arg4[%mul3A_75] : memref<327680xi32, #tpu.memory_space<hbm>> -> memref<128xi32, #tpu.memory_space<hbm>>
        tpu.wait_dma2 semaphore(%arg20 : memref<!tpu.dma_semaphore, #tpu.memory_space<semaphore_mem>>) src(%dma_wait3A_77 : memref<128xi32, #tpu.memory_space<hbm>>) dst(%arg10 : memref<128xi32, #tpu.memory_space<vmem>>)
        %add3A_78 = arith.addi %mul3A_12, %add3A_72 : i32
        %mul3A_79 = arith.constant 128 : i32
        %mul3A_80 = arith.muli %add3A_78, %mul3A_79 : i32
        %dma_wait3A_81 = tpu.memref_slice %arg5[%mul3A_80] : memref<327680xi32, #tpu.memory_space<hbm>> -> memref<128xi32, #tpu.memory_space<hbm>>
        %dma_wait3A_82 = tpu.memref_slice %arg5[%mul3A_80] : memref<327680xi32, #tpu.memory_space<hbm>> -> memref<128xi32, #tpu.memory_space<hbm>>
        tpu.wait_dma2 semaphore(%arg20 : memref<!tpu.dma_semaphore, #tpu.memory_space<semaphore_mem>>) src(%dma_wait3A_82 : memref<128xi32, #tpu.memory_space<hbm>>) dst(%arg12 : memref<128xi32, #tpu.memory_space<vmem>>)
        %dma_start3A_83 = arith.constant 0 : i32
        %dma_start3A_84 = arith.constant 0 : i32
        %dma_start3A_85 = tpu.memref_slice %arg3[%dma_start3A_83, %dma_start3A_84] : memref<10000x128xf32, #tpu.memory_space<hbm>> -> memref<10000x128xf32, #tpu.memory_space<hbm>>
        tpu.enqueue_indirect_dma source(%dma_start3A_85 : memref<10000x128xf32, #tpu.memory_space<hbm>>) target(%arg16 : memref<128x128xf32, #tpu.memory_space<vmem>>) offsets(%arg10 : memref<128xi32, #tpu.memory_space<vmem>>) semaphore(%arg18 : memref<!tpu.dma_semaphore, #tpu.memory_space<semaphore_mem>>)
        %dma_wait3A_86 = arith.constant 0 : i32
        %dma_wait3A_87 = arith.constant 0 : i32
        %dma_wait3A_88 = tpu.memref_slice %arg3[%dma_wait3A_86, %dma_wait3A_87] : memref<10000x128xf32, #tpu.memory_space<hbm>> -> memref<10000x128xf32, #tpu.memory_space<hbm>>
        tpu.wait_indirect_dma semaphore(%arg17 : memref<!tpu.dma_semaphore, #tpu.memory_space<semaphore_mem>>) src(%dma_wait3A_88 : memref<10000x128xf32, #tpu.memory_space<hbm>>) dst(%arg15 : memref<128x128xf32, #tpu.memory_space<vmem>>)
        %dma_start3A_89 = arith.constant 0 : i32
        %dma_start3A_90 = arith.constant 0 : i32
        %dma_start3A_91 = tpu.memref_slice %arg8[%dma_start3A_89, %dma_start3A_90] : memref<10112x128xf32, #tpu.memory_space<vmem_shared>> -> memref<10112x128xf32, #tpu.memory_space<vmem_shared>>
        tpu.enqueue_indirect_dma source(%arg15 : memref<128x128xf32, #tpu.memory_space<vmem>>) target(%dma_start3A_91 : memref<10112x128xf32, #tpu.memory_space<vmem_shared>>) offsets(%arg11 : memref<128xi32, #tpu.memory_space<vmem>>) semaphore(%arg21 : memref<!tpu.dma_semaphore, #tpu.memory_space<semaphore_mem>>) {add = true}
        %add3A_92 = arith.constant 2 : i32
        %add3A_93 = arith.addi %mul3A_64, %add3A_92 : i32
        %add3A_94 = arith.addi %mul3A_12, %add3A_93 : i32
        %mul3A_95 = arith.constant 128 : i32
        %mul3A_96 = arith.muli %add3A_94, %mul3A_95 : i32
        %dma_start3A_97 = tpu.memref_slice %arg4[%mul3A_96] : memref<327680xi32, #tpu.memory_space<hbm>> -> memref<128xi32, #tpu.memory_space<hbm>>
        %dma_start3A_98 = tpu.memref_slice %arg4[%mul3A_96] : memref<327680xi32, #tpu.memory_space<hbm>> -> memref<128xi32, #tpu.memory_space<hbm>>
        tpu.enqueue_dma source(%dma_start3A_98 : memref<128xi32, #tpu.memory_space<hbm>>) target(%arg9 : memref<128xi32, #tpu.memory_space<vmem>>) target_semaphore(%arg19 : memref<!tpu.dma_semaphore, #tpu.memory_space<semaphore_mem>>)
        %add3A_99 = arith.addi %mul3A_12, %add3A_93 : i32
        %mul3A_100 = arith.constant 128 : i32
        %mul3A_101 = arith.muli %add3A_99, %mul3A_100 : i32
        %dma_start3A_102 = tpu.memref_slice %arg5[%mul3A_101] : memref<327680xi32, #tpu.memory_space<hbm>> -> memref<128xi32, #tpu.memory_space<hbm>>
        %dma_start3A_103 = tpu.memref_slice %arg5[%mul3A_101] : memref<327680xi32, #tpu.memory_space<hbm>> -> memref<128xi32, #tpu.memory_space<hbm>>
        tpu.enqueue_dma source(%dma_start3A_103 : memref<128xi32, #tpu.memory_space<hbm>>) target(%arg13 : memref<128xi32, #tpu.memory_space<vmem>>) target_semaphore(%arg19 : memref<!tpu.dma_semaphore, #tpu.memory_space<semaphore_mem>>)
        %dma_wait3A_104 = arith.constant 0 : i32
        %dma_wait3A_105 = arith.constant 0 : i32
        %dma_wait3A_106 = tpu.memref_slice %arg3[%dma_wait3A_104, %dma_wait3A_105] : memref<10000x128xf32, #tpu.memory_space<hbm>> -> memref<10000x128xf32, #tpu.memory_space<hbm>>
        tpu.wait_indirect_dma semaphore(%arg18 : memref<!tpu.dma_semaphore, #tpu.memory_space<semaphore_mem>>) src(%dma_wait3A_106 : memref<10000x128xf32, #tpu.memory_space<hbm>>) dst(%arg16 : memref<128x128xf32, #tpu.memory_space<vmem>>)
        %dma_start3A_107 = arith.constant 0 : i32
        %dma_start3A_108 = arith.constant 0 : i32
        %dma_start3A_109 = tpu.memref_slice %arg8[%dma_start3A_107, %dma_start3A_108] : memref<10112x128xf32, #tpu.memory_space<vmem_shared>> -> memref<10112x128xf32, #tpu.memory_space<vmem_shared>>
        tpu.enqueue_indirect_dma source(%arg16 : memref<128x128xf32, #tpu.memory_space<vmem>>) target(%dma_start3A_109 : memref<10112x128xf32, #tpu.memory_space<vmem_shared>>) offsets(%arg12 : memref<128xi32, #tpu.memory_space<vmem>>) semaphore(%arg22 : memref<!tpu.dma_semaphore, #tpu.memory_space<semaphore_mem>>) {add = true}
        %dma_wait3A_110 = arith.constant 0 : i32
        %dma_wait3A_111 = arith.constant 0 : i32
        %dma_wait3A_112 = tpu.memref_slice %arg8[%dma_wait3A_110, %dma_wait3A_111] : memref<10112x128xf32, #tpu.memory_space<vmem_shared>> -> memref<10112x128xf32, #tpu.memory_space<vmem_shared>>
        tpu.wait_indirect_dma semaphore(%arg21 : memref<!tpu.dma_semaphore, #tpu.memory_space<semaphore_mem>>) src(%arg15 : memref<128x128xf32, #tpu.memory_space<vmem>>) dst(%dma_wait3A_112 : memref<10112x128xf32, #tpu.memory_space<vmem_shared>>)
        %add3A_113 = arith.constant 2 : i32
        %add3A_114 = arith.addi %mul3A_64, %add3A_113 : i32
        %add3A_115 = arith.addi %mul3A_12, %add3A_114 : i32
        %mul3A_116 = arith.constant 128 : i32
        %mul3A_117 = arith.muli %add3A_115, %mul3A_116 : i32
        %dma_wait3A_118 = tpu.memref_slice %arg4[%mul3A_117] : memref<327680xi32, #tpu.memory_space<hbm>> -> memref<128xi32, #tpu.memory_space<hbm>>
        %dma_wait3A_119 = tpu.memref_slice %arg4[%mul3A_117] : memref<327680xi32, #tpu.memory_space<hbm>> -> memref<128xi32, #tpu.memory_space<hbm>>
        tpu.wait_dma2 semaphore(%arg19 : memref<!tpu.dma_semaphore, #tpu.memory_space<semaphore_mem>>) src(%dma_wait3A_119 : memref<128xi32, #tpu.memory_space<hbm>>) dst(%arg9 : memref<128xi32, #tpu.memory_space<vmem>>)
        %add3A_120 = arith.addi %mul3A_12, %add3A_114 : i32
        %mul3A_121 = arith.constant 128 : i32
        %mul3A_122 = arith.muli %add3A_120, %mul3A_121 : i32
        %dma_wait3A_123 = tpu.memref_slice %arg5[%mul3A_122] : memref<327680xi32, #tpu.memory_space<hbm>> -> memref<128xi32, #tpu.memory_space<hbm>>
        %dma_wait3A_124 = tpu.memref_slice %arg5[%mul3A_122] : memref<327680xi32, #tpu.memory_space<hbm>> -> memref<128xi32, #tpu.memory_space<hbm>>
        tpu.wait_dma2 semaphore(%arg19 : memref<!tpu.dma_semaphore, #tpu.memory_space<semaphore_mem>>) src(%dma_wait3A_124 : memref<128xi32, #tpu.memory_space<hbm>>) dst(%arg13 : memref<128xi32, #tpu.memory_space<vmem>>)
        %dma_start3A_125 = arith.constant 0 : i32
        %dma_start3A_126 = arith.constant 0 : i32
        %dma_start3A_127 = tpu.memref_slice %arg3[%dma_start3A_125, %dma_start3A_126] : memref<10000x128xf32, #tpu.memory_space<hbm>> -> memref<10000x128xf32, #tpu.memory_space<hbm>>
        tpu.enqueue_indirect_dma source(%dma_start3A_127 : memref<10000x128xf32, #tpu.memory_space<hbm>>) target(%arg15 : memref<128x128xf32, #tpu.memory_space<vmem>>) offsets(%arg9 : memref<128xi32, #tpu.memory_space<vmem>>) semaphore(%arg17 : memref<!tpu.dma_semaphore, #tpu.memory_space<semaphore_mem>>)
        %add3A_128 = arith.constant 3 : i32
        %add3A_129 = arith.addi %mul3A_64, %add3A_128 : i32
        %add3A_130 = arith.addi %mul3A_12, %add3A_129 : i32
        %mul3A_131 = arith.constant 128 : i32
        %mul3A_132 = arith.muli %add3A_130, %mul3A_131 : i32
        %dma_start3A_133 = tpu.memref_slice %arg4[%mul3A_132] : memref<327680xi32, #tpu.memory_space<hbm>> -> memref<128xi32, #tpu.memory_space<hbm>>
        %dma_start3A_134 = tpu.memref_slice %arg4[%mul3A_132] : memref<327680xi32, #tpu.memory_space<hbm>> -> memref<128xi32, #tpu.memory_space<hbm>>
        tpu.enqueue_dma source(%dma_start3A_134 : memref<128xi32, #tpu.memory_space<hbm>>) target(%arg10 : memref<128xi32, #tpu.memory_space<vmem>>) target_semaphore(%arg20 : memref<!tpu.dma_semaphore, #tpu.memory_space<semaphore_mem>>)
        %add3A_135 = arith.addi %mul3A_12, %add3A_129 : i32
        %mul3A_136 = arith.constant 128 : i32
        %mul3A_137 = arith.muli %add3A_135, %mul3A_136 : i32
        %dma_start3A_138 = tpu.memref_slice %arg5[%mul3A_137] : memref<327680xi32, #tpu.memory_space<hbm>> -> memref<128xi32, #tpu.memory_space<hbm>>
        %dma_start3A_139 = tpu.memref_slice %arg5[%mul3A_137] : memref<327680xi32, #tpu.memory_space<hbm>> -> memref<128xi32, #tpu.memory_space<hbm>>
        tpu.enqueue_dma source(%dma_start3A_139 : memref<128xi32, #tpu.memory_space<hbm>>) target(%arg14 : memref<128xi32, #tpu.memory_space<vmem>>) target_semaphore(%arg20 : memref<!tpu.dma_semaphore, #tpu.memory_space<semaphore_mem>>)
        %dma_wait3A_140 = arith.constant 0 : i32
        %dma_wait3A_141 = arith.constant 0 : i32
        %dma_wait3A_142 = tpu.memref_slice %arg8[%dma_wait3A_140, %dma_wait3A_141] : memref<10112x128xf32, #tpu.memory_space<vmem_shared>> -> memref<10112x128xf32, #tpu.memory_space<vmem_shared>>
        tpu.wait_indirect_dma semaphore(%arg22 : memref<!tpu.dma_semaphore, #tpu.memory_space<semaphore_mem>>) src(%arg16 : memref<128x128xf32, #tpu.memory_space<vmem>>) dst(%dma_wait3A_142 : memref<10112x128xf32, #tpu.memory_space<vmem_shared>>)
        %dma_wait3A_143 = arith.constant 0 : i32
        %dma_wait3A_144 = arith.constant 0 : i32
        %dma_wait3A_145 = tpu.memref_slice %arg3[%dma_wait3A_143, %dma_wait3A_144] : memref<10000x128xf32, #tpu.memory_space<hbm>> -> memref<10000x128xf32, #tpu.memory_space<hbm>>
        tpu.wait_indirect_dma semaphore(%arg17 : memref<!tpu.dma_semaphore, #tpu.memory_space<semaphore_mem>>) src(%dma_wait3A_145 : memref<10000x128xf32, #tpu.memory_space<hbm>>) dst(%arg15 : memref<128x128xf32, #tpu.memory_space<vmem>>)
        %dma_start3A_146 = arith.constant 0 : i32
        %dma_start3A_147 = arith.constant 0 : i32
        %dma_start3A_148 = tpu.memref_slice %arg8[%dma_start3A_146, %dma_start3A_147] : memref<10112x128xf32, #tpu.memory_space<vmem_shared>> -> memref<10112x128xf32, #tpu.memory_space<vmem_shared>>
        tpu.enqueue_indirect_dma source(%arg15 : memref<128x128xf32, #tpu.memory_space<vmem>>) target(%dma_start3A_148 : memref<10112x128xf32, #tpu.memory_space<vmem_shared>>) offsets(%arg13 : memref<128xi32, #tpu.memory_space<vmem>>) semaphore(%arg23 : memref<!tpu.dma_semaphore, #tpu.memory_space<semaphore_mem>>) {add = true}
        %add3A_149 = arith.constant 3 : i32
        %add3A_150 = arith.addi %mul3A_64, %add3A_149 : i32
        %add3A_151 = arith.addi %mul3A_12, %add3A_150 : i32
        %mul3A_152 = arith.constant 128 : i32
        %mul3A_153 = arith.muli %add3A_151, %mul3A_152 : i32
        %dma_wait3A_154 = tpu.memref_slice %arg4[%mul3A_153] : memref<327680xi32, #tpu.memory_space<hbm>> -> memref<128xi32, #tpu.memory_space<hbm>>
        %dma_wait3A_155 = tpu.memref_slice %arg4[%mul3A_153] : memref<327680xi32, #tpu.memory_space<hbm>> -> memref<128xi32, #tpu.memory_space<hbm>>
        tpu.wait_dma2 semaphore(%arg20 : memref<!tpu.dma_semaphore, #tpu.memory_space<semaphore_mem>>) src(%dma_wait3A_155 : memref<128xi32, #tpu.memory_space<hbm>>) dst(%arg10 : memref<128xi32, #tpu.memory_space<vmem>>)
        %add3A_156 = arith.addi %mul3A_12, %add3A_150 : i32
        %mul3A_157 = arith.constant 128 : i32
        %mul3A_158 = arith.muli %add3A_156, %mul3A_157 : i32
        %dma_wait3A_159 = tpu.memref_slice %arg5[%mul3A_158] : memref<327680xi32, #tpu.memory_space<hbm>> -> memref<128xi32, #tpu.memory_space<hbm>>
        %dma_wait3A_160 = tpu.memref_slice %arg5[%mul3A_158] : memref<327680xi32, #tpu.memory_space<hbm>> -> memref<128xi32, #tpu.memory_space<hbm>>
        tpu.wait_dma2 semaphore(%arg20 : memref<!tpu.dma_semaphore, #tpu.memory_space<semaphore_mem>>) src(%dma_wait3A_160 : memref<128xi32, #tpu.memory_space<hbm>>) dst(%arg14 : memref<128xi32, #tpu.memory_space<vmem>>)
        %dma_start3A_161 = arith.constant 0 : i32
        %dma_start3A_162 = arith.constant 0 : i32
        %dma_start3A_163 = tpu.memref_slice %arg3[%dma_start3A_161, %dma_start3A_162] : memref<10000x128xf32, #tpu.memory_space<hbm>> -> memref<10000x128xf32, #tpu.memory_space<hbm>>
        tpu.enqueue_indirect_dma source(%dma_start3A_163 : memref<10000x128xf32, #tpu.memory_space<hbm>>) target(%arg16 : memref<128x128xf32, #tpu.memory_space<vmem>>) offsets(%arg10 : memref<128xi32, #tpu.memory_space<vmem>>) semaphore(%arg18 : memref<!tpu.dma_semaphore, #tpu.memory_space<semaphore_mem>>)
        %lt3A = arith.constant 160 : i32
        %lt3A_164 = arith.cmpi slt, %add3A_66, %lt3A : i32
        %convert_element_type3A_165 = arith.extui %lt3A_164 : i1 to i32
        %cond3A_166 = arith.constant 0 : i32
        %cond3A_167 = arith.cmpi ne, %convert_element_type3A_165, %cond3A_166 : i32
        scf.if %cond3A_167 {
          %add3A_189 = arith.addi %mul3A_12, %add3A_66 : i32
          %mul3A_190 = arith.constant 128 : i32
          %mul3A_191 = arith.muli %add3A_189, %mul3A_190 : i32
          %dma_start3A_192 = tpu.memref_slice %arg4[%mul3A_191] : memref<327680xi32, #tpu.memory_space<hbm>> -> memref<128xi32, #tpu.memory_space<hbm>>
          %dma_start3A_193 = tpu.memref_slice %arg4[%mul3A_191] : memref<327680xi32, #tpu.memory_space<hbm>> -> memref<128xi32, #tpu.memory_space<hbm>>
          tpu.enqueue_dma source(%dma_start3A_193 : memref<128xi32, #tpu.memory_space<hbm>>) target(%arg9 : memref<128xi32, #tpu.memory_space<vmem>>) target_semaphore(%arg19 : memref<!tpu.dma_semaphore, #tpu.memory_space<semaphore_mem>>)
          %add3A_194 = arith.addi %mul3A_12, %add3A_66 : i32
          %mul3A_195 = arith.constant 128 : i32
          %mul3A_196 = arith.muli %add3A_194, %mul3A_195 : i32
          %dma_start3A_197 = tpu.memref_slice %arg5[%mul3A_196] : memref<327680xi32, #tpu.memory_space<hbm>> -> memref<128xi32, #tpu.memory_space<hbm>>
          %dma_start3A_198 = tpu.memref_slice %arg5[%mul3A_196] : memref<327680xi32, #tpu.memory_space<hbm>> -> memref<128xi32, #tpu.memory_space<hbm>>
          tpu.enqueue_dma source(%dma_start3A_198 : memref<128xi32, #tpu.memory_space<hbm>>) target(%arg11 : memref<128xi32, #tpu.memory_space<vmem>>) target_semaphore(%arg19 : memref<!tpu.dma_semaphore, #tpu.memory_space<semaphore_mem>>)
        } else {
        }
        %dma_wait3A_168 = arith.constant 0 : i32
        %dma_wait3A_169 = arith.constant 0 : i32
        %dma_wait3A_170 = tpu.memref_slice %arg8[%dma_wait3A_168, %dma_wait3A_169] : memref<10112x128xf32, #tpu.memory_space<vmem_shared>> -> memref<10112x128xf32, #tpu.memory_space<vmem_shared>>
        tpu.wait_indirect_dma semaphore(%arg23 : memref<!tpu.dma_semaphore, #tpu.memory_space<semaphore_mem>>) src(%arg15 : memref<128x128xf32, #tpu.memory_space<vmem>>) dst(%dma_wait3A_170 : memref<10112x128xf32, #tpu.memory_space<vmem_shared>>)
        %dma_wait3A_171 = arith.constant 0 : i32
        %dma_wait3A_172 = arith.constant 0 : i32
        %dma_wait3A_173 = tpu.memref_slice %arg3[%dma_wait3A_171, %dma_wait3A_172] : memref<10000x128xf32, #tpu.memory_space<hbm>> -> memref<10000x128xf32, #tpu.memory_space<hbm>>
        tpu.wait_indirect_dma semaphore(%arg18 : memref<!tpu.dma_semaphore, #tpu.memory_space<semaphore_mem>>) src(%dma_wait3A_173 : memref<10000x128xf32, #tpu.memory_space<hbm>>) dst(%arg16 : memref<128x128xf32, #tpu.memory_space<vmem>>)
        %dma_start3A_174 = arith.constant 0 : i32
        %dma_start3A_175 = arith.constant 0 : i32
        %dma_start3A_176 = tpu.memref_slice %arg8[%dma_start3A_174, %dma_start3A_175] : memref<10112x128xf32, #tpu.memory_space<vmem_shared>> -> memref<10112x128xf32, #tpu.memory_space<vmem_shared>>
        tpu.enqueue_indirect_dma source(%arg16 : memref<128x128xf32, #tpu.memory_space<vmem>>) target(%dma_start3A_176 : memref<10112x128xf32, #tpu.memory_space<vmem_shared>>) offsets(%arg14 : memref<128xi32, #tpu.memory_space<vmem>>) semaphore(%arg24 : memref<!tpu.dma_semaphore, #tpu.memory_space<semaphore_mem>>) {add = true}
        %lt3A_177 = arith.constant 160 : i32
        %lt3A_178 = arith.cmpi slt, %add3A_66, %lt3A_177 : i32
        %convert_element_type3A_179 = arith.extui %lt3A_178 : i1 to i32
        %cond3A_180 = arith.constant 0 : i32
        %cond3A_181 = arith.cmpi ne, %convert_element_type3A_179, %cond3A_180 : i32
        scf.if %cond3A_181 {
          %add3A_189 = arith.addi %mul3A_12, %add3A_66 : i32
          %mul3A_190 = arith.constant 128 : i32
          %mul3A_191 = arith.muli %add3A_189, %mul3A_190 : i32
          %dma_wait3A_192 = tpu.memref_slice %arg4[%mul3A_191] : memref<327680xi32, #tpu.memory_space<hbm>> -> memref<128xi32, #tpu.memory_space<hbm>>
          %dma_wait3A_193 = tpu.memref_slice %arg4[%mul3A_191] : memref<327680xi32, #tpu.memory_space<hbm>> -> memref<128xi32, #tpu.memory_space<hbm>>
          tpu.wait_dma2 semaphore(%arg19 : memref<!tpu.dma_semaphore, #tpu.memory_space<semaphore_mem>>) src(%dma_wait3A_193 : memref<128xi32, #tpu.memory_space<hbm>>) dst(%arg9 : memref<128xi32, #tpu.memory_space<vmem>>)
          %add3A_194 = arith.addi %mul3A_12, %add3A_66 : i32
          %mul3A_195 = arith.constant 128 : i32
          %mul3A_196 = arith.muli %add3A_194, %mul3A_195 : i32
          %dma_wait3A_197 = tpu.memref_slice %arg5[%mul3A_196] : memref<327680xi32, #tpu.memory_space<hbm>> -> memref<128xi32, #tpu.memory_space<hbm>>
          %dma_wait3A_198 = tpu.memref_slice %arg5[%mul3A_196] : memref<327680xi32, #tpu.memory_space<hbm>> -> memref<128xi32, #tpu.memory_space<hbm>>
          tpu.wait_dma2 semaphore(%arg19 : memref<!tpu.dma_semaphore, #tpu.memory_space<semaphore_mem>>) src(%dma_wait3A_198 : memref<128xi32, #tpu.memory_space<hbm>>) dst(%arg11 : memref<128xi32, #tpu.memory_space<vmem>>)
          %dma_start3A_199 = arith.constant 0 : i32
          %dma_start3A_200 = arith.constant 0 : i32
          %dma_start3A_201 = tpu.memref_slice %arg3[%dma_start3A_199, %dma_start3A_200] : memref<10000x128xf32, #tpu.memory_space<hbm>> -> memref<10000x128xf32, #tpu.memory_space<hbm>>
          tpu.enqueue_indirect_dma source(%dma_start3A_201 : memref<10000x128xf32, #tpu.memory_space<hbm>>) target(%arg15 : memref<128x128xf32, #tpu.memory_space<vmem>>) offsets(%arg9 : memref<128xi32, #tpu.memory_space<vmem>>) semaphore(%arg17 : memref<!tpu.dma_semaphore, #tpu.memory_space<semaphore_mem>>)
        } else {
        }
        %add3A_182 = arith.constant 1 : i32
        %add3A_183 = arith.addi %add3A_66, %add3A_182 : i32
        %lt3A_184 = arith.constant 160 : i32
        %lt3A_185 = arith.cmpi slt, %add3A_183, %lt3A_184 : i32
        %convert_element_type3A_186 = arith.extui %lt3A_185 : i1 to i32
        %cond3A_187 = arith.constant 0 : i32
        %cond3A_188 = arith.cmpi ne, %convert_element_type3A_186, %cond3A_187 : i32
        scf.if %cond3A_188 {
          %add3A_189 = arith.constant 1 : i32
          %add3A_190 = arith.addi %add3A_66, %add3A_189 : i32
          %add3A_191 = arith.addi %mul3A_12, %add3A_190 : i32
          %mul3A_192 = arith.constant 128 : i32
          %mul3A_193 = arith.muli %add3A_191, %mul3A_192 : i32
          %dma_start3A_194 = tpu.memref_slice %arg4[%mul3A_193] : memref<327680xi32, #tpu.memory_space<hbm>> -> memref<128xi32, #tpu.memory_space<hbm>>
          %dma_start3A_195 = tpu.memref_slice %arg4[%mul3A_193] : memref<327680xi32, #tpu.memory_space<hbm>> -> memref<128xi32, #tpu.memory_space<hbm>>
          tpu.enqueue_dma source(%dma_start3A_195 : memref<128xi32, #tpu.memory_space<hbm>>) target(%arg10 : memref<128xi32, #tpu.memory_space<vmem>>) target_semaphore(%arg20 : memref<!tpu.dma_semaphore, #tpu.memory_space<semaphore_mem>>)
          %add3A_196 = arith.addi %mul3A_12, %add3A_190 : i32
          %mul3A_197 = arith.constant 128 : i32
          %mul3A_198 = arith.muli %add3A_196, %mul3A_197 : i32
          %dma_start3A_199 = tpu.memref_slice %arg5[%mul3A_198] : memref<327680xi32, #tpu.memory_space<hbm>> -> memref<128xi32, #tpu.memory_space<hbm>>
          %dma_start3A_200 = tpu.memref_slice %arg5[%mul3A_198] : memref<327680xi32, #tpu.memory_space<hbm>> -> memref<128xi32, #tpu.memory_space<hbm>>
          tpu.enqueue_dma source(%dma_start3A_200 : memref<128xi32, #tpu.memory_space<hbm>>) target(%arg12 : memref<128xi32, #tpu.memory_space<vmem>>) target_semaphore(%arg20 : memref<!tpu.dma_semaphore, #tpu.memory_space<semaphore_mem>>)
        } else {
        }
      }
      %scan3A_53 = arith.constant 40 : i32
      %dma_wait3A_54 = arith.constant 0 : i32
      %dma_wait3A_55 = arith.constant 0 : i32
      %dma_wait3A_56 = tpu.memref_slice %arg8[%dma_wait3A_54, %dma_wait3A_55] : memref<10112x128xf32, #tpu.memory_space<vmem_shared>> -> memref<10112x128xf32, #tpu.memory_space<vmem_shared>>
      tpu.wait_indirect_dma semaphore(%arg24 : memref<!tpu.dma_semaphore, #tpu.memory_space<semaphore_mem>>) src(%arg16 : memref<128x128xf32, #tpu.memory_space<vmem>>) dst(%dma_wait3A_56 : memref<10112x128xf32, #tpu.memory_space<vmem_shared>>)
      %barrier3A_57 = arith.constant 0 : index
      tpu.barrier barrier_id(%barrier3A_57)
      %mul3A_58 = arith.constant 632 : i32
      %mul3A_59 = arith.muli %arg1, %mul3A_58 : i32
      %mul3A_60 = arith.constant 632 : i32
      %mul3A_61 = arith.muli %arg1, %mul3A_60 : i32
      "tpu.region"() ({
        %run_scoped3A = tpu.sem_alloc : memref<!tpu.dma_semaphore, #tpu.memory_space<semaphore_mem>>
        %dma_start3A_62 = arith.constant 0 : i32
        %dma_start3A_63 = tpu.memref_slice %arg7[%mul3A_61, %dma_start3A_62] : memref<10112x128xf32, #tpu.memory_space<hbm>> -> memref<632x128xf32, #tpu.memory_space<hbm>>
        %dma_start3A_64 = arith.constant 0 : i32
        %dma_start3A_65 = tpu.memref_slice %arg8[%mul3A_59, %dma_start3A_64] : memref<10112x128xf32, #tpu.memory_space<vmem_shared>> -> memref<632x128xf32, #tpu.memory_space<vmem_shared>>
        tpu.enqueue_dma source(%dma_start3A_65 : memref<632x128xf32, #tpu.memory_space<vmem_shared>>) target(%dma_start3A_63 : memref<632x128xf32, #tpu.memory_space<hbm>>) target_semaphore(%run_scoped3A : memref<!tpu.dma_semaphore, #tpu.memory_space<semaphore_mem>>)
        %dma_wait3A_66 = arith.constant 0 : i32
        %dma_wait3A_67 = tpu.memref_slice %arg7[%mul3A_61, %dma_wait3A_66] : memref<10112x128xf32, #tpu.memory_space<hbm>> -> memref<632x128xf32, #tpu.memory_space<hbm>>
        %dma_wait3A_68 = arith.constant 0 : i32
        %dma_wait3A_69 = tpu.memref_slice %arg8[%mul3A_59, %dma_wait3A_68] : memref<10112x128xf32, #tpu.memory_space<vmem_shared>> -> memref<632x128xf32, #tpu.memory_space<vmem_shared>>
        tpu.wait_dma2 semaphore(%run_scoped3A : memref<!tpu.dma_semaphore, #tpu.memory_space<semaphore_mem>>) src(%dma_wait3A_69 : memref<632x128xf32, #tpu.memory_space<vmem_shared>>) dst(%dma_wait3A_67 : memref<632x128xf32, #tpu.memory_space<hbm>>)
        tpu.yield
      }) : () -> ()
    } else {
    }
    return
  }
}

#map = affine_map<(d0, d1) -> (0, 0)>
#map1 = affine_map<(d0, d1) -> (0)>
module attributes {stable_mosaic.version = 14 : i64} {
  func.func @agg(%arg0: i32, %arg1: i32, %arg2: memref<10000x128xf32, #tpu.memory_space<hbm>>, %arg3: memref<10000x128xf32, #tpu.memory_space<hbm>>, %arg4: memref<327680xi32, #tpu.memory_space<hbm>>, %arg5: memref<327680xi32, #tpu.memory_space<hbm>>, %arg6: memref<10112x128xf32, #tpu.memory_space<hbm>>, %arg7: memref<10112x128xf32, #tpu.memory_space<hbm>>, %arg8: memref<10112x128xf32, #tpu.memory_space<vmem_shared>>, %arg9: memref<128xi32, #tpu.memory_space<vmem>>, %arg10: memref<128xi32, #tpu.memory_space<vmem>>, %arg11: memref<128xi32, #tpu.memory_space<vmem>>, %arg12: memref<128xi32, #tpu.memory_space<vmem>>, %arg13: memref<128xi32, #tpu.memory_space<vmem>>, %arg14: memref<128xi32, #tpu.memory_space<vmem>>, %arg15: memref<128x128xf32, #tpu.memory_space<vmem>>, %arg16: memref<128x128xf32, #tpu.memory_space<vmem>>, %arg17: memref<!tpu.dma_semaphore, #tpu.memory_space<semaphore_mem>>, %arg18: memref<!tpu.dma_semaphore, #tpu.memory_space<semaphore_mem>>, %arg19: memref<!tpu.dma_semaphore, #tpu.memory_space<semaphore_mem>>, %arg20: memref<!tpu.dma_semaphore, #tpu.memory_space<semaphore_mem>>, %arg21: memref<!tpu.dma_semaphore, #tpu.memory_space<semaphore_mem>>, %arg22: memref<!tpu.dma_semaphore, #tpu.memory_space<semaphore_mem>>, %arg23: memref<!tpu.dma_semaphore, #tpu.memory_space<semaphore_mem>>, %arg24: memref<!tpu.dma_semaphore, #tpu.memory_space<semaphore_mem>>) attributes {dimension_semantics = [#tpu.dimension_semantics<core_parallel>, #tpu.dimension_semantics<subcore_parallel>], iteration_bounds = array<i64: 2, 16>, scalar_prefetch = 0 : i64, scratch_operands = 17 : i64, tpu.core_type = #tpu.core_type<sc_vector_subcore>, window_params = [{transform_indices = #map}, {transform_indices = #map}, {transform_indices = #map1}, {transform_indices = #map1}, {transform_indices = #map}, {transform_indices = #map}]} {
    %eq3A = arith.constant 0 : i32
    %eq3A_0 = arith.cmpi eq, %arg0, %eq3A : i32
    %convert_element_type3A = arith.extui %eq3A_0 : i1 to i32
    %cond3A = arith.constant 0 : i32
    %cond3A_1 = arith.cmpi ne, %convert_element_type3A, %cond3A : i32
    scf.if %cond3A_1 {
      %eq3A_7 = arith.constant 0 : i32
      %eq3A_8 = arith.cmpi eq, %arg1, %eq3A_7 : i32
      %convert_element_type3A_9 = arith.extui %eq3A_8 : i1 to i32
      %cond3A_10 = arith.constant 0 : i32
      %cond3A_11 = arith.cmpi ne, %convert_element_type3A_9, %cond3A_10 : i32
      scf.if %cond3A_11 {
        "tpu.region"() ({
          %run_scoped3A = tpu.sem_alloc : memref<!tpu.dma_semaphore, #tpu.memory_space<semaphore_mem>>
          %dma_start3A_62 = arith.constant 0 : i32
          %dma_start3A_63 = arith.constant 0 : i32
          %dma_start3A_64 = tpu.memref_slice %arg8[%dma_start3A_62, %dma_start3A_63] : memref<10112x128xf32, #tpu.memory_space<vmem_shared>> -> memref<10000x128xf32, #tpu.memory_space<vmem_shared>>
          tpu.enqueue_dma source(%arg2 : memref<10000x128xf32, #tpu.memory_space<hbm>>) target(%dma_start3A_64 : memref<10000x128xf32, #tpu.memory_space<vmem_shared>>) target_semaphore(%run_scoped3A : memref<!tpu.dma_semaphore, #tpu.memory_space<semaphore_mem>>)
          %dma_wait3A_65 = arith.constant 0 : i32
          %dma_wait3A_66 = arith.constant 0 : i32
          %dma_wait3A_67 = tpu.memref_slice %arg8[%dma_wait3A_65, %dma_wait3A_66] : memref<10112x128xf32, #tpu.memory_space<vmem_shared>> -> memref<10000x128xf32, #tpu.memory_space<vmem_shared>>
          tpu.wait_dma2 semaphore(%run_scoped3A : memref<!tpu.dma_semaphore, #tpu.memory_space<semaphore_mem>>) src(%arg2 : memref<10000x128xf32, #tpu.memory_space<hbm>>) dst(%dma_wait3A_67 : memref<10000x128xf32, #tpu.memory_space<vmem_shared>>)
          tpu.yield
        }) : () -> ()
      } else {
      }
      %barrier3A = arith.constant 0 : index
      tpu.barrier barrier_id(%barrier3A)
      %mul3A = arith.constant 160 : i32
      %mul3A_12 = arith.muli %arg1, %mul3A : i32
      %add3A = arith.constant 0 : i32
      %add3A_13 = arith.addi %mul3A_12, %add3A : i32
      %mul3A_14 = arith.constant 128 : i32
      %mul3A_15 = arith.muli %add3A_13, %mul3A_14 : i32
      %dma_start3A = tpu.memref_slice %arg4[%mul3A_15] : memref<327680xi32, #tpu.memory_space<hbm>> -> memref<128xi32, #tpu.memory_space<hbm>>
      %dma_start3A_16 = tpu.memref_slice %arg4[%mul3A_15] : memref<327680xi32, #tpu.memory_space<hbm>> -> memref<128xi32, #tpu.memory_space<hbm>>
      tpu.enqueue_dma source(%dma_start3A_16 : memref<128xi32, #tpu.memory_space<hbm>>) target(%arg9 : memref<128xi32, #tpu.memory_space<vmem>>) target_semaphore(%arg19 : memref<!tpu.dma_semaphore, #tpu.memory_space<semaphore_mem>>)
      %add3A_17 = arith.constant 0 : i32
      %add3A_18 = arith.addi %mul3A_12, %add3A_17 : i32
      %mul3A_19 = arith.constant 128 : i32
      %mul3A_20 = arith.muli %add3A_18, %mul3A_19 : i32
      %dma_start3A_21 = tpu.memref_slice %arg5[%mul3A_20] : memref<327680xi32, #tpu.memory_space<hbm>> -> memref<128xi32, #tpu.memory_space<hbm>>
      %dma_start3A_22 = tpu.memref_slice %arg5[%mul3A_20] : memref<327680xi32, #tpu.memory_space<hbm>> -> memref<128xi32, #tpu.memory_space<hbm>>
      tpu.enqueue_dma source(%dma_start3A_22 : memref<128xi32, #tpu.memory_space<hbm>>) target(%arg11 : memref<128xi32, #tpu.memory_space<vmem>>) target_semaphore(%arg19 : memref<!tpu.dma_semaphore, #tpu.memory_space<semaphore_mem>>)
      %add3A_23 = arith.constant 0 : i32
      %add3A_24 = arith.addi %mul3A_12, %add3A_23 : i32
      %mul3A_25 = arith.constant 128 : i32
      %mul3A_26 = arith.muli %add3A_24, %mul3A_25 : i32
      %dma_wait3A = tpu.memref_slice %arg4[%mul3A_26] : memref<327680xi32, #tpu.memory_space<hbm>> -> memref<128xi32, #tpu.memory_space<hbm>>
      %dma_wait3A_27 = tpu.memref_slice %arg4[%mul3A_26] : memref<327680xi32, #tpu.memory_space<hbm>> -> memref<128xi32, #tpu.memory_space<hbm>>
      tpu.wait_dma2 semaphore(%arg19 : memref<!tpu.dma_semaphore, #tpu.memory_space<semaphore_mem>>) src(%dma_wait3A_27 : memref<128xi32, #tpu.memory_space<hbm>>) dst(%arg9 : memref<128xi32, #tpu.memory_space<vmem>>)
      %add3A_28 = arith.constant 0 : i32
      %add3A_29 = arith.addi %mul3A_12, %add3A_28 : i32
      %mul3A_30 = arith.constant 128 : i32
      %mul3A_31 = arith.muli %add3A_29, %mul3A_30 : i32
      %dma_wait3A_32 = tpu.memref_slice %arg5[%mul3A_31] : memref<327680xi32, #tpu.memory_space<hbm>> -> memref<128xi32, #tpu.memory_space<hbm>>
      %dma_wait3A_33 = tpu.memref_slice %arg5[%mul3A_31] : memref<327680xi32, #tpu.memory_space<hbm>> -> memref<128xi32, #tpu.memory_space<hbm>>
      tpu.wait_dma2 semaphore(%arg19 : memref<!tpu.dma_semaphore, #tpu.memory_space<semaphore_mem>>) src(%dma_wait3A_33 : memref<128xi32, #tpu.memory_space<hbm>>) dst(%arg11 : memref<128xi32, #tpu.memory_space<vmem>>)
      %dma_start3A_34 = arith.constant 0 : i32
      %dma_start3A_35 = arith.constant 0 : i32
      %dma_start3A_36 = tpu.memref_slice %arg2[%dma_start3A_34, %dma_start3A_35] : memref<10000x128xf32, #tpu.memory_space<hbm>> -> memref<10000x128xf32, #tpu.memory_space<hbm>>
      tpu.enqueue_indirect_dma source(%dma_start3A_36 : memref<10000x128xf32, #tpu.memory_space<hbm>>) target(%arg15 : memref<128x128xf32, #tpu.memory_space<vmem>>) offsets(%arg9 : memref<128xi32, #tpu.memory_space<vmem>>) semaphore(%arg17 : memref<!tpu.dma_semaphore, #tpu.memory_space<semaphore_mem>>)
      %add3A_37 = arith.constant 1 : i32
      %add3A_38 = arith.addi %mul3A_12, %add3A_37 : i32
      %mul3A_39 = arith.constant 128 : i32
      %mul3A_40 = arith.muli %add3A_38, %mul3A_39 : i32
      %dma_start3A_41 = tpu.memref_slice %arg4[%mul3A_40] : memref<327680xi32, #tpu.memory_space<hbm>> -> memref<128xi32, #tpu.memory_space<hbm>>
      %dma_start3A_42 = tpu.memref_slice %arg4[%mul3A_40] : memref<327680xi32, #tpu.memory_space<hbm>> -> memref<128xi32, #tpu.memory_space<hbm>>
      tpu.enqueue_dma source(%dma_start3A_42 : memref<128xi32, #tpu.memory_space<hbm>>) target(%arg10 : memref<128xi32, #tpu.memory_space<vmem>>) target_semaphore(%arg20 : memref<!tpu.dma_semaphore, #tpu.memory_space<semaphore_mem>>)
      %add3A_43 = arith.constant 1 : i32
      %add3A_44 = arith.addi %mul3A_12, %add3A_43 : i32
      %mul3A_45 = arith.constant 128 : i32
      %mul3A_46 = arith.muli %add3A_44, %mul3A_45 : i32
      %dma_start3A_47 = tpu.memref_slice %arg5[%mul3A_46] : memref<327680xi32, #tpu.memory_space<hbm>> -> memref<128xi32, #tpu.memory_space<hbm>>
      %dma_start3A_48 = tpu.memref_slice %arg5[%mul3A_46] : memref<327680xi32, #tpu.memory_space<hbm>> -> memref<128xi32, #tpu.memory_space<hbm>>
      tpu.enqueue_dma source(%dma_start3A_48 : memref<128xi32, #tpu.memory_space<hbm>>) target(%arg12 : memref<128xi32, #tpu.memory_space<vmem>>) target_semaphore(%arg20 : memref<!tpu.dma_semaphore, #tpu.memory_space<semaphore_mem>>)
      %scan3A = arith.constant 0 : i32
      %scan3A_49 = arith.constant 0 : i32
      %scan3A_50 = arith.constant 40 : i32
      %scan3A_51 = arith.addi %scan3A_49, %scan3A_50 : i32
      %scan3A_52 = arith.constant 1 : i32
      scf.for %scan3A_62 = %scan3A_49 to %scan3A_51 step %scan3A_52  : i32 {
        %mul3A_63 = arith.constant 4 : i32
        %mul3A_64 = arith.muli %mul3A_63, %scan3A_62 : i32
        %add3A_65 = arith.constant 4 : i32
        %add3A_66 = arith.addi %mul3A_64, %add3A_65 : i32
        %gt3A = arith.constant 0 : i32
        %gt3A_67 = arith.cmpi sgt, %scan3A_62, %gt3A : i32
        %convert_element_type3A_68 = arith.extui %gt3A_67 : i1 to i32
        %cond3A_69 = arith.constant 0 : i32
        %cond3A_70 = arith.cmpi ne, %convert_element_type3A_68, %cond3A_69 : i32
        scf.if %cond3A_70 {
          %dma_wait3A_189 = arith.constant 0 : i32
          %dma_wait3A_190 = arith.constant 0 : i32
          %dma_wait3A_191 = tpu.memref_slice %arg8[%dma_wait3A_189, %dma_wait3A_190] : memref<10112x128xf32, #tpu.memory_space<vmem_shared>> -> memref<10112x128xf32, #tpu.memory_space<vmem_shared>>
          tpu.wait_indirect_dma semaphore(%arg24 : memref<!tpu.dma_semaphore, #tpu.memory_space<semaphore_mem>>) src(%arg16 : memref<128x128xf32, #tpu.memory_space<vmem>>) dst(%dma_wait3A_191 : memref<10112x128xf32, #tpu.memory_space<vmem_shared>>)
        } else {
        }
        %add3A_71 = arith.constant 1 : i32
        %add3A_72 = arith.addi %mul3A_64, %add3A_71 : i32
        %add3A_73 = arith.addi %mul3A_12, %add3A_72 : i32
        %mul3A_74 = arith.constant 128 : i32
        %mul3A_75 = arith.muli %add3A_73, %mul3A_74 : i32
        %dma_wait3A_76 = tpu.memref_slice %arg4[%mul3A_75] : memref<327680xi32, #tpu.memory_space<hbm>> -> memref<128xi32, #tpu.memory_space<hbm>>
        %dma_wait3A_77 = tpu.memref_slice %arg4[%mul3A_75] : memref<327680xi32, #tpu.memory_space<hbm>> -> memref<128xi32, #tpu.memory_space<hbm>>
        tpu.wait_dma2 semaphore(%arg20 : memref<!tpu.dma_semaphore, #tpu.memory_space<semaphore_mem>>) src(%dma_wait3A_77 : memref<128xi32, #tpu.memory_space<hbm>>) dst(%arg10 : memref<128xi32, #tpu.memory_space<vmem>>)
        %add3A_78 = arith.addi %mul3A_12, %add3A_72 : i32
        %mul3A_79 = arith.constant 128 : i32
        %mul3A_80 = arith.muli %add3A_78, %mul3A_79 : i32
        %dma_wait3A_81 = tpu.memref_slice %arg5[%mul3A_80] : memref<327680xi32, #tpu.memory_space<hbm>> -> memref<128xi32, #tpu.memory_space<hbm>>
        %dma_wait3A_82 = tpu.memref_slice %arg5[%mul3A_80] : memref<327680xi32, #tpu.memory_space<hbm>> -> memref<128xi32, #tpu.memory_space<hbm>>
        tpu.wait_dma2 semaphore(%arg20 : memref<!tpu.dma_semaphore, #tpu.memory_space<semaphore_mem>>) src(%dma_wait3A_82 : memref<128xi32, #tpu.memory_space<hbm>>) dst(%arg12 : memref<128xi32, #tpu.memory_space<vmem>>)
        %dma_start3A_83 = arith.constant 0 : i32
        %dma_start3A_84 = arith.constant 0 : i32
        %dma_start3A_85 = tpu.memref_slice %arg2[%dma_start3A_83, %dma_start3A_84] : memref<10000x128xf32, #tpu.memory_space<hbm>> -> memref<10000x128xf32, #tpu.memory_space<hbm>>
        tpu.enqueue_indirect_dma source(%dma_start3A_85 : memref<10000x128xf32, #tpu.memory_space<hbm>>) target(%arg16 : memref<128x128xf32, #tpu.memory_space<vmem>>) offsets(%arg10 : memref<128xi32, #tpu.memory_space<vmem>>) semaphore(%arg18 : memref<!tpu.dma_semaphore, #tpu.memory_space<semaphore_mem>>)
        %dma_wait3A_86 = arith.constant 0 : i32
        %dma_wait3A_87 = arith.constant 0 : i32
        %dma_wait3A_88 = tpu.memref_slice %arg2[%dma_wait3A_86, %dma_wait3A_87] : memref<10000x128xf32, #tpu.memory_space<hbm>> -> memref<10000x128xf32, #tpu.memory_space<hbm>>
        tpu.wait_indirect_dma semaphore(%arg17 : memref<!tpu.dma_semaphore, #tpu.memory_space<semaphore_mem>>) src(%dma_wait3A_88 : memref<10000x128xf32, #tpu.memory_space<hbm>>) dst(%arg15 : memref<128x128xf32, #tpu.memory_space<vmem>>)
        %dma_start3A_89 = arith.constant 0 : i32
        %dma_start3A_90 = arith.constant 0 : i32
        %dma_start3A_91 = tpu.memref_slice %arg8[%dma_start3A_89, %dma_start3A_90] : memref<10112x128xf32, #tpu.memory_space<vmem_shared>> -> memref<10112x128xf32, #tpu.memory_space<vmem_shared>>
        tpu.enqueue_indirect_dma source(%arg15 : memref<128x128xf32, #tpu.memory_space<vmem>>) target(%dma_start3A_91 : memref<10112x128xf32, #tpu.memory_space<vmem_shared>>) offsets(%arg11 : memref<128xi32, #tpu.memory_space<vmem>>) semaphore(%arg21 : memref<!tpu.dma_semaphore, #tpu.memory_space<semaphore_mem>>) {add = true}
        %add3A_92 = arith.constant 2 : i32
        %add3A_93 = arith.addi %mul3A_64, %add3A_92 : i32
        %add3A_94 = arith.addi %mul3A_12, %add3A_93 : i32
        %mul3A_95 = arith.constant 128 : i32
        %mul3A_96 = arith.muli %add3A_94, %mul3A_95 : i32
        %dma_start3A_97 = tpu.memref_slice %arg4[%mul3A_96] : memref<327680xi32, #tpu.memory_space<hbm>> -> memref<128xi32, #tpu.memory_space<hbm>>
        %dma_start3A_98 = tpu.memref_slice %arg4[%mul3A_96] : memref<327680xi32, #tpu.memory_space<hbm>> -> memref<128xi32, #tpu.memory_space<hbm>>
        tpu.enqueue_dma source(%dma_start3A_98 : memref<128xi32, #tpu.memory_space<hbm>>) target(%arg9 : memref<128xi32, #tpu.memory_space<vmem>>) target_semaphore(%arg19 : memref<!tpu.dma_semaphore, #tpu.memory_space<semaphore_mem>>)
        %add3A_99 = arith.addi %mul3A_12, %add3A_93 : i32
        %mul3A_100 = arith.constant 128 : i32
        %mul3A_101 = arith.muli %add3A_99, %mul3A_100 : i32
        %dma_start3A_102 = tpu.memref_slice %arg5[%mul3A_101] : memref<327680xi32, #tpu.memory_space<hbm>> -> memref<128xi32, #tpu.memory_space<hbm>>
        %dma_start3A_103 = tpu.memref_slice %arg5[%mul3A_101] : memref<327680xi32, #tpu.memory_space<hbm>> -> memref<128xi32, #tpu.memory_space<hbm>>
        tpu.enqueue_dma source(%dma_start3A_103 : memref<128xi32, #tpu.memory_space<hbm>>) target(%arg13 : memref<128xi32, #tpu.memory_space<vmem>>) target_semaphore(%arg19 : memref<!tpu.dma_semaphore, #tpu.memory_space<semaphore_mem>>)
        %dma_wait3A_104 = arith.constant 0 : i32
        %dma_wait3A_105 = arith.constant 0 : i32
        %dma_wait3A_106 = tpu.memref_slice %arg2[%dma_wait3A_104, %dma_wait3A_105] : memref<10000x128xf32, #tpu.memory_space<hbm>> -> memref<10000x128xf32, #tpu.memory_space<hbm>>
        tpu.wait_indirect_dma semaphore(%arg18 : memref<!tpu.dma_semaphore, #tpu.memory_space<semaphore_mem>>) src(%dma_wait3A_106 : memref<10000x128xf32, #tpu.memory_space<hbm>>) dst(%arg16 : memref<128x128xf32, #tpu.memory_space<vmem>>)
        %dma_start3A_107 = arith.constant 0 : i32
        %dma_start3A_108 = arith.constant 0 : i32
        %dma_start3A_109 = tpu.memref_slice %arg8[%dma_start3A_107, %dma_start3A_108] : memref<10112x128xf32, #tpu.memory_space<vmem_shared>> -> memref<10112x128xf32, #tpu.memory_space<vmem_shared>>
        tpu.enqueue_indirect_dma source(%arg16 : memref<128x128xf32, #tpu.memory_space<vmem>>) target(%dma_start3A_109 : memref<10112x128xf32, #tpu.memory_space<vmem_shared>>) offsets(%arg12 : memref<128xi32, #tpu.memory_space<vmem>>) semaphore(%arg22 : memref<!tpu.dma_semaphore, #tpu.memory_space<semaphore_mem>>) {add = true}
        %dma_wait3A_110 = arith.constant 0 : i32
        %dma_wait3A_111 = arith.constant 0 : i32
        %dma_wait3A_112 = tpu.memref_slice %arg8[%dma_wait3A_110, %dma_wait3A_111] : memref<10112x128xf32, #tpu.memory_space<vmem_shared>> -> memref<10112x128xf32, #tpu.memory_space<vmem_shared>>
        tpu.wait_indirect_dma semaphore(%arg21 : memref<!tpu.dma_semaphore, #tpu.memory_space<semaphore_mem>>) src(%arg15 : memref<128x128xf32, #tpu.memory_space<vmem>>) dst(%dma_wait3A_112 : memref<10112x128xf32, #tpu.memory_space<vmem_shared>>)
        %add3A_113 = arith.constant 2 : i32
        %add3A_114 = arith.addi %mul3A_64, %add3A_113 : i32
        %add3A_115 = arith.addi %mul3A_12, %add3A_114 : i32
        %mul3A_116 = arith.constant 128 : i32
        %mul3A_117 = arith.muli %add3A_115, %mul3A_116 : i32
        %dma_wait3A_118 = tpu.memref_slice %arg4[%mul3A_117] : memref<327680xi32, #tpu.memory_space<hbm>> -> memref<128xi32, #tpu.memory_space<hbm>>
        %dma_wait3A_119 = tpu.memref_slice %arg4[%mul3A_117] : memref<327680xi32, #tpu.memory_space<hbm>> -> memref<128xi32, #tpu.memory_space<hbm>>
        tpu.wait_dma2 semaphore(%arg19 : memref<!tpu.dma_semaphore, #tpu.memory_space<semaphore_mem>>) src(%dma_wait3A_119 : memref<128xi32, #tpu.memory_space<hbm>>) dst(%arg9 : memref<128xi32, #tpu.memory_space<vmem>>)
        %add3A_120 = arith.addi %mul3A_12, %add3A_114 : i32
        %mul3A_121 = arith.constant 128 : i32
        %mul3A_122 = arith.muli %add3A_120, %mul3A_121 : i32
        %dma_wait3A_123 = tpu.memref_slice %arg5[%mul3A_122] : memref<327680xi32, #tpu.memory_space<hbm>> -> memref<128xi32, #tpu.memory_space<hbm>>
        %dma_wait3A_124 = tpu.memref_slice %arg5[%mul3A_122] : memref<327680xi32, #tpu.memory_space<hbm>> -> memref<128xi32, #tpu.memory_space<hbm>>
        tpu.wait_dma2 semaphore(%arg19 : memref<!tpu.dma_semaphore, #tpu.memory_space<semaphore_mem>>) src(%dma_wait3A_124 : memref<128xi32, #tpu.memory_space<hbm>>) dst(%arg13 : memref<128xi32, #tpu.memory_space<vmem>>)
        %dma_start3A_125 = arith.constant 0 : i32
        %dma_start3A_126 = arith.constant 0 : i32
        %dma_start3A_127 = tpu.memref_slice %arg2[%dma_start3A_125, %dma_start3A_126] : memref<10000x128xf32, #tpu.memory_space<hbm>> -> memref<10000x128xf32, #tpu.memory_space<hbm>>
        tpu.enqueue_indirect_dma source(%dma_start3A_127 : memref<10000x128xf32, #tpu.memory_space<hbm>>) target(%arg15 : memref<128x128xf32, #tpu.memory_space<vmem>>) offsets(%arg9 : memref<128xi32, #tpu.memory_space<vmem>>) semaphore(%arg17 : memref<!tpu.dma_semaphore, #tpu.memory_space<semaphore_mem>>)
        %add3A_128 = arith.constant 3 : i32
        %add3A_129 = arith.addi %mul3A_64, %add3A_128 : i32
        %add3A_130 = arith.addi %mul3A_12, %add3A_129 : i32
        %mul3A_131 = arith.constant 128 : i32
        %mul3A_132 = arith.muli %add3A_130, %mul3A_131 : i32
        %dma_start3A_133 = tpu.memref_slice %arg4[%mul3A_132] : memref<327680xi32, #tpu.memory_space<hbm>> -> memref<128xi32, #tpu.memory_space<hbm>>
        %dma_start3A_134 = tpu.memref_slice %arg4[%mul3A_132] : memref<327680xi32, #tpu.memory_space<hbm>> -> memref<128xi32, #tpu.memory_space<hbm>>
        tpu.enqueue_dma source(%dma_start3A_134 : memref<128xi32, #tpu.memory_space<hbm>>) target(%arg10 : memref<128xi32, #tpu.memory_space<vmem>>) target_semaphore(%arg20 : memref<!tpu.dma_semaphore, #tpu.memory_space<semaphore_mem>>)
        %add3A_135 = arith.addi %mul3A_12, %add3A_129 : i32
        %mul3A_136 = arith.constant 128 : i32
        %mul3A_137 = arith.muli %add3A_135, %mul3A_136 : i32
        %dma_start3A_138 = tpu.memref_slice %arg5[%mul3A_137] : memref<327680xi32, #tpu.memory_space<hbm>> -> memref<128xi32, #tpu.memory_space<hbm>>
        %dma_start3A_139 = tpu.memref_slice %arg5[%mul3A_137] : memref<327680xi32, #tpu.memory_space<hbm>> -> memref<128xi32, #tpu.memory_space<hbm>>
        tpu.enqueue_dma source(%dma_start3A_139 : memref<128xi32, #tpu.memory_space<hbm>>) target(%arg14 : memref<128xi32, #tpu.memory_space<vmem>>) target_semaphore(%arg20 : memref<!tpu.dma_semaphore, #tpu.memory_space<semaphore_mem>>)
        %dma_wait3A_140 = arith.constant 0 : i32
        %dma_wait3A_141 = arith.constant 0 : i32
        %dma_wait3A_142 = tpu.memref_slice %arg8[%dma_wait3A_140, %dma_wait3A_141] : memref<10112x128xf32, #tpu.memory_space<vmem_shared>> -> memref<10112x128xf32, #tpu.memory_space<vmem_shared>>
        tpu.wait_indirect_dma semaphore(%arg22 : memref<!tpu.dma_semaphore, #tpu.memory_space<semaphore_mem>>) src(%arg16 : memref<128x128xf32, #tpu.memory_space<vmem>>) dst(%dma_wait3A_142 : memref<10112x128xf32, #tpu.memory_space<vmem_shared>>)
        %dma_wait3A_143 = arith.constant 0 : i32
        %dma_wait3A_144 = arith.constant 0 : i32
        %dma_wait3A_145 = tpu.memref_slice %arg2[%dma_wait3A_143, %dma_wait3A_144] : memref<10000x128xf32, #tpu.memory_space<hbm>> -> memref<10000x128xf32, #tpu.memory_space<hbm>>
        tpu.wait_indirect_dma semaphore(%arg17 : memref<!tpu.dma_semaphore, #tpu.memory_space<semaphore_mem>>) src(%dma_wait3A_145 : memref<10000x128xf32, #tpu.memory_space<hbm>>) dst(%arg15 : memref<128x128xf32, #tpu.memory_space<vmem>>)
        %dma_start3A_146 = arith.constant 0 : i32
        %dma_start3A_147 = arith.constant 0 : i32
        %dma_start3A_148 = tpu.memref_slice %arg8[%dma_start3A_146, %dma_start3A_147] : memref<10112x128xf32, #tpu.memory_space<vmem_shared>> -> memref<10112x128xf32, #tpu.memory_space<vmem_shared>>
        tpu.enqueue_indirect_dma source(%arg15 : memref<128x128xf32, #tpu.memory_space<vmem>>) target(%dma_start3A_148 : memref<10112x128xf32, #tpu.memory_space<vmem_shared>>) offsets(%arg13 : memref<128xi32, #tpu.memory_space<vmem>>) semaphore(%arg23 : memref<!tpu.dma_semaphore, #tpu.memory_space<semaphore_mem>>) {add = true}
        %add3A_149 = arith.constant 3 : i32
        %add3A_150 = arith.addi %mul3A_64, %add3A_149 : i32
        %add3A_151 = arith.addi %mul3A_12, %add3A_150 : i32
        %mul3A_152 = arith.constant 128 : i32
        %mul3A_153 = arith.muli %add3A_151, %mul3A_152 : i32
        %dma_wait3A_154 = tpu.memref_slice %arg4[%mul3A_153] : memref<327680xi32, #tpu.memory_space<hbm>> -> memref<128xi32, #tpu.memory_space<hbm>>
        %dma_wait3A_155 = tpu.memref_slice %arg4[%mul3A_153] : memref<327680xi32, #tpu.memory_space<hbm>> -> memref<128xi32, #tpu.memory_space<hbm>>
        tpu.wait_dma2 semaphore(%arg20 : memref<!tpu.dma_semaphore, #tpu.memory_space<semaphore_mem>>) src(%dma_wait3A_155 : memref<128xi32, #tpu.memory_space<hbm>>) dst(%arg10 : memref<128xi32, #tpu.memory_space<vmem>>)
        %add3A_156 = arith.addi %mul3A_12, %add3A_150 : i32
        %mul3A_157 = arith.constant 128 : i32
        %mul3A_158 = arith.muli %add3A_156, %mul3A_157 : i32
        %dma_wait3A_159 = tpu.memref_slice %arg5[%mul3A_158] : memref<327680xi32, #tpu.memory_space<hbm>> -> memref<128xi32, #tpu.memory_space<hbm>>
        %dma_wait3A_160 = tpu.memref_slice %arg5[%mul3A_158] : memref<327680xi32, #tpu.memory_space<hbm>> -> memref<128xi32, #tpu.memory_space<hbm>>
        tpu.wait_dma2 semaphore(%arg20 : memref<!tpu.dma_semaphore, #tpu.memory_space<semaphore_mem>>) src(%dma_wait3A_160 : memref<128xi32, #tpu.memory_space<hbm>>) dst(%arg14 : memref<128xi32, #tpu.memory_space<vmem>>)
        %dma_start3A_161 = arith.constant 0 : i32
        %dma_start3A_162 = arith.constant 0 : i32
        %dma_start3A_163 = tpu.memref_slice %arg2[%dma_start3A_161, %dma_start3A_162] : memref<10000x128xf32, #tpu.memory_space<hbm>> -> memref<10000x128xf32, #tpu.memory_space<hbm>>
        tpu.enqueue_indirect_dma source(%dma_start3A_163 : memref<10000x128xf32, #tpu.memory_space<hbm>>) target(%arg16 : memref<128x128xf32, #tpu.memory_space<vmem>>) offsets(%arg10 : memref<128xi32, #tpu.memory_space<vmem>>) semaphore(%arg18 : memref<!tpu.dma_semaphore, #tpu.memory_space<semaphore_mem>>)
        %lt3A = arith.constant 160 : i32
        %lt3A_164 = arith.cmpi slt, %add3A_66, %lt3A : i32
        %convert_element_type3A_165 = arith.extui %lt3A_164 : i1 to i32
        %cond3A_166 = arith.constant 0 : i32
        %cond3A_167 = arith.cmpi ne, %convert_element_type3A_165, %cond3A_166 : i32
        scf.if %cond3A_167 {
          %add3A_189 = arith.addi %mul3A_12, %add3A_66 : i32
          %mul3A_190 = arith.constant 128 : i32
          %mul3A_191 = arith.muli %add3A_189, %mul3A_190 : i32
          %dma_start3A_192 = tpu.memref_slice %arg4[%mul3A_191] : memref<327680xi32, #tpu.memory_space<hbm>> -> memref<128xi32, #tpu.memory_space<hbm>>
          %dma_start3A_193 = tpu.memref_slice %arg4[%mul3A_191] : memref<327680xi32, #tpu.memory_space<hbm>> -> memref<128xi32, #tpu.memory_space<hbm>>
          tpu.enqueue_dma source(%dma_start3A_193 : memref<128xi32, #tpu.memory_space<hbm>>) target(%arg9 : memref<128xi32, #tpu.memory_space<vmem>>) target_semaphore(%arg19 : memref<!tpu.dma_semaphore, #tpu.memory_space<semaphore_mem>>)
          %add3A_194 = arith.addi %mul3A_12, %add3A_66 : i32
          %mul3A_195 = arith.constant 128 : i32
          %mul3A_196 = arith.muli %add3A_194, %mul3A_195 : i32
          %dma_start3A_197 = tpu.memref_slice %arg5[%mul3A_196] : memref<327680xi32, #tpu.memory_space<hbm>> -> memref<128xi32, #tpu.memory_space<hbm>>
          %dma_start3A_198 = tpu.memref_slice %arg5[%mul3A_196] : memref<327680xi32, #tpu.memory_space<hbm>> -> memref<128xi32, #tpu.memory_space<hbm>>
          tpu.enqueue_dma source(%dma_start3A_198 : memref<128xi32, #tpu.memory_space<hbm>>) target(%arg11 : memref<128xi32, #tpu.memory_space<vmem>>) target_semaphore(%arg19 : memref<!tpu.dma_semaphore, #tpu.memory_space<semaphore_mem>>)
        } else {
        }
        %dma_wait3A_168 = arith.constant 0 : i32
        %dma_wait3A_169 = arith.constant 0 : i32
        %dma_wait3A_170 = tpu.memref_slice %arg8[%dma_wait3A_168, %dma_wait3A_169] : memref<10112x128xf32, #tpu.memory_space<vmem_shared>> -> memref<10112x128xf32, #tpu.memory_space<vmem_shared>>
        tpu.wait_indirect_dma semaphore(%arg23 : memref<!tpu.dma_semaphore, #tpu.memory_space<semaphore_mem>>) src(%arg15 : memref<128x128xf32, #tpu.memory_space<vmem>>) dst(%dma_wait3A_170 : memref<10112x128xf32, #tpu.memory_space<vmem_shared>>)
        %dma_wait3A_171 = arith.constant 0 : i32
        %dma_wait3A_172 = arith.constant 0 : i32
        %dma_wait3A_173 = tpu.memref_slice %arg2[%dma_wait3A_171, %dma_wait3A_172] : memref<10000x128xf32, #tpu.memory_space<hbm>> -> memref<10000x128xf32, #tpu.memory_space<hbm>>
        tpu.wait_indirect_dma semaphore(%arg18 : memref<!tpu.dma_semaphore, #tpu.memory_space<semaphore_mem>>) src(%dma_wait3A_173 : memref<10000x128xf32, #tpu.memory_space<hbm>>) dst(%arg16 : memref<128x128xf32, #tpu.memory_space<vmem>>)
        %dma_start3A_174 = arith.constant 0 : i32
        %dma_start3A_175 = arith.constant 0 : i32
        %dma_start3A_176 = tpu.memref_slice %arg8[%dma_start3A_174, %dma_start3A_175] : memref<10112x128xf32, #tpu.memory_space<vmem_shared>> -> memref<10112x128xf32, #tpu.memory_space<vmem_shared>>
        tpu.enqueue_indirect_dma source(%arg16 : memref<128x128xf32, #tpu.memory_space<vmem>>) target(%dma_start3A_176 : memref<10112x128xf32, #tpu.memory_space<vmem_shared>>) offsets(%arg14 : memref<128xi32, #tpu.memory_space<vmem>>) semaphore(%arg24 : memref<!tpu.dma_semaphore, #tpu.memory_space<semaphore_mem>>) {add = true}
        %lt3A_177 = arith.constant 160 : i32
        %lt3A_178 = arith.cmpi slt, %add3A_66, %lt3A_177 : i32
        %convert_element_type3A_179 = arith.extui %lt3A_178 : i1 to i32
        %cond3A_180 = arith.constant 0 : i32
        %cond3A_181 = arith.cmpi ne, %convert_element_type3A_179, %cond3A_180 : i32
        scf.if %cond3A_181 {
          %add3A_189 = arith.addi %mul3A_12, %add3A_66 : i32
          %mul3A_190 = arith.constant 128 : i32
          %mul3A_191 = arith.muli %add3A_189, %mul3A_190 : i32
          %dma_wait3A_192 = tpu.memref_slice %arg4[%mul3A_191] : memref<327680xi32, #tpu.memory_space<hbm>> -> memref<128xi32, #tpu.memory_space<hbm>>
          %dma_wait3A_193 = tpu.memref_slice %arg4[%mul3A_191] : memref<327680xi32, #tpu.memory_space<hbm>> -> memref<128xi32, #tpu.memory_space<hbm>>
          tpu.wait_dma2 semaphore(%arg19 : memref<!tpu.dma_semaphore, #tpu.memory_space<semaphore_mem>>) src(%dma_wait3A_193 : memref<128xi32, #tpu.memory_space<hbm>>) dst(%arg9 : memref<128xi32, #tpu.memory_space<vmem>>)
          %add3A_194 = arith.addi %mul3A_12, %add3A_66 : i32
          %mul3A_195 = arith.constant 128 : i32
          %mul3A_196 = arith.muli %add3A_194, %mul3A_195 : i32
          %dma_wait3A_197 = tpu.memref_slice %arg5[%mul3A_196] : memref<327680xi32, #tpu.memory_space<hbm>> -> memref<128xi32, #tpu.memory_space<hbm>>
          %dma_wait3A_198 = tpu.memref_slice %arg5[%mul3A_196] : memref<327680xi32, #tpu.memory_space<hbm>> -> memref<128xi32, #tpu.memory_space<hbm>>
          tpu.wait_dma2 semaphore(%arg19 : memref<!tpu.dma_semaphore, #tpu.memory_space<semaphore_mem>>) src(%dma_wait3A_198 : memref<128xi32, #tpu.memory_space<hbm>>) dst(%arg11 : memref<128xi32, #tpu.memory_space<vmem>>)
          %dma_start3A_199 = arith.constant 0 : i32
          %dma_start3A_200 = arith.constant 0 : i32
          %dma_start3A_201 = tpu.memref_slice %arg2[%dma_start3A_199, %dma_start3A_200] : memref<10000x128xf32, #tpu.memory_space<hbm>> -> memref<10000x128xf32, #tpu.memory_space<hbm>>
          tpu.enqueue_indirect_dma source(%dma_start3A_201 : memref<10000x128xf32, #tpu.memory_space<hbm>>) target(%arg15 : memref<128x128xf32, #tpu.memory_space<vmem>>) offsets(%arg9 : memref<128xi32, #tpu.memory_space<vmem>>) semaphore(%arg17 : memref<!tpu.dma_semaphore, #tpu.memory_space<semaphore_mem>>)
        } else {
        }
        %add3A_182 = arith.constant 1 : i32
        %add3A_183 = arith.addi %add3A_66, %add3A_182 : i32
        %lt3A_184 = arith.constant 160 : i32
        %lt3A_185 = arith.cmpi slt, %add3A_183, %lt3A_184 : i32
        %convert_element_type3A_186 = arith.extui %lt3A_185 : i1 to i32
        %cond3A_187 = arith.constant 0 : i32
        %cond3A_188 = arith.cmpi ne, %convert_element_type3A_186, %cond3A_187 : i32
        scf.if %cond3A_188 {
          %add3A_189 = arith.constant 1 : i32
          %add3A_190 = arith.addi %add3A_66, %add3A_189 : i32
          %add3A_191 = arith.addi %mul3A_12, %add3A_190 : i32
          %mul3A_192 = arith.constant 128 : i32
          %mul3A_193 = arith.muli %add3A_191, %mul3A_192 : i32
          %dma_start3A_194 = tpu.memref_slice %arg4[%mul3A_193] : memref<327680xi32, #tpu.memory_space<hbm>> -> memref<128xi32, #tpu.memory_space<hbm>>
          %dma_start3A_195 = tpu.memref_slice %arg4[%mul3A_193] : memref<327680xi32, #tpu.memory_space<hbm>> -> memref<128xi32, #tpu.memory_space<hbm>>
          tpu.enqueue_dma source(%dma_start3A_195 : memref<128xi32, #tpu.memory_space<hbm>>) target(%arg10 : memref<128xi32, #tpu.memory_space<vmem>>) target_semaphore(%arg20 : memref<!tpu.dma_semaphore, #tpu.memory_space<semaphore_mem>>)
          %add3A_196 = arith.addi %mul3A_12, %add3A_190 : i32
          %mul3A_197 = arith.constant 128 : i32
          %mul3A_198 = arith.muli %add3A_196, %mul3A_197 : i32
          %dma_start3A_199 = tpu.memref_slice %arg5[%mul3A_198] : memref<327680xi32, #tpu.memory_space<hbm>> -> memref<128xi32, #tpu.memory_space<hbm>>
          %dma_start3A_200 = tpu.memref_slice %arg5[%mul3A_198] : memref<327680xi32, #tpu.memory_space<hbm>> -> memref<128xi32, #tpu.memory_space<hbm>>
          tpu.enqueue_dma source(%dma_start3A_200 : memref<128xi32, #tpu.memory_space<hbm>>) target(%arg12 : memref<128xi32, #tpu.memory_space<vmem>>) target_semaphore(%arg20 : memref<!tpu.dma_semaphore, #tpu.memory_space<semaphore_mem>>)
        } else {
        }
      }
      %scan3A_53 = arith.constant 40 : i32
      %dma_wait3A_54 = arith.constant 0 : i32
      %dma_wait3A_55 = arith.constant 0 : i32
      %dma_wait3A_56 = tpu.memref_slice %arg8[%dma_wait3A_54, %dma_wait3A_55] : memref<10112x128xf32, #tpu.memory_space<vmem_shared>> -> memref<10112x128xf32, #tpu.memory_space<vmem_shared>>
      tpu.wait_indirect_dma semaphore(%arg24 : memref<!tpu.dma_semaphore, #tpu.memory_space<semaphore_mem>>) src(%arg16 : memref<128x128xf32, #tpu.memory_space<vmem>>) dst(%dma_wait3A_56 : memref<10112x128xf32, #tpu.memory_space<vmem_shared>>)
      %barrier3A_57 = arith.constant 0 : index
      tpu.barrier barrier_id(%barrier3A_57)
      %mul3A_58 = arith.constant 632 : i32
      %mul3A_59 = arith.muli %arg1, %mul3A_58 : i32
      %mul3A_60 = arith.constant 632 : i32
      %mul3A_61 = arith.muli %arg1, %mul3A_60 : i32
      "tpu.region"() ({
        %run_scoped3A = tpu.sem_alloc : memref<!tpu.dma_semaphore, #tpu.memory_space<semaphore_mem>>
        %dma_start3A_62 = arith.constant 0 : i32
        %dma_start3A_63 = tpu.memref_slice %arg6[%mul3A_61, %dma_start3A_62] : memref<10112x128xf32, #tpu.memory_space<hbm>> -> memref<632x128xf32, #tpu.memory_space<hbm>>
        %dma_start3A_64 = arith.constant 0 : i32
        %dma_start3A_65 = tpu.memref_slice %arg8[%mul3A_59, %dma_start3A_64] : memref<10112x128xf32, #tpu.memory_space<vmem_shared>> -> memref<632x128xf32, #tpu.memory_space<vmem_shared>>
        tpu.enqueue_dma source(%dma_start3A_65 : memref<632x128xf32, #tpu.memory_space<vmem_shared>>) target(%dma_start3A_63 : memref<632x128xf32, #tpu.memory_space<hbm>>) target_semaphore(%run_scoped3A : memref<!tpu.dma_semaphore, #tpu.memory_space<semaphore_mem>>)
        %dma_wait3A_66 = arith.constant 0 : i32
        %dma_wait3A_67 = tpu.memref_slice %arg6[%mul3A_61, %dma_wait3A_66] : memref<10112x128xf32, #tpu.memory_space<hbm>> -> memref<632x128xf32, #tpu.memory_space<hbm>>
        %dma_wait3A_68 = arith.constant 0 : i32
        %dma_wait3A_69 = tpu.memref_slice %arg8[%mul3A_59, %dma_wait3A_68] : memref<10112x128xf32, #tpu.memory_space<vmem_shared>> -> memref<632x128xf32, #tpu.memory_space<vmem_shared>>
        tpu.wait_dma2 semaphore(%run_scoped3A : memref<!tpu.dma_semaphore, #tpu.memory_space<semaphore_mem>>) src(%dma_wait3A_69 : memref<632x128xf32, #tpu.memory_space<vmem_shared>>) dst(%dma_wait3A_67 : memref<632x128xf32, #tpu.memory_space<hbm>>)
        tpu.yield
      }) : () -> ()
    } else {
    }
    %eq3A_2 = arith.constant 1 : i32
    %eq3A_3 = arith.cmpi eq, %arg0, %eq3A_2 : i32
    %convert_element_type3A_4 = arith.extui %eq3A_3 : i1 to i32
    %cond3A_5 = arith.constant 0 : i32
    %cond3A_6 = arith.cmpi ne, %convert_element_type3A_4, %cond3A_5 : i32
    scf.if %cond3A_6 {
      %eq3A_7 = arith.constant 0 : i32
      %eq3A_8 = arith.cmpi eq, %arg1, %eq3A_7 : i32
      %convert_element_type3A_9 = arith.extui %eq3A_8 : i1 to i32
      %cond3A_10 = arith.constant 0 : i32
      %cond3A_11 = arith.cmpi ne, %convert_element_type3A_9, %cond3A_10 : i32
      scf.if %cond3A_11 {
        "tpu.region"() ({
          %run_scoped3A = tpu.sem_alloc : memref<!tpu.dma_semaphore, #tpu.memory_space<semaphore_mem>>
          %dma_start3A_62 = arith.constant 0 : i32
          %dma_start3A_63 = arith.constant 0 : i32
          %dma_start3A_64 = tpu.memref_slice %arg8[%dma_start3A_62, %dma_start3A_63] : memref<10112x128xf32, #tpu.memory_space<vmem_shared>> -> memref<10000x128xf32, #tpu.memory_space<vmem_shared>>
          tpu.enqueue_dma source(%arg3 : memref<10000x128xf32, #tpu.memory_space<hbm>>) target(%dma_start3A_64 : memref<10000x128xf32, #tpu.memory_space<vmem_shared>>) target_semaphore(%run_scoped3A : memref<!tpu.dma_semaphore, #tpu.memory_space<semaphore_mem>>)
          %dma_wait3A_65 = arith.constant 0 : i32
          %dma_wait3A_66 = arith.constant 0 : i32
          %dma_wait3A_67 = tpu.memref_slice %arg8[%dma_wait3A_65, %dma_wait3A_66] : memref<10112x128xf32, #tpu.memory_space<vmem_shared>> -> memref<10000x128xf32, #tpu.memory_space<vmem_shared>>
          tpu.wait_dma2 semaphore(%run_scoped3A : memref<!tpu.dma_semaphore, #tpu.memory_space<semaphore_mem>>) src(%arg3 : memref<10000x128xf32, #tpu.memory_space<hbm>>) dst(%dma_wait3A_67 : memref<10000x128xf32, #tpu.memory_space<vmem_shared>>)
          tpu.yield
        }) : () -> ()
      } else {
      }
      %barrier3A = arith.constant 0 : index
      tpu.barrier barrier_id(%barrier3A)
      %mul3A = arith.constant 160 : i32
      %mul3A_12 = arith.muli %arg1, %mul3A : i32
      %add3A = arith.constant 0 : i32
      %add3A_13 = arith.addi %mul3A_12, %add3A : i32
      %mul3A_14 = arith.constant 128 : i32
      %mul3A_15 = arith.muli %add3A_13, %mul3A_14 : i32
      %dma_start3A = tpu.memref_slice %arg4[%mul3A_15] : memref<327680xi32, #tpu.memory_space<hbm>> -> memref<128xi32, #tpu.memory_space<hbm>>
      %dma_start3A_16 = tpu.memref_slice %arg4[%mul3A_15] : memref<327680xi32, #tpu.memory_space<hbm>> -> memref<128xi32, #tpu.memory_space<hbm>>
      tpu.enqueue_dma source(%dma_start3A_16 : memref<128xi32, #tpu.memory_space<hbm>>) target(%arg9 : memref<128xi32, #tpu.memory_space<vmem>>) target_semaphore(%arg19 : memref<!tpu.dma_semaphore, #tpu.memory_space<semaphore_mem>>)
      %add3A_17 = arith.constant 0 : i32
      %add3A_18 = arith.addi %mul3A_12, %add3A_17 : i32
      %mul3A_19 = arith.constant 128 : i32
      %mul3A_20 = arith.muli %add3A_18, %mul3A_19 : i32
      %dma_start3A_21 = tpu.memref_slice %arg5[%mul3A_20] : memref<327680xi32, #tpu.memory_space<hbm>> -> memref<128xi32, #tpu.memory_space<hbm>>
      %dma_start3A_22 = tpu.memref_slice %arg5[%mul3A_20] : memref<327680xi32, #tpu.memory_space<hbm>> -> memref<128xi32, #tpu.memory_space<hbm>>
      tpu.enqueue_dma source(%dma_start3A_22 : memref<128xi32, #tpu.memory_space<hbm>>) target(%arg11 : memref<128xi32, #tpu.memory_space<vmem>>) target_semaphore(%arg19 : memref<!tpu.dma_semaphore, #tpu.memory_space<semaphore_mem>>)
      %add3A_23 = arith.constant 0 : i32
      %add3A_24 = arith.addi %mul3A_12, %add3A_23 : i32
      %mul3A_25 = arith.constant 128 : i32
      %mul3A_26 = arith.muli %add3A_24, %mul3A_25 : i32
      %dma_wait3A = tpu.memref_slice %arg4[%mul3A_26] : memref<327680xi32, #tpu.memory_space<hbm>> -> memref<128xi32, #tpu.memory_space<hbm>>
      %dma_wait3A_27 = tpu.memref_slice %arg4[%mul3A_26] : memref<327680xi32, #tpu.memory_space<hbm>> -> memref<128xi32, #tpu.memory_space<hbm>>
      tpu.wait_dma2 semaphore(%arg19 : memref<!tpu.dma_semaphore, #tpu.memory_space<semaphore_mem>>) src(%dma_wait3A_27 : memref<128xi32, #tpu.memory_space<hbm>>) dst(%arg9 : memref<128xi32, #tpu.memory_space<vmem>>)
      %add3A_28 = arith.constant 0 : i32
      %add3A_29 = arith.addi %mul3A_12, %add3A_28 : i32
      %mul3A_30 = arith.constant 128 : i32
      %mul3A_31 = arith.muli %add3A_29, %mul3A_30 : i32
      %dma_wait3A_32 = tpu.memref_slice %arg5[%mul3A_31] : memref<327680xi32, #tpu.memory_space<hbm>> -> memref<128xi32, #tpu.memory_space<hbm>>
      %dma_wait3A_33 = tpu.memref_slice %arg5[%mul3A_31] : memref<327680xi32, #tpu.memory_space<hbm>> -> memref<128xi32, #tpu.memory_space<hbm>>
      tpu.wait_dma2 semaphore(%arg19 : memref<!tpu.dma_semaphore, #tpu.memory_space<semaphore_mem>>) src(%dma_wait3A_33 : memref<128xi32, #tpu.memory_space<hbm>>) dst(%arg11 : memref<128xi32, #tpu.memory_space<vmem>>)
      %dma_start3A_34 = arith.constant 0 : i32
      %dma_start3A_35 = arith.constant 0 : i32
      %dma_start3A_36 = tpu.memref_slice %arg3[%dma_start3A_34, %dma_start3A_35] : memref<10000x128xf32, #tpu.memory_space<hbm>> -> memref<10000x128xf32, #tpu.memory_space<hbm>>
      tpu.enqueue_indirect_dma source(%dma_start3A_36 : memref<10000x128xf32, #tpu.memory_space<hbm>>) target(%arg15 : memref<128x128xf32, #tpu.memory_space<vmem>>) offsets(%arg9 : memref<128xi32, #tpu.memory_space<vmem>>) semaphore(%arg17 : memref<!tpu.dma_semaphore, #tpu.memory_space<semaphore_mem>>)
      %add3A_37 = arith.constant 1 : i32
      %add3A_38 = arith.addi %mul3A_12, %add3A_37 : i32
      %mul3A_39 = arith.constant 128 : i32
      %mul3A_40 = arith.muli %add3A_38, %mul3A_39 : i32
      %dma_start3A_41 = tpu.memref_slice %arg4[%mul3A_40] : memref<327680xi32, #tpu.memory_space<hbm>> -> memref<128xi32, #tpu.memory_space<hbm>>
      %dma_start3A_42 = tpu.memref_slice %arg4[%mul3A_40] : memref<327680xi32, #tpu.memory_space<hbm>> -> memref<128xi32, #tpu.memory_space<hbm>>
      tpu.enqueue_dma source(%dma_start3A_42 : memref<128xi32, #tpu.memory_space<hbm>>) target(%arg10 : memref<128xi32, #tpu.memory_space<vmem>>) target_semaphore(%arg20 : memref<!tpu.dma_semaphore, #tpu.memory_space<semaphore_mem>>)
      %add3A_43 = arith.constant 1 : i32
      %add3A_44 = arith.addi %mul3A_12, %add3A_43 : i32
      %mul3A_45 = arith.constant 128 : i32
      %mul3A_46 = arith.muli %add3A_44, %mul3A_45 : i32
      %dma_start3A_47 = tpu.memref_slice %arg5[%mul3A_46] : memref<327680xi32, #tpu.memory_space<hbm>> -> memref<128xi32, #tpu.memory_space<hbm>>
      %dma_start3A_48 = tpu.memref_slice %arg5[%mul3A_46] : memref<327680xi32, #tpu.memory_space<hbm>> -> memref<128xi32, #tpu.memory_space<hbm>>
      tpu.enqueue_dma source(%dma_start3A_48 : memref<128xi32, #tpu.memory_space<hbm>>) target(%arg12 : memref<128xi32, #tpu.memory_space<vmem>>) target_semaphore(%arg20 : memref<!tpu.dma_semaphore, #tpu.memory_space<semaphore_mem>>)
      %scan3A = arith.constant 0 : i32
      %scan3A_49 = arith.constant 0 : i32
      %scan3A_50 = arith.constant 40 : i32
      %scan3A_51 = arith.addi %scan3A_49, %scan3A_50 : i32
      %scan3A_52 = arith.constant 1 : i32
      scf.for %scan3A_62 = %scan3A_49 to %scan3A_51 step %scan3A_52  : i32 {
        %mul3A_63 = arith.constant 4 : i32
        %mul3A_64 = arith.muli %mul3A_63, %scan3A_62 : i32
        %add3A_65 = arith.constant 4 : i32
        %add3A_66 = arith.addi %mul3A_64, %add3A_65 : i32
        %gt3A = arith.constant 0 : i32
        %gt3A_67 = arith.cmpi sgt, %scan3A_62, %gt3A : i32
        %convert_element_type3A_68 = arith.extui %gt3A_67 : i1 to i32
        %cond3A_69 = arith.constant 0 : i32
        %cond3A_70 = arith.cmpi ne, %convert_element_type3A_68, %cond3A_69 : i32
        scf.if %cond3A_70 {
          %dma_wait3A_189 = arith.constant 0 : i32
          %dma_wait3A_190 = arith.constant 0 : i32
          %dma_wait3A_191 = tpu.memref_slice %arg8[%dma_wait3A_189, %dma_wait3A_190] : memref<10112x128xf32, #tpu.memory_space<vmem_shared>> -> memref<10112x128xf32, #tpu.memory_space<vmem_shared>>
          tpu.wait_indirect_dma semaphore(%arg24 : memref<!tpu.dma_semaphore, #tpu.memory_space<semaphore_mem>>) src(%arg16 : memref<128x128xf32, #tpu.memory_space<vmem>>) dst(%dma_wait3A_191 : memref<10112x128xf32, #tpu.memory_space<vmem_shared>>)
        } else {
        }
        %add3A_71 = arith.constant 1 : i32
        %add3A_72 = arith.addi %mul3A_64, %add3A_71 : i32
        %add3A_73 = arith.addi %mul3A_12, %add3A_72 : i32
        %mul3A_74 = arith.constant 128 : i32
        %mul3A_75 = arith.muli %add3A_73, %mul3A_74 : i32
        %dma_wait3A_76 = tpu.memref_slice %arg4[%mul3A_75] : memref<327680xi32, #tpu.memory_space<hbm>> -> memref<128xi32, #tpu.memory_space<hbm>>
        %dma_wait3A_77 = tpu.memref_slice %arg4[%mul3A_75] : memref<327680xi32, #tpu.memory_space<hbm>> -> memref<128xi32, #tpu.memory_space<hbm>>
        tpu.wait_dma2 semaphore(%arg20 : memref<!tpu.dma_semaphore, #tpu.memory_space<semaphore_mem>>) src(%dma_wait3A_77 : memref<128xi32, #tpu.memory_space<hbm>>) dst(%arg10 : memref<128xi32, #tpu.memory_space<vmem>>)
        %add3A_78 = arith.addi %mul3A_12, %add3A_72 : i32
        %mul3A_79 = arith.constant 128 : i32
        %mul3A_80 = arith.muli %add3A_78, %mul3A_79 : i32
        %dma_wait3A_81 = tpu.memref_slice %arg5[%mul3A_80] : memref<327680xi32, #tpu.memory_space<hbm>> -> memref<128xi32, #tpu.memory_space<hbm>>
        %dma_wait3A_82 = tpu.memref_slice %arg5[%mul3A_80] : memref<327680xi32, #tpu.memory_space<hbm>> -> memref<128xi32, #tpu.memory_space<hbm>>
        tpu.wait_dma2 semaphore(%arg20 : memref<!tpu.dma_semaphore, #tpu.memory_space<semaphore_mem>>) src(%dma_wait3A_82 : memref<128xi32, #tpu.memory_space<hbm>>) dst(%arg12 : memref<128xi32, #tpu.memory_space<vmem>>)
        %dma_start3A_83 = arith.constant 0 : i32
        %dma_start3A_84 = arith.constant 0 : i32
        %dma_start3A_85 = tpu.memref_slice %arg3[%dma_start3A_83, %dma_start3A_84] : memref<10000x128xf32, #tpu.memory_space<hbm>> -> memref<10000x128xf32, #tpu.memory_space<hbm>>
        tpu.enqueue_indirect_dma source(%dma_start3A_85 : memref<10000x128xf32, #tpu.memory_space<hbm>>) target(%arg16 : memref<128x128xf32, #tpu.memory_space<vmem>>) offsets(%arg10 : memref<128xi32, #tpu.memory_space<vmem>>) semaphore(%arg18 : memref<!tpu.dma_semaphore, #tpu.memory_space<semaphore_mem>>)
        %dma_wait3A_86 = arith.constant 0 : i32
        %dma_wait3A_87 = arith.constant 0 : i32
        %dma_wait3A_88 = tpu.memref_slice %arg3[%dma_wait3A_86, %dma_wait3A_87] : memref<10000x128xf32, #tpu.memory_space<hbm>> -> memref<10000x128xf32, #tpu.memory_space<hbm>>
        tpu.wait_indirect_dma semaphore(%arg17 : memref<!tpu.dma_semaphore, #tpu.memory_space<semaphore_mem>>) src(%dma_wait3A_88 : memref<10000x128xf32, #tpu.memory_space<hbm>>) dst(%arg15 : memref<128x128xf32, #tpu.memory_space<vmem>>)
        %dma_start3A_89 = arith.constant 0 : i32
        %dma_start3A_90 = arith.constant 0 : i32
        %dma_start3A_91 = tpu.memref_slice %arg8[%dma_start3A_89, %dma_start3A_90] : memref<10112x128xf32, #tpu.memory_space<vmem_shared>> -> memref<10112x128xf32, #tpu.memory_space<vmem_shared>>
        tpu.enqueue_indirect_dma source(%arg15 : memref<128x128xf32, #tpu.memory_space<vmem>>) target(%dma_start3A_91 : memref<10112x128xf32, #tpu.memory_space<vmem_shared>>) offsets(%arg11 : memref<128xi32, #tpu.memory_space<vmem>>) semaphore(%arg21 : memref<!tpu.dma_semaphore, #tpu.memory_space<semaphore_mem>>) {add = true}
        %add3A_92 = arith.constant 2 : i32
        %add3A_93 = arith.addi %mul3A_64, %add3A_92 : i32
        %add3A_94 = arith.addi %mul3A_12, %add3A_93 : i32
        %mul3A_95 = arith.constant 128 : i32
        %mul3A_96 = arith.muli %add3A_94, %mul3A_95 : i32
        %dma_start3A_97 = tpu.memref_slice %arg4[%mul3A_96] : memref<327680xi32, #tpu.memory_space<hbm>> -> memref<128xi32, #tpu.memory_space<hbm>>
        %dma_start3A_98 = tpu.memref_slice %arg4[%mul3A_96] : memref<327680xi32, #tpu.memory_space<hbm>> -> memref<128xi32, #tpu.memory_space<hbm>>
        tpu.enqueue_dma source(%dma_start3A_98 : memref<128xi32, #tpu.memory_space<hbm>>) target(%arg9 : memref<128xi32, #tpu.memory_space<vmem>>) target_semaphore(%arg19 : memref<!tpu.dma_semaphore, #tpu.memory_space<semaphore_mem>>)
        %add3A_99 = arith.addi %mul3A_12, %add3A_93 : i32
        %mul3A_100 = arith.constant 128 : i32
        %mul3A_101 = arith.muli %add3A_99, %mul3A_100 : i32
        %dma_start3A_102 = tpu.memref_slice %arg5[%mul3A_101] : memref<327680xi32, #tpu.memory_space<hbm>> -> memref<128xi32, #tpu.memory_space<hbm>>
        %dma_start3A_103 = tpu.memref_slice %arg5[%mul3A_101] : memref<327680xi32, #tpu.memory_space<hbm>> -> memref<128xi32, #tpu.memory_space<hbm>>
        tpu.enqueue_dma source(%dma_start3A_103 : memref<128xi32, #tpu.memory_space<hbm>>) target(%arg13 : memref<128xi32, #tpu.memory_space<vmem>>) target_semaphore(%arg19 : memref<!tpu.dma_semaphore, #tpu.memory_space<semaphore_mem>>)
        %dma_wait3A_104 = arith.constant 0 : i32
        %dma_wait3A_105 = arith.constant 0 : i32
        %dma_wait3A_106 = tpu.memref_slice %arg3[%dma_wait3A_104, %dma_wait3A_105] : memref<10000x128xf32, #tpu.memory_space<hbm>> -> memref<10000x128xf32, #tpu.memory_space<hbm>>
        tpu.wait_indirect_dma semaphore(%arg18 : memref<!tpu.dma_semaphore, #tpu.memory_space<semaphore_mem>>) src(%dma_wait3A_106 : memref<10000x128xf32, #tpu.memory_space<hbm>>) dst(%arg16 : memref<128x128xf32, #tpu.memory_space<vmem>>)
        %dma_start3A_107 = arith.constant 0 : i32
        %dma_start3A_108 = arith.constant 0 : i32
        %dma_start3A_109 = tpu.memref_slice %arg8[%dma_start3A_107, %dma_start3A_108] : memref<10112x128xf32, #tpu.memory_space<vmem_shared>> -> memref<10112x128xf32, #tpu.memory_space<vmem_shared>>
        tpu.enqueue_indirect_dma source(%arg16 : memref<128x128xf32, #tpu.memory_space<vmem>>) target(%dma_start3A_109 : memref<10112x128xf32, #tpu.memory_space<vmem_shared>>) offsets(%arg12 : memref<128xi32, #tpu.memory_space<vmem>>) semaphore(%arg22 : memref<!tpu.dma_semaphore, #tpu.memory_space<semaphore_mem>>) {add = true}
        %dma_wait3A_110 = arith.constant 0 : i32
        %dma_wait3A_111 = arith.constant 0 : i32
        %dma_wait3A_112 = tpu.memref_slice %arg8[%dma_wait3A_110, %dma_wait3A_111] : memref<10112x128xf32, #tpu.memory_space<vmem_shared>> -> memref<10112x128xf32, #tpu.memory_space<vmem_shared>>
        tpu.wait_indirect_dma semaphore(%arg21 : memref<!tpu.dma_semaphore, #tpu.memory_space<semaphore_mem>>) src(%arg15 : memref<128x128xf32, #tpu.memory_space<vmem>>) dst(%dma_wait3A_112 : memref<10112x128xf32, #tpu.memory_space<vmem_shared>>)
        %add3A_113 = arith.constant 2 : i32
        %add3A_114 = arith.addi %mul3A_64, %add3A_113 : i32
        %add3A_115 = arith.addi %mul3A_12, %add3A_114 : i32
        %mul3A_116 = arith.constant 128 : i32
        %mul3A_117 = arith.muli %add3A_115, %mul3A_116 : i32
        %dma_wait3A_118 = tpu.memref_slice %arg4[%mul3A_117] : memref<327680xi32, #tpu.memory_space<hbm>> -> memref<128xi32, #tpu.memory_space<hbm>>
        %dma_wait3A_119 = tpu.memref_slice %arg4[%mul3A_117] : memref<327680xi32, #tpu.memory_space<hbm>> -> memref<128xi32, #tpu.memory_space<hbm>>
        tpu.wait_dma2 semaphore(%arg19 : memref<!tpu.dma_semaphore, #tpu.memory_space<semaphore_mem>>) src(%dma_wait3A_119 : memref<128xi32, #tpu.memory_space<hbm>>) dst(%arg9 : memref<128xi32, #tpu.memory_space<vmem>>)
        %add3A_120 = arith.addi %mul3A_12, %add3A_114 : i32
        %mul3A_121 = arith.constant 128 : i32
        %mul3A_122 = arith.muli %add3A_120, %mul3A_121 : i32
        %dma_wait3A_123 = tpu.memref_slice %arg5[%mul3A_122] : memref<327680xi32, #tpu.memory_space<hbm>> -> memref<128xi32, #tpu.memory_space<hbm>>
        %dma_wait3A_124 = tpu.memref_slice %arg5[%mul3A_122] : memref<327680xi32, #tpu.memory_space<hbm>> -> memref<128xi32, #tpu.memory_space<hbm>>
        tpu.wait_dma2 semaphore(%arg19 : memref<!tpu.dma_semaphore, #tpu.memory_space<semaphore_mem>>) src(%dma_wait3A_124 : memref<128xi32, #tpu.memory_space<hbm>>) dst(%arg13 : memref<128xi32, #tpu.memory_space<vmem>>)
        %dma_start3A_125 = arith.constant 0 : i32
        %dma_start3A_126 = arith.constant 0 : i32
        %dma_start3A_127 = tpu.memref_slice %arg3[%dma_start3A_125, %dma_start3A_126] : memref<10000x128xf32, #tpu.memory_space<hbm>> -> memref<10000x128xf32, #tpu.memory_space<hbm>>
        tpu.enqueue_indirect_dma source(%dma_start3A_127 : memref<10000x128xf32, #tpu.memory_space<hbm>>) target(%arg15 : memref<128x128xf32, #tpu.memory_space<vmem>>) offsets(%arg9 : memref<128xi32, #tpu.memory_space<vmem>>) semaphore(%arg17 : memref<!tpu.dma_semaphore, #tpu.memory_space<semaphore_mem>>)
        %add3A_128 = arith.constant 3 : i32
        %add3A_129 = arith.addi %mul3A_64, %add3A_128 : i32
        %add3A_130 = arith.addi %mul3A_12, %add3A_129 : i32
        %mul3A_131 = arith.constant 128 : i32
        %mul3A_132 = arith.muli %add3A_130, %mul3A_131 : i32
        %dma_start3A_133 = tpu.memref_slice %arg4[%mul3A_132] : memref<327680xi32, #tpu.memory_space<hbm>> -> memref<128xi32, #tpu.memory_space<hbm>>
        %dma_start3A_134 = tpu.memref_slice %arg4[%mul3A_132] : memref<327680xi32, #tpu.memory_space<hbm>> -> memref<128xi32, #tpu.memory_space<hbm>>
        tpu.enqueue_dma source(%dma_start3A_134 : memref<128xi32, #tpu.memory_space<hbm>>) target(%arg10 : memref<128xi32, #tpu.memory_space<vmem>>) target_semaphore(%arg20 : memref<!tpu.dma_semaphore, #tpu.memory_space<semaphore_mem>>)
        %add3A_135 = arith.addi %mul3A_12, %add3A_129 : i32
        %mul3A_136 = arith.constant 128 : i32
        %mul3A_137 = arith.muli %add3A_135, %mul3A_136 : i32
        %dma_start3A_138 = tpu.memref_slice %arg5[%mul3A_137] : memref<327680xi32, #tpu.memory_space<hbm>> -> memref<128xi32, #tpu.memory_space<hbm>>
        %dma_start3A_139 = tpu.memref_slice %arg5[%mul3A_137] : memref<327680xi32, #tpu.memory_space<hbm>> -> memref<128xi32, #tpu.memory_space<hbm>>
        tpu.enqueue_dma source(%dma_start3A_139 : memref<128xi32, #tpu.memory_space<hbm>>) target(%arg14 : memref<128xi32, #tpu.memory_space<vmem>>) target_semaphore(%arg20 : memref<!tpu.dma_semaphore, #tpu.memory_space<semaphore_mem>>)
        %dma_wait3A_140 = arith.constant 0 : i32
        %dma_wait3A_141 = arith.constant 0 : i32
        %dma_wait3A_142 = tpu.memref_slice %arg8[%dma_wait3A_140, %dma_wait3A_141] : memref<10112x128xf32, #tpu.memory_space<vmem_shared>> -> memref<10112x128xf32, #tpu.memory_space<vmem_shared>>
        tpu.wait_indirect_dma semaphore(%arg22 : memref<!tpu.dma_semaphore, #tpu.memory_space<semaphore_mem>>) src(%arg16 : memref<128x128xf32, #tpu.memory_space<vmem>>) dst(%dma_wait3A_142 : memref<10112x128xf32, #tpu.memory_space<vmem_shared>>)
        %dma_wait3A_143 = arith.constant 0 : i32
        %dma_wait3A_144 = arith.constant 0 : i32
        %dma_wait3A_145 = tpu.memref_slice %arg3[%dma_wait3A_143, %dma_wait3A_144] : memref<10000x128xf32, #tpu.memory_space<hbm>> -> memref<10000x128xf32, #tpu.memory_space<hbm>>
        tpu.wait_indirect_dma semaphore(%arg17 : memref<!tpu.dma_semaphore, #tpu.memory_space<semaphore_mem>>) src(%dma_wait3A_145 : memref<10000x128xf32, #tpu.memory_space<hbm>>) dst(%arg15 : memref<128x128xf32, #tpu.memory_space<vmem>>)
        %dma_start3A_146 = arith.constant 0 : i32
        %dma_start3A_147 = arith.constant 0 : i32
        %dma_start3A_148 = tpu.memref_slice %arg8[%dma_start3A_146, %dma_start3A_147] : memref<10112x128xf32, #tpu.memory_space<vmem_shared>> -> memref<10112x128xf32, #tpu.memory_space<vmem_shared>>
        tpu.enqueue_indirect_dma source(%arg15 : memref<128x128xf32, #tpu.memory_space<vmem>>) target(%dma_start3A_148 : memref<10112x128xf32, #tpu.memory_space<vmem_shared>>) offsets(%arg13 : memref<128xi32, #tpu.memory_space<vmem>>) semaphore(%arg23 : memref<!tpu.dma_semaphore, #tpu.memory_space<semaphore_mem>>) {add = true}
        %add3A_149 = arith.constant 3 : i32
        %add3A_150 = arith.addi %mul3A_64, %add3A_149 : i32
        %add3A_151 = arith.addi %mul3A_12, %add3A_150 : i32
        %mul3A_152 = arith.constant 128 : i32
        %mul3A_153 = arith.muli %add3A_151, %mul3A_152 : i32
        %dma_wait3A_154 = tpu.memref_slice %arg4[%mul3A_153] : memref<327680xi32, #tpu.memory_space<hbm>> -> memref<128xi32, #tpu.memory_space<hbm>>
        %dma_wait3A_155 = tpu.memref_slice %arg4[%mul3A_153] : memref<327680xi32, #tpu.memory_space<hbm>> -> memref<128xi32, #tpu.memory_space<hbm>>
        tpu.wait_dma2 semaphore(%arg20 : memref<!tpu.dma_semaphore, #tpu.memory_space<semaphore_mem>>) src(%dma_wait3A_155 : memref<128xi32, #tpu.memory_space<hbm>>) dst(%arg10 : memref<128xi32, #tpu.memory_space<vmem>>)
        %add3A_156 = arith.addi %mul3A_12, %add3A_150 : i32
        %mul3A_157 = arith.constant 128 : i32
        %mul3A_158 = arith.muli %add3A_156, %mul3A_157 : i32
        %dma_wait3A_159 = tpu.memref_slice %arg5[%mul3A_158] : memref<327680xi32, #tpu.memory_space<hbm>> -> memref<128xi32, #tpu.memory_space<hbm>>
        %dma_wait3A_160 = tpu.memref_slice %arg5[%mul3A_158] : memref<327680xi32, #tpu.memory_space<hbm>> -> memref<128xi32, #tpu.memory_space<hbm>>
        tpu.wait_dma2 semaphore(%arg20 : memref<!tpu.dma_semaphore, #tpu.memory_space<semaphore_mem>>) src(%dma_wait3A_160 : memref<128xi32, #tpu.memory_space<hbm>>) dst(%arg14 : memref<128xi32, #tpu.memory_space<vmem>>)
        %dma_start3A_161 = arith.constant 0 : i32
        %dma_start3A_162 = arith.constant 0 : i32
        %dma_start3A_163 = tpu.memref_slice %arg3[%dma_start3A_161, %dma_start3A_162] : memref<10000x128xf32, #tpu.memory_space<hbm>> -> memref<10000x128xf32, #tpu.memory_space<hbm>>
        tpu.enqueue_indirect_dma source(%dma_start3A_163 : memref<10000x128xf32, #tpu.memory_space<hbm>>) target(%arg16 : memref<128x128xf32, #tpu.memory_space<vmem>>) offsets(%arg10 : memref<128xi32, #tpu.memory_space<vmem>>) semaphore(%arg18 : memref<!tpu.dma_semaphore, #tpu.memory_space<semaphore_mem>>)
        %lt3A = arith.constant 160 : i32
        %lt3A_164 = arith.cmpi slt, %add3A_66, %lt3A : i32
        %convert_element_type3A_165 = arith.extui %lt3A_164 : i1 to i32
        %cond3A_166 = arith.constant 0 : i32
        %cond3A_167 = arith.cmpi ne, %convert_element_type3A_165, %cond3A_166 : i32
        scf.if %cond3A_167 {
          %add3A_189 = arith.addi %mul3A_12, %add3A_66 : i32
          %mul3A_190 = arith.constant 128 : i32
          %mul3A_191 = arith.muli %add3A_189, %mul3A_190 : i32
          %dma_start3A_192 = tpu.memref_slice %arg4[%mul3A_191] : memref<327680xi32, #tpu.memory_space<hbm>> -> memref<128xi32, #tpu.memory_space<hbm>>
          %dma_start3A_193 = tpu.memref_slice %arg4[%mul3A_191] : memref<327680xi32, #tpu.memory_space<hbm>> -> memref<128xi32, #tpu.memory_space<hbm>>
          tpu.enqueue_dma source(%dma_start3A_193 : memref<128xi32, #tpu.memory_space<hbm>>) target(%arg9 : memref<128xi32, #tpu.memory_space<vmem>>) target_semaphore(%arg19 : memref<!tpu.dma_semaphore, #tpu.memory_space<semaphore_mem>>)
          %add3A_194 = arith.addi %mul3A_12, %add3A_66 : i32
          %mul3A_195 = arith.constant 128 : i32
          %mul3A_196 = arith.muli %add3A_194, %mul3A_195 : i32
          %dma_start3A_197 = tpu.memref_slice %arg5[%mul3A_196] : memref<327680xi32, #tpu.memory_space<hbm>> -> memref<128xi32, #tpu.memory_space<hbm>>
          %dma_start3A_198 = tpu.memref_slice %arg5[%mul3A_196] : memref<327680xi32, #tpu.memory_space<hbm>> -> memref<128xi32, #tpu.memory_space<hbm>>
          tpu.enqueue_dma source(%dma_start3A_198 : memref<128xi32, #tpu.memory_space<hbm>>) target(%arg11 : memref<128xi32, #tpu.memory_space<vmem>>) target_semaphore(%arg19 : memref<!tpu.dma_semaphore, #tpu.memory_space<semaphore_mem>>)
        } else {
        }
        %dma_wait3A_168 = arith.constant 0 : i32
        %dma_wait3A_169 = arith.constant 0 : i32
        %dma_wait3A_170 = tpu.memref_slice %arg8[%dma_wait3A_168, %dma_wait3A_169] : memref<10112x128xf32, #tpu.memory_space<vmem_shared>> -> memref<10112x128xf32, #tpu.memory_space<vmem_shared>>
        tpu.wait_indirect_dma semaphore(%arg23 : memref<!tpu.dma_semaphore, #tpu.memory_space<semaphore_mem>>) src(%arg15 : memref<128x128xf32, #tpu.memory_space<vmem>>) dst(%dma_wait3A_170 : memref<10112x128xf32, #tpu.memory_space<vmem_shared>>)
        %dma_wait3A_171 = arith.constant 0 : i32
        %dma_wait3A_172 = arith.constant 0 : i32
        %dma_wait3A_173 = tpu.memref_slice %arg3[%dma_wait3A_171, %dma_wait3A_172] : memref<10000x128xf32, #tpu.memory_space<hbm>> -> memref<10000x128xf32, #tpu.memory_space<hbm>>
        tpu.wait_indirect_dma semaphore(%arg18 : memref<!tpu.dma_semaphore, #tpu.memory_space<semaphore_mem>>) src(%dma_wait3A_173 : memref<10000x128xf32, #tpu.memory_space<hbm>>) dst(%arg16 : memref<128x128xf32, #tpu.memory_space<vmem>>)
        %dma_start3A_174 = arith.constant 0 : i32
        %dma_start3A_175 = arith.constant 0 : i32
        %dma_start3A_176 = tpu.memref_slice %arg8[%dma_start3A_174, %dma_start3A_175] : memref<10112x128xf32, #tpu.memory_space<vmem_shared>> -> memref<10112x128xf32, #tpu.memory_space<vmem_shared>>
        tpu.enqueue_indirect_dma source(%arg16 : memref<128x128xf32, #tpu.memory_space<vmem>>) target(%dma_start3A_176 : memref<10112x128xf32, #tpu.memory_space<vmem_shared>>) offsets(%arg14 : memref<128xi32, #tpu.memory_space<vmem>>) semaphore(%arg24 : memref<!tpu.dma_semaphore, #tpu.memory_space<semaphore_mem>>) {add = true}
        %lt3A_177 = arith.constant 160 : i32
        %lt3A_178 = arith.cmpi slt, %add3A_66, %lt3A_177 : i32
        %convert_element_type3A_179 = arith.extui %lt3A_178 : i1 to i32
        %cond3A_180 = arith.constant 0 : i32
        %cond3A_181 = arith.cmpi ne, %convert_element_type3A_179, %cond3A_180 : i32
        scf.if %cond3A_181 {
          %add3A_189 = arith.addi %mul3A_12, %add3A_66 : i32
          %mul3A_190 = arith.constant 128 : i32
          %mul3A_191 = arith.muli %add3A_189, %mul3A_190 : i32
          %dma_wait3A_192 = tpu.memref_slice %arg4[%mul3A_191] : memref<327680xi32, #tpu.memory_space<hbm>> -> memref<128xi32, #tpu.memory_space<hbm>>
          %dma_wait3A_193 = tpu.memref_slice %arg4[%mul3A_191] : memref<327680xi32, #tpu.memory_space<hbm>> -> memref<128xi32, #tpu.memory_space<hbm>>
          tpu.wait_dma2 semaphore(%arg19 : memref<!tpu.dma_semaphore, #tpu.memory_space<semaphore_mem>>) src(%dma_wait3A_193 : memref<128xi32, #tpu.memory_space<hbm>>) dst(%arg9 : memref<128xi32, #tpu.memory_space<vmem>>)
          %add3A_194 = arith.addi %mul3A_12, %add3A_66 : i32
          %mul3A_195 = arith.constant 128 : i32
          %mul3A_196 = arith.muli %add3A_194, %mul3A_195 : i32
          %dma_wait3A_197 = tpu.memref_slice %arg5[%mul3A_196] : memref<327680xi32, #tpu.memory_space<hbm>> -> memref<128xi32, #tpu.memory_space<hbm>>
          %dma_wait3A_198 = tpu.memref_slice %arg5[%mul3A_196] : memref<327680xi32, #tpu.memory_space<hbm>> -> memref<128xi32, #tpu.memory_space<hbm>>
          tpu.wait_dma2 semaphore(%arg19 : memref<!tpu.dma_semaphore, #tpu.memory_space<semaphore_mem>>) src(%dma_wait3A_198 : memref<128xi32, #tpu.memory_space<hbm>>) dst(%arg11 : memref<128xi32, #tpu.memory_space<vmem>>)
          %dma_start3A_199 = arith.constant 0 : i32
          %dma_start3A_200 = arith.constant 0 : i32
          %dma_start3A_201 = tpu.memref_slice %arg3[%dma_start3A_199, %dma_start3A_200] : memref<10000x128xf32, #tpu.memory_space<hbm>> -> memref<10000x128xf32, #tpu.memory_space<hbm>>
          tpu.enqueue_indirect_dma source(%dma_start3A_201 : memref<10000x128xf32, #tpu.memory_space<hbm>>) target(%arg15 : memref<128x128xf32, #tpu.memory_space<vmem>>) offsets(%arg9 : memref<128xi32, #tpu.memory_space<vmem>>) semaphore(%arg17 : memref<!tpu.dma_semaphore, #tpu.memory_space<semaphore_mem>>)
        } else {
        }
        %add3A_182 = arith.constant 1 : i32
        %add3A_183 = arith.addi %add3A_66, %add3A_182 : i32
        %lt3A_184 = arith.constant 160 : i32
        %lt3A_185 = arith.cmpi slt, %add3A_183, %lt3A_184 : i32
        %convert_element_type3A_186 = arith.extui %lt3A_185 : i1 to i32
        %cond3A_187 = arith.constant 0 : i32
        %cond3A_188 = arith.cmpi ne, %convert_element_type3A_186, %cond3A_187 : i32
        scf.if %cond3A_188 {
          %add3A_189 = arith.constant 1 : i32
          %add3A_190 = arith.addi %add3A_66, %add3A_189 : i32
          %add3A_191 = arith.addi %mul3A_12, %add3A_190 : i32
          %mul3A_192 = arith.constant 128 : i32
          %mul3A_193 = arith.muli %add3A_191, %mul3A_192 : i32
          %dma_start3A_194 = tpu.memref_slice %arg4[%mul3A_193] : memref<327680xi32, #tpu.memory_space<hbm>> -> memref<128xi32, #tpu.memory_space<hbm>>
          %dma_start3A_195 = tpu.memref_slice %arg4[%mul3A_193] : memref<327680xi32, #tpu.memory_space<hbm>> -> memref<128xi32, #tpu.memory_space<hbm>>
          tpu.enqueue_dma source(%dma_start3A_195 : memref<128xi32, #tpu.memory_space<hbm>>) target(%arg10 : memref<128xi32, #tpu.memory_space<vmem>>) target_semaphore(%arg20 : memref<!tpu.dma_semaphore, #tpu.memory_space<semaphore_mem>>)
          %add3A_196 = arith.addi %mul3A_12, %add3A_190 : i32
          %mul3A_197 = arith.constant 128 : i32
          %mul3A_198 = arith.muli %add3A_196, %mul3A_197 : i32
          %dma_start3A_199 = tpu.memref_slice %arg5[%mul3A_198] : memref<327680xi32, #tpu.memory_space<hbm>> -> memref<128xi32, #tpu.memory_space<hbm>>
          %dma_start3A_200 = tpu.memref_slice %arg5[%mul3A_198] : memref<327680xi32, #tpu.memory_space<hbm>> -> memref<128xi32, #tpu.memory_space<hbm>>
          tpu.enqueue_dma source(%dma_start3A_200 : memref<128xi32, #tpu.memory_space<hbm>>) target(%arg12 : memref<128xi32, #tpu.memory_space<vmem>>) target_semaphore(%arg20 : memref<!tpu.dma_semaphore, #tpu.memory_space<semaphore_mem>>)
        } else {
        }
      }
      %scan3A_53 = arith.constant 40 : i32
      %dma_wait3A_54 = arith.constant 0 : i32
      %dma_wait3A_55 = arith.constant 0 : i32
      %dma_wait3A_56 = tpu.memref_slice %arg8[%dma_wait3A_54, %dma_wait3A_55] : memref<10112x128xf32, #tpu.memory_space<vmem_shared>> -> memref<10112x128xf32, #tpu.memory_space<vmem_shared>>
      tpu.wait_indirect_dma semaphore(%arg24 : memref<!tpu.dma_semaphore, #tpu.memory_space<semaphore_mem>>) src(%arg16 : memref<128x128xf32, #tpu.memory_space<vmem>>) dst(%dma_wait3A_56 : memref<10112x128xf32, #tpu.memory_space<vmem_shared>>)
      %barrier3A_57 = arith.constant 0 : index
      tpu.barrier barrier_id(%barrier3A_57)
      %mul3A_58 = arith.constant 632 : i32
      %mul3A_59 = arith.muli %arg1, %mul3A_58 : i32
      %mul3A_60 = arith.constant 632 : i32
      %mul3A_61 = arith.muli %arg1, %mul3A_60 : i32
      "tpu.region"() ({
        %run_scoped3A = tpu.sem_alloc : memref<!tpu.dma_semaphore, #tpu.memory_space<semaphore_mem>>
        %dma_start3A_62 = arith.constant 0 : i32
        %dma_start3A_63 = tpu.memref_slice %arg7[%mul3A_61, %dma_start3A_62] : memref<10112x128xf32, #tpu.memory_space<hbm>> -> memref<632x128xf32, #tpu.memory_space<hbm>>
        %dma_start3A_64 = arith.constant 0 : i32
        %dma_start3A_65 = tpu.memref_slice %arg8[%mul3A_59, %dma_start3A_64] : memref<10112x128xf32, #tpu.memory_space<vmem_shared>> -> memref<632x128xf32, #tpu.memory_space<vmem_shared>>
        tpu.enqueue_dma source(%dma_start3A_65 : memref<632x128xf32, #tpu.memory_space<vmem_shared>>) target(%dma_start3A_63 : memref<632x128xf32, #tpu.memory_space<hbm>>) target_semaphore(%run_scoped3A : memref<!tpu.dma_semaphore, #tpu.memory_space<semaphore_mem>>)
        %dma_wait3A_66 = arith.constant 0 : i32
        %dma_wait3A_67 = tpu.memref_slice %arg7[%mul3A_61, %dma_wait3A_66] : memref<10112x128xf32, #tpu.memory_space<hbm>> -> memref<632x128xf32, #tpu.memory_space<hbm>>
        %dma_wait3A_68 = arith.constant 0 : i32
        %dma_wait3A_69 = tpu.memref_slice %arg8[%mul3A_59, %dma_wait3A_68] : memref<10112x128xf32, #tpu.memory_space<vmem_shared>> -> memref<632x128xf32, #tpu.memory_space<vmem_shared>>
        tpu.wait_dma2 semaphore(%run_scoped3A : memref<!tpu.dma_semaphore, #tpu.memory_space<semaphore_mem>>) src(%dma_wait3A_69 : memref<632x128xf32, #tpu.memory_space<vmem_shared>>) dst(%dma_wait3A_67 : memref<632x128xf32, #tpu.memory_space<hbm>>)
        tpu.yield
      }) : () -> ()
    } else {
    }
    return
  }
}

module attributes {stable_mosaic.version = 14 : i64} {
  func.func @_prep_body(%arg0: memref<10000x2xf32, #tpu.memory_space<vmem>>, %arg1: memref<10000x128xf32, #tpu.memory_space<vmem>>, %arg2: memref<10000x1xf32, #tpu.memory_space<vmem>>, %arg3: memref<10000x128xf32, #tpu.memory_space<vmem>>, %arg4: memref<10000x128xf32, #tpu.memory_space<vmem>>) attributes {dimension_semantics = [], scalar_prefetch = 0 : i64, scratch_operands = 0 : i64, tpu.core_type = #tpu.core_type<tc>} {
    %get3A = arith.constant 0 : index
    %get3A_0 = arith.constant 0 : index
    %get3A_1 = vector.load %arg0[%get3A, %get3A_0] : memref<10000x2xf32, #tpu.memory_space<vmem>>, vector<10000x1xf32>
    %get3A_2 = arith.constant 0 : index
    %get3A_3 = arith.constant 1 : index
    %get3A_4 = vector.load %arg0[%get3A_2, %get3A_3] : memref<10000x2xf32, #tpu.memory_space<vmem>>, vector<10000x1xf32>
    %add3A = arith.addf %get3A_1, %get3A_4 : vector<10000x1xf32>
    %add3A_5 = arith.constant 1.000000e+00 : f32
    %add3A_6 = vector.broadcast %add3A_5 : f32 to vector<10000x1xf32>
    %add3A_7 = arith.addf %add3A, %add3A_6 : vector<10000x1xf32>
    %sqrt3A = math.sqrt %add3A_7 : vector<10000x1xf32>
    %div3A = arith.constant 1.000000e+00 : f32
    %div3A_8 = vector.broadcast %div3A : f32 to vector<10000x1xf32>
    %div3A_9 = arith.divf %div3A_8, %sqrt3A : vector<10000x1xf32>
    %swap3A = arith.constant 0 : index
    %swap3A_10 = arith.constant 0 : index
    %swap3A_11 = vector.load %arg2[%swap3A, %swap3A_10] : memref<10000x1xf32, #tpu.memory_space<vmem>>, vector<10000x1xf32>
    tpu.vector_store %arg2[%swap3A, %swap3A_10], %div3A_9 {strides = array<i32>} : memref<10000x1xf32, #tpu.memory_space<vmem>>, vector<10000x1xf32>,
    %get3A_12 = arith.constant 0 : index
    %get3A_13 = arith.constant 0 : index
    %get3A_14 = vector.load %arg1[%get3A_12, %get3A_13] : memref<10000x128xf32, #tpu.memory_space<vmem>>, vector<10000x128xf32>
    %mul3A = vector.broadcast %div3A_9 : vector<10000x1xf32> to vector<10000x128xf32>
    %mul3A_15 = arith.mulf %get3A_14, %mul3A : vector<10000x128xf32>
    %swap3A_16 = arith.constant 0 : index
    %swap3A_17 = arith.constant 0 : index
    %swap3A_18 = vector.load %arg3[%swap3A_16, %swap3A_17] : memref<10000x128xf32, #tpu.memory_space<vmem>>, vector<10000x128xf32>
    tpu.vector_store %arg3[%swap3A_16, %swap3A_17], %mul3A_15 {strides = array<i32>} : memref<10000x128xf32, #tpu.memory_space<vmem>>, vector<10000x128xf32>,
    %mul3A_19 = arith.constant 5.000000e-01 : f32
    %mul3A_20 = vector.broadcast %mul3A_19 : f32 to vector<10000x128xf32>
    %mul3A_21 = arith.mulf %mul3A_15, %mul3A_20 : vector<10000x128xf32>
    %swap3A_22 = arith.constant 0 : index
    %swap3A_23 = arith.constant 0 : index
    %swap3A_24 = vector.load %arg4[%swap3A_22, %swap3A_23] : memref<10000x128xf32, #tpu.memory_space<vmem>>, vector<10000x128xf32>
    tpu.vector_store %arg4[%swap3A_22, %swap3A_23], %mul3A_21 {strides = array<i32>} : memref<10000x128xf32, #tpu.memory_space<vmem>>, vector<10000x128xf32>,
    return
  }
}

module attributes {stable_mosaic.version = 14 : i64} {
  func.func @_var_body(%arg0: i32, %arg1: memref<1000x256xf32, #tpu.memory_space<vmem>>, %arg2: memref<2x256xf32, #tpu.memory_space<vmem>>, %arg3: memref<1x256xf32, #tpu.memory_space<vmem>>, %arg4: memref<1x256xf32, #tpu.memory_space<vmem>>) attributes {dimension_semantics = [#tpu.dimension_semantics<arbitrary>], iteration_bounds = array<i64: 10>, scalar_prefetch = 0 : i64, scratch_operands = 1 : i64, tpu.core_type = #tpu.core_type<tc>, window_params = [{transform_indices = @transform_0, window_bounds = array<i64: 1000, 256>}, {pipeline_mode = #tpu.pipeline_mode<synchronous>, transform_indices = @transform_1, window_bounds = array<i64: 2, 256>}, {pipeline_mode = #tpu.pipeline_mode<synchronous>, transform_indices = @transform_2, window_bounds = array<i64: 1, 256>}]} {
    %get3A = arith.constant 0 : index
    %get3A_0 = arith.constant 0 : index
    %get3A_1 = vector.load %arg2[%get3A, %get3A_0] : memref<2x256xf32, #tpu.memory_space<vmem>>, vector<1x256xf32>
    %mul3A = arith.constant 9.99999974E-5 : f32
    %mul3A_2 = vector.broadcast %mul3A : f32 to vector<1x256xf32>
    %mul3A_3 = arith.mulf %get3A_1, %mul3A_2 : vector<1x256xf32>
    %get3A_4 = arith.constant 0 : index
    %get3A_5 = arith.constant 0 : index
    %get3A_6 = vector.load %arg1[%get3A_4, %get3A_5] : memref<1000x256xf32, #tpu.memory_space<vmem>>, vector<1000x256xf32>
    %sub3A = vector.broadcast %mul3A_3 : vector<1x256xf32> to vector<1000x256xf32>
    %sub3A_7 = arith.subf %get3A_6, %sub3A : vector<1000x256xf32>
    %eq3A = arith.constant 0 : i32
    %eq3A_8 = arith.cmpi eq, %arg0, %eq3A : i32
    %convert_element_type3A = arith.extui %eq3A_8 : i1 to i32
    %cond3A = arith.constant 0 : i32
    %cond3A_9 = arith.cmpi ne, %convert_element_type3A, %cond3A : i32
    scf.if %cond3A_9 {
      %broadcast_in_dim3A_23 = arith.constant 0.000000e+00 : f32
      %broadcast_in_dim3A_24 = vector.broadcast %broadcast_in_dim3A_23 : f32 to vector<1x256xf32>
      %swap3A_25 = arith.constant 0 : index
      %swap3A_26 = arith.constant 0 : index
      %swap3A_27 = vector.load %arg4[%swap3A_25, %swap3A_26] : memref<1x256xf32, #tpu.memory_space<vmem>>, vector<1x256xf32>
      tpu.vector_store %arg4[%swap3A_25, %swap3A_26], %broadcast_in_dim3A_24 {strides = array<i32>} : memref<1x256xf32, #tpu.memory_space<vmem>>, vector<1x256xf32>,
    } else {
    }
    %get3A_10 = arith.constant 0 : index
    %get3A_11 = arith.constant 0 : index
    %get3A_12 = vector.load %arg4[%get3A_10, %get3A_11] : memref<1x256xf32, #tpu.memory_space<vmem>>, vector<1x256xf32>
    %mul3A_13 = arith.mulf %sub3A_7, %sub3A_7 : vector<1000x256xf32>
    %reduce_sum3A = arith.constant dense<0.000000e+00> : vector<256xf32>
    %reduce_sum3A_14 = vector.multi_reduction <add>, %mul3A_13, %reduce_sum3A [0] : vector<1000x256xf32> to vector<256xf32>
    %broadcast_in_dim3A = vector.shape_cast %reduce_sum3A_14 : vector<256xf32> to vector<1x256xf32>
    %add3A = arith.addf %get3A_12, %broadcast_in_dim3A : vector<1x256xf32>
    %swap3A = arith.constant 0 : index
    %swap3A_15 = arith.constant 0 : index
    %swap3A_16 = vector.load %arg4[%swap3A, %swap3A_15] : memref<1x256xf32, #tpu.memory_space<vmem>>, vector<1x256xf32>
    tpu.vector_store %arg4[%swap3A, %swap3A_15], %add3A {strides = array<i32>} : memref<1x256xf32, #tpu.memory_space<vmem>>, vector<1x256xf32>,
    %get3A_17 = arith.constant 0 : index
    %get3A_18 = arith.constant 0 : index
    %get3A_19 = vector.load %arg4[%get3A_17, %get3A_18] : memref<1x256xf32, #tpu.memory_space<vmem>>, vector<1x256xf32>
    %swap3A_20 = arith.constant 0 : index
    %swap3A_21 = arith.constant 0 : index
    %swap3A_22 = vector.load %arg3[%swap3A_20, %swap3A_21] : memref<1x256xf32, #tpu.memory_space<vmem>>, vector<1x256xf32>
    tpu.vector_store %arg3[%swap3A_20, %swap3A_21], %get3A_19 {strides = array<i32>} : memref<1x256xf32, #tpu.memory_space<vmem>>, vector<1x256xf32>,
    return
  }
  func.func @transform_0(%arg0: i32) -> (i32, i32) {
    %c0_i32 = arith.constant 0 : i32
    %c0_i32_0 = arith.constant 0 : i32
    return %arg0, %c0_i32 : i32, i32
  }
  func.func @transform_1(%arg0: i32) -> (i32, i32) {
    %c0_i32 = arith.constant 0 : i32
    %c0_i32_0 = arith.constant 0 : i32
    %c0_i32_1 = arith.constant 0 : i32
    return %c0_i32, %c0_i32_0 : i32, i32
  }
  func.func @transform_2(%arg0: i32) -> (i32, i32) {
    %c0_i32 = arith.constant 0 : i32
    %c0_i32_0 = arith.constant 0 : i32
    %c0_i32_1 = arith.constant 0 : i32
    return %c0_i32, %c0_i32_0 : i32, i32
  }
}

module attributes {stable_mosaic.version = 14 : i64} {
  func.func @_mm_body(%arg0: i32, %arg1: memref<1000x128xf32, #tpu.memory_space<vmem>>, %arg2: memref<1000x128xf32, #tpu.memory_space<vmem>>, %arg3: memref<1000x1xf32, #tpu.memory_space<vmem>>, %arg4: memref<128x256xf32, #tpu.memory_space<vmem>>, %arg5: memref<1x256xf32, #tpu.memory_space<vmem>>, %arg6: memref<1000x256xf32, #tpu.memory_space<vmem>>, %arg7: memref<2x256xf32, #tpu.memory_space<vmem>>, %arg8: memref<2x256xf32, #tpu.memory_space<vmem>>) attributes {dimension_semantics = [#tpu.dimension_semantics<arbitrary>], iteration_bounds = array<i64: 10>, scalar_prefetch = 0 : i64, scratch_operands = 1 : i64, tpu.core_type = #tpu.core_type<tc>, window_params = [{transform_indices = @transform_0, window_bounds = array<i64: 1000, 128>}, {transform_indices = @transform_1, window_bounds = array<i64: 1000, 128>}, {transform_indices = @transform_2, window_bounds = array<i64: 1000, 1>}, {pipeline_mode = #tpu.pipeline_mode<synchronous>, transform_indices = @transform_3, window_bounds = array<i64: 128, 256>}, {pipeline_mode = #tpu.pipeline_mode<synchronous>, transform_indices = @transform_4, window_bounds = array<i64: 1, 256>}, {transform_indices = @transform_5, window_bounds = array<i64: 1000, 256>}, {pipeline_mode = #tpu.pipeline_mode<synchronous>, transform_indices = @transform_6, window_bounds = array<i64: 2, 256>}]} {
    %get3A = arith.constant 0 : index
    %get3A_0 = arith.constant 0 : index
    %get3A_1 = vector.load %arg1[%get3A, %get3A_0] : memref<1000x128xf32, #tpu.memory_space<vmem>>, vector<1000x128xf32>
    %get3A_2 = arith.constant 0 : index
    %get3A_3 = arith.constant 0 : index
    %get3A_4 = vector.load %arg2[%get3A_2, %get3A_3] : memref<1000x128xf32, #tpu.memory_space<vmem>>, vector<1000x128xf32>
    %add3A = arith.addf %get3A_1, %get3A_4 : vector<1000x128xf32>
    %get3A_5 = arith.constant 0 : index
    %get3A_6 = arith.constant 0 : index
    %get3A_7 = vector.load %arg3[%get3A_5, %get3A_6] : memref<1000x1xf32, #tpu.memory_space<vmem>>, vector<1000x1xf32>
    %mul3A = vector.broadcast %get3A_7 : vector<1000x1xf32> to vector<1000x128xf32>
    %mul3A_8 = arith.mulf %add3A, %mul3A : vector<1000x128xf32>
    %get3A_9 = arith.constant 0 : index
    %get3A_10 = arith.constant 0 : index
    %get3A_11 = vector.load %arg4[%get3A_9, %get3A_10] : memref<128x256xf32, #tpu.memory_space<vmem>>, vector<128x256xf32>
    %dot_general3A = arith.constant dense<0.000000e+00> : vector<1000x256xf32>
    %dot_general3A_12 = tpu.matmul %mul3A_8, %get3A_11, %dot_general3A {dimension_numbers = #tpu.dot_dimension_numbers<[1], [0], [0], [1], [0, 0, 1, 1], [], []>, transpose_lhs_hint = false} : vector<1000x128xf32>, vector<128x256xf32>, vector<1000x256xf32> -> vector<1000x256xf32>
    %get3A_13 = arith.constant 0 : index
    %get3A_14 = arith.constant 0 : index
    %get3A_15 = vector.load %arg5[%get3A_13, %get3A_14] : memref<1x256xf32, #tpu.memory_space<vmem>>, vector<1x256xf32>
    %add3A_16 = vector.broadcast %get3A_15 : vector<1x256xf32> to vector<1000x256xf32>
    %add3A_17 = arith.addf %dot_general3A_12, %add3A_16 : vector<1000x256xf32>
    %swap3A = arith.constant 0 : index
    %swap3A_18 = arith.constant 0 : index
    %swap3A_19 = vector.load %arg6[%swap3A, %swap3A_18] : memref<1000x256xf32, #tpu.memory_space<vmem>>, vector<1000x256xf32>
    tpu.vector_store %arg6[%swap3A, %swap3A_18], %add3A_17 {strides = array<i32>} : memref<1000x256xf32, #tpu.memory_space<vmem>>, vector<1000x256xf32>,
    %eq3A = arith.constant 0 : i32
    %eq3A_20 = arith.cmpi eq, %arg0, %eq3A : i32
    %convert_element_type3A = arith.extui %eq3A_20 : i1 to i32
    %cond3A = arith.constant 0 : i32
    %cond3A_21 = arith.cmpi ne, %convert_element_type3A, %cond3A : i32
    scf.if %cond3A_21 {
      %broadcast_in_dim3A_47 = arith.constant 0.000000e+00 : f32
      %broadcast_in_dim3A_48 = vector.broadcast %broadcast_in_dim3A_47 : f32 to vector<2x256xf32>
      %swap3A_49 = arith.constant 0 : index
      %swap3A_50 = arith.constant 0 : index
      %swap3A_51 = vector.load %arg8[%swap3A_49, %swap3A_50] : memref<2x256xf32, #tpu.memory_space<vmem>>, vector<2x256xf32>
      tpu.vector_store %arg8[%swap3A_49, %swap3A_50], %broadcast_in_dim3A_48 {strides = array<i32>} : memref<2x256xf32, #tpu.memory_space<vmem>>, vector<2x256xf32>,
    } else {
    }
    %get3A_22 = arith.constant 0 : index
    %get3A_23 = arith.constant 0 : index
    %get3A_24 = vector.load %arg8[%get3A_22, %get3A_23] : memref<2x256xf32, #tpu.memory_space<vmem>>, vector<1x256xf32>
    %reduce_sum3A = arith.constant dense<0.000000e+00> : vector<256xf32>
    %reduce_sum3A_25 = vector.multi_reduction <add>, %add3A_17, %reduce_sum3A [0] : vector<1000x256xf32> to vector<256xf32>
    %broadcast_in_dim3A = vector.shape_cast %reduce_sum3A_25 : vector<256xf32> to vector<1x256xf32>
    %add3A_26 = arith.addf %get3A_24, %broadcast_in_dim3A : vector<1x256xf32>
    %swap3A_27 = arith.constant 0 : index
    %swap3A_28 = arith.constant 0 : index
    %swap3A_29 = vector.load %arg8[%swap3A_27, %swap3A_28] : memref<2x256xf32, #tpu.memory_space<vmem>>, vector<1x256xf32>
    tpu.vector_store %arg8[%swap3A_27, %swap3A_28], %add3A_26 {strides = array<i32>} : memref<2x256xf32, #tpu.memory_space<vmem>>, vector<1x256xf32>,
    %get3A_30 = arith.constant 1 : index
    %get3A_31 = arith.constant 0 : index
    %get3A_32 = vector.load %arg8[%get3A_30, %get3A_31] : memref<2x256xf32, #tpu.memory_space<vmem>>, vector<1x256xf32>
    %mul3A_33 = arith.mulf %add3A_17, %add3A_17 : vector<1000x256xf32>
    %reduce_sum3A_34 = arith.constant dense<0.000000e+00> : vector<256xf32>
    %reduce_sum3A_35 = vector.multi_reduction <add>, %mul3A_33, %reduce_sum3A_34 [0] : vector<1000x256xf32> to vector<256xf32>
    %broadcast_in_dim3A_36 = vector.shape_cast %reduce_sum3A_35 : vector<256xf32> to vector<1x256xf32>
    %add3A_37 = arith.addf %get3A_32, %broadcast_in_dim3A_36 : vector<1x256xf32>
    %swap3A_38 = arith.constant 1 : index
    %swap3A_39 = arith.constant 0 : index
    %swap3A_40 = vector.load %arg8[%swap3A_38, %swap3A_39] : memref<2x256xf32, #tpu.memory_space<vmem>>, vector<1x256xf32>
    tpu.vector_store %arg8[%swap3A_38, %swap3A_39], %add3A_37 {strides = array<i32>} : memref<2x256xf32, #tpu.memory_space<vmem>>, vector<1x256xf32>,
    %get3A_41 = arith.constant 0 : index
    %get3A_42 = arith.constant 0 : index
    %get3A_43 = vector.load %arg8[%get3A_41, %get3A_42] : memref<2x256xf32, #tpu.memory_space<vmem>>, vector<2x256xf32>
    %swap3A_44 = arith.constant 0 : index
    %swap3A_45 = arith.constant 0 : index
    %swap3A_46 = vector.load %arg7[%swap3A_44, %swap3A_45] : memref<2x256xf32, #tpu.memory_space<vmem>>, vector<2x256xf32>
    tpu.vector_store %arg7[%swap3A_44, %swap3A_45], %get3A_43 {strides = array<i32>} : memref<2x256xf32, #tpu.memory_space<vmem>>, vector<2x256xf32>,
    return
  }
  func.func @transform_0(%arg0: i32) -> (i32, i32) {
    %c0_i32 = arith.constant 0 : i32
    %c0_i32_0 = arith.constant 0 : i32
    return %arg0, %c0_i32 : i32, i32
  }
  func.func @transform_1(%arg0: i32) -> (i32, i32) {
    %c0_i32 = arith.constant 0 : i32
    %c0_i32_0 = arith.constant 0 : i32
    return %arg0, %c0_i32 : i32, i32
  }
  func.func @transform_2(%arg0: i32) -> (i32, i32) {
    %c0_i32 = arith.constant 0 : i32
    %c0_i32_0 = arith.constant 0 : i32
    return %arg0, %c0_i32 : i32, i32
  }
  func.func @transform_3(%arg0: i32) -> (i32, i32) {
    %c0_i32 = arith.constant 0 : i32
    %c0_i32_0 = arith.constant 0 : i32
    %c0_i32_1 = arith.constant 0 : i32
    return %c0_i32, %c0_i32_0 : i32, i32
  }
  func.func @transform_4(%arg0: i32) -> (i32, i32) {
    %c0_i32 = arith.constant 0 : i32
    %c0_i32_0 = arith.constant 0 : i32
    %c0_i32_1 = arith.constant 0 : i32
    return %c0_i32, %c0_i32_0 : i32, i32
  }
  func.func @transform_5(%arg0: i32) -> (i32, i32) {
    %c0_i32 = arith.constant 0 : i32
    %c0_i32_0 = arith.constant 0 : i32
    return %arg0, %c0_i32 : i32, i32
  }
  func.func @transform_6(%arg0: i32) -> (i32, i32) {
    %c0_i32 = arith.constant 0 : i32
    %c0_i32_0 = arith.constant 0 : i32
    %c0_i32_1 = arith.constant 0 : i32
    return %c0_i32, %c0_i32_0 : i32, i32
  }
}

module attributes {stable_mosaic.version = 14 : i64} {
  func.func @_bn_body(%arg0: i32, %arg1: memref<1000x256xf32, #tpu.memory_space<vmem>>, %arg2: memref<2x256xf32, #tpu.memory_space<vmem>>, %arg3: memref<1x256xf32, #tpu.memory_space<vmem>>, %arg4: memref<1x256xf32, #tpu.memory_space<vmem>>, %arg5: memref<1x256xf32, #tpu.memory_space<vmem>>, %arg6: memref<1000x1xf32, #tpu.memory_space<vmem>>, %arg7: memref<1000x256xf32, #tpu.memory_space<vmem>>, %arg8: memref<1000x256xf32, #tpu.memory_space<vmem>>, %arg9: memref<1000x128xf32, #tpu.memory_space<vmem>>, %arg10: memref<1000x128xf32, #tpu.memory_space<vmem>>) attributes {dimension_semantics = [#tpu.dimension_semantics<arbitrary>], iteration_bounds = array<i64: 10>, scalar_prefetch = 0 : i64, scratch_operands = 0 : i64, tpu.core_type = #tpu.core_type<tc>, window_params = [{transform_indices = @transform_0, window_bounds = array<i64: 1000, 256>}, {pipeline_mode = #tpu.pipeline_mode<synchronous>, transform_indices = @transform_1, window_bounds = array<i64: 2, 256>}, {pipeline_mode = #tpu.pipeline_mode<synchronous>, transform_indices = @transform_2, window_bounds = array<i64: 1, 256>}, {pipeline_mode = #tpu.pipeline_mode<synchronous>, transform_indices = @transform_3, window_bounds = array<i64: 1, 256>}, {pipeline_mode = #tpu.pipeline_mode<synchronous>, transform_indices = @transform_4, window_bounds = array<i64: 1, 256>}, {transform_indices = @transform_5, window_bounds = array<i64: 1000, 1>}, {transform_indices = @transform_6, window_bounds = array<i64: 1000, 256>}, {transform_indices = @transform_7, window_bounds = array<i64: 1000, 256>}, {transform_indices = @transform_8, window_bounds = array<i64: 1000, 128>}, {transform_indices = @transform_9, window_bounds = array<i64: 1000, 128>}]} {
    %get3A = arith.constant 0 : index
    %get3A_0 = arith.constant 0 : index
    %get3A_1 = vector.load %arg2[%get3A, %get3A_0] : memref<2x256xf32, #tpu.memory_space<vmem>>, vector<1x256xf32>
    %mul3A = arith.constant 9.99999974E-5 : f32
    %mul3A_2 = vector.broadcast %mul3A : f32 to vector<1x256xf32>
    %mul3A_3 = arith.mulf %get3A_1, %mul3A_2 : vector<1x256xf32>
    %get3A_4 = arith.constant 0 : index
    %get3A_5 = arith.constant 0 : index
    %get3A_6 = vector.load %arg3[%get3A_4, %get3A_5] : memref<1x256xf32, #tpu.memory_space<vmem>>, vector<1x256xf32>
    %mul3A_7 = arith.constant 9.99999974E-5 : f32
    %mul3A_8 = vector.broadcast %mul3A_7 : f32 to vector<1x256xf32>
    %mul3A_9 = arith.mulf %get3A_6, %mul3A_8 : vector<1x256xf32>
    %add3A = arith.constant 9.99999974E-6 : f32
    %add3A_10 = vector.broadcast %add3A : f32 to vector<1x256xf32>
    %add3A_11 = arith.addf %mul3A_9, %add3A_10 : vector<1x256xf32>
    %sqrt3A = math.sqrt %add3A_11 : vector<1x256xf32>
    %div3A = arith.constant 1.000000e+00 : f32
    %div3A_12 = vector.broadcast %div3A : f32 to vector<1x256xf32>
    %div3A_13 = arith.divf %div3A_12, %sqrt3A : vector<1x256xf32>
    %get3A_14 = arith.constant 0 : index
    %get3A_15 = arith.constant 0 : index
    %get3A_16 = vector.load %arg1[%get3A_14, %get3A_15] : memref<1000x256xf32, #tpu.memory_space<vmem>>, vector<1000x256xf32>
    %sub3A = vector.broadcast %mul3A_3 : vector<1x256xf32> to vector<1000x256xf32>
    %sub3A_17 = arith.subf %get3A_16, %sub3A : vector<1000x256xf32>
    %get3A_18 = arith.constant 0 : index
    %get3A_19 = arith.constant 0 : index
    %get3A_20 = vector.load %arg4[%get3A_18, %get3A_19] : memref<1x256xf32, #tpu.memory_space<vmem>>, vector<1x256xf32>
    %mul3A_21 = arith.mulf %div3A_13, %get3A_20 : vector<1x256xf32>
    %mul3A_22 = vector.broadcast %mul3A_21 : vector<1x256xf32> to vector<1000x256xf32>
    %mul3A_23 = arith.mulf %sub3A_17, %mul3A_22 : vector<1000x256xf32>
    %get3A_24 = arith.constant 0 : index
    %get3A_25 = arith.constant 0 : index
    %get3A_26 = vector.load %arg5[%get3A_24, %get3A_25] : memref<1x256xf32, #tpu.memory_space<vmem>>, vector<1x256xf32>
    %add3A_27 = vector.broadcast %get3A_26 : vector<1x256xf32> to vector<1000x256xf32>
    %add3A_28 = arith.addf %mul3A_23, %add3A_27 : vector<1000x256xf32>
    %max3A = arith.constant 0.000000e+00 : f32
    %max3A_29 = vector.broadcast %max3A : f32 to vector<1000x256xf32>
    %max3A_30 = arith.maximumf %add3A_28, %max3A_29 : vector<1000x256xf32>
    %get3A_31 = arith.constant 0 : index
    %get3A_32 = arith.constant 0 : index
    %get3A_33 = vector.load %arg7[%get3A_31, %get3A_32] : memref<1000x256xf32, #tpu.memory_space<vmem>>, vector<1000x256xf32>
    %max3A_34 = arith.maximumf %get3A_33, %max3A_30 : vector<1000x256xf32>
    %swap3A = arith.constant 0 : index
    %swap3A_35 = arith.constant 0 : index
    %swap3A_36 = vector.load %arg8[%swap3A, %swap3A_35] : memref<1000x256xf32, #tpu.memory_space<vmem>>, vector<1000x256xf32>
    tpu.vector_store %arg8[%swap3A, %swap3A_35], %max3A_34 {strides = array<i32>} : memref<1000x256xf32, #tpu.memory_space<vmem>>, vector<1000x256xf32>,
    %get3A_37 = arith.constant 0 : index
    %get3A_38 = arith.constant 0 : index
    %get3A_39 = vector.load %arg6[%get3A_37, %get3A_38] : memref<1000x1xf32, #tpu.memory_space<vmem>>, vector<1000x1xf32>
    %mul3A_40 = vector.broadcast %get3A_39 : vector<1000x1xf32> to vector<1000x256xf32>
    %mul3A_41 = arith.mulf %max3A_30, %mul3A_40 : vector<1000x256xf32>
    %slice3A = vector.extract_strided_slice %mul3A_41 {offsets = [0, 0], sizes = [1000, 128], strides = [1, 1]} : vector<1000x256xf32> to vector<1000x128xf32>
    %swap3A_42 = arith.constant 0 : index
    %swap3A_43 = arith.constant 0 : index
    %swap3A_44 = vector.load %arg9[%swap3A_42, %swap3A_43] : memref<1000x128xf32, #tpu.memory_space<vmem>>, vector<1000x128xf32>
    tpu.vector_store %arg9[%swap3A_42, %swap3A_43], %slice3A {strides = array<i32>} : memref<1000x128xf32, #tpu.memory_space<vmem>>, vector<1000x128xf32>,
    %slice3A_45 = vector.extract_strided_slice %mul3A_41 {offsets = [0, 128], sizes = [1000, 128], strides = [1, 1]} : vector<1000x256xf32> to vector<1000x128xf32>
    %swap3A_46 = arith.constant 0 : index
    %swap3A_47 = arith.constant 0 : index
    %swap3A_48 = vector.load %arg10[%swap3A_46, %swap3A_47] : memref<1000x128xf32, #tpu.memory_space<vmem>>, vector<1000x128xf32>
    tpu.vector_store %arg10[%swap3A_46, %swap3A_47], %slice3A_45 {strides = array<i32>} : memref<1000x128xf32, #tpu.memory_space<vmem>>, vector<1000x128xf32>,
    return
  }
  func.func @transform_0(%arg0: i32) -> (i32, i32) {
    %c0_i32 = arith.constant 0 : i32
    %c0_i32_0 = arith.constant 0 : i32
    return %arg0, %c0_i32 : i32, i32
  }
  func.func @transform_1(%arg0: i32) -> (i32, i32) {
    %c0_i32 = arith.constant 0 : i32
    %c0_i32_0 = arith.constant 0 : i32
    %c0_i32_1 = arith.constant 0 : i32
    return %c0_i32, %c0_i32_0 : i32, i32
  }
  func.func @transform_2(%arg0: i32) -> (i32, i32) {
    %c0_i32 = arith.constant 0 : i32
    %c0_i32_0 = arith.constant 0 : i32
    %c0_i32_1 = arith.constant 0 : i32
    return %c0_i32, %c0_i32_0 : i32, i32
  }
  func.func @transform_3(%arg0: i32) -> (i32, i32) {
    %c0_i32 = arith.constant 0 : i32
    %c0_i32_0 = arith.constant 0 : i32
    %c0_i32_1 = arith.constant 0 : i32
    return %c0_i32, %c0_i32_0 : i32, i32
  }
  func.func @transform_4(%arg0: i32) -> (i32, i32) {
    %c0_i32 = arith.constant 0 : i32
    %c0_i32_0 = arith.constant 0 : i32
    %c0_i32_1 = arith.constant 0 : i32
    return %c0_i32, %c0_i32_0 : i32, i32
  }
  func.func @transform_5(%arg0: i32) -> (i32, i32) {
    %c0_i32 = arith.constant 0 : i32
    %c0_i32_0 = arith.constant 0 : i32
    return %arg0, %c0_i32 : i32, i32
  }
  func.func @transform_6(%arg0: i32) -> (i32, i32) {
    %c0_i32 = arith.constant 0 : i32
    %c0_i32_0 = arith.constant 0 : i32
    return %arg0, %c0_i32 : i32, i32
  }
  func.func @transform_7(%arg0: i32) -> (i32, i32) {
    %c0_i32 = arith.constant 0 : i32
    %c0_i32_0 = arith.constant 0 : i32
    return %arg0, %c0_i32 : i32, i32
  }
  func.func @transform_8(%arg0: i32) -> (i32, i32) {
    %c0_i32 = arith.constant 0 : i32
    %c0_i32_0 = arith.constant 0 : i32
    return %arg0, %c0_i32 : i32, i32
  }
  func.func @transform_9(%arg0: i32) -> (i32, i32) {
    %c0_i32 = arith.constant 0 : i32
    %c0_i32_0 = arith.constant 0 : i32
    return %arg0, %c0_i32 : i32, i32
  }
}

module attributes {stable_mosaic.version = 14 : i64} {
  func.func @_mm_body(%arg0: i32, %arg1: memref<1000x128xf32, #tpu.memory_space<vmem>>, %arg2: memref<1000x128xf32, #tpu.memory_space<vmem>>, %arg3: memref<1000x1xf32, #tpu.memory_space<vmem>>, %arg4: memref<256x256xf32, #tpu.memory_space<vmem>>, %arg5: memref<1x256xf32, #tpu.memory_space<vmem>>, %arg6: memref<1000x256xf32, #tpu.memory_space<vmem>>, %arg7: memref<2x256xf32, #tpu.memory_space<vmem>>, %arg8: memref<2x256xf32, #tpu.memory_space<vmem>>) attributes {dimension_semantics = [#tpu.dimension_semantics<arbitrary>], iteration_bounds = array<i64: 10>, scalar_prefetch = 0 : i64, scratch_operands = 1 : i64, tpu.core_type = #tpu.core_type<tc>, window_params = [{transform_indices = @transform_0, window_bounds = array<i64: 1000, 128>}, {transform_indices = @transform_1, window_bounds = array<i64: 1000, 128>}, {transform_indices = @transform_2, window_bounds = array<i64: 1000, 1>}, {pipeline_mode = #tpu.pipeline_mode<synchronous>, transform_indices = @transform_3, window_bounds = array<i64: 256, 256>}, {pipeline_mode = #tpu.pipeline_mode<synchronous>, transform_indices = @transform_4, window_bounds = array<i64: 1, 256>}, {transform_indices = @transform_5, window_bounds = array<i64: 1000, 256>}, {pipeline_mode = #tpu.pipeline_mode<synchronous>, transform_indices = @transform_6, window_bounds = array<i64: 2, 256>}]} {
    %get3A = arith.constant 0 : index
    %get3A_0 = arith.constant 0 : index
    %get3A_1 = vector.load %arg1[%get3A, %get3A_0] : memref<1000x128xf32, #tpu.memory_space<vmem>>, vector<1000x128xf32>
    %get3A_2 = arith.constant 0 : index
    %get3A_3 = arith.constant 0 : index
    %get3A_4 = vector.load %arg2[%get3A_2, %get3A_3] : memref<1000x128xf32, #tpu.memory_space<vmem>>, vector<1000x128xf32>
    %concatenate3A = tpu.concatenate %get3A_1, %get3A_4 in 1 : vector<1000x128xf32>, vector<1000x128xf32> -> vector<1000x256xf32>
    %get3A_5 = arith.constant 0 : index
    %get3A_6 = arith.constant 0 : index
    %get3A_7 = vector.load %arg3[%get3A_5, %get3A_6] : memref<1000x1xf32, #tpu.memory_space<vmem>>, vector<1000x1xf32>
    %mul3A = vector.broadcast %get3A_7 : vector<1000x1xf32> to vector<1000x256xf32>
    %mul3A_8 = arith.mulf %concatenate3A, %mul3A : vector<1000x256xf32>
    %get3A_9 = arith.constant 0 : index
    %get3A_10 = arith.constant 0 : index
    %get3A_11 = vector.load %arg4[%get3A_9, %get3A_10] : memref<256x256xf32, #tpu.memory_space<vmem>>, vector<256x256xf32>
    %dot_general3A = arith.constant dense<0.000000e+00> : vector<1000x256xf32>
    %dot_general3A_12 = tpu.matmul %mul3A_8, %get3A_11, %dot_general3A {dimension_numbers = #tpu.dot_dimension_numbers<[1], [0], [0], [1], [0, 0, 1, 1], [], []>, transpose_lhs_hint = false} : vector<1000x256xf32>, vector<256x256xf32>, vector<1000x256xf32> -> vector<1000x256xf32>
    %get3A_13 = arith.constant 0 : index
    %get3A_14 = arith.constant 0 : index
    %get3A_15 = vector.load %arg5[%get3A_13, %get3A_14] : memref<1x256xf32, #tpu.memory_space<vmem>>, vector<1x256xf32>
    %add3A = vector.broadcast %get3A_15 : vector<1x256xf32> to vector<1000x256xf32>
    %add3A_16 = arith.addf %dot_general3A_12, %add3A : vector<1000x256xf32>
    %swap3A = arith.constant 0 : index
    %swap3A_17 = arith.constant 0 : index
    %swap3A_18 = vector.load %arg6[%swap3A, %swap3A_17] : memref<1000x256xf32, #tpu.memory_space<vmem>>, vector<1000x256xf32>
    tpu.vector_store %arg6[%swap3A, %swap3A_17], %add3A_16 {strides = array<i32>} : memref<1000x256xf32, #tpu.memory_space<vmem>>, vector<1000x256xf32>,
    %eq3A = arith.constant 0 : i32
    %eq3A_19 = arith.cmpi eq, %arg0, %eq3A : i32
    %convert_element_type3A = arith.extui %eq3A_19 : i1 to i32
    %cond3A = arith.constant 0 : i32
    %cond3A_20 = arith.cmpi ne, %convert_element_type3A, %cond3A : i32
    scf.if %cond3A_20 {
      %broadcast_in_dim3A_46 = arith.constant 0.000000e+00 : f32
      %broadcast_in_dim3A_47 = vector.broadcast %broadcast_in_dim3A_46 : f32 to vector<2x256xf32>
      %swap3A_48 = arith.constant 0 : index
      %swap3A_49 = arith.constant 0 : index
      %swap3A_50 = vector.load %arg8[%swap3A_48, %swap3A_49] : memref<2x256xf32, #tpu.memory_space<vmem>>, vector<2x256xf32>
      tpu.vector_store %arg8[%swap3A_48, %swap3A_49], %broadcast_in_dim3A_47 {strides = array<i32>} : memref<2x256xf32, #tpu.memory_space<vmem>>, vector<2x256xf32>,
    } else {
    }
    %get3A_21 = arith.constant 0 : index
    %get3A_22 = arith.constant 0 : index
    %get3A_23 = vector.load %arg8[%get3A_21, %get3A_22] : memref<2x256xf32, #tpu.memory_space<vmem>>, vector<1x256xf32>
    %reduce_sum3A = arith.constant dense<0.000000e+00> : vector<256xf32>
    %reduce_sum3A_24 = vector.multi_reduction <add>, %add3A_16, %reduce_sum3A [0] : vector<1000x256xf32> to vector<256xf32>
    %broadcast_in_dim3A = vector.shape_cast %reduce_sum3A_24 : vector<256xf32> to vector<1x256xf32>
    %add3A_25 = arith.addf %get3A_23, %broadcast_in_dim3A : vector<1x256xf32>
    %swap3A_26 = arith.constant 0 : index
    %swap3A_27 = arith.constant 0 : index
    %swap3A_28 = vector.load %arg8[%swap3A_26, %swap3A_27] : memref<2x256xf32, #tpu.memory_space<vmem>>, vector<1x256xf32>
    tpu.vector_store %arg8[%swap3A_26, %swap3A_27], %add3A_25 {strides = array<i32>} : memref<2x256xf32, #tpu.memory_space<vmem>>, vector<1x256xf32>,
    %get3A_29 = arith.constant 1 : index
    %get3A_30 = arith.constant 0 : index
    %get3A_31 = vector.load %arg8[%get3A_29, %get3A_30] : memref<2x256xf32, #tpu.memory_space<vmem>>, vector<1x256xf32>
    %mul3A_32 = arith.mulf %add3A_16, %add3A_16 : vector<1000x256xf32>
    %reduce_sum3A_33 = arith.constant dense<0.000000e+00> : vector<256xf32>
    %reduce_sum3A_34 = vector.multi_reduction <add>, %mul3A_32, %reduce_sum3A_33 [0] : vector<1000x256xf32> to vector<256xf32>
    %broadcast_in_dim3A_35 = vector.shape_cast %reduce_sum3A_34 : vector<256xf32> to vector<1x256xf32>
    %add3A_36 = arith.addf %get3A_31, %broadcast_in_dim3A_35 : vector<1x256xf32>
    %swap3A_37 = arith.constant 1 : index
    %swap3A_38 = arith.constant 0 : index
    %swap3A_39 = vector.load %arg8[%swap3A_37, %swap3A_38] : memref<2x256xf32, #tpu.memory_space<vmem>>, vector<1x256xf32>
    tpu.vector_store %arg8[%swap3A_37, %swap3A_38], %add3A_36 {strides = array<i32>} : memref<2x256xf32, #tpu.memory_space<vmem>>, vector<1x256xf32>,
    %get3A_40 = arith.constant 0 : index
    %get3A_41 = arith.constant 0 : index
    %get3A_42 = vector.load %arg8[%get3A_40, %get3A_41] : memref<2x256xf32, #tpu.memory_space<vmem>>, vector<2x256xf32>
    %swap3A_43 = arith.constant 0 : index
    %swap3A_44 = arith.constant 0 : index
    %swap3A_45 = vector.load %arg7[%swap3A_43, %swap3A_44] : memref<2x256xf32, #tpu.memory_space<vmem>>, vector<2x256xf32>
    tpu.vector_store %arg7[%swap3A_43, %swap3A_44], %get3A_42 {strides = array<i32>} : memref<2x256xf32, #tpu.memory_space<vmem>>, vector<2x256xf32>,
    return
  }
  func.func @transform_0(%arg0: i32) -> (i32, i32) {
    %c0_i32 = arith.constant 0 : i32
    %c0_i32_0 = arith.constant 0 : i32
    return %arg0, %c0_i32 : i32, i32
  }
  func.func @transform_1(%arg0: i32) -> (i32, i32) {
    %c0_i32 = arith.constant 0 : i32
    %c0_i32_0 = arith.constant 0 : i32
    return %arg0, %c0_i32 : i32, i32
  }
  func.func @transform_2(%arg0: i32) -> (i32, i32) {
    %c0_i32 = arith.constant 0 : i32
    %c0_i32_0 = arith.constant 0 : i32
    return %arg0, %c0_i32 : i32, i32
  }
  func.func @transform_3(%arg0: i32) -> (i32, i32) {
    %c0_i32 = arith.constant 0 : i32
    %c0_i32_0 = arith.constant 0 : i32
    %c0_i32_1 = arith.constant 0 : i32
    return %c0_i32, %c0_i32_0 : i32, i32
  }
  func.func @transform_4(%arg0: i32) -> (i32, i32) {
    %c0_i32 = arith.constant 0 : i32
    %c0_i32_0 = arith.constant 0 : i32
    %c0_i32_1 = arith.constant 0 : i32
    return %c0_i32, %c0_i32_0 : i32, i32
  }
  func.func @transform_5(%arg0: i32) -> (i32, i32) {
    %c0_i32 = arith.constant 0 : i32
    %c0_i32_0 = arith.constant 0 : i32
    return %arg0, %c0_i32 : i32, i32
  }
  func.func @transform_6(%arg0: i32) -> (i32, i32) {
    %c0_i32 = arith.constant 0 : i32
    %c0_i32_0 = arith.constant 0 : i32
    %c0_i32_1 = arith.constant 0 : i32
    return %c0_i32, %c0_i32_0 : i32, i32
  }
}

module attributes {stable_mosaic.version = 14 : i64} {
  func.func @_bn_body(%arg0: i32, %arg1: memref<1000x256xf32, #tpu.memory_space<vmem>>, %arg2: memref<2x256xf32, #tpu.memory_space<vmem>>, %arg3: memref<1x256xf32, #tpu.memory_space<vmem>>, %arg4: memref<1x256xf32, #tpu.memory_space<vmem>>, %arg5: memref<1x256xf32, #tpu.memory_space<vmem>>, %arg6: memref<1000x1xf32, #tpu.memory_space<vmem>>, %arg7: memref<1000x256xf32, #tpu.memory_space<vmem>>, %arg8: memref<1000x256xf32, #tpu.memory_space<vmem>>, %arg9: memref<1000x128xf32, #tpu.memory_space<vmem>>, %arg10: memref<1000x128xf32, #tpu.memory_space<vmem>>) attributes {dimension_semantics = [#tpu.dimension_semantics<arbitrary>], iteration_bounds = array<i64: 10>, scalar_prefetch = 0 : i64, scratch_operands = 0 : i64, tpu.core_type = #tpu.core_type<tc>, window_params = [{transform_indices = @transform_0, window_bounds = array<i64: 1000, 256>}, {pipeline_mode = #tpu.pipeline_mode<synchronous>, transform_indices = @transform_1, window_bounds = array<i64: 2, 256>}, {pipeline_mode = #tpu.pipeline_mode<synchronous>, transform_indices = @transform_2, window_bounds = array<i64: 1, 256>}, {pipeline_mode = #tpu.pipeline_mode<synchronous>, transform_indices = @transform_3, window_bounds = array<i64: 1, 256>}, {pipeline_mode = #tpu.pipeline_mode<synchronous>, transform_indices = @transform_4, window_bounds = array<i64: 1, 256>}, {transform_indices = @transform_5, window_bounds = array<i64: 1000, 1>}, {transform_indices = @transform_6, window_bounds = array<i64: 1000, 256>}, {transform_indices = @transform_7, window_bounds = array<i64: 1000, 256>}, {transform_indices = @transform_8, window_bounds = array<i64: 1000, 128>}, {transform_indices = @transform_9, window_bounds = array<i64: 1000, 128>}]} {
    %get3A = arith.constant 0 : index
    %get3A_0 = arith.constant 0 : index
    %get3A_1 = vector.load %arg2[%get3A, %get3A_0] : memref<2x256xf32, #tpu.memory_space<vmem>>, vector<1x256xf32>
    %mul3A = arith.constant 9.99999974E-5 : f32
    %mul3A_2 = vector.broadcast %mul3A : f32 to vector<1x256xf32>
    %mul3A_3 = arith.mulf %get3A_1, %mul3A_2 : vector<1x256xf32>
    %get3A_4 = arith.constant 0 : index
    %get3A_5 = arith.constant 0 : index
    %get3A_6 = vector.load %arg3[%get3A_4, %get3A_5] : memref<1x256xf32, #tpu.memory_space<vmem>>, vector<1x256xf32>
    %mul3A_7 = arith.constant 9.99999974E-5 : f32
    %mul3A_8 = vector.broadcast %mul3A_7 : f32 to vector<1x256xf32>
    %mul3A_9 = arith.mulf %get3A_6, %mul3A_8 : vector<1x256xf32>
    %add3A = arith.constant 9.99999974E-6 : f32
    %add3A_10 = vector.broadcast %add3A : f32 to vector<1x256xf32>
    %add3A_11 = arith.addf %mul3A_9, %add3A_10 : vector<1x256xf32>
    %sqrt3A = math.sqrt %add3A_11 : vector<1x256xf32>
    %div3A = arith.constant 1.000000e+00 : f32
    %div3A_12 = vector.broadcast %div3A : f32 to vector<1x256xf32>
    %div3A_13 = arith.divf %div3A_12, %sqrt3A : vector<1x256xf32>
    %get3A_14 = arith.constant 0 : index
    %get3A_15 = arith.constant 0 : index
    %get3A_16 = vector.load %arg1[%get3A_14, %get3A_15] : memref<1000x256xf32, #tpu.memory_space<vmem>>, vector<1000x256xf32>
    %sub3A = vector.broadcast %mul3A_3 : vector<1x256xf32> to vector<1000x256xf32>
    %sub3A_17 = arith.subf %get3A_16, %sub3A : vector<1000x256xf32>
    %get3A_18 = arith.constant 0 : index
    %get3A_19 = arith.constant 0 : index
    %get3A_20 = vector.load %arg4[%get3A_18, %get3A_19] : memref<1x256xf32, #tpu.memory_space<vmem>>, vector<1x256xf32>
    %mul3A_21 = arith.mulf %div3A_13, %get3A_20 : vector<1x256xf32>
    %mul3A_22 = vector.broadcast %mul3A_21 : vector<1x256xf32> to vector<1000x256xf32>
    %mul3A_23 = arith.mulf %sub3A_17, %mul3A_22 : vector<1000x256xf32>
    %get3A_24 = arith.constant 0 : index
    %get3A_25 = arith.constant 0 : index
    %get3A_26 = vector.load %arg5[%get3A_24, %get3A_25] : memref<1x256xf32, #tpu.memory_space<vmem>>, vector<1x256xf32>
    %add3A_27 = vector.broadcast %get3A_26 : vector<1x256xf32> to vector<1000x256xf32>
    %add3A_28 = arith.addf %mul3A_23, %add3A_27 : vector<1000x256xf32>
    %max3A = arith.constant 0.000000e+00 : f32
    %max3A_29 = vector.broadcast %max3A : f32 to vector<1000x256xf32>
    %max3A_30 = arith.maximumf %add3A_28, %max3A_29 : vector<1000x256xf32>
    %get3A_31 = arith.constant 0 : index
    %get3A_32 = arith.constant 0 : index
    %get3A_33 = vector.load %arg7[%get3A_31, %get3A_32] : memref<1000x256xf32, #tpu.memory_space<vmem>>, vector<1000x256xf32>
    %max3A_34 = arith.maximumf %get3A_33, %max3A_30 : vector<1000x256xf32>
    %swap3A = arith.constant 0 : index
    %swap3A_35 = arith.constant 0 : index
    %swap3A_36 = vector.load %arg8[%swap3A, %swap3A_35] : memref<1000x256xf32, #tpu.memory_space<vmem>>, vector<1000x256xf32>
    tpu.vector_store %arg8[%swap3A, %swap3A_35], %max3A_34 {strides = array<i32>} : memref<1000x256xf32, #tpu.memory_space<vmem>>, vector<1000x256xf32>,
    %get3A_37 = arith.constant 0 : index
    %get3A_38 = arith.constant 0 : index
    %get3A_39 = vector.load %arg6[%get3A_37, %get3A_38] : memref<1000x1xf32, #tpu.memory_space<vmem>>, vector<1000x1xf32>
    %mul3A_40 = vector.broadcast %get3A_39 : vector<1000x1xf32> to vector<1000x256xf32>
    %mul3A_41 = arith.mulf %max3A_30, %mul3A_40 : vector<1000x256xf32>
    %slice3A = vector.extract_strided_slice %mul3A_41 {offsets = [0, 0], sizes = [1000, 128], strides = [1, 1]} : vector<1000x256xf32> to vector<1000x128xf32>
    %swap3A_42 = arith.constant 0 : index
    %swap3A_43 = arith.constant 0 : index
    %swap3A_44 = vector.load %arg9[%swap3A_42, %swap3A_43] : memref<1000x128xf32, #tpu.memory_space<vmem>>, vector<1000x128xf32>
    tpu.vector_store %arg9[%swap3A_42, %swap3A_43], %slice3A {strides = array<i32>} : memref<1000x128xf32, #tpu.memory_space<vmem>>, vector<1000x128xf32>,
    %slice3A_45 = vector.extract_strided_slice %mul3A_41 {offsets = [0, 128], sizes = [1000, 128], strides = [1, 1]} : vector<1000x256xf32> to vector<1000x128xf32>
    %swap3A_46 = arith.constant 0 : index
    %swap3A_47 = arith.constant 0 : index
    %swap3A_48 = vector.load %arg10[%swap3A_46, %swap3A_47] : memref<1000x128xf32, #tpu.memory_space<vmem>>, vector<1000x128xf32>
    tpu.vector_store %arg10[%swap3A_46, %swap3A_47], %slice3A_45 {strides = array<i32>} : memref<1000x128xf32, #tpu.memory_space<vmem>>, vector<1000x128xf32>,
    return
  }
  func.func @transform_0(%arg0: i32) -> (i32, i32) {
    %c0_i32 = arith.constant 0 : i32
    %c0_i32_0 = arith.constant 0 : i32
    return %arg0, %c0_i32 : i32, i32
  }
  func.func @transform_1(%arg0: i32) -> (i32, i32) {
    %c0_i32 = arith.constant 0 : i32
    %c0_i32_0 = arith.constant 0 : i32
    %c0_i32_1 = arith.constant 0 : i32
    return %c0_i32, %c0_i32_0 : i32, i32
  }
  func.func @transform_2(%arg0: i32) -> (i32, i32) {
    %c0_i32 = arith.constant 0 : i32
    %c0_i32_0 = arith.constant 0 : i32
    %c0_i32_1 = arith.constant 0 : i32
    return %c0_i32, %c0_i32_0 : i32, i32
  }
  func.func @transform_3(%arg0: i32) -> (i32, i32) {
    %c0_i32 = arith.constant 0 : i32
    %c0_i32_0 = arith.constant 0 : i32
    %c0_i32_1 = arith.constant 0 : i32
    return %c0_i32, %c0_i32_0 : i32, i32
  }
  func.func @transform_4(%arg0: i32) -> (i32, i32) {
    %c0_i32 = arith.constant 0 : i32
    %c0_i32_0 = arith.constant 0 : i32
    %c0_i32_1 = arith.constant 0 : i32
    return %c0_i32, %c0_i32_0 : i32, i32
  }
  func.func @transform_5(%arg0: i32) -> (i32, i32) {
    %c0_i32 = arith.constant 0 : i32
    %c0_i32_0 = arith.constant 0 : i32
    return %arg0, %c0_i32 : i32, i32
  }
  func.func @transform_6(%arg0: i32) -> (i32, i32) {
    %c0_i32 = arith.constant 0 : i32
    %c0_i32_0 = arith.constant 0 : i32
    return %arg0, %c0_i32 : i32, i32
  }
  func.func @transform_7(%arg0: i32) -> (i32, i32) {
    %c0_i32 = arith.constant 0 : i32
    %c0_i32_0 = arith.constant 0 : i32
    return %arg0, %c0_i32 : i32, i32
  }
  func.func @transform_8(%arg0: i32) -> (i32, i32) {
    %c0_i32 = arith.constant 0 : i32
    %c0_i32_0 = arith.constant 0 : i32
    return %arg0, %c0_i32 : i32, i32
  }
  func.func @transform_9(%arg0: i32) -> (i32, i32) {
    %c0_i32 = arith.constant 0 : i32
    %c0_i32_0 = arith.constant 0 : i32
    return %arg0, %c0_i32 : i32, i32
  }
}

module attributes {stable_mosaic.version = 14 : i64} {
  func.func @_head_body(%arg0: i32, %arg1: memref<1000x256xf32, #tpu.memory_space<vmem>>, %arg2: memref<256x256xf32, #tpu.memory_space<vmem>>, %arg3: memref<1x256xf32, #tpu.memory_space<vmem>>, %arg4: memref<256x128xf32, #tpu.memory_space<vmem>>, %arg5: memref<1x128xf32, #tpu.memory_space<vmem>>, %arg6: memref<1000x128xf32, #tpu.memory_space<vmem>>) attributes {dimension_semantics = [#tpu.dimension_semantics<arbitrary>], iteration_bounds = array<i64: 10>, scalar_prefetch = 0 : i64, scratch_operands = 0 : i64, tpu.core_type = #tpu.core_type<tc>, window_params = [{transform_indices = @transform_0, window_bounds = array<i64: 1000, 256>}, {pipeline_mode = #tpu.pipeline_mode<synchronous>, transform_indices = @transform_1, window_bounds = array<i64: 256, 256>}, {pipeline_mode = #tpu.pipeline_mode<synchronous>, transform_indices = @transform_2, window_bounds = array<i64: 1, 256>}, {pipeline_mode = #tpu.pipeline_mode<synchronous>, transform_indices = @transform_3, window_bounds = array<i64: 256, 128>}, {pipeline_mode = #tpu.pipeline_mode<synchronous>, transform_indices = @transform_4, window_bounds = array<i64: 1, 128>}, {transform_indices = @transform_5, window_bounds = array<i64: 1000, 128>}]} {
    %get3A = arith.constant 0 : index
    %get3A_0 = arith.constant 0 : index
    %get3A_1 = vector.load %arg1[%get3A, %get3A_0] : memref<1000x256xf32, #tpu.memory_space<vmem>>, vector<1000x256xf32>
    %get3A_2 = arith.constant 0 : index
    %get3A_3 = arith.constant 0 : index
    %get3A_4 = vector.load %arg2[%get3A_2, %get3A_3] : memref<256x256xf32, #tpu.memory_space<vmem>>, vector<256x256xf32>
    %dot_general3A = arith.constant dense<0.000000e+00> : vector<1000x256xf32>
    %dot_general3A_5 = tpu.matmul %get3A_1, %get3A_4, %dot_general3A {dimension_numbers = #tpu.dot_dimension_numbers<[1], [0], [0], [1], [0, 0, 1, 1], [], []>, transpose_lhs_hint = false} : vector<1000x256xf32>, vector<256x256xf32>, vector<1000x256xf32> -> vector<1000x256xf32>
    %get3A_6 = arith.constant 0 : index
    %get3A_7 = arith.constant 0 : index
    %get3A_8 = vector.load %arg3[%get3A_6, %get3A_7] : memref<1x256xf32, #tpu.memory_space<vmem>>, vector<1x256xf32>
    %add3A = vector.broadcast %get3A_8 : vector<1x256xf32> to vector<1000x256xf32>
    %add3A_9 = arith.addf %dot_general3A_5, %add3A : vector<1000x256xf32>
    %max3A = arith.constant 0.000000e+00 : f32
    %max3A_10 = vector.broadcast %max3A : f32 to vector<1000x256xf32>
    %max3A_11 = arith.maximumf %add3A_9, %max3A_10 : vector<1000x256xf32>
    %get3A_12 = arith.constant 0 : index
    %get3A_13 = arith.constant 0 : index
    %get3A_14 = vector.load %arg4[%get3A_12, %get3A_13] : memref<256x128xf32, #tpu.memory_space<vmem>>, vector<256x128xf32>
    %dot_general3A_15 = arith.constant dense<0.000000e+00> : vector<1000x128xf32>
    %dot_general3A_16 = tpu.matmul %max3A_11, %get3A_14, %dot_general3A_15 {dimension_numbers = #tpu.dot_dimension_numbers<[1], [0], [0], [1], [0, 0, 1, 1], [], []>, transpose_lhs_hint = false} : vector<1000x256xf32>, vector<256x128xf32>, vector<1000x128xf32> -> vector<1000x128xf32>
    %get3A_17 = arith.constant 0 : index
    %get3A_18 = arith.constant 0 : index
    %get3A_19 = vector.load %arg5[%get3A_17, %get3A_18] : memref<1x128xf32, #tpu.memory_space<vmem>>, vector<1x128xf32>
    %add3A_20 = vector.broadcast %get3A_19 : vector<1x128xf32> to vector<1000x128xf32>
    %add3A_21 = arith.addf %dot_general3A_16, %add3A_20 : vector<1000x128xf32>
    %swap3A = arith.constant 0 : index
    %swap3A_22 = arith.constant 0 : index
    %swap3A_23 = vector.load %arg6[%swap3A, %swap3A_22] : memref<1000x128xf32, #tpu.memory_space<vmem>>, vector<1000x128xf32>
    tpu.vector_store %arg6[%swap3A, %swap3A_22], %add3A_21 {strides = array<i32>} : memref<1000x128xf32, #tpu.memory_space<vmem>>, vector<1000x128xf32>,
    return
  }
  func.func @transform_0(%arg0: i32) -> (i32, i32) {
    %c0_i32 = arith.constant 0 : i32
    %c0_i32_0 = arith.constant 0 : i32
    return %arg0, %c0_i32 : i32, i32
  }
  func.func @transform_1(%arg0: i32) -> (i32, i32) {
    %c0_i32 = arith.constant 0 : i32
    %c0_i32_0 = arith.constant 0 : i32
    %c0_i32_1 = arith.constant 0 : i32
    return %c0_i32, %c0_i32_0 : i32, i32
  }
  func.func @transform_2(%arg0: i32) -> (i32, i32) {
    %c0_i32 = arith.constant 0 : i32
    %c0_i32_0 = arith.constant 0 : i32
    %c0_i32_1 = arith.constant 0 : i32
    return %c0_i32, %c0_i32_0 : i32, i32
  }
  func.func @transform_3(%arg0: i32) -> (i32, i32) {
    %c0_i32 = arith.constant 0 : i32
    %c0_i32_0 = arith.constant 0 : i32
    %c0_i32_1 = arith.constant 0 : i32
    return %c0_i32, %c0_i32_0 : i32, i32
  }
  func.func @transform_4(%arg0: i32) -> (i32, i32) {
    %c0_i32 = arith.constant 0 : i32
    %c0_i32_0 = arith.constant 0 : i32
    %c0_i32_1 = arith.constant 0 : i32
    return %c0_i32, %c0_i32_0 : i32, i32
  }
  func.func @transform_5(%arg0: i32) -> (i32, i32) {
    %c0_i32 = arith.constant 0 : i32
    %c0_i32_0 = arith.constant 0 : i32
    return %arg0, %c0_i32 : i32, i32
  }
}

</mosaic_0001>

<sc_bundles>
// kernel: kernel.21.cloned.1.call-start
scs
__scs_entry_jumppad:
0x0: {  	(pc) =	sbr.rel $0x88, $3  }
0x1: {  	(tag) =	ssettag $0x0;
	lr =	simm.s32 $0x1  }
0x2: {  	[smem:$0x3F8B] =	sst lr;
	_ =	strace $0xD0000000  }
0x3: {  	_ = 	snop  }
0x4: {  	_ = 	snop  }
0x5: {  	_ = 	snop  }
0x6: {  	_ = 	snop  }
0x7: {  	_ = 	snop  }
__scs_overlays_trampoline_lowered:
0x8: {  	[smem:$0x3F9A] =	sst s0  }
0x9: {  	[smem:$0x3F9B] =	sst s1  }
0xa: {  	[smem:$0x3F9C] =	sst s2  }
0xb: {  	[smem:$0x3F9D] =	sst s3  }
0xc: {  	[smem:$0x3F9E] =	sst s4  }
0xd: {  	[smem:$0x3F9F] =	sst s5  }
0xe: {  	[smem:$0x3FA0] =	sst s6  }
0xf: {  	[smem:$0x3FA1] =	sst s7  }
0x10: {  	[smem:$0x3FA2] =	sst s8  }
0x11: {  	[smem:$0x3FA3] =	sst s9;
	s0 =	simm.s32 @!p0 $0x0  }
0x12: {  	s1 =	sld [smem:$0x3F89];
	s0 =	simm.s32 @p0 $0x1  }
0x13: {  	[smem:$0x3FA4] =	sst s0;
	s0 =	simm.s32 @!p1 $0x0  }
0x14: {  	s2 =	sld [smem:$0x3F88];
	s0 =	simm.s32 @p1 $0x1  }
0x15: {  	[smem:$0x3FA5] =	sst s0;
	s0 =	simm.s32 @!p2 $0x0  }
0x16: {  	s3 =	sld [smem:$0x3FDB];
	s0 =	simm.s32 @p2 $0x1  }
0x17: {  	s4 =	simm.s32 $0x1BF5;
	[smem:$0x3FA7] =	sst s0  }
0x18: {  	s0 =	sld [smem:$0x3F8A];
	_ =	swait.ge [sflag:s4], $0x0  }
0x19: {  	s7 =	sld [smem:$0x3F8B]  }
0x1a: {  	s8 =	sadd.s32 $0xFFFFE003, lr  }
0x1b: {  	s9 =	sadd.s32 $0xFFFFFEF7, lr;
	s5 =	simm.s32 $0xFFFFFFFF;
	p2 =	slt.u32 s8, $0xFFFFF086  }
0x1c: {  	p1 =	slt.u32 s9, $0xF7A;
	s5 =	simm.s32 @!p2 $0x0  }
0x1d: {  	s5 =	simm.s32 @p1 $0x1;
	p0 =	seq.s32 s7, s2  }
0x1e: {  	s7 =	smul.u32 @!p0 $0xF7A, s2;
	p2 =	seq.s32 @!p0 s5, $0x0  }
0x1f: {  	s9 =	smul.u32 $0xF7A, s1;
	s8 =	simm.s32 @!p0 $0x1BF5;
	p2 =	por !p2, p0  }
0x20: {  	[sflag:s8] =	ssyncset.s32 @!p0 $0xFFFFF086;
	s6 =	sadd.s32 @!p0 s3, s7;
	s7 =	simm.s32 @!p0 $0x108  }
0x21: {  	s3 =	sadd.s32 s3, s9;
	s6 =	sadd.s32 @!p0 $0x88, s6;
	s7 =	simm.s32 @p2 $0x1082  }
0x22: {  	[simem:s7], [sflag:s8] =	dma.local @!p0 [hbm:s6], $0xF7A  }
0x23: {  	s9 =	sor.u32 $0xD0000000, s2;
	s6 =	simm.s32 $0x108;
	_ =	swait.ge @!p0 [sflag:s8], $0x0  }
0x24: {  	s3 =	sadd.s32 $0x88, s3;
	s6 =	simm.s32 @!p1 $0x1082;
	[sflag:s4] =	ssyncset.s32 $0xFFFFF086  }
0x25: {  	[simem:s6], [sflag:s4] =	dma.local [hbm:s3], $0xF7A  }
0x26: {  	[smem:$0x3F8B] =	sst s1;
	(tag) =	ssettag s2;
	_ =	strace s9  }
0x27: {  	s1 =	sld [smem:$0x3F9B]  }
0x28: {  	s2 =	sld [smem:$0x3F9C]  }
0x29: {  	s4 =	sld [smem:$0x3F9E]  }
0x2a: {  	p0 =	seq.s32 s5, $0x0;
	s5 =	sld [smem:$0x3F9F]  }
0x2b: {  	s6 =	sld [smem:$0x3FA0]  }
0x2c: {  	s7 =	sld [smem:$0x3FA1]  }
0x2d: {  	s3 =	simm.s32 $0x108;
	s8 =	sld [smem:$0x3FA2]  }
0x2e: {  	s3 =	simm.s32 @!p0 $0x1082;
	s9 =	sld [smem:$0x3FA3]  }
0x2f: {  	lr =	sadd.s32 s0, s3;
	s0 =	sld [smem:$0x3F9A]  }
0x30: {  	s3 =	sld [smem:$0x3F9D]  }
0x31: {  	[smem:$0x3FA6] =	sst s10  }
0x32: {  	s10 =	sld [smem:$0x3FA4];
	_ =	sdelay $0x3  }
0x33: {  	p0 =	seq.s32 s10, $0x1;
	s10 =	sld [smem:$0x3FA6];
	_ =	sdelay $0x3  }
0x34: {  	[smem:$0x3FA6] =	sst s10  }
0x35: {  	s10 =	sld [smem:$0x3FA5];
	_ =	sdelay $0x3  }
0x36: {  	p1 =	seq.s32 s10, $0x1;
	s10 =	sld [smem:$0x3FA6];
	_ =	sdelay $0x3  }
0x37: {  	[smem:$0x3FA6] =	sst s10  }
0x38: {  	s10 =	sld [smem:$0x3FA7]  }
0x39: {  	_ = 	snop;
	(pc) =	sbr.ind lr, $3  }
0x3a: {  	_ = 	snop  }
0x3b: {  	_ = 	snop  }
0x3c: {  	p2 =	seq.s32 s10, $0x1;
	s10 =	sld [smem:$0x3FA6]  }
0x3d: {  	_ =	shalt  }
0x3e: {  	_ =	shalt  }
0x3f: {  	_ =	shalt  }
0x40: {  	_ =	shalt  }
0x41: {  	_ =	shalt  }
0x42: {  	_ =	shalt  }
0x43: {  	_ =	shalt  }
0x44: {  	_ =	shalt  }
0x45: {  	_ =	shalt  }
0x46: {  	_ =	shalt  }
0x47: {  	_ =	shalt  }
0x48: {  	_ =	shalt  }
0x49: {  	_ =	shalt  }
0x4a: {  	_ =	shalt  }
0x4b: {  	_ =	shalt  }
0x4c: {  	_ =	shalt  }
0x4d: {  	_ =	shalt  }
0x4e: {  	_ =	shalt  }
0x4f: {  	_ =	shalt  }
0x50: {  	_ =	shalt  }
0x51: {  	_ =	shalt  }
0x52: {  	_ =	shalt  }
0x53: {  	_ =	shalt  }
0x54: {  	_ =	shalt  }
0x55: {  	_ =	shalt  }
0x56: {  	_ =	shalt  }
0x57: {  	_ =	shalt  }
0x58: {  	_ =	shalt  }
0x59: {  	_ =	shalt  }
0x5a: {  	_ =	shalt  }
0x5b: {  	_ =	shalt  }
0x5c: {  	_ =	shalt  }
0x5d: {  	_ =	shalt  }
0x5e: {  	_ =	shalt  }
0x5f: {  	_ =	shalt  }
0x60: {  	_ =	shalt  }
0x61: {  	_ =	shalt  }
0x62: {  	_ =	shalt  }
0x63: {  	_ =	shalt  }
0x64: {  	_ =	shalt  }
0x65: {  	_ =	shalt  }
0x66: {  	_ =	shalt  }
0x67: {  	_ =	shalt  }
0x68: {  	_ =	shalt  }
0x69: {  	_ =	shalt  }
0x6a: {  	_ =	shalt  }
0x6b: {  	_ =	shalt  }
0x6c: {  	_ =	shalt  }
0x6d: {  	_ =	shalt  }
0x6e: {  	_ =	shalt  }
0x6f: {  	_ =	shalt  }
0x70: {  	_ =	shalt  }
0x71: {  	_ =	shalt  }
0x72: {  	_ =	shalt  }
0x73: {  	_ =	shalt  }
0x74: {  	_ =	shalt  }
0x75: {  	_ =	shalt  }
0x76: {  	_ =	shalt  }
0x77: {  	_ =	shalt  }
0x78: {  	_ =	shalt  }
0x79: {  	_ =	shalt  }
0x7a: {  	_ =	shalt  }
0x7b: {  	_ =	shalt  }
0x7c: {  	_ =	shalt  }
0x7d: {  	_ =	shalt  }
0x7e: {  	_ =	shalt  }
0x7f: {  	_ =	shalt  }
0x80: {  	_ =	shalt  }
0x81: {  	_ =	shalt  }
0x82: {  	_ =	shalt  }
0x83: {  	_ =	shalt  }
0x84: {  	_ =	shalt  }
0x85: {  	_ =	shalt  }
0x86: {  	_ =	shalt  }
0x87: {  	_ =	shalt  }
.Lfunc_end0:
.L_simem_size_0:
called_computation_lowered:
.L_overlay_start_0:
0x88: {  	s2 =	sld [smem:$0x3FD9]  }
0x89: {  	s3 =	sld [smem:$0x3FFE];
	_ =	sdelay $0x1  }
0x8a: {  	s1 =	srdreg.scid  }
0x8b: {  	s0 =	sand.u32 $0x1, s1  }
0x8c: {  	s17 =	sshll.u32 s0, $0xA;
	s2 =	sadd.s32 s3, s2  }
0x8d: {  	s2 =	sadd.s32 s2, s17  }
0x8e: {  	[smem:$0x3FB2] =	sst s2  }
0x8f: {  	_ = 	snop  }
0x90: {  	s2 =	sld [smem:$0x3FD0];
	(tm) =	ssettm $0x1  }
0x91: {  	s18 =	sld [smem:$0x3FFB];
	_ =	sdelay $0x3  }
0x92: {  	_ =	strace s18  }
0x93: {  	s3 =	sld [smem:$0x3FFC];
	_ =	sdelay $0x3  }
0x94: {  	_ =	strace s3  }
0x95: {  	s3 =	sld [smem:$0x3FFD];
	_ =	sdelay $0x3  }
0x96: {  	_ =	strace s3  }
0x97: {  	_ =	strace $0x8FFFFFFF  }
0x98: {  	s19 =	sld [smem:$0x3FDB];
	_ =	sdelay $0x1  }
0x99: {  	s4 =	simm.s32 $_scs_section_size  }
0x9a: {  	s5 =	simm.s32 $_size__tile_overlayer_lowered;
	s6 =	simm.s32 $_tile_overlayer_lowered  }
0x9b: {  	s22 =	simm.s32 $0x1BFF;
	s21 =	sshll.u32 s6, $0x1;
	s3 =	sadd.s32 s4, s19  }
0x9c: {  	s7 =	simm.s32 $0x0;
	s20 =	sshll.u32 s5, $0x1;
	s5 =	sadd.s32 s21, s3  }
0x9d: {  	[timem:s7], [sflag:s22] =	dma.local [hbm:s5], s20  }
0x9e: {  	_ =	swait.ge [sflag:s22], s20  }
0x9f: {  	s4 =	ssub.s32 $0x0, s20;
	[sflag:s22] =	ssyncset.done $0x0  }
0xa0: {  	[sflag:s22] =	ssyncadd.s32 s4;
	_ =	sdelay $0x1  }
0xa1: {  	s23 =	simm.s32 $0x1B8B  }
0xa2: {  	_ =	swait.ge [sflag:s23], $0x1  }
0xa3: {  	[sflag:s23] =	ssyncset.done $0x0  }
0xa4: {  	s25 =	simm.s32 $0x1B8E;
	s24 =	sld [smem:$0x3FFE];
	[sflag:s23] =	ssyncadd.s32 $0xFFFFFFFF  }
0xa5: {  	s26 =	simm.s32 $execute0_lowered;
	[smem:$0x3FD2] =	sst s25  }
0xa6: {  	s5 =	sshll.u32 s26, $0x1;
	_ =	strace $0x80000046;
	[dreg:$0x1] =	wrdreg $0xFFFFFFFF  }
0xa7: {  	s28 =	simm.s32 $_size_execute0_lowered;
	s3 =	sadd.s32 s3, s5;
	[dreg:$0x0] =	wrdreg $0x0  }
0xa8: {  	s5 =	sshll.u32 s28, $0x1;
	[dreg:$0x2] =	wrdreg s3  }
0xa9: {  	[dreg:$0x3] =	wrdreg s5  }
0xaa: {  	[dreg:$0x4] =	wrdreg $0xC0  }
0xab: {  	_ =	task [dreg:s7], $0x5FFFF  }
0xac: {  	[dreg:$0x1] =	wrdreg $0xFFFFFFFF  }
0xad: {  	[dreg:$0x0] =	wrdreg $0x60  }
0xae: {  	[dreg:$0x2] =	wrdreg s2  }
0xaf: {  	[dreg:$0x3] =	wrdreg s24  }
0xb0: {  	[dreg:$0x4] =	wrdreg $0x0  }
0xb1: {  	[dreg:$0x5] =	wrdreg $0x9  }
0xb2: {  	_ =	task.clear_ibuf [dreg:s7], $0x6FFFF;
	_ =	strace $0x90000046  }
0xb3: {  	s29 =	simm.s32 $0x9;
	_ =	strace $0x80000048  }
0xb4: {  	_ =	swait.ge [sflag:s29], $0x1  }
0xb5: {  	[sflag:s29] =	ssyncadd.s32 $0xFFFFFFFF  }
0xb6: {  	_ =	strace $0x90000048  }
0xb7: {  	_ =	sfence  }
0xb8: {  	s30 =	sld [smem:$0x0];
	_ =	sdelay $0x2  }
0xb9: {  	s31 =	sshll.u32 s1, $0xD;
	s1 =	sshrl.u32 s1, $0x2  }
0xba: {  	s3 =	sand.u32 $0x4000, s31;
	s1 =	sadd.s32 s1, s30  }
0xbb: {  	s0 =	sor.u32 s3, s0;
	s1 =	sshll.u32 s1, $0x11  }
0xbc: {  	s0 =	sor.u32 s1, s0  }
0xbd: {  	s0 =	sadd.s32 $0x8F2B, s0  }
0xbe: {  	[sflag:s0] =	ssyncadd.remote.s32 $0x1  }
0xbf: {  	_ =	sfence.sel $0xFFFF  }
0xc0: {  	[dreg:$0x0] =	wrdreg $0xFFFFFFFF;
	(pc) =	sbr.abs _section_cstart, $3  }
0xc1: {  	[dreg:$0x1] =	wrdreg $0xFFFFFFFF  }
0xc2: {  	_ =	task.clear_ibuf [dreg:s7], $0x2FFFF;
	_ =	strace $0x9FFFFFFF  }
0xc3: {  	(tm) =	ssettm $0x7FFFFFFF  }
tec
execute0_lowered:
.L_overlay_start_1:
0x0: {  	(tag) =	ssettag $0x1  }
0x1: {  	s1 =	rddreg [dreg:$0x0]  }
0x2: {  	s0 =	rddreg [dreg:$0x1]  }
0x3: {  	s2 =	rddreg [dreg:$0x2];
	s3 =	simm.s32 $0x0  }
0x4: {  	s4 =	srdreg.scid;
	s18 =	stileid.u32;
	s28 =	simm.s32 $0x4  }
0x5: {  	s29 =	simm.s32 $0x17F00;
	s30 =	simm.s32 $0x1;
	s31 =	simm.s32 $0x13E00  }
0x6: {  	[smem:$0x7FF] =	sst s3;
	s4 =	sand.u32 $0x1, s4;
	s17 =	smul.u32 $0x13C00, s18  }
0x7: {  	s6 =	sadd.s32 $0x1AA00, s0;
	s8 =	sadd.s32 $0x10A00, s0;
	s11 =	smul.u32 $0x4F000, s18  }
0x8: {  	s9 =	sadd.s32 $0x6A00, s0;
	s23 =	smul.u32 $0x50, s18;
	p0 =	sne.s32 s18, $0x0  }
0x9: {  	_ =	strace $0x80000047;
	s5 =	smul.u32 $0x13C000, s4;
	[dreg:$0x4] =	wrdreg s6  }
0xa: {  	s7 =	sshll.u32 s4, $0x4;
	s19 =	ssub.s32 $0x2, s4;
	s4 =	smul.u32 $0x500, s4  }
0xb: {  	s7 =	sor.u32 s18, s7;
	s10 =	sshrl.u32 s19, $0x1;
	s25 =	sshrl.u32 s11, $0x2  }
0xc: {  	s5 =	sadd.s32 s17, s5;
	s7 =	smul.u32 $0x500, s7;
	s20 =	ssub.s32 s19, s10  }
0xd: {  	s4 =	sadd.s32 s23, s4;
	s19 =	simm.s32 $0x13C00;
	s23 =	simm.s32 $0x13F00  }
0xe: {  	s10 =	simm.s32 $0x0;
	s5 =	sshrl.u32 s5, $0x3;
	s4 =	sshll.u32 s4, $0x4  }
0xf: {  	s0 =	sadd.s32 s5, s0;
	s21 =	sadd.s32 s8, s7;
	s22 =	sor.u32 $0x10, s7  }
0x10: {  	s7 =	sadd.s32 s9, s7;
	s5 =	smax.u32 s20, $0x1;
	s12 =	sadd.s32 s4, s8  }
0x11: {  	s13 =	sadd.s32 s4, s9;
	s26 =	sor.u32 $0x40, s4;
	[dreg:$0x5] =	wrdreg s21  }
0x12: {  	s4 =	sor.u32 $0x20, s4;
	s20 =	simm.s32 $0x13D00;
	[dreg:$0x6] =	wrdreg s7  }
0x13: {  	s24 =	sadd.s32 s8, s22;
	s6 =	sadd.s32 s9, s22;
	s0 =	sadd.s32 $0x41C00, s0  }
0x14: {  	[dreg:$0xa] =	wrdreg s5;
	s14 =	sadd.s32 s26, s8;
	s15 =	sadd.s32 s26, s9  }
0x15: {  	s16 =	sadd.s32 s4, s8;
	s17 =	sadd.s32 s4, s9;
	s4 =	sshrl.u32 @!p0 s2, $0x3  }
0x16: {  	s21 =	simm.s32 $0x3;
	s22 =	simm.s32 $0x80;
	[dreg:$0x7] =	wrdreg s24  }
.Ltmp0:
0x17: {  	s26 =	simm.s32 $0x13D80;
	[dreg:$0x8] =	wrdreg s6;
	(pc) =	sbr.rel .LBB2_1-.Ltmp0, $4  }
0x18: {  	s5 =	simm.s32 $0x13E80;
	s7 =	simm.s32 $0x7;
	[dreg:$0x9] =	wrdreg s0  }
0x19: {  	s9 =	simm.s32 $0x9;
	s0 =	sadd.s32 s25, s2;
	[dreg:$0xb] =	wrdreg s4  }
0x1a: {  	s24 =	simm.s32 $0x13C80;
	s4 =	simm.s32 $0x5;
	s0 =	sshrl.u32 s0, $0x3  }
0x1b: {  	s6 =	simm.s32 $0x6;
	[dreg:$0xc] =	wrdreg s0;
	s0 =	simm.s32 $0x2  }
.LBB2_4:
0x1c: {  	_ =	swait.ge [sflag:s7], $0x4000  }
0x1d: {  	[sflag:s7] =	ssyncset.done $0x0  }
0x1e: {  	[sflag:s7] =	ssyncadd.s32 $0xFFFFC000  }
0x1f: {  	_ =	swait.ge [sflag:s0], $0x4000  }
0x20: {  	[sflag:s0] =	ssyncset.done $0x0  }
0x21: {  	s8 =	simm.s32 $0x8;
	[sflag:s0] =	ssyncadd.s32 $0xFFFFC000  }
0x22: {  	[spmem:s2] =	stream.indirect.scatter.add.f32 [tilespmem:s29], [sflag:$0x8], $0x80, s5, s22, $0xb8;
	[tilespmem:$0x1BF00] =	vst v63  }
0x23: {  	_ =	swait.ge [sflag:s8], $0x4000  }
0x24: {  	[sflag:s8] =	ssyncset.done $0x0  }
0x25: {  	[sflag:s8] =	ssyncadd.s32 $0xFFFFC000  }
0x26: {  	s18 =	stileid.u32;
	[bflag:$0x0] =	sbarrier.arrive $0xFFFF  }
0x27: {  	s8 =	sshll.u32 s18, $0x6;
	s11 =	rddreg [dreg:$0x9]  }
0x28: {  	s8 =	sor.u32 $0x1C09, s8;
	s18 =	rddreg [dreg:$0xc]  }
0x29: {  	[hbm:s11], [sflag:s8] =	dma.local [spmem:s18], $0x2780  }
0x2a: {  	_ =	swait.ge [sflag:s9], $0x2780  }
0x2b: {  	s10 =	sadd.s32 $0x1, s10;
	s25 =	rddreg [dreg:$0xa]  }
0x2c: {  	p1 =	sne.s32 s10, s25  }
.Ltmp1:
0x2d: {  	_ = 	snop;
	(pc) =	sbr.rel @!p1 .LBB2_5-.Ltmp1, $3  }
0x2e: {  	_ =	sdelay $0x1  }
0x2f: {  	[sflag:s9] =	ssyncset.done $0x0  }
0x30: {  	[sflag:s9] =	ssyncadd.s32 $0xFFFFD880  }
.LBB2_1:
0x31: {  	s8 =	rddreg [dreg:$0x4]  }
0x32: {  	s11 =	simm.s32 @!p0 $0x1C09;
	s18 =	rddreg [dreg:$0xb]  }
0x33: {  	[spmem:s18], [sflag:s11] =	dma.local @!p0 [hbm:s8], $0x27100  }
0x34: {  	s11 =	simm.s32 @!p0 $0x9  }
0x35: {  	_ =	swait.ge @!p0 [sflag:s11], $0x27100  }
0x36: {  	[sflag:s11] =	ssyncset.done @!p0 $0x0  }
0x37: {  	[sflag:s11] =	ssyncadd.s32 @!p0 $0xFFFD8F00  }
0x38: {  	[bflag:$0x0] =	sbarrier.arrive $0xFFFF  }
0x39: {  	s25 =	rddreg [dreg:$0x5]  }
0x3a: {  	[tilespmem:s19], [sflag:$0x3] =	stream.linear.gather [hbm4b:s25+s3], $0x80, $0x38;
	[tilespmem:$0x1BF00] =	vst v63  }
0x3b: {  	s11 =	rddreg [dreg:$0x6]  }
0x3c: {  	[tilespmem:s20], [sflag:$0x3] =	stream.linear.gather [hbm4b:s11+s3], $0x80, $0x38;
	[tilespmem:$0x1BF00] =	vst v63  }
0x3d: {  	_ =	swait.ge [sflag:s21], $0x80  }
0x3e: {  	[sflag:s21] =	ssyncset.done $0x0  }
0x3f: {  	[sflag:s21] =	ssyncadd.s32 $0xFFFFFF80  }
0x40: {  	_ =	swait.ge [sflag:s21], $0x80  }
0x41: {  	[sflag:s21] =	ssyncset.done $0x0  }
0x42: {  	[sflag:s21] =	ssyncadd.s32 $0xFFFFFF80  }
0x43: {  	[tilespmem:s23], [sflag:$0x1] =	stream.indirect.gather [hbm4b:s1+s22], $0x80, s19, s22, $0xb8;
	[tilespmem:$0x1BF00] =	vst v63  }
0x44: {  	s18 =	rddreg [dreg:$0x7]  }
0x45: {  	[tilespmem:s24], [sflag:$0x4] =	stream.linear.gather [hbm4b:s18+s3], $0x80, $0x38;
	[tilespmem:$0x1BF00] =	vst v63  }
0x46: {  	s11 =	simm.s32 $0x0;
	s25 =	rddreg [dreg:$0x8]  }
0x47: {  	[tilespmem:s26], [sflag:$0x4] =	stream.linear.gather [hbm4b:s25+s3], $0x80, $0x38;
	[tilespmem:$0x1BF00] =	vst v63  }
.LBB2_2:
0x48: {  	p1 =	seq.s32 s11, $0x0  }
0x49: {  	s18 =	simm.s32 @!p1 $0x8  }
0x4a: {  	_ =	swait.ge @!p1 [sflag:s18], $0x4000  }
0x4b: {  	[sflag:s18] =	ssyncset.done @!p1 $0x0  }
0x4c: {  	[sflag:s18] =	ssyncadd.s32 @!p1 $0xFFFFC000  }
0x4d: {  	_ =	swait.ge [sflag:s28], $0x80  }
0x4e: {  	[sflag:s28] =	ssyncset.done $0x0  }
0x4f: {  	[sflag:s28] =	ssyncadd.s32 $0xFFFFFF80  }
0x50: {  	_ =	swait.ge [sflag:s28], $0x80  }
0x51: {  	[sflag:s28] =	ssyncset.done $0x0  }
0x52: {  	[sflag:s28] =	ssyncadd.s32 $0xFFFFFF80  }
0x53: {  	[tilespmem:s29], [sflag:$0x2] =	stream.indirect.gather [hbm4b:s1+s22], $0x80, s24, s22, $0xb8;
	[tilespmem:$0x1BF00] =	vst v63  }
0x54: {  	_ =	swait.ge [sflag:s30], $0x4000  }
0x55: {  	[sflag:s30] =	ssyncset.done $0x0  }
0x56: {  	[sflag:s30] =	ssyncadd.s32 $0xFFFFC000  }
0x57: {  	[spmem:s2] =	stream.indirect.scatter.add.f32 [tilespmem:s23], [sflag:$0x5], $0x80, s20, s22, $0xb8;
	[tilespmem:$0x1BF00] =	vst v63  }
0x58: {  	s8 =	sadd.s32 s11, s16  }
0x59: {  	[tilespmem:s19], [sflag:$0x3] =	stream.linear.gather [hbm4b:s8+s3], $0x80, $0x38;
	[tilespmem:$0x1BF00] =	vst v63  }
0x5a: {  	s25 =	sadd.s32 s11, s17  }
0x5b: {  	[tilespmem:s31], [sflag:$0x3] =	stream.linear.gather [hbm4b:s25+s3], $0x80, $0x38;
	[tilespmem:$0x1BF00] =	vst v63  }
0x5c: {  	_ =	swait.ge [sflag:s0], $0x4000  }
0x5d: {  	[sflag:s0] =	ssyncset.done $0x0  }
0x5e: {  	[sflag:s0] =	ssyncadd.s32 $0xFFFFC000  }
0x5f: {  	[spmem:s2] =	stream.indirect.scatter.add.f32 [tilespmem:s29], [sflag:$0x6], $0x80, s26, s22, $0xb8;
	[tilespmem:$0x1BF00] =	vst v63  }
0x60: {  	_ =	swait.ge [sflag:s4], $0x4000  }
0x61: {  	[sflag:s4] =	ssyncset.done $0x0  }
0x62: {  	[sflag:s4] =	ssyncadd.s32 $0xFFFFC000  }
0x63: {  	_ =	swait.ge [sflag:s21], $0x80  }
0x64: {  	[sflag:s21] =	ssyncset.done $0x0  }
0x65: {  	[sflag:s21] =	ssyncadd.s32 $0xFFFFFF80  }
0x66: {  	_ =	swait.ge [sflag:s21], $0x80  }
0x67: {  	[sflag:s21] =	ssyncset.done $0x0  }
0x68: {  	s18 =	sadd.s32 s11, s12;
	[sflag:s21] =	ssyncadd.s32 $0xFFFFFF80  }
0x69: {  	[tilespmem:s23], [sflag:$0x1] =	stream.indirect.gather [hbm4b:s1+s22], $0x80, s19, s22, $0xb8;
	[tilespmem:$0x1BF00] =	vst v63  }
0x6a: {  	s25 =	sadd.s32 $0x30, s18  }
0x6b: {  	[tilespmem:s24], [sflag:$0x4] =	stream.linear.gather [hbm4b:s25+s3], $0x80, $0x38;
	[tilespmem:$0x1BF00] =	vst v63  }
0x6c: {  	s25 =	sadd.s32 s11, s13  }
0x6d: {  	s8 =	sadd.s32 $0x30, s25  }
0x6e: {  	[tilespmem:s5], [sflag:$0x4] =	stream.linear.gather [hbm4b:s8+s3], $0x80, $0x38;
	[tilespmem:$0x1BF00] =	vst v63  }
0x6f: {  	_ =	swait.ge [sflag:s6], $0x4000  }
0x70: {  	[sflag:s6] =	ssyncset.done $0x0  }
0x71: {  	[sflag:s6] =	ssyncadd.s32 $0xFFFFC000  }
0x72: {  	_ =	swait.ge [sflag:s30], $0x4000  }
0x73: {  	[sflag:s30] =	ssyncset.done $0x0  }
0x74: {  	[sflag:s30] =	ssyncadd.s32 $0xFFFFC000  }
0x75: {  	[spmem:s2] =	stream.indirect.scatter.add.f32 [tilespmem:s23], [sflag:$0x7], $0x80, s31, s22, $0xb8;
	[tilespmem:$0x1BF00] =	vst v63  }
0x76: {  	_ =	swait.ge [sflag:s28], $0x80  }
0x77: {  	p1 =	seq.s32 s11, $0x4C0;
	[sflag:s28] =	ssyncset.done $0x0  }
.Ltmp2:
0x78: {  	[sflag:s28] =	ssyncadd.s32 $0xFFFFFF80;
	(pc) =	sbr.rel @p1 .LBB2_4-.Ltmp2, $4  }
0x79: {  	_ =	swait.ge [sflag:s28], $0x80  }
0x7a: {  	[sflag:s28] =	ssyncset.done $0x0  }
0x7b: {  	[sflag:s28] =	ssyncadd.s32 $0xFFFFFF80  }
0x7c: {  	[tilespmem:s29], [sflag:$0x2] =	stream.indirect.gather [hbm4b:s1+s22], $0x80, s24, s22, $0xb8;
	[tilespmem:$0x1BF00] =	vst v63  }
0x7d: {  	s8 =	sadd.s32 s11, s14  }
0x7e: {  	[tilespmem:s19], [sflag:$0x3] =	stream.linear.gather [hbm4b:s8+s3], $0x80, $0x38;
	[tilespmem:$0x1BF00] =	vst v63  }
0x7f: {  	s8 =	sadd.s32 s11, s15  }
0x80: {  	[tilespmem:s20], [sflag:$0x3] =	stream.linear.gather [hbm4b:s8+s3], $0x80, $0x38;
	[tilespmem:$0x1BF00] =	vst v63  }
0x81: {  	_ =	swait.ge [sflag:s7], $0x4000  }
0x82: {  	[sflag:s7] =	ssyncset.done $0x0  }
0x83: {  	[sflag:s7] =	ssyncadd.s32 $0xFFFFC000  }
0x84: {  	_ =	swait.ge [sflag:s0], $0x4000  }
0x85: {  	[sflag:s0] =	ssyncset.done $0x0  }
0x86: {  	[sflag:s0] =	ssyncadd.s32 $0xFFFFC000  }
0x87: {  	[spmem:s2] =	stream.indirect.scatter.add.f32 [tilespmem:s29], [sflag:$0x8], $0x80, s5, s22, $0xb8;
	[tilespmem:$0x1BF00] =	vst v63  }
0x88: {  	_ =	swait.ge [sflag:s21], $0x80  }
0x89: {  	[sflag:s21] =	ssyncset.done $0x0  }
0x8a: {  	[sflag:s21] =	ssyncadd.s32 $0xFFFFFF80  }
0x8b: {  	_ =	swait.ge [sflag:s21], $0x80  }
0x8c: {  	[sflag:s21] =	ssyncset.done $0x0  }
0x8d: {  	[sflag:s21] =	ssyncadd.s32 $0xFFFFFF80  }
0x8e: {  	[tilespmem:s23], [sflag:$0x1] =	stream.indirect.gather [hbm4b:s1+s22], $0x80, s19, s22, $0xb8;
	[tilespmem:$0x1BF00] =	vst v63  }
.Ltmp3:
0x8f: {  	_ = 	snop;
	(pc) =	sbr.rel .LBB2_2-.Ltmp3, $4  }
0x90: {  	s18 =	sadd.s32 $0x50, s18  }
0x91: {  	[tilespmem:s24], [sflag:$0x4] =	stream.linear.gather [hbm4b:s18+s3], $0x80, $0x38;
	[tilespmem:$0x1BF00] =	vst v63  }
0x92: {  	s25 =	sadd.s32 $0x50, s25;
	s11 =	sadd.s32 $0x40, s11  }
0x93: {  	[tilespmem:s26], [sflag:$0x4] =	stream.linear.gather [hbm4b:s25+s3], $0x80, $0x38;
	[tilespmem:$0x1BF00] =	vst v63  }
.LBB2_5:
0x94: {  	_ =	sfence.sel $0x180000  }
0x95: {  	[bflag:$0x0] =	sbarrier.arrive $0xFFFF  }
0x96: {  	_ =	strace $0x90000047  }
0x97: {  	[bflag:$0x2] =	sbarrier.arrive $0xFFFF  }
0x98: {  	s0 =	rddreg [dreg:$0x3]  }
0x99: {  	s0 =	sadd.s32 @!p0 $0x100000, s0  }
0x9a: {  	[sflag:s0] =	ssyncadd.tile.s32 @!p0 $0x1;
	_ =	shalt  }
.Lfunc_end2:
_tile_overlayer_lowered:
.L_overlay_start_2:
0x9b: {  	(tag) =	ssettag $0x2  }
0x9c: {  	s0 =	rddreg [dreg:$0x0];
	s2 =	stileid.u32  }
0x9d: {  	s1 =	rddreg [dreg:$0x1];
	p0 =	sne.s32 s2, $0x0  }
0x9e: {  	s3 =	rddreg [dreg:$0x2];
	[bflag:$0x3] =	sbarrier.arrive $0xFFFF;
	s2 =	simm.s32 @!p0 $0x1C09  }
0x9f: {  	[timem:s3], [sflag:s2] =	dma.local @!p0 [hbm:s0], s1  }
0xa0: {  	s0 =	simm.s32 @!p0 $0x9  }
0xa1: {  	_ =	swait.ge @!p0 [sflag:s0], s1  }
0xa2: {  	s1 =	ssub.s32 @!p0 $0x0, s1;
	[sflag:s0] =	ssyncset.done @!p0 $0x0  }
0xa3: {  	[sflag:s0] =	ssyncadd.s32 @!p0 s1  }
0xa4: {  	[bflag:$0x3] =	sbarrier.arrive $0xFFFF  }
0xa5: {  	_ =	shalt  }

// kernel: kernel.24.cloned.1.call-start
scs
__scs_entry_jumppad:
0x0: {  	(pc) =	sbr.rel $0x88, $3  }
0x1: {  	(tag) =	ssettag $0x0;
	lr =	simm.s32 $0x1  }
0x2: {  	[smem:$0x3F8B] =	sst lr;
	_ =	strace $0xD0000000  }
0x3: {  	_ = 	snop  }
0x4: {  	_ = 	snop  }
0x5: {  	_ = 	snop  }
0x6: {  	_ = 	snop  }
0x7: {  	_ = 	snop  }
__scs_overlays_trampoline_lowered:
0x8: {  	[smem:$0x3F9A] =	sst s0  }
0x9: {  	[smem:$0x3F9B] =	sst s1  }
0xa: {  	[smem:$0x3F9C] =	sst s2  }
0xb: {  	[smem:$0x3F9D] =	sst s3  }
0xc: {  	[smem:$0x3F9E] =	sst s4  }
0xd: {  	[smem:$0x3F9F] =	sst s5  }
0xe: {  	[smem:$0x3FA0] =	sst s6  }
0xf: {  	[smem:$0x3FA1] =	sst s7  }
0x10: {  	[smem:$0x3FA2] =	sst s8  }
0x11: {  	[smem:$0x3FA3] =	sst s9;
	s0 =	simm.s32 @!p0 $0x0  }
0x12: {  	s1 =	sld [smem:$0x3F89];
	s0 =	simm.s32 @p0 $0x1  }
0x13: {  	[smem:$0x3FA4] =	sst s0;
	s0 =	simm.s32 @!p1 $0x0  }
0x14: {  	s2 =	sld [smem:$0x3F88];
	s0 =	simm.s32 @p1 $0x1  }
0x15: {  	[smem:$0x3FA5] =	sst s0;
	s0 =	simm.s32 @!p2 $0x0  }
0x16: {  	s3 =	sld [smem:$0x3FDB];
	s0 =	simm.s32 @p2 $0x1  }
0x17: {  	s4 =	simm.s32 $0x1BF5;
	[smem:$0x3FA7] =	sst s0  }
0x18: {  	s0 =	sld [smem:$0x3F8A];
	_ =	swait.ge [sflag:s4], $0x0  }
0x19: {  	s7 =	sld [smem:$0x3F8B]  }
0x1a: {  	s8 =	sadd.s32 $0xFFFFE003, lr  }
0x1b: {  	s9 =	sadd.s32 $0xFFFFFEF7, lr;
	s5 =	simm.s32 $0xFFFFFFFF;
	p2 =	slt.u32 s8, $0xFFFFF086  }
0x1c: {  	p1 =	slt.u32 s9, $0xF7A;
	s5 =	simm.s32 @!p2 $0x0  }
0x1d: {  	s5 =	simm.s32 @p1 $0x1;
	p0 =	seq.s32 s7, s2  }
0x1e: {  	s7 =	smul.u32 @!p0 $0xF7A, s2;
	p2 =	seq.s32 @!p0 s5, $0x0  }
0x1f: {  	s9 =	smul.u32 $0xF7A, s1;
	s8 =	simm.s32 @!p0 $0x1BF5;
	p2 =	por !p2, p0  }
0x20: {  	[sflag:s8] =	ssyncset.s32 @!p0 $0xFFFFF086;
	s6 =	sadd.s32 @!p0 s3, s7;
	s7 =	simm.s32 @!p0 $0x108  }
0x21: {  	s3 =	sadd.s32 s3, s9;
	s6 =	sadd.s32 @!p0 $0x88, s6;
	s7 =	simm.s32 @p2 $0x1082  }
0x22: {  	[simem:s7], [sflag:s8] =	dma.local @!p0 [hbm:s6], $0xF7A  }
0x23: {  	s9 =	sor.u32 $0xD0000000, s2;
	s6 =	simm.s32 $0x108;
	_ =	swait.ge @!p0 [sflag:s8], $0x0  }
0x24: {  	s3 =	sadd.s32 $0x88, s3;
	s6 =	simm.s32 @!p1 $0x1082;
	[sflag:s4] =	ssyncset.s32 $0xFFFFF086  }
0x25: {  	[simem:s6], [sflag:s4] =	dma.local [hbm:s3], $0xF7A  }
0x26: {  	[smem:$0x3F8B] =	sst s1;
	(tag) =	ssettag s2;
	_ =	strace s9  }
0x27: {  	s1 =	sld [smem:$0x3F9B]  }
0x28: {  	s2 =	sld [smem:$0x3F9C]  }
0x29: {  	s4 =	sld [smem:$0x3F9E]  }
0x2a: {  	p0 =	seq.s32 s5, $0x0;
	s5 =	sld [smem:$0x3F9F]  }
0x2b: {  	s6 =	sld [smem:$0x3FA0]  }
0x2c: {  	s7 =	sld [smem:$0x3FA1]  }
0x2d: {  	s3 =	simm.s32 $0x108;
	s8 =	sld [smem:$0x3FA2]  }
0x2e: {  	s3 =	simm.s32 @!p0 $0x1082;
	s9 =	sld [smem:$0x3FA3]  }
0x2f: {  	lr =	sadd.s32 s0, s3;
	s0 =	sld [smem:$0x3F9A]  }
0x30: {  	s3 =	sld [smem:$0x3F9D]  }
0x31: {  	[smem:$0x3FA6] =	sst s10  }
0x32: {  	s10 =	sld [smem:$0x3FA4];
	_ =	sdelay $0x3  }
0x33: {  	p0 =	seq.s32 s10, $0x1;
	s10 =	sld [smem:$0x3FA6];
	_ =	sdelay $0x3  }
0x34: {  	[smem:$0x3FA6] =	sst s10  }
0x35: {  	s10 =	sld [smem:$0x3FA5];
	_ =	sdelay $0x3  }
0x36: {  	p1 =	seq.s32 s10, $0x1;
	s10 =	sld [smem:$0x3FA6];
	_ =	sdelay $0x3  }
0x37: {  	[smem:$0x3FA6] =	sst s10  }
0x38: {  	s10 =	sld [smem:$0x3FA7]  }
0x39: {  	_ = 	snop;
	(pc) =	sbr.ind lr, $3  }
0x3a: {  	_ = 	snop  }
0x3b: {  	_ = 	snop  }
0x3c: {  	p2 =	seq.s32 s10, $0x1;
	s10 =	sld [smem:$0x3FA6]  }
0x3d: {  	_ =	shalt  }
0x3e: {  	_ =	shalt  }
0x3f: {  	_ =	shalt  }
0x40: {  	_ =	shalt  }
0x41: {  	_ =	shalt  }
0x42: {  	_ =	shalt  }
0x43: {  	_ =	shalt  }
0x44: {  	_ =	shalt  }
0x45: {  	_ =	shalt  }
0x46: {  	_ =	shalt  }
0x47: {  	_ =	shalt  }
0x48: {  	_ =	shalt  }
0x49: {  	_ =	shalt  }
0x4a: {  	_ =	shalt  }
0x4b: {  	_ =	shalt  }
0x4c: {  	_ =	shalt  }
0x4d: {  	_ =	shalt  }
0x4e: {  	_ =	shalt  }
0x4f: {  	_ =	shalt  }
0x50: {  	_ =	shalt  }
0x51: {  	_ =	shalt  }
0x52: {  	_ =	shalt  }
0x53: {  	_ =	shalt  }
0x54: {  	_ =	shalt  }
0x55: {  	_ =	shalt  }
0x56: {  	_ =	shalt  }
0x57: {  	_ =	shalt  }
0x58: {  	_ =	shalt  }
0x59: {  	_ =	shalt  }
0x5a: {  	_ =	shalt  }
0x5b: {  	_ =	shalt  }
0x5c: {  	_ =	shalt  }
0x5d: {  	_ =	shalt  }
0x5e: {  	_ =	shalt  }
0x5f: {  	_ =	shalt  }
0x60: {  	_ =	shalt  }
0x61: {  	_ =	shalt  }
0x62: {  	_ =	shalt  }
0x63: {  	_ =	shalt  }
0x64: {  	_ =	shalt  }
0x65: {  	_ =	shalt  }
0x66: {  	_ =	shalt  }
0x67: {  	_ =	shalt  }
0x68: {  	_ =	shalt  }
0x69: {  	_ =	shalt  }
0x6a: {  	_ =	shalt  }
0x6b: {  	_ =	shalt  }
0x6c: {  	_ =	shalt  }
0x6d: {  	_ =	shalt  }
0x6e: {  	_ =	shalt  }
0x6f: {  	_ =	shalt  }
0x70: {  	_ =	shalt  }
0x71: {  	_ =	shalt  }
0x72: {  	_ =	shalt  }
0x73: {  	_ =	shalt  }
0x74: {  	_ =	shalt  }
0x75: {  	_ =	shalt  }
0x76: {  	_ =	shalt  }
0x77: {  	_ =	shalt  }
0x78: {  	_ =	shalt  }
0x79: {  	_ =	shalt  }
0x7a: {  	_ =	shalt  }
0x7b: {  	_ =	shalt  }
0x7c: {  	_ =	shalt  }
0x7d: {  	_ =	shalt  }
0x7e: {  	_ =	shalt  }
0x7f: {  	_ =	shalt  }
0x80: {  	_ =	shalt  }
0x81: {  	_ =	shalt  }
0x82: {  	_ =	shalt  }
0x83: {  	_ =	shalt  }
0x84: {  	_ =	shalt  }
0x85: {  	_ =	shalt  }
0x86: {  	_ =	shalt  }
0x87: {  	_ =	shalt  }
.Lfunc_end0:
.L_simem_size_0:
called_computation.1_lowered:
.L_overlay_start_0:
0x88: {  	s2 =	sld [smem:$0x3FD9]  }
0x89: {  	s3 =	sld [smem:$0x3FFE];
	_ =	sdelay $0x1  }
0x8a: {  	s1 =	srdreg.scid  }
0x8b: {  	s0 =	sand.u32 $0x1, s1  }
0x8c: {  	s17 =	sshll.u32 s0, $0xA;
	s2 =	sadd.s32 s3, s2  }
0x8d: {  	s2 =	sadd.s32 s2, s17  }
0x8e: {  	[smem:$0x3FB2] =	sst s2  }
0x8f: {  	_ = 	snop  }
0x90: {  	s2 =	sld [smem:$0x3FD0];
	(tm) =	ssettm $0x1  }
0x91: {  	s18 =	sld [smem:$0x3FFB];
	_ =	sdelay $0x3  }
0x92: {  	_ =	strace s18  }
0x93: {  	s3 =	sld [smem:$0x3FFC];
	_ =	sdelay $0x3  }
0x94: {  	_ =	strace s3  }
0x95: {  	s3 =	sld [smem:$0x3FFD];
	_ =	sdelay $0x3  }
0x96: {  	_ =	strace s3  }
0x97: {  	_ =	strace $0x8FFFFFFF  }
0x98: {  	s19 =	sld [smem:$0x3FDB];
	_ =	sdelay $0x1  }
0x99: {  	s4 =	simm.s32 $_scs_section_size  }
0x9a: {  	s5 =	simm.s32 $_size__tile_overlayer_lowered;
	s6 =	simm.s32 $_tile_overlayer_lowered  }
0x9b: {  	s22 =	simm.s32 $0x1BFF;
	s21 =	sshll.u32 s6, $0x1;
	s3 =	sadd.s32 s4, s19  }
0x9c: {  	s7 =	simm.s32 $0x0;
	s20 =	sshll.u32 s5, $0x1;
	s5 =	sadd.s32 s21, s3  }
0x9d: {  	[timem:s7], [sflag:s22] =	dma.local [hbm:s5], s20  }
0x9e: {  	_ =	swait.ge [sflag:s22], s20  }
0x9f: {  	s4 =	ssub.s32 $0x0, s20;
	[sflag:s22] =	ssyncset.done $0x0  }
0xa0: {  	[sflag:s22] =	ssyncadd.s32 s4;
	_ =	sdelay $0x1  }
0xa1: {  	s23 =	simm.s32 $0x1B8B  }
0xa2: {  	_ =	swait.ge [sflag:s23], $0x1  }
0xa3: {  	[sflag:s23] =	ssyncset.done $0x0  }
0xa4: {  	s25 =	simm.s32 $0x1B8E;
	s24 =	sld [smem:$0x3FFE];
	[sflag:s23] =	ssyncadd.s32 $0xFFFFFFFF  }
0xa5: {  	s26 =	simm.s32 $execute0_lowered;
	[smem:$0x3FD2] =	sst s25  }
0xa6: {  	s5 =	sshll.u32 s26, $0x1;
	_ =	strace $0x80000049;
	[dreg:$0x1] =	wrdreg $0xFFFFFFFF  }
0xa7: {  	s28 =	simm.s32 $_size_execute0_lowered;
	s3 =	sadd.s32 s3, s5;
	[dreg:$0x0] =	wrdreg $0x0  }
0xa8: {  	s5 =	sshll.u32 s28, $0x1;
	[dreg:$0x2] =	wrdreg s3  }
0xa9: {  	[dreg:$0x3] =	wrdreg s5  }
0xaa: {  	[dreg:$0x4] =	wrdreg $0xC0  }
0xab: {  	_ =	task [dreg:s7], $0x5FFFF  }
0xac: {  	[dreg:$0x1] =	wrdreg $0xFFFFFFFF  }
0xad: {  	[dreg:$0x0] =	wrdreg $0x60  }
0xae: {  	[dreg:$0x2] =	wrdreg s2  }
0xaf: {  	[dreg:$0x3] =	wrdreg s24  }
0xb0: {  	[dreg:$0x4] =	wrdreg $0x0  }
0xb1: {  	[dreg:$0x5] =	wrdreg $0x9  }
0xb2: {  	_ =	task.clear_ibuf [dreg:s7], $0x6FFFF;
	_ =	strace $0x90000049  }
0xb3: {  	s29 =	simm.s32 $0x9;
	_ =	strace $0x8000004B  }
0xb4: {  	_ =	swait.ge [sflag:s29], $0x1  }
0xb5: {  	[sflag:s29] =	ssyncadd.s32 $0xFFFFFFFF  }
0xb6: {  	_ =	strace $0x9000004B  }
0xb7: {  	_ =	sfence  }
0xb8: {  	s30 =	sld [smem:$0x0];
	_ =	sdelay $0x2  }
0xb9: {  	s31 =	sshll.u32 s1, $0xD;
	s1 =	sshrl.u32 s1, $0x2  }
0xba: {  	s3 =	sand.u32 $0x4000, s31;
	s1 =	sadd.s32 s1, s30  }
0xbb: {  	s0 =	sor.u32 s3, s0;
	s1 =	sshll.u32 s1, $0x11  }
0xbc: {  	s0 =	sor.u32 s1, s0  }
0xbd: {  	s0 =	sadd.s32 $0x8F2B, s0  }
0xbe: {  	[sflag:s0] =	ssyncadd.remote.s32 $0x1  }
0xbf: {  	_ =	sfence.sel $0xFFFF  }
0xc0: {  	[dreg:$0x0] =	wrdreg $0xFFFFFFFF;
	(pc) =	sbr.abs _section_cstart, $3  }
0xc1: {  	[dreg:$0x1] =	wrdreg $0xFFFFFFFF  }
0xc2: {  	_ =	task.clear_ibuf [dreg:s7], $0x2FFFF;
	_ =	strace $0x9FFFFFFF  }
0xc3: {  	(tm) =	ssettm $0x7FFFFFFF  }
tec
execute0_lowered:
.L_overlay_start_1:
0x0: {  	(tag) =	ssettag $0x1  }
0x1: {  	s1 =	rddreg [dreg:$0x0]  }
0x2: {  	s0 =	rddreg [dreg:$0x1]  }
0x3: {  	s2 =	rddreg [dreg:$0x2];
	s3 =	simm.s32 $0x0  }
0x4: {  	s4 =	srdreg.scid;
	s18 =	stileid.u32;
	s28 =	simm.s32 $0x4  }
0x5: {  	s29 =	simm.s32 $0x17F00;
	s30 =	simm.s32 $0x1;
	s31 =	simm.s32 $0x13E00  }
0x6: {  	[smem:$0x7FF] =	sst s3;
	s4 =	sand.u32 $0x1, s4;
	s17 =	smul.u32 $0x13C00, s18  }
0x7: {  	s6 =	sadd.s32 $0x1AA00, s0;
	s8 =	sadd.s32 $0x10A00, s0;
	s11 =	smul.u32 $0x4F000, s18  }
0x8: {  	s9 =	sadd.s32 $0x6A00, s0;
	s23 =	smul.u32 $0x50, s18;
	p0 =	sne.s32 s18, $0x0  }
0x9: {  	_ =	strace $0x8000004A;
	s5 =	smul.u32 $0x13C000, s4;
	[dreg:$0x4] =	wrdreg s6  }
0xa: {  	s7 =	sshll.u32 s4, $0x4;
	s19 =	ssub.s32 $0x2, s4;
	s4 =	smul.u32 $0x500, s4  }
0xb: {  	s7 =	sor.u32 s18, s7;
	s10 =	sshrl.u32 s19, $0x1;
	s25 =	sshrl.u32 s11, $0x2  }
0xc: {  	s5 =	sadd.s32 s17, s5;
	s7 =	smul.u32 $0x500, s7;
	s20 =	ssub.s32 s19, s10  }
0xd: {  	s4 =	sadd.s32 s23, s4;
	s19 =	simm.s32 $0x13C00;
	s23 =	simm.s32 $0x13F00  }
0xe: {  	s10 =	simm.s32 $0x0;
	s5 =	sshrl.u32 s5, $0x3;
	s4 =	sshll.u32 s4, $0x4  }
0xf: {  	s0 =	sadd.s32 s5, s0;
	s21 =	sadd.s32 s8, s7;
	s22 =	sor.u32 $0x10, s7  }
0x10: {  	s7 =	sadd.s32 s9, s7;
	s5 =	smax.u32 s20, $0x1;
	s12 =	sadd.s32 s4, s8  }
0x11: {  	s13 =	sadd.s32 s4, s9;
	s26 =	sor.u32 $0x40, s4;
	[dreg:$0x5] =	wrdreg s21  }
0x12: {  	s4 =	sor.u32 $0x20, s4;
	s20 =	simm.s32 $0x13D00;
	[dreg:$0x6] =	wrdreg s7  }
0x13: {  	s24 =	sadd.s32 s8, s22;
	s6 =	sadd.s32 s9, s22;
	s0 =	sadd.s32 $0x41C00, s0  }
0x14: {  	[dreg:$0xa] =	wrdreg s5;
	s14 =	sadd.s32 s26, s8;
	s15 =	sadd.s32 s26, s9  }
0x15: {  	s16 =	sadd.s32 s4, s8;
	s17 =	sadd.s32 s4, s9;
	s4 =	sshrl.u32 @!p0 s2, $0x3  }
0x16: {  	s21 =	simm.s32 $0x3;
	s22 =	simm.s32 $0x80;
	[dreg:$0x7] =	wrdreg s24  }
.Ltmp0:
0x17: {  	s26 =	simm.s32 $0x13D80;
	[dreg:$0x8] =	wrdreg s6;
	(pc) =	sbr.rel .LBB2_1-.Ltmp0, $4  }
0x18: {  	s5 =	simm.s32 $0x13E80;
	s7 =	simm.s32 $0x7;
	[dreg:$0x9] =	wrdreg s0  }
0x19: {  	s9 =	simm.s32 $0x9;
	s0 =	sadd.s32 s25, s2;
	[dreg:$0xb] =	wrdreg s4  }
0x1a: {  	s24 =	simm.s32 $0x13C80;
	s4 =	simm.s32 $0x5;
	s0 =	sshrl.u32 s0, $0x3  }
0x1b: {  	s6 =	simm.s32 $0x6;
	[dreg:$0xc] =	wrdreg s0;
	s0 =	simm.s32 $0x2  }
.LBB2_4:
0x1c: {  	_ =	swait.ge [sflag:s7], $0x4000  }
0x1d: {  	[sflag:s7] =	ssyncset.done $0x0  }
0x1e: {  	[sflag:s7] =	ssyncadd.s32 $0xFFFFC000  }
0x1f: {  	_ =	swait.ge [sflag:s0], $0x4000  }
0x20: {  	[sflag:s0] =	ssyncset.done $0x0  }
0x21: {  	s8 =	simm.s32 $0x8;
	[sflag:s0] =	ssyncadd.s32 $0xFFFFC000  }
0x22: {  	[spmem:s2] =	stream.indirect.scatter.add.f32 [tilespmem:s29], [sflag:$0x8], $0x80, s5, s22, $0xb8;
	[tilespmem:$0x1BF00] =	vst v63  }
0x23: {  	_ =	swait.ge [sflag:s8], $0x4000  }
0x24: {  	[sflag:s8] =	ssyncset.done $0x0  }
0x25: {  	[sflag:s8] =	ssyncadd.s32 $0xFFFFC000  }
0x26: {  	s18 =	stileid.u32;
	[bflag:$0x0] =	sbarrier.arrive $0xFFFF  }
0x27: {  	s8 =	sshll.u32 s18, $0x6;
	s11 =	rddreg [dreg:$0x9]  }
0x28: {  	s8 =	sor.u32 $0x1C09, s8;
	s18 =	rddreg [dreg:$0xc]  }
0x29: {  	[hbm:s11], [sflag:s8] =	dma.local [spmem:s18], $0x2780  }
0x2a: {  	_ =	swait.ge [sflag:s9], $0x2780  }
0x2b: {  	s10 =	sadd.s32 $0x1, s10;
	s25 =	rddreg [dreg:$0xa]  }
0x2c: {  	p1 =	sne.s32 s10, s25  }
.Ltmp1:
0x2d: {  	_ = 	snop;
	(pc) =	sbr.rel @!p1 .LBB2_5-.Ltmp1, $3  }
0x2e: {  	_ =	sdelay $0x1  }
0x2f: {  	[sflag:s9] =	ssyncset.done $0x0  }
0x30: {  	[sflag:s9] =	ssyncadd.s32 $0xFFFFD880  }
.LBB2_1:
0x31: {  	s8 =	rddreg [dreg:$0x4]  }
0x32: {  	s11 =	simm.s32 @!p0 $0x1C09;
	s18 =	rddreg [dreg:$0xb]  }
0x33: {  	[spmem:s18], [sflag:s11] =	dma.local @!p0 [hbm:s8], $0x27100  }
0x34: {  	s11 =	simm.s32 @!p0 $0x9  }
0x35: {  	_ =	swait.ge @!p0 [sflag:s11], $0x27100  }
0x36: {  	[sflag:s11] =	ssyncset.done @!p0 $0x0  }
0x37: {  	[sflag:s11] =	ssyncadd.s32 @!p0 $0xFFFD8F00  }
0x38: {  	[bflag:$0x0] =	sbarrier.arrive $0xFFFF  }
0x39: {  	s25 =	rddreg [dreg:$0x5]  }
0x3a: {  	[tilespmem:s19], [sflag:$0x3] =	stream.linear.gather [hbm4b:s25+s3], $0x80, $0x38;
	[tilespmem:$0x1BF00] =	vst v63  }
0x3b: {  	s11 =	rddreg [dreg:$0x6]  }
0x3c: {  	[tilespmem:s20], [sflag:$0x3] =	stream.linear.gather [hbm4b:s11+s3], $0x80, $0x38;
	[tilespmem:$0x1BF00] =	vst v63  }
0x3d: {  	_ =	swait.ge [sflag:s21], $0x80  }
0x3e: {  	[sflag:s21] =	ssyncset.done $0x0  }
0x3f: {  	[sflag:s21] =	ssyncadd.s32 $0xFFFFFF80  }
0x40: {  	_ =	swait.ge [sflag:s21], $0x80  }
0x41: {  	[sflag:s21] =	ssyncset.done $0x0  }
0x42: {  	[sflag:s21] =	ssyncadd.s32 $0xFFFFFF80  }
0x43: {  	[tilespmem:s23], [sflag:$0x1] =	stream.indirect.gather [hbm4b:s1+s22], $0x80, s19, s22, $0xb8;
	[tilespmem:$0x1BF00] =	vst v63  }
0x44: {  	s18 =	rddreg [dreg:$0x7]  }
0x45: {  	[tilespmem:s24], [sflag:$0x4] =	stream.linear.gather [hbm4b:s18+s3], $0x80, $0x38;
	[tilespmem:$0x1BF00] =	vst v63  }
0x46: {  	s11 =	simm.s32 $0x0;
	s25 =	rddreg [dreg:$0x8]  }
0x47: {  	[tilespmem:s26], [sflag:$0x4] =	stream.linear.gather [hbm4b:s25+s3], $0x80, $0x38;
	[tilespmem:$0x1BF00] =	vst v63  }
.LBB2_2:
0x48: {  	p1 =	seq.s32 s11, $0x0  }
0x49: {  	s18 =	simm.s32 @!p1 $0x8  }
0x4a: {  	_ =	swait.ge @!p1 [sflag:s18], $0x4000  }
0x4b: {  	[sflag:s18] =	ssyncset.done @!p1 $0x0  }
0x4c: {  	[sflag:s18] =	ssyncadd.s32 @!p1 $0xFFFFC000  }
0x4d: {  	_ =	swait.ge [sflag:s28], $0x80  }
0x4e: {  	[sflag:s28] =	ssyncset.done $0x0  }
0x4f: {  	[sflag:s28] =	ssyncadd.s32 $0xFFFFFF80  }
0x50: {  	_ =	swait.ge [sflag:s28], $0x80  }
0x51: {  	[sflag:s28] =	ssyncset.done $0x0  }
0x52: {  	[sflag:s28] =	ssyncadd.s32 $0xFFFFFF80  }
0x53: {  	[tilespmem:s29], [sflag:$0x2] =	stream.indirect.gather [hbm4b:s1+s22], $0x80, s24, s22, $0xb8;
	[tilespmem:$0x1BF00] =	vst v63  }
0x54: {  	_ =	swait.ge [sflag:s30], $0x4000  }
0x55: {  	[sflag:s30] =	ssyncset.done $0x0  }
0x56: {  	[sflag:s30] =	ssyncadd.s32 $0xFFFFC000  }
0x57: {  	[spmem:s2] =	stream.indirect.scatter.add.f32 [tilespmem:s23], [sflag:$0x5], $0x80, s20, s22, $0xb8;
	[tilespmem:$0x1BF00] =	vst v63  }
0x58: {  	s8 =	sadd.s32 s11, s16  }
0x59: {  	[tilespmem:s19], [sflag:$0x3] =	stream.linear.gather [hbm4b:s8+s3], $0x80, $0x38;
	[tilespmem:$0x1BF00] =	vst v63  }
0x5a: {  	s25 =	sadd.s32 s11, s17  }
0x5b: {  	[tilespmem:s31], [sflag:$0x3] =	stream.linear.gather [hbm4b:s25+s3], $0x80, $0x38;
	[tilespmem:$0x1BF00] =	vst v63  }
0x5c: {  	_ =	swait.ge [sflag:s0], $0x4000  }
0x5d: {  	[sflag:s0] =	ssyncset.done $0x0  }
0x5e: {  	[sflag:s0] =	ssyncadd.s32 $0xFFFFC000  }
0x5f: {  	[spmem:s2] =	stream.indirect.scatter.add.f32 [tilespmem:s29], [sflag:$0x6], $0x80, s26, s22, $0xb8;
	[tilespmem:$0x1BF00] =	vst v63  }
0x60: {  	_ =	swait.ge [sflag:s4], $0x4000  }
0x61: {  	[sflag:s4] =	ssyncset.done $0x0  }
0x62: {  	[sflag:s4] =	ssyncadd.s32 $0xFFFFC000  }
0x63: {  	_ =	swait.ge [sflag:s21], $0x80  }
0x64: {  	[sflag:s21] =	ssyncset.done $0x0  }
0x65: {  	[sflag:s21] =	ssyncadd.s32 $0xFFFFFF80  }
0x66: {  	_ =	swait.ge [sflag:s21], $0x80  }
0x67: {  	[sflag:s21] =	ssyncset.done $0x0  }
0x68: {  	s18 =	sadd.s32 s11, s12;
	[sflag:s21] =	ssyncadd.s32 $0xFFFFFF80  }
0x69: {  	[tilespmem:s23], [sflag:$0x1] =	stream.indirect.gather [hbm4b:s1+s22], $0x80, s19, s22, $0xb8;
	[tilespmem:$0x1BF00] =	vst v63  }
0x6a: {  	s25 =	sadd.s32 $0x30, s18  }
0x6b: {  	[tilespmem:s24], [sflag:$0x4] =	stream.linear.gather [hbm4b:s25+s3], $0x80, $0x38;
	[tilespmem:$0x1BF00] =	vst v63  }
0x6c: {  	s25 =	sadd.s32 s11, s13  }
0x6d: {  	s8 =	sadd.s32 $0x30, s25  }
0x6e: {  	[tilespmem:s5], [sflag:$0x4] =	stream.linear.gather [hbm4b:s8+s3], $0x80, $0x38;
	[tilespmem:$0x1BF00] =	vst v63  }
0x6f: {  	_ =	swait.ge [sflag:s6], $0x4000  }
0x70: {  	[sflag:s6] =	ssyncset.done $0x0  }
0x71: {  	[sflag:s6] =	ssyncadd.s32 $0xFFFFC000  }
0x72: {  	_ =	swait.ge [sflag:s30], $0x4000  }
0x73: {  	[sflag:s30] =	ssyncset.done $0x0  }
0x74: {  	[sflag:s30] =	ssyncadd.s32 $0xFFFFC000  }
0x75: {  	[spmem:s2] =	stream.indirect.scatter.add.f32 [tilespmem:s23], [sflag:$0x7], $0x80, s31, s22, $0xb8;
	[tilespmem:$0x1BF00] =	vst v63  }
0x76: {  	_ =	swait.ge [sflag:s28], $0x80  }
0x77: {  	p1 =	seq.s32 s11, $0x4C0;
	[sflag:s28] =	ssyncset.done $0x0  }
.Ltmp2:
0x78: {  	[sflag:s28] =	ssyncadd.s32 $0xFFFFFF80;
	(pc) =	sbr.rel @p1 .LBB2_4-.Ltmp2, $4  }
0x79: {  	_ =	swait.ge [sflag:s28], $0x80  }
0x7a: {  	[sflag:s28] =	ssyncset.done $0x0  }
0x7b: {  	[sflag:s28] =	ssyncadd.s32 $0xFFFFFF80  }
0x7c: {  	[tilespmem:s29], [sflag:$0x2] =	stream.indirect.gather [hbm4b:s1+s22], $0x80, s24, s22, $0xb8;
	[tilespmem:$0x1BF00] =	vst v63  }
0x7d: {  	s8 =	sadd.s32 s11, s14  }
0x7e: {  	[tilespmem:s19], [sflag:$0x3] =	stream.linear.gather [hbm4b:s8+s3], $0x80, $0x38;
	[tilespmem:$0x1BF00] =	vst v63  }
0x7f: {  	s8 =	sadd.s32 s11, s15  }
0x80: {  	[tilespmem:s20], [sflag:$0x3] =	stream.linear.gather [hbm4b:s8+s3], $0x80, $0x38;
	[tilespmem:$0x1BF00] =	vst v63  }
0x81: {  	_ =	swait.ge [sflag:s7], $0x4000  }
0x82: {  	[sflag:s7] =	ssyncset.done $0x0  }
0x83: {  	[sflag:s7] =	ssyncadd.s32 $0xFFFFC000  }
0x84: {  	_ =	swait.ge [sflag:s0], $0x4000  }
0x85: {  	[sflag:s0] =	ssyncset.done $0x0  }
0x86: {  	[sflag:s0] =	ssyncadd.s32 $0xFFFFC000  }
0x87: {  	[spmem:s2] =	stream.indirect.scatter.add.f32 [tilespmem:s29], [sflag:$0x8], $0x80, s5, s22, $0xb8;
	[tilespmem:$0x1BF00] =	vst v63  }
0x88: {  	_ =	swait.ge [sflag:s21], $0x80  }
0x89: {  	[sflag:s21] =	ssyncset.done $0x0  }
0x8a: {  	[sflag:s21] =	ssyncadd.s32 $0xFFFFFF80  }
0x8b: {  	_ =	swait.ge [sflag:s21], $0x80  }
0x8c: {  	[sflag:s21] =	ssyncset.done $0x0  }
0x8d: {  	[sflag:s21] =	ssyncadd.s32 $0xFFFFFF80  }
0x8e: {  	[tilespmem:s23], [sflag:$0x1] =	stream.indirect.gather [hbm4b:s1+s22], $0x80, s19, s22, $0xb8;
	[tilespmem:$0x1BF00] =	vst v63  }
.Ltmp3:
0x8f: {  	_ = 	snop;
	(pc) =	sbr.rel .LBB2_2-.Ltmp3, $4  }
0x90: {  	s18 =	sadd.s32 $0x50, s18  }
0x91: {  	[tilespmem:s24], [sflag:$0x4] =	stream.linear.gather [hbm4b:s18+s3], $0x80, $0x38;
	[tilespmem:$0x1BF00] =	vst v63  }
0x92: {  	s25 =	sadd.s32 $0x50, s25;
	s11 =	sadd.s32 $0x40, s11  }
0x93: {  	[tilespmem:s26], [sflag:$0x4] =	stream.linear.gather [hbm4b:s25+s3], $0x80, $0x38;
	[tilespmem:$0x1BF00] =	vst v63  }
.LBB2_5:
0x94: {  	_ =	sfence.sel $0x180000  }
0x95: {  	[bflag:$0x0] =	sbarrier.arrive $0xFFFF  }
0x96: {  	_ =	strace $0x9000004A  }
0x97: {  	[bflag:$0x2] =	sbarrier.arrive $0xFFFF  }
0x98: {  	s0 =	rddreg [dreg:$0x3]  }
0x99: {  	s0 =	sadd.s32 @!p0 $0x100000, s0  }
0x9a: {  	[sflag:s0] =	ssyncadd.tile.s32 @!p0 $0x1;
	_ =	shalt  }
.Lfunc_end2:
_tile_overlayer_lowered:
.L_overlay_start_2:
0x9b: {  	(tag) =	ssettag $0x2  }
0x9c: {  	s0 =	rddreg [dreg:$0x0];
	s2 =	stileid.u32  }
0x9d: {  	s1 =	rddreg [dreg:$0x1];
	p0 =	sne.s32 s2, $0x0  }
0x9e: {  	s3 =	rddreg [dreg:$0x2];
	[bflag:$0x3] =	sbarrier.arrive $0xFFFF;
	s2 =	simm.s32 @!p0 $0x1C09  }
0x9f: {  	[timem:s3], [sflag:s2] =	dma.local @!p0 [hbm:s0], s1  }
0xa0: {  	s0 =	simm.s32 @!p0 $0x9  }
0xa1: {  	_ =	swait.ge @!p0 [sflag:s0], s1  }
0xa2: {  	s1 =	ssub.s32 @!p0 $0x0, s1;
	[sflag:s0] =	ssyncset.done @!p0 $0x0  }
0xa3: {  	[sflag:s0] =	ssyncadd.s32 @!p0 s1  }
0xa4: {  	[bflag:$0x3] =	sbarrier.arrive $0xFFFF  }
0xa5: {  	_ =	shalt  }

// kernel: kernel.27.cloned.1.call-start
scs
__scs_entry_jumppad:
0x0: {  	(pc) =	sbr.rel $0x88, $3  }
0x1: {  	(tag) =	ssettag $0x0;
	lr =	simm.s32 $0x1  }
0x2: {  	[smem:$0x3F8B] =	sst lr;
	_ =	strace $0xD0000000  }
0x3: {  	_ = 	snop  }
0x4: {  	_ = 	snop  }
0x5: {  	_ = 	snop  }
0x6: {  	_ = 	snop  }
0x7: {  	_ = 	snop  }
__scs_overlays_trampoline_lowered:
0x8: {  	[smem:$0x3F9A] =	sst s0  }
0x9: {  	[smem:$0x3F9B] =	sst s1  }
0xa: {  	[smem:$0x3F9C] =	sst s2  }
0xb: {  	[smem:$0x3F9D] =	sst s3  }
0xc: {  	[smem:$0x3F9E] =	sst s4  }
0xd: {  	[smem:$0x3F9F] =	sst s5  }
0xe: {  	[smem:$0x3FA0] =	sst s6  }
0xf: {  	[smem:$0x3FA1] =	sst s7  }
0x10: {  	[smem:$0x3FA2] =	sst s8  }
0x11: {  	[smem:$0x3FA3] =	sst s9;
	s0 =	simm.s32 @!p0 $0x0  }
0x12: {  	s1 =	sld [smem:$0x3F89];
	s0 =	simm.s32 @p0 $0x1  }
0x13: {  	[smem:$0x3FA4] =	sst s0;
	s0 =	simm.s32 @!p1 $0x0  }
0x14: {  	s2 =	sld [smem:$0x3F88];
	s0 =	simm.s32 @p1 $0x1  }
0x15: {  	[smem:$0x3FA5] =	sst s0;
	s0 =	simm.s32 @!p2 $0x0  }
0x16: {  	s3 =	sld [smem:$0x3FDB];
	s0 =	simm.s32 @p2 $0x1  }
0x17: {  	s4 =	simm.s32 $0x1BF5;
	[smem:$0x3FA7] =	sst s0  }
0x18: {  	s0 =	sld [smem:$0x3F8A];
	_ =	swait.ge [sflag:s4], $0x0  }
0x19: {  	s7 =	sld [smem:$0x3F8B]  }
0x1a: {  	s8 =	sadd.s32 $0xFFFFE003, lr  }
0x1b: {  	s9 =	sadd.s32 $0xFFFFFEF7, lr;
	s5 =	simm.s32 $0xFFFFFFFF;
	p2 =	slt.u32 s8, $0xFFFFF086  }
0x1c: {  	p1 =	slt.u32 s9, $0xF7A;
	s5 =	simm.s32 @!p2 $0x0  }
0x1d: {  	s5 =	simm.s32 @p1 $0x1;
	p0 =	seq.s32 s7, s2  }
0x1e: {  	s7 =	smul.u32 @!p0 $0xF7A, s2;
	p2 =	seq.s32 @!p0 s5, $0x0  }
0x1f: {  	s9 =	smul.u32 $0xF7A, s1;
	s8 =	simm.s32 @!p0 $0x1BF5;
	p2 =	por !p2, p0  }
0x20: {  	[sflag:s8] =	ssyncset.s32 @!p0 $0xFFFFF086;
	s6 =	sadd.s32 @!p0 s3, s7;
	s7 =	simm.s32 @!p0 $0x108  }
0x21: {  	s3 =	sadd.s32 s3, s9;
	s6 =	sadd.s32 @!p0 $0x88, s6;
	s7 =	simm.s32 @p2 $0x1082  }
0x22: {  	[simem:s7], [sflag:s8] =	dma.local @!p0 [hbm:s6], $0xF7A  }
0x23: {  	s9 =	sor.u32 $0xD0000000, s2;
	s6 =	simm.s32 $0x108;
	_ =	swait.ge @!p0 [sflag:s8], $0x0  }
0x24: {  	s3 =	sadd.s32 $0x88, s3;
	s6 =	simm.s32 @!p1 $0x1082;
	[sflag:s4] =	ssyncset.s32 $0xFFFFF086  }
0x25: {  	[simem:s6], [sflag:s4] =	dma.local [hbm:s3], $0xF7A  }
0x26: {  	[smem:$0x3F8B] =	sst s1;
	(tag) =	ssettag s2;
	_ =	strace s9  }
0x27: {  	s1 =	sld [smem:$0x3F9B]  }
0x28: {  	s2 =	sld [smem:$0x3F9C]  }
0x29: {  	s4 =	sld [smem:$0x3F9E]  }
0x2a: {  	p0 =	seq.s32 s5, $0x0;
	s5 =	sld [smem:$0x3F9F]  }
0x2b: {  	s6 =	sld [smem:$0x3FA0]  }
0x2c: {  	s7 =	sld [smem:$0x3FA1]  }
0x2d: {  	s3 =	simm.s32 $0x108;
	s8 =	sld [smem:$0x3FA2]  }
0x2e: {  	s3 =	simm.s32 @!p0 $0x1082;
	s9 =	sld [smem:$0x3FA3]  }
0x2f: {  	lr =	sadd.s32 s0, s3;
	s0 =	sld [smem:$0x3F9A]  }
0x30: {  	s3 =	sld [smem:$0x3F9D]  }
0x31: {  	[smem:$0x3FA6] =	sst s10  }
0x32: {  	s10 =	sld [smem:$0x3FA4];
	_ =	sdelay $0x3  }
0x33: {  	p0 =	seq.s32 s10, $0x1;
	s10 =	sld [smem:$0x3FA6];
	_ =	sdelay $0x3  }
0x34: {  	[smem:$0x3FA6] =	sst s10  }
0x35: {  	s10 =	sld [smem:$0x3FA5];
	_ =	sdelay $0x3  }
0x36: {  	p1 =	seq.s32 s10, $0x1;
	s10 =	sld [smem:$0x3FA6];
	_ =	sdelay $0x3  }
0x37: {  	[smem:$0x3FA6] =	sst s10  }
0x38: {  	s10 =	sld [smem:$0x3FA7]  }
0x39: {  	_ = 	snop;
	(pc) =	sbr.ind lr, $3  }
0x3a: {  	_ = 	snop  }
0x3b: {  	_ = 	snop  }
0x3c: {  	p2 =	seq.s32 s10, $0x1;
	s10 =	sld [smem:$0x3FA6]  }
0x3d: {  	_ =	shalt  }
0x3e: {  	_ =	shalt  }
0x3f: {  	_ =	shalt  }
0x40: {  	_ =	shalt  }
0x41: {  	_ =	shalt  }
0x42: {  	_ =	shalt  }
0x43: {  	_ =	shalt  }
0x44: {  	_ =	shalt  }
0x45: {  	_ =	shalt  }
0x46: {  	_ =	shalt  }
0x47: {  	_ =	shalt  }
0x48: {  	_ =	shalt  }
0x49: {  	_ =	shalt  }
0x4a: {  	_ =	shalt  }
0x4b: {  	_ =	shalt  }
0x4c: {  	_ =	shalt  }
0x4d: {  	_ =	shalt  }
0x4e: {  	_ =	shalt  }
0x4f: {  	_ =	shalt  }
0x50: {  	_ =	shalt  }
0x51: {  	_ =	shalt  }
0x52: {  	_ =	shalt  }
0x53: {  	_ =	shalt  }
0x54: {  	_ =	shalt  }
0x55: {  	_ =	shalt  }
0x56: {  	_ =	shalt  }
0x57: {  	_ =	shalt  }
0x58: {  	_ =	shalt  }
0x59: {  	_ =	shalt  }
0x5a: {  	_ =	shalt  }
0x5b: {  	_ =	shalt  }
0x5c: {  	_ =	shalt  }
0x5d: {  	_ =	shalt  }
0x5e: {  	_ =	shalt  }
0x5f: {  	_ =	shalt  }
0x60: {  	_ =	shalt  }
0x61: {  	_ =	shalt  }
0x62: {  	_ =	shalt  }
0x63: {  	_ =	shalt  }
0x64: {  	_ =	shalt  }
0x65: {  	_ =	shalt  }
0x66: {  	_ =	shalt  }
0x67: {  	_ =	shalt  }
0x68: {  	_ =	shalt  }
0x69: {  	_ =	shalt  }
0x6a: {  	_ =	shalt  }
0x6b: {  	_ =	shalt  }
0x6c: {  	_ =	shalt  }
0x6d: {  	_ =	shalt  }
0x6e: {  	_ =	shalt  }
0x6f: {  	_ =	shalt  }
0x70: {  	_ =	shalt  }
0x71: {  	_ =	shalt  }
0x72: {  	_ =	shalt  }
0x73: {  	_ =	shalt  }
0x74: {  	_ =	shalt  }
0x75: {  	_ =	shalt  }
0x76: {  	_ =	shalt  }
0x77: {  	_ =	shalt  }
0x78: {  	_ =	shalt  }
0x79: {  	_ =	shalt  }
0x7a: {  	_ =	shalt  }
0x7b: {  	_ =	shalt  }
0x7c: {  	_ =	shalt  }
0x7d: {  	_ =	shalt  }
0x7e: {  	_ =	shalt  }
0x7f: {  	_ =	shalt  }
0x80: {  	_ =	shalt  }
0x81: {  	_ =	shalt  }
0x82: {  	_ =	shalt  }
0x83: {  	_ =	shalt  }
0x84: {  	_ =	shalt  }
0x85: {  	_ =	shalt  }
0x86: {  	_ =	shalt  }
0x87: {  	_ =	shalt  }
.Lfunc_end0:
.L_simem_size_0:
called_computation.2_lowered:
.L_overlay_start_0:
0x88: {  	s2 =	sld [smem:$0x3FD9]  }
0x89: {  	s3 =	sld [smem:$0x3FFE];
	_ =	sdelay $0x1  }
0x8a: {  	s1 =	srdreg.scid  }
0x8b: {  	s0 =	sand.u32 $0x1, s1  }
0x8c: {  	s17 =	sshll.u32 s0, $0xA;
	s2 =	sadd.s32 s3, s2  }
0x8d: {  	s2 =	sadd.s32 s2, s17  }
0x8e: {  	[smem:$0x3FB2] =	sst s2  }
0x8f: {  	_ = 	snop  }
0x90: {  	s2 =	sld [smem:$0x3FD0];
	(tm) =	ssettm $0x1  }
0x91: {  	s18 =	sld [smem:$0x3FFB];
	_ =	sdelay $0x3  }
0x92: {  	_ =	strace s18  }
0x93: {  	s3 =	sld [smem:$0x3FFC];
	_ =	sdelay $0x3  }
0x94: {  	_ =	strace s3  }
0x95: {  	s3 =	sld [smem:$0x3FFD];
	_ =	sdelay $0x3  }
0x96: {  	_ =	strace s3  }
0x97: {  	_ =	strace $0x8FFFFFFF  }
0x98: {  	s19 =	sld [smem:$0x3FDB];
	_ =	sdelay $0x1  }
0x99: {  	s4 =	simm.s32 $_scs_section_size  }
0x9a: {  	s5 =	simm.s32 $_size__tile_overlayer_lowered;
	s6 =	simm.s32 $_tile_overlayer_lowered  }
0x9b: {  	s22 =	simm.s32 $0x1BFF;
	s21 =	sshll.u32 s6, $0x1;
	s3 =	sadd.s32 s4, s19  }
0x9c: {  	s7 =	simm.s32 $0x0;
	s20 =	sshll.u32 s5, $0x1;
	s5 =	sadd.s32 s21, s3  }
0x9d: {  	[timem:s7], [sflag:s22] =	dma.local [hbm:s5], s20  }
0x9e: {  	_ =	swait.ge [sflag:s22], s20  }
0x9f: {  	s4 =	ssub.s32 $0x0, s20;
	[sflag:s22] =	ssyncset.done $0x0  }
0xa0: {  	[sflag:s22] =	ssyncadd.s32 s4;
	_ =	sdelay $0x1  }
0xa1: {  	s23 =	simm.s32 $0x1B8B  }
0xa2: {  	_ =	swait.ge [sflag:s23], $0x1  }
0xa3: {  	[sflag:s23] =	ssyncset.done $0x0  }
0xa4: {  	s25 =	simm.s32 $0x1B8E;
	s24 =	sld [smem:$0x3FFE];
	[sflag:s23] =	ssyncadd.s32 $0xFFFFFFFF  }
0xa5: {  	s26 =	simm.s32 $execute0_lowered;
	[smem:$0x3FD2] =	sst s25  }
0xa6: {  	s5 =	sshll.u32 s26, $0x1;
	_ =	strace $0x8000004C;
	[dreg:$0x1] =	wrdreg $0xFFFFFFFF  }
0xa7: {  	s28 =	simm.s32 $_size_execute0_lowered;
	s3 =	sadd.s32 s3, s5;
	[dreg:$0x0] =	wrdreg $0x0  }
0xa8: {  	s5 =	sshll.u32 s28, $0x1;
	[dreg:$0x2] =	wrdreg s3  }
0xa9: {  	[dreg:$0x3] =	wrdreg s5  }
0xaa: {  	[dreg:$0x4] =	wrdreg $0xC0  }
0xab: {  	_ =	task [dreg:s7], $0x5FFFF  }
0xac: {  	[dreg:$0x1] =	wrdreg $0xFFFFFFFF  }
0xad: {  	[dreg:$0x0] =	wrdreg $0x60  }
0xae: {  	[dreg:$0x2] =	wrdreg s2  }
0xaf: {  	[dreg:$0x3] =	wrdreg s24  }
0xb0: {  	[dreg:$0x4] =	wrdreg $0x0  }
0xb1: {  	[dreg:$0x5] =	wrdreg $0x9  }
0xb2: {  	_ =	task.clear_ibuf [dreg:s7], $0x6FFFF;
	_ =	strace $0x9000004C  }
0xb3: {  	s29 =	simm.s32 $0x9;
	_ =	strace $0x8000004E  }
0xb4: {  	_ =	swait.ge [sflag:s29], $0x1  }
0xb5: {  	[sflag:s29] =	ssyncadd.s32 $0xFFFFFFFF  }
0xb6: {  	_ =	strace $0x9000004E  }
0xb7: {  	_ =	sfence  }
0xb8: {  	s30 =	sld [smem:$0x0];
	_ =	sdelay $0x2  }
0xb9: {  	s31 =	sshll.u32 s1, $0xD;
	s1 =	sshrl.u32 s1, $0x2  }
0xba: {  	s3 =	sand.u32 $0x4000, s31;
	s1 =	sadd.s32 s1, s30  }
0xbb: {  	s0 =	sor.u32 s3, s0;
	s1 =	sshll.u32 s1, $0x11  }
0xbc: {  	s0 =	sor.u32 s1, s0  }
0xbd: {  	s0 =	sadd.s32 $0x8F2B, s0  }
0xbe: {  	[sflag:s0] =	ssyncadd.remote.s32 $0x1  }
0xbf: {  	_ =	sfence.sel $0xFFFF  }
0xc0: {  	[dreg:$0x0] =	wrdreg $0xFFFFFFFF;
	(pc) =	sbr.abs _section_cstart, $3  }
0xc1: {  	[dreg:$0x1] =	wrdreg $0xFFFFFFFF  }
0xc2: {  	_ =	task.clear_ibuf [dreg:s7], $0x2FFFF;
	_ =	strace $0x9FFFFFFF  }
0xc3: {  	(tm) =	ssettm $0x7FFFFFFF  }
tec
execute0_lowered:
.L_overlay_start_1:
0x0: {  	(tag) =	ssettag $0x1  }
0x1: {  	s1 =	rddreg [dreg:$0x0]  }
0x2: {  	s0 =	rddreg [dreg:$0x1]  }
0x3: {  	s2 =	rddreg [dreg:$0x2];
	s3 =	simm.s32 $0x0  }
0x4: {  	s6 =	srdreg.scid;
	s12 =	stileid.u32;
	s15 =	simm.s32 $0x13C00  }
0x5: {  	s16 =	simm.s32 $0x13D00;
	s17 =	simm.s32 $0x3;
	s18 =	simm.s32 $0x80  }
0x6: {  	s19 =	simm.s32 $0x13F00;
	s28 =	simm.s32 $0x2;
	s29 =	simm.s32 $0x5  }
0x7: {  	s30 =	simm.s32 $0x13E80;
	s31 =	simm.s32 $0x6;
	[smem:$0x7FF] =	sst s3  }
0x8: {  	s4 =	sadd.s32 $0x1AA00, s0;
	s5 =	sadd.s32 $0x10A00, s0;
	s10 =	smul.u32 $0xA00, s12  }
0x9: {  	s7 =	sadd.s32 $0x6A00, s0;
	s6 =	sand.u32 $0x1, s6;
	s11 =	smul.u32 $0x4F000, s12  }
0xa: {  	s8 =	sadd.s32 $0x41C00, s0;
	s0 =	sadd.s32 $0x69400, s0;
	s26 =	smul.u32 $0x2780, s12  }
0xb: {  	p1 =	sne.s32 s12, $0x0;
	_ =	strace $0x8000004D;
	[dreg:$0x4] =	wrdreg s8  }
0xc: {  	s20 =	ssub.s32 $0x2, s6;
	[dreg:$0x5] =	wrdreg s0;
	p0 =	seq.s32 s6, $0x1  }
0xd: {  	s14 =	sshrl.u32 @!p1 s2, $0x3;
	s6 =	simm.s32 $0x8;
	s21 =	sshrl.u32 s20, $0x1  }
0xe: {  	s8 =	sadd.s32 s5, s10;
	s9 =	sadd.s32 s7, s10;
	s22 =	sor.u32 $0x10, s10  }
0xf: {  	s23 =	sshrl.u32 s11, $0x2;
	[dreg:$0x8] =	wrdreg s26;
	s26 =	simm.s32 $0x13E00  }
0x10: {  	s0 =	ssub.s32 s20, s21;
	s5 =	sadd.s32 s5, s22;
	s24 =	sadd.s32 s7, s22  }
.Ltmp0:
0x11: {  	s25 =	sadd.s32 s23, s2;
	s20 =	simm.s32 $0x13C80;
	(pc) =	sbr.rel .LBB2_1-.Ltmp0, $4  }
0x12: {  	s21 =	simm.s32 $0x13D80;
	s22 =	simm.s32 $0x4;
	[dreg:$0x6] =	wrdreg s5  }
0x13: {  	s23 =	simm.s32 $0x17F00;
	s7 =	simm.s32 $0x9;
	[dreg:$0x7] =	wrdreg s24  }
0x14: {  	s0 =	smax.u32 s0, $0x1;
	s24 =	simm.s32 $0x1;
	s25 =	sshrl.u32 s25, $0x3  }
0x15: {  	s5 =	simm.s32 $0x0;
	[dreg:$0x9] =	wrdreg s0;
	s0 =	simm.s32 $0x7  }
.LBB2_8:
0x16: {  	s10 =	rddreg [dreg:$0x5]  }
.LBB2_9:
0x17: {  	_ =	swait.ge [sflag:s0], $0x4000  }
0x18: {  	[sflag:s0] =	ssyncset.done $0x0  }
0x19: {  	[sflag:s0] =	ssyncadd.s32 $0xFFFFC000  }
0x1a: {  	_ =	swait.ge [sflag:s28], $0x4000  }
0x1b: {  	[sflag:s28] =	ssyncset.done $0x0  }
0x1c: {  	[sflag:s28] =	ssyncadd.s32 $0xFFFFC000  }
0x1d: {  	[spmem:s2] =	stream.indirect.scatter.add.f32 [tilespmem:s23], [sflag:$0x8], $0x80, s30, s18, $0xb8;
	[tilespmem:$0x1BF00] =	vst v63  }
0x1e: {  	_ =	swait.ge [sflag:s6], $0x4000  }
0x1f: {  	s11 =	stileid.u32;
	[sflag:s6] =	ssyncset.done $0x0  }
0x20: {  	s11 =	sshll.u32 s11, $0x6;
	s12 =	rddreg [dreg:$0x8];
	[sflag:s6] =	ssyncadd.s32 $0xFFFFC000  }
0x21: {  	s11 =	sor.u32 $0x1C09, s11;
	s10 =	sadd.s32 s10, s12;
	[bflag:$0x0] =	sbarrier.arrive $0xFFFF  }
0x22: {  	[hbm:s10], [sflag:s11] =	dma.local [spmem:s25], $0x2780  }
0x23: {  	_ =	swait.ge [sflag:s7], $0x2780  }
0x24: {  	s5 =	sadd.s32 $0x1, s5;
	s13 =	rddreg [dreg:$0x9]  }
0x25: {  	p2 =	sne.s32 s5, s13  }
.Ltmp1:
0x26: {  	_ = 	snop;
	(pc) =	sbr.rel @!p2 .LBB2_10-.Ltmp1, $3  }
0x27: {  	_ =	sdelay $0x1  }
0x28: {  	[sflag:s7] =	ssyncset.done $0x0  }
0x29: {  	[sflag:s7] =	ssyncadd.s32 $0xFFFFD880  }
.LBB2_1:
.Ltmp2:
0x2a: {  	(pc) =	sbr.rel @!p0 .LBB2_2-.Ltmp2, $1  }
0x2b: {  	_ =	sdelay $0x3  }
0x2c: {  	s10 =	simm.s32 @!p1 $0x1C09  }
0x2d: {  	[spmem:s14], [sflag:s10] =	dma.local @!p1 [hbm:s4], $0x27100  }
0x2e: {  	s10 =	simm.s32 @!p1 $0x9  }
0x2f: {  	_ =	swait.ge @!p1 [sflag:s10], $0x27100  }
0x30: {  	[sflag:s10] =	ssyncset.done @!p1 $0x0  }
0x31: {  	[sflag:s10] =	ssyncadd.s32 @!p1 $0xFFFD8F00  }
0x32: {  	s10 =	simm.s32 $0x0;
	[bflag:$0x0] =	sbarrier.arrive $0xFFFF  }
0x33: {  	[tilespmem:s15], [sflag:$0x3] =	stream.linear.gather [hbm4b:s8+s10], $0x80, $0x38;
	[tilespmem:$0x1BF00] =	vst v63  }
0x34: {  	_ = 	snop  }
0x35: {  	[tilespmem:s16], [sflag:$0x3] =	stream.linear.gather [hbm4b:s9+s10], $0x80, $0x38;
	[tilespmem:$0x1BF00] =	vst v63  }
0x36: {  	_ =	swait.ge [sflag:s17], $0x80  }
0x37: {  	[sflag:s17] =	ssyncset.done $0x0  }
0x38: {  	[sflag:s17] =	ssyncadd.s32 $0xFFFFFF80  }
0x39: {  	_ =	swait.ge [sflag:s17], $0x80  }
0x3a: {  	[sflag:s17] =	ssyncset.done $0x0  }
0x3b: {  	[sflag:s17] =	ssyncadd.s32 $0xFFFFFF80  }
0x3c: {  	[tilespmem:s19], [sflag:$0x1] =	stream.indirect.gather [hbm4b:s4+s18], $0x80, s15, s18, $0xb8;
	[tilespmem:$0x1BF00] =	vst v63  }
0x3d: {  	s11 =	rddreg [dreg:$0x6]  }
0x3e: {  	[tilespmem:s20], [sflag:$0x4] =	stream.linear.gather [hbm4b:s11+s10], $0x80, $0x38;
	[tilespmem:$0x1BF00] =	vst v63  }
0x3f: {  	s13 =	rddreg [dreg:$0x7]  }
0x40: {  	[tilespmem:s21], [sflag:$0x4] =	stream.linear.gather [hbm4b:s13+s10], $0x80, $0x38;
	[tilespmem:$0x1BF00] =	vst v63  }
.LBB2_7:
0x41: {  	p2 =	seq.s32 s10, $0x0  }
0x42: {  	s11 =	simm.s32 @!p2 $0x8  }
0x43: {  	_ =	swait.ge @!p2 [sflag:s11], $0x4000  }
0x44: {  	[sflag:s11] =	ssyncset.done @!p2 $0x0  }
0x45: {  	[sflag:s11] =	ssyncadd.s32 @!p2 $0xFFFFC000  }
0x46: {  	_ =	swait.ge [sflag:s22], $0x80  }
0x47: {  	[sflag:s22] =	ssyncset.done $0x0  }
0x48: {  	[sflag:s22] =	ssyncadd.s32 $0xFFFFFF80  }
0x49: {  	_ =	swait.ge [sflag:s22], $0x80  }
0x4a: {  	[sflag:s22] =	ssyncset.done $0x0  }
0x4b: {  	[sflag:s22] =	ssyncadd.s32 $0xFFFFFF80  }
0x4c: {  	[tilespmem:s23], [sflag:$0x2] =	stream.indirect.gather [hbm4b:s4+s18], $0x80, s20, s18, $0xb8;
	[tilespmem:$0x1BF00] =	vst v63  }
0x4d: {  	_ =	swait.ge [sflag:s24], $0x4000  }
0x4e: {  	[sflag:s24] =	ssyncset.done $0x0  }
0x4f: {  	s11 =	sadd.s32 s10, s8;
	[sflag:s24] =	ssyncadd.s32 $0xFFFFC000  }
0x50: {  	[spmem:s2] =	stream.indirect.scatter.add.f32 [tilespmem:s19], [sflag:$0x5], $0x80, s16, s18, $0xb8;
	[tilespmem:$0x1BF00] =	vst v63  }
0x51: {  	s12 =	sadd.s32 $0x20, s11  }
0x52: {  	[tilespmem:s15], [sflag:$0x3] =	stream.linear.gather [hbm4b:s12+s3], $0x80, $0x38;
	[tilespmem:$0x1BF00] =	vst v63  }
0x53: {  	s12 =	sadd.s32 s10, s9  }
0x54: {  	s13 =	sadd.s32 $0x20, s12  }
0x55: {  	[tilespmem:s26], [sflag:$0x3] =	stream.linear.gather [hbm4b:s13+s3], $0x80, $0x38;
	[tilespmem:$0x1BF00] =	vst v63  }
0x56: {  	_ =	swait.ge [sflag:s28], $0x4000  }
0x57: {  	[sflag:s28] =	ssyncset.done $0x0  }
0x58: {  	[sflag:s28] =	ssyncadd.s32 $0xFFFFC000  }
0x59: {  	[spmem:s2] =	stream.indirect.scatter.add.f32 [tilespmem:s23], [sflag:$0x6], $0x80, s21, s18, $0xb8;
	[tilespmem:$0x1BF00] =	vst v63  }
0x5a: {  	_ =	swait.ge [sflag:s29], $0x4000  }
0x5b: {  	[sflag:s29] =	ssyncset.done $0x0  }
0x5c: {  	[sflag:s29] =	ssyncadd.s32 $0xFFFFC000  }
0x5d: {  	_ =	swait.ge [sflag:s17], $0x80  }
0x5e: {  	[sflag:s17] =	ssyncset.done $0x0  }
0x5f: {  	[sflag:s17] =	ssyncadd.s32 $0xFFFFFF80  }
0x60: {  	_ =	swait.ge [sflag:s17], $0x80  }
0x61: {  	[sflag:s17] =	ssyncset.done $0x0  }
0x62: {  	[sflag:s17] =	ssyncadd.s32 $0xFFFFFF80  }
0x63: {  	[tilespmem:s19], [sflag:$0x1] =	stream.indirect.gather [hbm4b:s4+s18], $0x80, s15, s18, $0xb8;
	[tilespmem:$0x1BF00] =	vst v63  }
0x64: {  	s13 =	sadd.s32 $0x30, s11  }
0x65: {  	[tilespmem:s20], [sflag:$0x4] =	stream.linear.gather [hbm4b:s13+s3], $0x80, $0x38;
	[tilespmem:$0x1BF00] =	vst v63  }
0x66: {  	s13 =	sadd.s32 $0x30, s12  }
0x67: {  	[tilespmem:s30], [sflag:$0x4] =	stream.linear.gather [hbm4b:s13+s3], $0x80, $0x38;
	[tilespmem:$0x1BF00] =	vst v63  }
0x68: {  	_ =	swait.ge [sflag:s31], $0x4000  }
0x69: {  	[sflag:s31] =	ssyncset.done $0x0  }
0x6a: {  	[sflag:s31] =	ssyncadd.s32 $0xFFFFC000  }
0x6b: {  	_ =	swait.ge [sflag:s24], $0x4000  }
0x6c: {  	[sflag:s24] =	ssyncset.done $0x0  }
0x6d: {  	[sflag:s24] =	ssyncadd.s32 $0xFFFFC000  }
0x6e: {  	[spmem:s2] =	stream.indirect.scatter.add.f32 [tilespmem:s19], [sflag:$0x7], $0x80, s26, s18, $0xb8;
	[tilespmem:$0x1BF00] =	vst v63  }
0x6f: {  	_ =	swait.ge [sflag:s22], $0x80  }
0x70: {  	p2 =	seq.s32 s10, $0x9C0;
	[sflag:s22] =	ssyncset.done $0x0  }
.Ltmp3:
0x71: {  	[sflag:s22] =	ssyncadd.s32 $0xFFFFFF80;
	(pc) =	sbr.rel @p2 .LBB2_8-.Ltmp3, $4  }
0x72: {  	_ =	swait.ge [sflag:s22], $0x80  }
0x73: {  	[sflag:s22] =	ssyncset.done $0x0  }
0x74: {  	[sflag:s22] =	ssyncadd.s32 $0xFFFFFF80  }
0x75: {  	[tilespmem:s23], [sflag:$0x2] =	stream.indirect.gather [hbm4b:s4+s18], $0x80, s20, s18, $0xb8;
	[tilespmem:$0x1BF00] =	vst v63  }
0x76: {  	s13 =	sadd.s32 $0x40, s11  }
0x77: {  	[tilespmem:s15], [sflag:$0x3] =	stream.linear.gather [hbm4b:s13+s3], $0x80, $0x38;
	[tilespmem:$0x1BF00] =	vst v63  }
0x78: {  	s13 =	sadd.s32 $0x40, s12  }
0x79: {  	[tilespmem:s16], [sflag:$0x3] =	stream.linear.gather [hbm4b:s13+s3], $0x80, $0x38;
	[tilespmem:$0x1BF00] =	vst v63  }
0x7a: {  	_ =	swait.ge [sflag:s0], $0x4000  }
0x7b: {  	[sflag:s0] =	ssyncset.done $0x0  }
0x7c: {  	[sflag:s0] =	ssyncadd.s32 $0xFFFFC000  }
0x7d: {  	_ =	swait.ge [sflag:s28], $0x4000  }
0x7e: {  	[sflag:s28] =	ssyncset.done $0x0  }
0x7f: {  	[sflag:s28] =	ssyncadd.s32 $0xFFFFC000  }
0x80: {  	[spmem:s2] =	stream.indirect.scatter.add.f32 [tilespmem:s23], [sflag:$0x8], $0x80, s30, s18, $0xb8;
	[tilespmem:$0x1BF00] =	vst v63  }
0x81: {  	_ =	swait.ge [sflag:s17], $0x80  }
0x82: {  	[sflag:s17] =	ssyncset.done $0x0  }
0x83: {  	[sflag:s17] =	ssyncadd.s32 $0xFFFFFF80  }
0x84: {  	_ =	swait.ge [sflag:s17], $0x80  }
0x85: {  	[sflag:s17] =	ssyncset.done $0x0  }
0x86: {  	[sflag:s17] =	ssyncadd.s32 $0xFFFFFF80  }
0x87: {  	[tilespmem:s19], [sflag:$0x1] =	stream.indirect.gather [hbm4b:s4+s18], $0x80, s15, s18, $0xb8;
	[tilespmem:$0x1BF00] =	vst v63  }
.Ltmp4:
0x88: {  	_ = 	snop;
	(pc) =	sbr.rel .LBB2_7-.Ltmp4, $4  }
0x89: {  	s13 =	sadd.s32 $0x50, s11  }
0x8a: {  	[tilespmem:s20], [sflag:$0x4] =	stream.linear.gather [hbm4b:s13+s3], $0x80, $0x38;
	[tilespmem:$0x1BF00] =	vst v63  }
0x8b: {  	s10 =	sadd.s32 $0x40, s10;
	s13 =	sadd.s32 $0x50, s12  }
0x8c: {  	[tilespmem:s21], [sflag:$0x4] =	stream.linear.gather [hbm4b:s13+s3], $0x80, $0x38;
	[tilespmem:$0x1BF00] =	vst v63  }
.LBB2_2:
0x8d: {  	s10 =	simm.s32 @!p1 $0x1C09  }
0x8e: {  	[spmem:s14], [sflag:s10] =	dma.local @!p1 [hbm:s1], $0x27100  }
0x8f: {  	s10 =	simm.s32 @!p1 $0x9  }
0x90: {  	_ =	swait.ge @!p1 [sflag:s10], $0x27100  }
0x91: {  	[sflag:s10] =	ssyncset.done @!p1 $0x0  }
0x92: {  	[sflag:s10] =	ssyncadd.s32 @!p1 $0xFFFD8F00  }
0x93: {  	s10 =	simm.s32 $0x0;
	[bflag:$0x0] =	sbarrier.arrive $0xFFFF  }
0x94: {  	[tilespmem:s15], [sflag:$0x3] =	stream.linear.gather [hbm4b:s8+s10], $0x80, $0x38;
	[tilespmem:$0x1BF00] =	vst v63  }
0x95: {  	_ = 	snop  }
0x96: {  	[tilespmem:s16], [sflag:$0x3] =	stream.linear.gather [hbm4b:s9+s10], $0x80, $0x38;
	[tilespmem:$0x1BF00] =	vst v63  }
0x97: {  	_ =	swait.ge [sflag:s17], $0x80  }
0x98: {  	[sflag:s17] =	ssyncset.done $0x0  }
0x99: {  	[sflag:s17] =	ssyncadd.s32 $0xFFFFFF80  }
0x9a: {  	_ =	swait.ge [sflag:s17], $0x80  }
0x9b: {  	[sflag:s17] =	ssyncset.done $0x0  }
0x9c: {  	[sflag:s17] =	ssyncadd.s32 $0xFFFFFF80  }
0x9d: {  	[tilespmem:s19], [sflag:$0x1] =	stream.indirect.gather [hbm4b:s1+s18], $0x80, s15, s18, $0xb8;
	[tilespmem:$0x1BF00] =	vst v63  }
0x9e: {  	s11 =	rddreg [dreg:$0x6]  }
0x9f: {  	[tilespmem:s20], [sflag:$0x4] =	stream.linear.gather [hbm4b:s11+s10], $0x80, $0x38;
	[tilespmem:$0x1BF00] =	vst v63  }
0xa0: {  	s13 =	rddreg [dreg:$0x7]  }
0xa1: {  	[tilespmem:s21], [sflag:$0x4] =	stream.linear.gather [hbm4b:s13+s10], $0x80, $0x38;
	[tilespmem:$0x1BF00] =	vst v63  }
.LBB2_3:
0xa2: {  	p2 =	seq.s32 s10, $0x0  }
0xa3: {  	s11 =	simm.s32 @!p2 $0x8  }
0xa4: {  	_ =	swait.ge @!p2 [sflag:s11], $0x4000  }
0xa5: {  	[sflag:s11] =	ssyncset.done @!p2 $0x0  }
0xa6: {  	[sflag:s11] =	ssyncadd.s32 @!p2 $0xFFFFC000  }
0xa7: {  	_ =	swait.ge [sflag:s22], $0x80  }
0xa8: {  	[sflag:s22] =	ssyncset.done $0x0  }
0xa9: {  	[sflag:s22] =	ssyncadd.s32 $0xFFFFFF80  }
0xaa: {  	_ =	swait.ge [sflag:s22], $0x80  }
0xab: {  	[sflag:s22] =	ssyncset.done $0x0  }
0xac: {  	[sflag:s22] =	ssyncadd.s32 $0xFFFFFF80  }
0xad: {  	[tilespmem:s23], [sflag:$0x2] =	stream.indirect.gather [hbm4b:s1+s18], $0x80, s20, s18, $0xb8;
	[tilespmem:$0x1BF00] =	vst v63  }
0xae: {  	_ =	swait.ge [sflag:s24], $0x4000  }
0xaf: {  	[sflag:s24] =	ssyncset.done $0x0  }
0xb0: {  	s11 =	sadd.s32 s10, s8;
	[sflag:s24] =	ssyncadd.s32 $0xFFFFC000  }
0xb1: {  	[spmem:s2] =	stream.indirect.scatter.add.f32 [tilespmem:s19], [sflag:$0x5], $0x80, s16, s18, $0xb8;
	[tilespmem:$0x1BF00] =	vst v63  }
0xb2: {  	s12 =	sadd.s32 $0x20, s11  }
0xb3: {  	[tilespmem:s15], [sflag:$0x3] =	stream.linear.gather [hbm4b:s12+s3], $0x80, $0x38;
	[tilespmem:$0x1BF00] =	vst v63  }
0xb4: {  	s12 =	sadd.s32 s10, s9  }
0xb5: {  	s13 =	sadd.s32 $0x20, s12  }
0xb6: {  	[tilespmem:s26], [sflag:$0x3] =	stream.linear.gather [hbm4b:s13+s3], $0x80, $0x38;
	[tilespmem:$0x1BF00] =	vst v63  }
0xb7: {  	_ =	swait.ge [sflag:s28], $0x4000  }
0xb8: {  	[sflag:s28] =	ssyncset.done $0x0  }
0xb9: {  	[sflag:s28] =	ssyncadd.s32 $0xFFFFC000  }
0xba: {  	[spmem:s2] =	stream.indirect.scatter.add.f32 [tilespmem:s23], [sflag:$0x6], $0x80, s21, s18, $0xb8;
	[tilespmem:$0x1BF00] =	vst v63  }
0xbb: {  	_ =	swait.ge [sflag:s29], $0x4000  }
0xbc: {  	[sflag:s29] =	ssyncset.done $0x0  }
0xbd: {  	[sflag:s29] =	ssyncadd.s32 $0xFFFFC000  }
0xbe: {  	_ =	swait.ge [sflag:s17], $0x80  }
0xbf: {  	[sflag:s17] =	ssyncset.done $0x0  }
0xc0: {  	[sflag:s17] =	ssyncadd.s32 $0xFFFFFF80  }
0xc1: {  	_ =	swait.ge [sflag:s17], $0x80  }
0xc2: {  	[sflag:s17] =	ssyncset.done $0x0  }
0xc3: {  	[sflag:s17] =	ssyncadd.s32 $0xFFFFFF80  }
0xc4: {  	[tilespmem:s19], [sflag:$0x1] =	stream.indirect.gather [hbm4b:s1+s18], $0x80, s15, s18, $0xb8;
	[tilespmem:$0x1BF00] =	vst v63  }
0xc5: {  	s13 =	sadd.s32 $0x30, s11  }
0xc6: {  	[tilespmem:s20], [sflag:$0x4] =	stream.linear.gather [hbm4b:s13+s3], $0x80, $0x38;
	[tilespmem:$0x1BF00] =	vst v63  }
0xc7: {  	s13 =	sadd.s32 $0x30, s12  }
0xc8: {  	[tilespmem:s30], [sflag:$0x4] =	stream.linear.gather [hbm4b:s13+s3], $0x80, $0x38;
	[tilespmem:$0x1BF00] =	vst v63  }
0xc9: {  	_ =	swait.ge [sflag:s31], $0x4000  }
0xca: {  	[sflag:s31] =	ssyncset.done $0x0  }
0xcb: {  	[sflag:s31] =	ssyncadd.s32 $0xFFFFC000  }
0xcc: {  	_ =	swait.ge [sflag:s24], $0x4000  }
0xcd: {  	[sflag:s24] =	ssyncset.done $0x0  }
0xce: {  	[sflag:s24] =	ssyncadd.s32 $0xFFFFC000  }
0xcf: {  	[spmem:s2] =	stream.indirect.scatter.add.f32 [tilespmem:s19], [sflag:$0x7], $0x80, s26, s18, $0xb8;
	[tilespmem:$0x1BF00] =	vst v63  }
0xd0: {  	_ =	swait.ge [sflag:s22], $0x80  }
0xd1: {  	p2 =	seq.s32 s10, $0x9C0;
	[sflag:s22] =	ssyncset.done $0x0  }
.Ltmp5:
0xd2: {  	[sflag:s22] =	ssyncadd.s32 $0xFFFFFF80;
	(pc) =	sbr.rel @p2 .LBB2_4-.Ltmp5, $4  }
0xd3: {  	_ =	swait.ge [sflag:s22], $0x80  }
0xd4: {  	[sflag:s22] =	ssyncset.done $0x0  }
0xd5: {  	[sflag:s22] =	ssyncadd.s32 $0xFFFFFF80  }
0xd6: {  	[tilespmem:s23], [sflag:$0x2] =	stream.indirect.gather [hbm4b:s1+s18], $0x80, s20, s18, $0xb8;
	[tilespmem:$0x1BF00] =	vst v63  }
0xd7: {  	s13 =	sadd.s32 $0x40, s11  }
0xd8: {  	[tilespmem:s15], [sflag:$0x3] =	stream.linear.gather [hbm4b:s13+s3], $0x80, $0x38;
	[tilespmem:$0x1BF00] =	vst v63  }
0xd9: {  	s13 =	sadd.s32 $0x40, s12  }
0xda: {  	[tilespmem:s16], [sflag:$0x3] =	stream.linear.gather [hbm4b:s13+s3], $0x80, $0x38;
	[tilespmem:$0x1BF00] =	vst v63  }
0xdb: {  	_ =	swait.ge [sflag:s0], $0x4000  }
0xdc: {  	[sflag:s0] =	ssyncset.done $0x0  }
0xdd: {  	[sflag:s0] =	ssyncadd.s32 $0xFFFFC000  }
0xde: {  	_ =	swait.ge [sflag:s28], $0x4000  }
0xdf: {  	[sflag:s28] =	ssyncset.done $0x0  }
0xe0: {  	[sflag:s28] =	ssyncadd.s32 $0xFFFFC000  }
0xe1: {  	[spmem:s2] =	stream.indirect.scatter.add.f32 [tilespmem:s23], [sflag:$0x8], $0x80, s30, s18, $0xb8;
	[tilespmem:$0x1BF00] =	vst v63  }
0xe2: {  	_ =	swait.ge [sflag:s17], $0x80  }
0xe3: {  	[sflag:s17] =	ssyncset.done $0x0  }
0xe4: {  	[sflag:s17] =	ssyncadd.s32 $0xFFFFFF80  }
0xe5: {  	_ =	swait.ge [sflag:s17], $0x80  }
0xe6: {  	[sflag:s17] =	ssyncset.done $0x0  }
0xe7: {  	[sflag:s17] =	ssyncadd.s32 $0xFFFFFF80  }
0xe8: {  	[tilespmem:s19], [sflag:$0x1] =	stream.indirect.gather [hbm4b:s1+s18], $0x80, s15, s18, $0xb8;
	[tilespmem:$0x1BF00] =	vst v63  }
.Ltmp6:
0xe9: {  	_ = 	snop;
	(pc) =	sbr.rel .LBB2_3-.Ltmp6, $4  }
0xea: {  	s13 =	sadd.s32 $0x50, s11  }
0xeb: {  	[tilespmem:s20], [sflag:$0x4] =	stream.linear.gather [hbm4b:s13+s3], $0x80, $0x38;
	[tilespmem:$0x1BF00] =	vst v63  }
0xec: {  	s10 =	sadd.s32 $0x40, s10;
	s13 =	sadd.s32 $0x50, s12  }
0xed: {  	[tilespmem:s21], [sflag:$0x4] =	stream.linear.gather [hbm4b:s13+s3], $0x80, $0x38;
	[tilespmem:$0x1BF00] =	vst v63  }
.LBB2_4:
.Ltmp7:
0xee: {  	(pc) =	sbr.rel .LBB2_9-.Ltmp7, $2  }
0xef: {  	_ =	sdelay $0x2  }
0xf0: {  	s10 =	rddreg [dreg:$0x4]  }
.LBB2_10:
0xf1: {  	_ =	sfence.sel $0x180000  }
0xf2: {  	[bflag:$0x0] =	sbarrier.arrive $0xFFFF  }
0xf3: {  	_ =	strace $0x9000004D  }
0xf4: {  	[bflag:$0x2] =	sbarrier.arrive $0xFFFF  }
0xf5: {  	s0 =	rddreg [dreg:$0x3]  }
0xf6: {  	s0 =	sadd.s32 @!p1 $0x100000, s0  }
0xf7: {  	[sflag:s0] =	ssyncadd.tile.s32 @!p1 $0x1;
	_ =	shalt  }
.Lfunc_end2:
_tile_overlayer_lowered:
.L_overlay_start_2:
0xf8: {  	(tag) =	ssettag $0x2  }
0xf9: {  	s0 =	rddreg [dreg:$0x0];
	s2 =	stileid.u32  }
0xfa: {  	s1 =	rddreg [dreg:$0x1];
	p0 =	sne.s32 s2, $0x0  }
0xfb: {  	s3 =	rddreg [dreg:$0x2];
	[bflag:$0x3] =	sbarrier.arrive $0xFFFF;
	s2 =	simm.s32 @!p0 $0x1C09  }
0xfc: {  	[timem:s3], [sflag:s2] =	dma.local @!p0 [hbm:s0], s1  }
0xfd: {  	s0 =	simm.s32 @!p0 $0x9  }
0xfe: {  	_ =	swait.ge @!p0 [sflag:s0], s1  }
0xff: {  	s1 =	ssub.s32 @!p0 $0x0, s1;
	[sflag:s0] =	ssyncset.done @!p0 $0x0  }
0x100: {  	[sflag:s0] =	ssyncadd.s32 @!p0 s1  }
0x101: {  	[bflag:$0x3] =	sbarrier.arrive $0xFFFF  }
0x102: {  	_ =	shalt  }

// kernel: kernel.30.cloned.1.call-start
scs
__scs_entry_jumppad:
0x0: {  	(pc) =	sbr.rel $0x88, $3  }
0x1: {  	(tag) =	ssettag $0x0;
	lr =	simm.s32 $0x1  }
0x2: {  	[smem:$0x3F8B] =	sst lr;
	_ =	strace $0xD0000000  }
0x3: {  	_ = 	snop  }
0x4: {  	_ = 	snop  }
0x5: {  	_ = 	snop  }
0x6: {  	_ = 	snop  }
0x7: {  	_ = 	snop  }
__scs_overlays_trampoline_lowered:
0x8: {  	[smem:$0x3F9A] =	sst s0  }
0x9: {  	[smem:$0x3F9B] =	sst s1  }
0xa: {  	[smem:$0x3F9C] =	sst s2  }
0xb: {  	[smem:$0x3F9D] =	sst s3  }
0xc: {  	[smem:$0x3F9E] =	sst s4  }
0xd: {  	[smem:$0x3F9F] =	sst s5  }
0xe: {  	[smem:$0x3FA0] =	sst s6  }
0xf: {  	[smem:$0x3FA1] =	sst s7  }
0x10: {  	[smem:$0x3FA2] =	sst s8  }
0x11: {  	[smem:$0x3FA3] =	sst s9;
	s0 =	simm.s32 @!p0 $0x0  }
0x12: {  	s1 =	sld [smem:$0x3F89];
	s0 =	simm.s32 @p0 $0x1  }
0x13: {  	[smem:$0x3FA4] =	sst s0;
	s0 =	simm.s32 @!p1 $0x0  }
0x14: {  	s2 =	sld [smem:$0x3F88];
	s0 =	simm.s32 @p1 $0x1  }
0x15: {  	[smem:$0x3FA5] =	sst s0;
	s0 =	simm.s32 @!p2 $0x0  }
0x16: {  	s3 =	sld [smem:$0x3FDB];
	s0 =	simm.s32 @p2 $0x1  }
0x17: {  	s4 =	simm.s32 $0x1BF5;
	[smem:$0x3FA7] =	sst s0  }
0x18: {  	s0 =	sld [smem:$0x3F8A];
	_ =	swait.ge [sflag:s4], $0x0  }
0x19: {  	s7 =	sld [smem:$0x3F8B]  }
0x1a: {  	s8 =	sadd.s32 $0xFFFFE003, lr  }
0x1b: {  	s9 =	sadd.s32 $0xFFFFFEF7, lr;
	s5 =	simm.s32 $0xFFFFFFFF;
	p2 =	slt.u32 s8, $0xFFFFF086  }
0x1c: {  	p1 =	slt.u32 s9, $0xF7A;
	s5 =	simm.s32 @!p2 $0x0  }
0x1d: {  	s5 =	simm.s32 @p1 $0x1;
	p0 =	seq.s32 s7, s2  }
0x1e: {  	s7 =	smul.u32 @!p0 $0xF7A, s2;
	p2 =	seq.s32 @!p0 s5, $0x0  }
0x1f: {  	s9 =	smul.u32 $0xF7A, s1;
	s8 =	simm.s32 @!p0 $0x1BF5;
	p2 =	por !p2, p0  }
0x20: {  	[sflag:s8] =	ssyncset.s32 @!p0 $0xFFFFF086;
	s6 =	sadd.s32 @!p0 s3, s7;
	s7 =	simm.s32 @!p0 $0x108  }
0x21: {  	s3 =	sadd.s32 s3, s9;
	s6 =	sadd.s32 @!p0 $0x88, s6;
	s7 =	simm.s32 @p2 $0x1082  }
0x22: {  	[simem:s7], [sflag:s8] =	dma.local @!p0 [hbm:s6], $0xF7A  }
0x23: {  	s9 =	sor.u32 $0xD0000000, s2;
	s6 =	simm.s32 $0x108;
	_ =	swait.ge @!p0 [sflag:s8], $0x0  }
0x24: {  	s3 =	sadd.s32 $0x88, s3;
	s6 =	simm.s32 @!p1 $0x1082;
	[sflag:s4] =	ssyncset.s32 $0xFFFFF086  }
0x25: {  	[simem:s6], [sflag:s4] =	dma.local [hbm:s3], $0xF7A  }
0x26: {  	[smem:$0x3F8B] =	sst s1;
	(tag) =	ssettag s2;
	_ =	strace s9  }
0x27: {  	s1 =	sld [smem:$0x3F9B]  }
0x28: {  	s2 =	sld [smem:$0x3F9C]  }
0x29: {  	s4 =	sld [smem:$0x3F9E]  }
0x2a: {  	p0 =	seq.s32 s5, $0x0;
	s5 =	sld [smem:$0x3F9F]  }
0x2b: {  	s6 =	sld [smem:$0x3FA0]  }
0x2c: {  	s7 =	sld [smem:$0x3FA1]  }
0x2d: {  	s3 =	simm.s32 $0x108;
	s8 =	sld [smem:$0x3FA2]  }
0x2e: {  	s3 =	simm.s32 @!p0 $0x1082;
	s9 =	sld [smem:$0x3FA3]  }
0x2f: {  	lr =	sadd.s32 s0, s3;
	s0 =	sld [smem:$0x3F9A]  }
0x30: {  	s3 =	sld [smem:$0x3F9D]  }
0x31: {  	[smem:$0x3FA6] =	sst s10  }
0x32: {  	s10 =	sld [smem:$0x3FA4];
	_ =	sdelay $0x3  }
0x33: {  	p0 =	seq.s32 s10, $0x1;
	s10 =	sld [smem:$0x3FA6];
	_ =	sdelay $0x3  }
0x34: {  	[smem:$0x3FA6] =	sst s10  }
0x35: {  	s10 =	sld [smem:$0x3FA5];
	_ =	sdelay $0x3  }
0x36: {  	p1 =	seq.s32 s10, $0x1;
	s10 =	sld [smem:$0x3FA6];
	_ =	sdelay $0x3  }
0x37: {  	[smem:$0x3FA6] =	sst s10  }
0x38: {  	s10 =	sld [smem:$0x3FA7]  }
0x39: {  	_ = 	snop;
	(pc) =	sbr.ind lr, $3  }
0x3a: {  	_ = 	snop  }
0x3b: {  	_ = 	snop  }
0x3c: {  	p2 =	seq.s32 s10, $0x1;
	s10 =	sld [smem:$0x3FA6]  }
0x3d: {  	_ =	shalt  }
0x3e: {  	_ =	shalt  }
0x3f: {  	_ =	shalt  }
0x40: {  	_ =	shalt  }
0x41: {  	_ =	shalt  }
0x42: {  	_ =	shalt  }
0x43: {  	_ =	shalt  }
0x44: {  	_ =	shalt  }
0x45: {  	_ =	shalt  }
0x46: {  	_ =	shalt  }
0x47: {  	_ =	shalt  }
0x48: {  	_ =	shalt  }
0x49: {  	_ =	shalt  }
0x4a: {  	_ =	shalt  }
0x4b: {  	_ =	shalt  }
0x4c: {  	_ =	shalt  }
0x4d: {  	_ =	shalt  }
0x4e: {  	_ =	shalt  }
0x4f: {  	_ =	shalt  }
0x50: {  	_ =	shalt  }
0x51: {  	_ =	shalt  }
0x52: {  	_ =	shalt  }
0x53: {  	_ =	shalt  }
0x54: {  	_ =	shalt  }
0x55: {  	_ =	shalt  }
0x56: {  	_ =	shalt  }
0x57: {  	_ =	shalt  }
0x58: {  	_ =	shalt  }
0x59: {  	_ =	shalt  }
0x5a: {  	_ =	shalt  }
0x5b: {  	_ =	shalt  }
0x5c: {  	_ =	shalt  }
0x5d: {  	_ =	shalt  }
0x5e: {  	_ =	shalt  }
0x5f: {  	_ =	shalt  }
0x60: {  	_ =	shalt  }
0x61: {  	_ =	shalt  }
0x62: {  	_ =	shalt  }
0x63: {  	_ =	shalt  }
0x64: {  	_ =	shalt  }
0x65: {  	_ =	shalt  }
0x66: {  	_ =	shalt  }
0x67: {  	_ =	shalt  }
0x68: {  	_ =	shalt  }
0x69: {  	_ =	shalt  }
0x6a: {  	_ =	shalt  }
0x6b: {  	_ =	shalt  }
0x6c: {  	_ =	shalt  }
0x6d: {  	_ =	shalt  }
0x6e: {  	_ =	shalt  }
0x6f: {  	_ =	shalt  }
0x70: {  	_ =	shalt  }
0x71: {  	_ =	shalt  }
0x72: {  	_ =	shalt  }
0x73: {  	_ =	shalt  }
0x74: {  	_ =	shalt  }
0x75: {  	_ =	shalt  }
0x76: {  	_ =	shalt  }
0x77: {  	_ =	shalt  }
0x78: {  	_ =	shalt  }
0x79: {  	_ =	shalt  }
0x7a: {  	_ =	shalt  }
0x7b: {  	_ =	shalt  }
0x7c: {  	_ =	shalt  }
0x7d: {  	_ =	shalt  }
0x7e: {  	_ =	shalt  }
0x7f: {  	_ =	shalt  }
0x80: {  	_ =	shalt  }
0x81: {  	_ =	shalt  }
0x82: {  	_ =	shalt  }
0x83: {  	_ =	shalt  }
0x84: {  	_ =	shalt  }
0x85: {  	_ =	shalt  }
0x86: {  	_ =	shalt  }
0x87: {  	_ =	shalt  }
.Lfunc_end0:
.L_simem_size_0:
called_computation.3_lowered:
.L_overlay_start_0:
0x88: {  	s2 =	sld [smem:$0x3FD9]  }
0x89: {  	s3 =	sld [smem:$0x3FFE];
	_ =	sdelay $0x1  }
0x8a: {  	s1 =	srdreg.scid  }
0x8b: {  	s0 =	sand.u32 $0x1, s1  }
0x8c: {  	s17 =	sshll.u32 s0, $0xA;
	s2 =	sadd.s32 s3, s2  }
0x8d: {  	s2 =	sadd.s32 s2, s17  }
0x8e: {  	[smem:$0x3FB2] =	sst s2  }
0x8f: {  	_ = 	snop  }
0x90: {  	s2 =	sld [smem:$0x3FD0];
	(tm) =	ssettm $0x1  }
0x91: {  	s18 =	sld [smem:$0x3FFB];
	_ =	sdelay $0x3  }
0x92: {  	_ =	strace s18  }
0x93: {  	s3 =	sld [smem:$0x3FFC];
	_ =	sdelay $0x3  }
0x94: {  	_ =	strace s3  }
0x95: {  	s3 =	sld [smem:$0x3FFD];
	_ =	sdelay $0x3  }
0x96: {  	_ =	strace s3  }
0x97: {  	_ =	strace $0x8FFFFFFF  }
0x98: {  	s19 =	sld [smem:$0x3FDB];
	_ =	sdelay $0x1  }
0x99: {  	s4 =	simm.s32 $_scs_section_size  }
0x9a: {  	s5 =	simm.s32 $_size__tile_overlayer_lowered;
	s6 =	simm.s32 $_tile_overlayer_lowered  }
0x9b: {  	s22 =	simm.s32 $0x1BFF;
	s21 =	sshll.u32 s6, $0x1;
	s3 =	sadd.s32 s4, s19  }
0x9c: {  	s7 =	simm.s32 $0x0;
	s20 =	sshll.u32 s5, $0x1;
	s5 =	sadd.s32 s21, s3  }
0x9d: {  	[timem:s7], [sflag:s22] =	dma.local [hbm:s5], s20  }
0x9e: {  	_ =	swait.ge [sflag:s22], s20  }
0x9f: {  	s4 =	ssub.s32 $0x0, s20;
	[sflag:s22] =	ssyncset.done $0x0  }
0xa0: {  	[sflag:s22] =	ssyncadd.s32 s4;
	_ =	sdelay $0x1  }
0xa1: {  	s23 =	simm.s32 $0x1B8B  }
0xa2: {  	_ =	swait.ge [sflag:s23], $0x1  }
0xa3: {  	[sflag:s23] =	ssyncset.done $0x0  }
0xa4: {  	s25 =	simm.s32 $0x1B8E;
	s24 =	sld [smem:$0x3FFE];
	[sflag:s23] =	ssyncadd.s32 $0xFFFFFFFF  }
0xa5: {  	s26 =	simm.s32 $execute0_lowered;
	[smem:$0x3FD2] =	sst s25  }
0xa6: {  	s5 =	sshll.u32 s26, $0x1;
	_ =	strace $0x8000004F;
	[dreg:$0x1] =	wrdreg $0xFFFFFFFF  }
0xa7: {  	s28 =	simm.s32 $_size_execute0_lowered;
	s3 =	sadd.s32 s3, s5;
	[dreg:$0x0] =	wrdreg $0x0  }
0xa8: {  	s5 =	sshll.u32 s28, $0x1;
	[dreg:$0x2] =	wrdreg s3  }
0xa9: {  	[dreg:$0x3] =	wrdreg s5  }
0xaa: {  	[dreg:$0x4] =	wrdreg $0xC0  }
0xab: {  	_ =	task [dreg:s7], $0x5FFFF  }
0xac: {  	[dreg:$0x1] =	wrdreg $0xFFFFFFFF  }
0xad: {  	[dreg:$0x0] =	wrdreg $0x60  }
0xae: {  	[dreg:$0x2] =	wrdreg s2  }
0xaf: {  	[dreg:$0x3] =	wrdreg s24  }
0xb0: {  	[dreg:$0x4] =	wrdreg $0x0  }
0xb1: {  	[dreg:$0x5] =	wrdreg $0x9  }
0xb2: {  	_ =	task.clear_ibuf [dreg:s7], $0x6FFFF;
	_ =	strace $0x9000004F  }
0xb3: {  	s29 =	simm.s32 $0x9;
	_ =	strace $0x80000051  }
0xb4: {  	_ =	swait.ge [sflag:s29], $0x1  }
0xb5: {  	[sflag:s29] =	ssyncadd.s32 $0xFFFFFFFF  }
0xb6: {  	_ =	strace $0x90000051  }
0xb7: {  	_ =	sfence  }
0xb8: {  	s30 =	sld [smem:$0x0];
	_ =	sdelay $0x2  }
0xb9: {  	s31 =	sshll.u32 s1, $0xD;
	s1 =	sshrl.u32 s1, $0x2  }
0xba: {  	s3 =	sand.u32 $0x4000, s31;
	s1 =	sadd.s32 s1, s30  }
0xbb: {  	s0 =	sor.u32 s3, s0;
	s1 =	sshll.u32 s1, $0x11  }
0xbc: {  	s0 =	sor.u32 s1, s0  }
0xbd: {  	s0 =	sadd.s32 $0x8F2B, s0  }
0xbe: {  	[sflag:s0] =	ssyncadd.remote.s32 $0x1  }
0xbf: {  	_ =	sfence.sel $0xFFFF  }
0xc0: {  	[dreg:$0x0] =	wrdreg $0xFFFFFFFF;
	(pc) =	sbr.abs _section_cstart, $3  }
0xc1: {  	[dreg:$0x1] =	wrdreg $0xFFFFFFFF  }
0xc2: {  	_ =	task.clear_ibuf [dreg:s7], $0x2FFFF;
	_ =	strace $0x9FFFFFFF  }
0xc3: {  	(tm) =	ssettm $0x7FFFFFFF  }
tec
execute0_lowered:
.L_overlay_start_1:
0x0: {  	(tag) =	ssettag $0x1  }
0x1: {  	s1 =	rddreg [dreg:$0x0]  }
0x2: {  	s0 =	rddreg [dreg:$0x1]  }
0x3: {  	s2 =	rddreg [dreg:$0x2];
	s3 =	simm.s32 $0x0  }
0x4: {  	s6 =	srdreg.scid;
	s12 =	stileid.u32;
	s15 =	simm.s32 $0x13C00  }
0x5: {  	s16 =	simm.s32 $0x13D00;
	s17 =	simm.s32 $0x3;
	s18 =	simm.s32 $0x80  }
0x6: {  	s19 =	simm.s32 $0x13F00;
	s28 =	simm.s32 $0x2;
	s29 =	simm.s32 $0x5  }
0x7: {  	s30 =	simm.s32 $0x13E80;
	s31 =	simm.s32 $0x6;
	[smem:$0x7FF] =	sst s3  }
0x8: {  	s4 =	sadd.s32 $0x1AA00, s0;
	s5 =	sadd.s32 $0x10A00, s0;
	s10 =	smul.u32 $0xA00, s12  }
0x9: {  	s7 =	sadd.s32 $0x6A00, s0;
	s6 =	sand.u32 $0x1, s6;
	s11 =	smul.u32 $0x4F000, s12  }
0xa: {  	s8 =	sadd.s32 $0xB6E00, s0;
	s0 =	sadd.s32 $0xDE600, s0;
	s26 =	smul.u32 $0x2780, s12  }
0xb: {  	p1 =	sne.s32 s12, $0x0;
	_ =	strace $0x80000050;
	[dreg:$0x4] =	wrdreg s8  }
0xc: {  	s20 =	ssub.s32 $0x2, s6;
	[dreg:$0x5] =	wrdreg s0;
	p0 =	seq.s32 s6, $0x1  }
0xd: {  	s14 =	sshrl.u32 @!p1 s2, $0x3;
	s6 =	simm.s32 $0x8;
	s21 =	sshrl.u32 s20, $0x1  }
0xe: {  	s8 =	sadd.s32 s5, s10;
	s9 =	sadd.s32 s7, s10;
	s22 =	sor.u32 $0x10, s10  }
0xf: {  	s23 =	sshrl.u32 s11, $0x2;
	[dreg:$0x8] =	wrdreg s26;
	s26 =	simm.s32 $0x13E00  }
0x10: {  	s0 =	ssub.s32 s20, s21;
	s5 =	sadd.s32 s5, s22;
	s24 =	sadd.s32 s7, s22  }
.Ltmp0:
0x11: {  	s25 =	sadd.s32 s23, s2;
	s20 =	simm.s32 $0x13C80;
	(pc) =	sbr.rel .LBB2_1-.Ltmp0, $4  }
0x12: {  	s21 =	simm.s32 $0x13D80;
	s22 =	simm.s32 $0x4;
	[dreg:$0x6] =	wrdreg s5  }
0x13: {  	s23 =	simm.s32 $0x17F00;
	s7 =	simm.s32 $0x9;
	[dreg:$0x7] =	wrdreg s24  }
0x14: {  	s0 =	smax.u32 s0, $0x1;
	s24 =	simm.s32 $0x1;
	s25 =	sshrl.u32 s25, $0x3  }
0x15: {  	s5 =	simm.s32 $0x0;
	[dreg:$0x9] =	wrdreg s0;
	s0 =	simm.s32 $0x7  }
.LBB2_8:
0x16: {  	s10 =	rddreg [dreg:$0x5]  }
.LBB2_9:
0x17: {  	_ =	swait.ge [sflag:s0], $0x4000  }
0x18: {  	[sflag:s0] =	ssyncset.done $0x0  }
0x19: {  	[sflag:s0] =	ssyncadd.s32 $0xFFFFC000  }
0x1a: {  	_ =	swait.ge [sflag:s28], $0x4000  }
0x1b: {  	[sflag:s28] =	ssyncset.done $0x0  }
0x1c: {  	[sflag:s28] =	ssyncadd.s32 $0xFFFFC000  }
0x1d: {  	[spmem:s2] =	stream.indirect.scatter.add.f32 [tilespmem:s23], [sflag:$0x8], $0x80, s30, s18, $0xb8;
	[tilespmem:$0x1BF00] =	vst v63  }
0x1e: {  	_ =	swait.ge [sflag:s6], $0x4000  }
0x1f: {  	s11 =	stileid.u32;
	[sflag:s6] =	ssyncset.done $0x0  }
0x20: {  	s11 =	sshll.u32 s11, $0x6;
	s12 =	rddreg [dreg:$0x8];
	[sflag:s6] =	ssyncadd.s32 $0xFFFFC000  }
0x21: {  	s11 =	sor.u32 $0x1C09, s11;
	s10 =	sadd.s32 s10, s12;
	[bflag:$0x0] =	sbarrier.arrive $0xFFFF  }
0x22: {  	[hbm:s10], [sflag:s11] =	dma.local [spmem:s25], $0x2780  }
0x23: {  	_ =	swait.ge [sflag:s7], $0x2780  }
0x24: {  	s5 =	sadd.s32 $0x1, s5;
	s13 =	rddreg [dreg:$0x9]  }
0x25: {  	p2 =	sne.s32 s5, s13  }
.Ltmp1:
0x26: {  	_ = 	snop;
	(pc) =	sbr.rel @!p2 .LBB2_10-.Ltmp1, $3  }
0x27: {  	_ =	sdelay $0x1  }
0x28: {  	[sflag:s7] =	ssyncset.done $0x0  }
0x29: {  	[sflag:s7] =	ssyncadd.s32 $0xFFFFD880  }
.LBB2_1:
.Ltmp2:
0x2a: {  	(pc) =	sbr.rel @!p0 .LBB2_2-.Ltmp2, $1  }
0x2b: {  	_ =	sdelay $0x3  }
0x2c: {  	s10 =	simm.s32 @!p1 $0x1C09  }
0x2d: {  	[spmem:s14], [sflag:s10] =	dma.local @!p1 [hbm:s4], $0x27100  }
0x2e: {  	s10 =	simm.s32 @!p1 $0x9  }
0x2f: {  	_ =	swait.ge @!p1 [sflag:s10], $0x27100  }
0x30: {  	[sflag:s10] =	ssyncset.done @!p1 $0x0  }
0x31: {  	[sflag:s10] =	ssyncadd.s32 @!p1 $0xFFFD8F00  }
0x32: {  	s10 =	simm.s32 $0x0;
	[bflag:$0x0] =	sbarrier.arrive $0xFFFF  }
0x33: {  	[tilespmem:s15], [sflag:$0x3] =	stream.linear.gather [hbm4b:s8+s10], $0x80, $0x38;
	[tilespmem:$0x1BF00] =	vst v63  }
0x34: {  	_ = 	snop  }
0x35: {  	[tilespmem:s16], [sflag:$0x3] =	stream.linear.gather [hbm4b:s9+s10], $0x80, $0x38;
	[tilespmem:$0x1BF00] =	vst v63  }
0x36: {  	_ =	swait.ge [sflag:s17], $0x80  }
0x37: {  	[sflag:s17] =	ssyncset.done $0x0  }
0x38: {  	[sflag:s17] =	ssyncadd.s32 $0xFFFFFF80  }
0x39: {  	_ =	swait.ge [sflag:s17], $0x80  }
0x3a: {  	[sflag:s17] =	ssyncset.done $0x0  }
0x3b: {  	[sflag:s17] =	ssyncadd.s32 $0xFFFFFF80  }
0x3c: {  	[tilespmem:s19], [sflag:$0x1] =	stream.indirect.gather [hbm4b:s4+s18], $0x80, s15, s18, $0xb8;
	[tilespmem:$0x1BF00] =	vst v63  }
0x3d: {  	s11 =	rddreg [dreg:$0x6]  }
0x3e: {  	[tilespmem:s20], [sflag:$0x4] =	stream.linear.gather [hbm4b:s11+s10], $0x80, $0x38;
	[tilespmem:$0x1BF00] =	vst v63  }
0x3f: {  	s13 =	rddreg [dreg:$0x7]  }
0x40: {  	[tilespmem:s21], [sflag:$0x4] =	stream.linear.gather [hbm4b:s13+s10], $0x80, $0x38;
	[tilespmem:$0x1BF00] =	vst v63  }
.LBB2_7:
0x41: {  	p2 =	seq.s32 s10, $0x0  }
0x42: {  	s11 =	simm.s32 @!p2 $0x8  }
0x43: {  	_ =	swait.ge @!p2 [sflag:s11], $0x4000  }
0x44: {  	[sflag:s11] =	ssyncset.done @!p2 $0x0  }
0x45: {  	[sflag:s11] =	ssyncadd.s32 @!p2 $0xFFFFC000  }
0x46: {  	_ =	swait.ge [sflag:s22], $0x80  }
0x47: {  	[sflag:s22] =	ssyncset.done $0x0  }
0x48: {  	[sflag:s22] =	ssyncadd.s32 $0xFFFFFF80  }
0x49: {  	_ =	swait.ge [sflag:s22], $0x80  }
0x4a: {  	[sflag:s22] =	ssyncset.done $0x0  }
0x4b: {  	[sflag:s22] =	ssyncadd.s32 $0xFFFFFF80  }
0x4c: {  	[tilespmem:s23], [sflag:$0x2] =	stream.indirect.gather [hbm4b:s4+s18], $0x80, s20, s18, $0xb8;
	[tilespmem:$0x1BF00] =	vst v63  }
0x4d: {  	_ =	swait.ge [sflag:s24], $0x4000  }
0x4e: {  	[sflag:s24] =	ssyncset.done $0x0  }
0x4f: {  	s11 =	sadd.s32 s10, s8;
	[sflag:s24] =	ssyncadd.s32 $0xFFFFC000  }
0x50: {  	[spmem:s2] =	stream.indirect.scatter.add.f32 [tilespmem:s19], [sflag:$0x5], $0x80, s16, s18, $0xb8;
	[tilespmem:$0x1BF00] =	vst v63  }
0x51: {  	s12 =	sadd.s32 $0x20, s11  }
0x52: {  	[tilespmem:s15], [sflag:$0x3] =	stream.linear.gather [hbm4b:s12+s3], $0x80, $0x38;
	[tilespmem:$0x1BF00] =	vst v63  }
0x53: {  	s12 =	sadd.s32 s10, s9  }
0x54: {  	s13 =	sadd.s32 $0x20, s12  }
0x55: {  	[tilespmem:s26], [sflag:$0x3] =	stream.linear.gather [hbm4b:s13+s3], $0x80, $0x38;
	[tilespmem:$0x1BF00] =	vst v63  }
0x56: {  	_ =	swait.ge [sflag:s28], $0x4000  }
0x57: {  	[sflag:s28] =	ssyncset.done $0x0  }
0x58: {  	[sflag:s28] =	ssyncadd.s32 $0xFFFFC000  }
0x59: {  	[spmem:s2] =	stream.indirect.scatter.add.f32 [tilespmem:s23], [sflag:$0x6], $0x80, s21, s18, $0xb8;
	[tilespmem:$0x1BF00] =	vst v63  }
0x5a: {  	_ =	swait.ge [sflag:s29], $0x4000  }
0x5b: {  	[sflag:s29] =	ssyncset.done $0x0  }
0x5c: {  	[sflag:s29] =	ssyncadd.s32 $0xFFFFC000  }
0x5d: {  	_ =	swait.ge [sflag:s17], $0x80  }
0x5e: {  	[sflag:s17] =	ssyncset.done $0x0  }
0x5f: {  	[sflag:s17] =	ssyncadd.s32 $0xFFFFFF80  }
0x60: {  	_ =	swait.ge [sflag:s17], $0x80  }
0x61: {  	[sflag:s17] =	ssyncset.done $0x0  }
0x62: {  	[sflag:s17] =	ssyncadd.s32 $0xFFFFFF80  }
0x63: {  	[tilespmem:s19], [sflag:$0x1] =	stream.indirect.gather [hbm4b:s4+s18], $0x80, s15, s18, $0xb8;
	[tilespmem:$0x1BF00] =	vst v63  }
0x64: {  	s13 =	sadd.s32 $0x30, s11  }
0x65: {  	[tilespmem:s20], [sflag:$0x4] =	stream.linear.gather [hbm4b:s13+s3], $0x80, $0x38;
	[tilespmem:$0x1BF00] =	vst v63  }
0x66: {  	s13 =	sadd.s32 $0x30, s12  }
0x67: {  	[tilespmem:s30], [sflag:$0x4] =	stream.linear.gather [hbm4b:s13+s3], $0x80, $0x38;
	[tilespmem:$0x1BF00] =	vst v63  }
0x68: {  	_ =	swait.ge [sflag:s31], $0x4000  }
0x69: {  	[sflag:s31] =	ssyncset.done $0x0  }
0x6a: {  	[sflag:s31] =	ssyncadd.s32 $0xFFFFC000  }
0x6b: {  	_ =	swait.ge [sflag:s24], $0x4000  }
0x6c: {  	[sflag:s24] =	ssyncset.done $0x0  }
0x6d: {  	[sflag:s24] =	ssyncadd.s32 $0xFFFFC000  }
0x6e: {  	[spmem:s2] =	stream.indirect.scatter.add.f32 [tilespmem:s19], [sflag:$0x7], $0x80, s26, s18, $0xb8;
	[tilespmem:$0x1BF00] =	vst v63  }
0x6f: {  	_ =	swait.ge [sflag:s22], $0x80  }
0x70: {  	p2 =	seq.s32 s10, $0x9C0;
	[sflag:s22] =	ssyncset.done $0x0  }
.Ltmp3:
0x71: {  	[sflag:s22] =	ssyncadd.s32 $0xFFFFFF80;
	(pc) =	sbr.rel @p2 .LBB2_8-.Ltmp3, $4  }
0x72: {  	_ =	swait.ge [sflag:s22], $0x80  }
0x73: {  	[sflag:s22] =	ssyncset.done $0x0  }
0x74: {  	[sflag:s22] =	ssyncadd.s32 $0xFFFFFF80  }
0x75: {  	[tilespmem:s23], [sflag:$0x2] =	stream.indirect.gather [hbm4b:s4+s18], $0x80, s20, s18, $0xb8;
	[tilespmem:$0x1BF00] =	vst v63  }
0x76: {  	s13 =	sadd.s32 $0x40, s11  }
0x77: {  	[tilespmem:s15], [sflag:$0x3] =	stream.linear.gather [hbm4b:s13+s3], $0x80, $0x38;
	[tilespmem:$0x1BF00] =	vst v63  }
0x78: {  	s13 =	sadd.s32 $0x40, s12  }
0x79: {  	[tilespmem:s16], [sflag:$0x3] =	stream.linear.gather [hbm4b:s13+s3], $0x80, $0x38;
	[tilespmem:$0x1BF00] =	vst v63  }
0x7a: {  	_ =	swait.ge [sflag:s0], $0x4000  }
0x7b: {  	[sflag:s0] =	ssyncset.done $0x0  }
0x7c: {  	[sflag:s0] =	ssyncadd.s32 $0xFFFFC000  }
0x7d: {  	_ =	swait.ge [sflag:s28], $0x4000  }
0x7e: {  	[sflag:s28] =	ssyncset.done $0x0  }
0x7f: {  	[sflag:s28] =	ssyncadd.s32 $0xFFFFC000  }
0x80: {  	[spmem:s2] =	stream.indirect.scatter.add.f32 [tilespmem:s23], [sflag:$0x8], $0x80, s30, s18, $0xb8;
	[tilespmem:$0x1BF00] =	vst v63  }
0x81: {  	_ =	swait.ge [sflag:s17], $0x80  }
0x82: {  	[sflag:s17] =	ssyncset.done $0x0  }
0x83: {  	[sflag:s17] =	ssyncadd.s32 $0xFFFFFF80  }
0x84: {  	_ =	swait.ge [sflag:s17], $0x80  }
0x85: {  	[sflag:s17] =	ssyncset.done $0x0  }
0x86: {  	[sflag:s17] =	ssyncadd.s32 $0xFFFFFF80  }
0x87: {  	[tilespmem:s19], [sflag:$0x1] =	stream.indirect.gather [hbm4b:s4+s18], $0x80, s15, s18, $0xb8;
	[tilespmem:$0x1BF00] =	vst v63  }
.Ltmp4:
0x88: {  	_ = 	snop;
	(pc) =	sbr.rel .LBB2_7-.Ltmp4, $4  }
0x89: {  	s13 =	sadd.s32 $0x50, s11  }
0x8a: {  	[tilespmem:s20], [sflag:$0x4] =	stream.linear.gather [hbm4b:s13+s3], $0x80, $0x38;
	[tilespmem:$0x1BF00] =	vst v63  }
0x8b: {  	s10 =	sadd.s32 $0x40, s10;
	s13 =	sadd.s32 $0x50, s12  }
0x8c: {  	[tilespmem:s21], [sflag:$0x4] =	stream.linear.gather [hbm4b:s13+s3], $0x80, $0x38;
	[tilespmem:$0x1BF00] =	vst v63  }
.LBB2_2:
0x8d: {  	s10 =	simm.s32 @!p1 $0x1C09  }
0x8e: {  	[spmem:s14], [sflag:s10] =	dma.local @!p1 [hbm:s1], $0x27100  }
0x8f: {  	s10 =	simm.s32 @!p1 $0x9  }
0x90: {  	_ =	swait.ge @!p1 [sflag:s10], $0x27100  }
0x91: {  	[sflag:s10] =	ssyncset.done @!p1 $0x0  }
0x92: {  	[sflag:s10] =	ssyncadd.s32 @!p1 $0xFFFD8F00  }
0x93: {  	s10 =	simm.s32 $0x0;
	[bflag:$0x0] =	sbarrier.arrive $0xFFFF  }
0x94: {  	[tilespmem:s15], [sflag:$0x3] =	stream.linear.gather [hbm4b:s8+s10], $0x80, $0x38;
	[tilespmem:$0x1BF00] =	vst v63  }
0x95: {  	_ = 	snop  }
0x96: {  	[tilespmem:s16], [sflag:$0x3] =	stream.linear.gather [hbm4b:s9+s10], $0x80, $0x38;
	[tilespmem:$0x1BF00] =	vst v63  }
0x97: {  	_ =	swait.ge [sflag:s17], $0x80  }
0x98: {  	[sflag:s17] =	ssyncset.done $0x0  }
0x99: {  	[sflag:s17] =	ssyncadd.s32 $0xFFFFFF80  }
0x9a: {  	_ =	swait.ge [sflag:s17], $0x80  }
0x9b: {  	[sflag:s17] =	ssyncset.done $0x0  }
0x9c: {  	[sflag:s17] =	ssyncadd.s32 $0xFFFFFF80  }
0x9d: {  	[tilespmem:s19], [sflag:$0x1] =	stream.indirect.gather [hbm4b:s1+s18], $0x80, s15, s18, $0xb8;
	[tilespmem:$0x1BF00] =	vst v63  }
0x9e: {  	s11 =	rddreg [dreg:$0x6]  }
0x9f: {  	[tilespmem:s20], [sflag:$0x4] =	stream.linear.gather [hbm4b:s11+s10], $0x80, $0x38;
	[tilespmem:$0x1BF00] =	vst v63  }
0xa0: {  	s13 =	rddreg [dreg:$0x7]  }
0xa1: {  	[tilespmem:s21], [sflag:$0x4] =	stream.linear.gather [hbm4b:s13+s10], $0x80, $0x38;
	[tilespmem:$0x1BF00] =	vst v63  }
.LBB2_3:
0xa2: {  	p2 =	seq.s32 s10, $0x0  }
0xa3: {  	s11 =	simm.s32 @!p2 $0x8  }
0xa4: {  	_ =	swait.ge @!p2 [sflag:s11], $0x4000  }
0xa5: {  	[sflag:s11] =	ssyncset.done @!p2 $0x0  }
0xa6: {  	[sflag:s11] =	ssyncadd.s32 @!p2 $0xFFFFC000  }
0xa7: {  	_ =	swait.ge [sflag:s22], $0x80  }
0xa8: {  	[sflag:s22] =	ssyncset.done $0x0  }
0xa9: {  	[sflag:s22] =	ssyncadd.s32 $0xFFFFFF80  }
0xaa: {  	_ =	swait.ge [sflag:s22], $0x80  }
0xab: {  	[sflag:s22] =	ssyncset.done $0x0  }
0xac: {  	[sflag:s22] =	ssyncadd.s32 $0xFFFFFF80  }
0xad: {  	[tilespmem:s23], [sflag:$0x2] =	stream.indirect.gather [hbm4b:s1+s18], $0x80, s20, s18, $0xb8;
	[tilespmem:$0x1BF00] =	vst v63  }
0xae: {  	_ =	swait.ge [sflag:s24], $0x4000  }
0xaf: {  	[sflag:s24] =	ssyncset.done $0x0  }
0xb0: {  	s11 =	sadd.s32 s10, s8;
	[sflag:s24] =	ssyncadd.s32 $0xFFFFC000  }
0xb1: {  	[spmem:s2] =	stream.indirect.scatter.add.f32 [tilespmem:s19], [sflag:$0x5], $0x80, s16, s18, $0xb8;
	[tilespmem:$0x1BF00] =	vst v63  }
0xb2: {  	s12 =	sadd.s32 $0x20, s11  }
0xb3: {  	[tilespmem:s15], [sflag:$0x3] =	stream.linear.gather [hbm4b:s12+s3], $0x80, $0x38;
	[tilespmem:$0x1BF00] =	vst v63  }
0xb4: {  	s12 =	sadd.s32 s10, s9  }
0xb5: {  	s13 =	sadd.s32 $0x20, s12  }
0xb6: {  	[tilespmem:s26], [sflag:$0x3] =	stream.linear.gather [hbm4b:s13+s3], $0x80, $0x38;
	[tilespmem:$0x1BF00] =	vst v63  }
0xb7: {  	_ =	swait.ge [sflag:s28], $0x4000  }
0xb8: {  	[sflag:s28] =	ssyncset.done $0x0  }
0xb9: {  	[sflag:s28] =	ssyncadd.s32 $0xFFFFC000  }
0xba: {  	[spmem:s2] =	stream.indirect.scatter.add.f32 [tilespmem:s23], [sflag:$0x6], $0x80, s21, s18, $0xb8;
	[tilespmem:$0x1BF00] =	vst v63  }
0xbb: {  	_ =	swait.ge [sflag:s29], $0x4000  }
0xbc: {  	[sflag:s29] =	ssyncset.done $0x0  }
0xbd: {  	[sflag:s29] =	ssyncadd.s32 $0xFFFFC000  }
0xbe: {  	_ =	swait.ge [sflag:s17], $0x80  }
0xbf: {  	[sflag:s17] =	ssyncset.done $0x0  }
0xc0: {  	[sflag:s17] =	ssyncadd.s32 $0xFFFFFF80  }
0xc1: {  	_ =	swait.ge [sflag:s17], $0x80  }
0xc2: {  	[sflag:s17] =	ssyncset.done $0x0  }
0xc3: {  	[sflag:s17] =	ssyncadd.s32 $0xFFFFFF80  }
0xc4: {  	[tilespmem:s19], [sflag:$0x1] =	stream.indirect.gather [hbm4b:s1+s18], $0x80, s15, s18, $0xb8;
	[tilespmem:$0x1BF00] =	vst v63  }
0xc5: {  	s13 =	sadd.s32 $0x30, s11  }
0xc6: {  	[tilespmem:s20], [sflag:$0x4] =	stream.linear.gather [hbm4b:s13+s3], $0x80, $0x38;
	[tilespmem:$0x1BF00] =	vst v63  }
0xc7: {  	s13 =	sadd.s32 $0x30, s12  }
0xc8: {  	[tilespmem:s30], [sflag:$0x4] =	stream.linear.gather [hbm4b:s13+s3], $0x80, $0x38;
	[tilespmem:$0x1BF00] =	vst v63  }
0xc9: {  	_ =	swait.ge [sflag:s31], $0x4000  }
0xca: {  	[sflag:s31] =	ssyncset.done $0x0  }
0xcb: {  	[sflag:s31] =	ssyncadd.s32 $0xFFFFC000  }
0xcc: {  	_ =	swait.ge [sflag:s24], $0x4000  }
0xcd: {  	[sflag:s24] =	ssyncset.done $0x0  }
0xce: {  	[sflag:s24] =	ssyncadd.s32 $0xFFFFC000  }
0xcf: {  	[spmem:s2] =	stream.indirect.scatter.add.f32 [tilespmem:s19], [sflag:$0x7], $0x80, s26, s18, $0xb8;
	[tilespmem:$0x1BF00] =	vst v63  }
0xd0: {  	_ =	swait.ge [sflag:s22], $0x80  }
0xd1: {  	p2 =	seq.s32 s10, $0x9C0;
	[sflag:s22] =	ssyncset.done $0x0  }
.Ltmp5:
0xd2: {  	[sflag:s22] =	ssyncadd.s32 $0xFFFFFF80;
	(pc) =	sbr.rel @p2 .LBB2_4-.Ltmp5, $4  }
0xd3: {  	_ =	swait.ge [sflag:s22], $0x80  }
0xd4: {  	[sflag:s22] =	ssyncset.done $0x0  }
0xd5: {  	[sflag:s22] =	ssyncadd.s32 $0xFFFFFF80  }
0xd6: {  	[tilespmem:s23], [sflag:$0x2] =	stream.indirect.gather [hbm4b:s1+s18], $0x80, s20, s18, $0xb8;
	[tilespmem:$0x1BF00] =	vst v63  }
0xd7: {  	s13 =	sadd.s32 $0x40, s11  }
0xd8: {  	[tilespmem:s15], [sflag:$0x3] =	stream.linear.gather [hbm4b:s13+s3], $0x80, $0x38;
	[tilespmem:$0x1BF00] =	vst v63  }
0xd9: {  	s13 =	sadd.s32 $0x40, s12  }
0xda: {  	[tilespmem:s16], [sflag:$0x3] =	stream.linear.gather [hbm4b:s13+s3], $0x80, $0x38;
	[tilespmem:$0x1BF00] =	vst v63  }
0xdb: {  	_ =	swait.ge [sflag:s0], $0x4000  }
0xdc: {  	[sflag:s0] =	ssyncset.done $0x0  }
0xdd: {  	[sflag:s0] =	ssyncadd.s32 $0xFFFFC000  }
0xde: {  	_ =	swait.ge [sflag:s28], $0x4000  }
0xdf: {  	[sflag:s28] =	ssyncset.done $0x0  }
0xe0: {  	[sflag:s28] =	ssyncadd.s32 $0xFFFFC000  }
0xe1: {  	[spmem:s2] =	stream.indirect.scatter.add.f32 [tilespmem:s23], [sflag:$0x8], $0x80, s30, s18, $0xb8;
	[tilespmem:$0x1BF00] =	vst v63  }
0xe2: {  	_ =	swait.ge [sflag:s17], $0x80  }
0xe3: {  	[sflag:s17] =	ssyncset.done $0x0  }
0xe4: {  	[sflag:s17] =	ssyncadd.s32 $0xFFFFFF80  }
0xe5: {  	_ =	swait.ge [sflag:s17], $0x80  }
0xe6: {  	[sflag:s17] =	ssyncset.done $0x0  }
0xe7: {  	[sflag:s17] =	ssyncadd.s32 $0xFFFFFF80  }
0xe8: {  	[tilespmem:s19], [sflag:$0x1] =	stream.indirect.gather [hbm4b:s1+s18], $0x80, s15, s18, $0xb8;
	[tilespmem:$0x1BF00] =	vst v63  }
.Ltmp6:
0xe9: {  	_ = 	snop;
	(pc) =	sbr.rel .LBB2_3-.Ltmp6, $4  }
0xea: {  	s13 =	sadd.s32 $0x50, s11  }
0xeb: {  	[tilespmem:s20], [sflag:$0x4] =	stream.linear.gather [hbm4b:s13+s3], $0x80, $0x38;
	[tilespmem:$0x1BF00] =	vst v63  }
0xec: {  	s10 =	sadd.s32 $0x40, s10;
	s13 =	sadd.s32 $0x50, s12  }
0xed: {  	[tilespmem:s21], [sflag:$0x4] =	stream.linear.gather [hbm4b:s13+s3], $0x80, $0x38;
	[tilespmem:$0x1BF00] =	vst v63  }
.LBB2_4:
.Ltmp7:
0xee: {  	(pc) =	sbr.rel .LBB2_9-.Ltmp7, $2  }
0xef: {  	_ =	sdelay $0x2  }
0xf0: {  	s10 =	rddreg [dreg:$0x4]  }
.LBB2_10:
0xf1: {  	_ =	sfence.sel $0x180000  }
0xf2: {  	[bflag:$0x0] =	sbarrier.arrive $0xFFFF  }
0xf3: {  	_ =	strace $0x90000050  }
0xf4: {  	[bflag:$0x2] =	sbarrier.arrive $0xFFFF  }
0xf5: {  	s0 =	rddreg [dreg:$0x3]  }
0xf6: {  	s0 =	sadd.s32 @!p1 $0x100000, s0  }
0xf7: {  	[sflag:s0] =	ssyncadd.tile.s32 @!p1 $0x1;
	_ =	shalt  }
.Lfunc_end2:
_tile_overlayer_lowered:
.L_overlay_start_2:
0xf8: {  	(tag) =	ssettag $0x2  }
0xf9: {  	s0 =	rddreg [dreg:$0x0];
	s2 =	stileid.u32  }
0xfa: {  	s1 =	rddreg [dreg:$0x1];
	p0 =	sne.s32 s2, $0x0  }
0xfb: {  	s3 =	rddreg [dreg:$0x2];
	[bflag:$0x3] =	sbarrier.arrive $0xFFFF;
	s2 =	simm.s32 @!p0 $0x1C09  }
0xfc: {  	[timem:s3], [sflag:s2] =	dma.local @!p0 [hbm:s0], s1  }
0xfd: {  	s0 =	simm.s32 @!p0 $0x9  }
0xfe: {  	_ =	swait.ge @!p0 [sflag:s0], s1  }
0xff: {  	s1 =	ssub.s32 @!p0 $0x0, s1;
	[sflag:s0] =	ssyncset.done @!p0 $0x0  }
0x100: {  	[sflag:s0] =	ssyncadd.s32 @!p0 s1  }
0x101: {  	[bflag:$0x3] =	sbarrier.arrive $0xFFFF  }
0x102: {  	_ =	shalt  }

// kernel: kernel.33.cloned.1.call-start
scs
__scs_entry_jumppad:
0x0: {  	(pc) =	sbr.rel $0x88, $3  }
0x1: {  	(tag) =	ssettag $0x0;
	lr =	simm.s32 $0x1  }
0x2: {  	[smem:$0x3F8B] =	sst lr;
	_ =	strace $0xD0000000  }
0x3: {  	_ = 	snop  }
0x4: {  	_ = 	snop  }
0x5: {  	_ = 	snop  }
0x6: {  	_ = 	snop  }
0x7: {  	_ = 	snop  }
__scs_overlays_trampoline_lowered:
0x8: {  	[smem:$0x3F9A] =	sst s0  }
0x9: {  	[smem:$0x3F9B] =	sst s1  }
0xa: {  	[smem:$0x3F9C] =	sst s2  }
0xb: {  	[smem:$0x3F9D] =	sst s3  }
0xc: {  	[smem:$0x3F9E] =	sst s4  }
0xd: {  	[smem:$0x3F9F] =	sst s5  }
0xe: {  	[smem:$0x3FA0] =	sst s6  }
0xf: {  	[smem:$0x3FA1] =	sst s7  }
0x10: {  	[smem:$0x3FA2] =	sst s8  }
0x11: {  	[smem:$0x3FA3] =	sst s9;
	s0 =	simm.s32 @!p0 $0x0  }
0x12: {  	s1 =	sld [smem:$0x3F89];
	s0 =	simm.s32 @p0 $0x1  }
0x13: {  	[smem:$0x3FA4] =	sst s0;
	s0 =	simm.s32 @!p1 $0x0  }
0x14: {  	s2 =	sld [smem:$0x3F88];
	s0 =	simm.s32 @p1 $0x1  }
0x15: {  	[smem:$0x3FA5] =	sst s0;
	s0 =	simm.s32 @!p2 $0x0  }
0x16: {  	s3 =	sld [smem:$0x3FDB];
	s0 =	simm.s32 @p2 $0x1  }
0x17: {  	s4 =	simm.s32 $0x1BF5;
	[smem:$0x3FA7] =	sst s0  }
0x18: {  	s0 =	sld [smem:$0x3F8A];
	_ =	swait.ge [sflag:s4], $0x0  }
0x19: {  	s7 =	sld [smem:$0x3F8B]  }
0x1a: {  	s8 =	sadd.s32 $0xFFFFE003, lr  }
0x1b: {  	s9 =	sadd.s32 $0xFFFFFEF7, lr;
	s5 =	simm.s32 $0xFFFFFFFF;
	p2 =	slt.u32 s8, $0xFFFFF086  }
0x1c: {  	p1 =	slt.u32 s9, $0xF7A;
	s5 =	simm.s32 @!p2 $0x0  }
0x1d: {  	s5 =	simm.s32 @p1 $0x1;
	p0 =	seq.s32 s7, s2  }
0x1e: {  	s7 =	smul.u32 @!p0 $0xF7A, s2;
	p2 =	seq.s32 @!p0 s5, $0x0  }
0x1f: {  	s9 =	smul.u32 $0xF7A, s1;
	s8 =	simm.s32 @!p0 $0x1BF5;
	p2 =	por !p2, p0  }
0x20: {  	[sflag:s8] =	ssyncset.s32 @!p0 $0xFFFFF086;
	s6 =	sadd.s32 @!p0 s3, s7;
	s7 =	simm.s32 @!p0 $0x108  }
0x21: {  	s3 =	sadd.s32 s3, s9;
	s6 =	sadd.s32 @!p0 $0x88, s6;
	s7 =	simm.s32 @p2 $0x1082  }
0x22: {  	[simem:s7], [sflag:s8] =	dma.local @!p0 [hbm:s6], $0xF7A  }
0x23: {  	s9 =	sor.u32 $0xD0000000, s2;
	s6 =	simm.s32 $0x108;
	_ =	swait.ge @!p0 [sflag:s8], $0x0  }
0x24: {  	s3 =	sadd.s32 $0x88, s3;
	s6 =	simm.s32 @!p1 $0x1082;
	[sflag:s4] =	ssyncset.s32 $0xFFFFF086  }
0x25: {  	[simem:s6], [sflag:s4] =	dma.local [hbm:s3], $0xF7A  }
0x26: {  	[smem:$0x3F8B] =	sst s1;
	(tag) =	ssettag s2;
	_ =	strace s9  }
0x27: {  	s1 =	sld [smem:$0x3F9B]  }
0x28: {  	s2 =	sld [smem:$0x3F9C]  }
0x29: {  	s4 =	sld [smem:$0x3F9E]  }
0x2a: {  	p0 =	seq.s32 s5, $0x0;
	s5 =	sld [smem:$0x3F9F]  }
0x2b: {  	s6 =	sld [smem:$0x3FA0]  }
0x2c: {  	s7 =	sld [smem:$0x3FA1]  }
0x2d: {  	s3 =	simm.s32 $0x108;
	s8 =	sld [smem:$0x3FA2]  }
0x2e: {  	s3 =	simm.s32 @!p0 $0x1082;
	s9 =	sld [smem:$0x3FA3]  }
0x2f: {  	lr =	sadd.s32 s0, s3;
	s0 =	sld [smem:$0x3F9A]  }
0x30: {  	s3 =	sld [smem:$0x3F9D]  }
0x31: {  	[smem:$0x3FA6] =	sst s10  }
0x32: {  	s10 =	sld [smem:$0x3FA4];
	_ =	sdelay $0x3  }
0x33: {  	p0 =	seq.s32 s10, $0x1;
	s10 =	sld [smem:$0x3FA6];
	_ =	sdelay $0x3  }
0x34: {  	[smem:$0x3FA6] =	sst s10  }
0x35: {  	s10 =	sld [smem:$0x3FA5];
	_ =	sdelay $0x3  }
0x36: {  	p1 =	seq.s32 s10, $0x1;
	s10 =	sld [smem:$0x3FA6];
	_ =	sdelay $0x3  }
0x37: {  	[smem:$0x3FA6] =	sst s10  }
0x38: {  	s10 =	sld [smem:$0x3FA7]  }
0x39: {  	_ = 	snop;
	(pc) =	sbr.ind lr, $3  }
0x3a: {  	_ = 	snop  }
0x3b: {  	_ = 	snop  }
0x3c: {  	p2 =	seq.s32 s10, $0x1;
	s10 =	sld [smem:$0x3FA6]  }
0x3d: {  	_ =	shalt  }
0x3e: {  	_ =	shalt  }
0x3f: {  	_ =	shalt  }
0x40: {  	_ =	shalt  }
0x41: {  	_ =	shalt  }
0x42: {  	_ =	shalt  }
0x43: {  	_ =	shalt  }
0x44: {  	_ =	shalt  }
0x45: {  	_ =	shalt  }
0x46: {  	_ =	shalt  }
0x47: {  	_ =	shalt  }
0x48: {  	_ =	shalt  }
0x49: {  	_ =	shalt  }
0x4a: {  	_ =	shalt  }
0x4b: {  	_ =	shalt  }
0x4c: {  	_ =	shalt  }
0x4d: {  	_ =	shalt  }
0x4e: {  	_ =	shalt  }
0x4f: {  	_ =	shalt  }
0x50: {  	_ =	shalt  }
0x51: {  	_ =	shalt  }
0x52: {  	_ =	shalt  }
0x53: {  	_ =	shalt  }
0x54: {  	_ =	shalt  }
0x55: {  	_ =	shalt  }
0x56: {  	_ =	shalt  }
0x57: {  	_ =	shalt  }
0x58: {  	_ =	shalt  }
0x59: {  	_ =	shalt  }
0x5a: {  	_ =	shalt  }
0x5b: {  	_ =	shalt  }
0x5c: {  	_ =	shalt  }
0x5d: {  	_ =	shalt  }
0x5e: {  	_ =	shalt  }
0x5f: {  	_ =	shalt  }
0x60: {  	_ =	shalt  }
0x61: {  	_ =	shalt  }
0x62: {  	_ =	shalt  }
0x63: {  	_ =	shalt  }
0x64: {  	_ =	shalt  }
0x65: {  	_ =	shalt  }
0x66: {  	_ =	shalt  }
0x67: {  	_ =	shalt  }
0x68: {  	_ =	shalt  }
0x69: {  	_ =	shalt  }
0x6a: {  	_ =	shalt  }
0x6b: {  	_ =	shalt  }
0x6c: {  	_ =	shalt  }
0x6d: {  	_ =	shalt  }
0x6e: {  	_ =	shalt  }
0x6f: {  	_ =	shalt  }
0x70: {  	_ =	shalt  }
0x71: {  	_ =	shalt  }
0x72: {  	_ =	shalt  }
0x73: {  	_ =	shalt  }
0x74: {  	_ =	shalt  }
0x75: {  	_ =	shalt  }
0x76: {  	_ =	shalt  }
0x77: {  	_ =	shalt  }
0x78: {  	_ =	shalt  }
0x79: {  	_ =	shalt  }
0x7a: {  	_ =	shalt  }
0x7b: {  	_ =	shalt  }
0x7c: {  	_ =	shalt  }
0x7d: {  	_ =	shalt  }
0x7e: {  	_ =	shalt  }
0x7f: {  	_ =	shalt  }
0x80: {  	_ =	shalt  }
0x81: {  	_ =	shalt  }
0x82: {  	_ =	shalt  }
0x83: {  	_ =	shalt  }
0x84: {  	_ =	shalt  }
0x85: {  	_ =	shalt  }
0x86: {  	_ =	shalt  }
0x87: {  	_ =	shalt  }
.Lfunc_end0:
.L_simem_size_0:
called_computation.4_lowered:
.L_overlay_start_0:
0x88: {  	s2 =	sld [smem:$0x3FD9]  }
0x89: {  	s3 =	sld [smem:$0x3FFE];
	_ =	sdelay $0x1  }
0x8a: {  	s1 =	srdreg.scid  }
0x8b: {  	s0 =	sand.u32 $0x1, s1  }
0x8c: {  	s17 =	sshll.u32 s0, $0xA;
	s2 =	sadd.s32 s3, s2  }
0x8d: {  	s2 =	sadd.s32 s2, s17  }
0x8e: {  	[smem:$0x3FB2] =	sst s2  }
0x8f: {  	_ = 	snop  }
0x90: {  	s2 =	sld [smem:$0x3FD0];
	(tm) =	ssettm $0x1  }
0x91: {  	s18 =	sld [smem:$0x3FFB];
	_ =	sdelay $0x3  }
0x92: {  	_ =	strace s18  }
0x93: {  	s3 =	sld [smem:$0x3FFC];
	_ =	sdelay $0x3  }
0x94: {  	_ =	strace s3  }
0x95: {  	s3 =	sld [smem:$0x3FFD];
	_ =	sdelay $0x3  }
0x96: {  	_ =	strace s3  }
0x97: {  	_ =	strace $0x8FFFFFFF  }
0x98: {  	s19 =	sld [smem:$0x3FDB];
	_ =	sdelay $0x1  }
0x99: {  	s4 =	simm.s32 $_scs_section_size  }
0x9a: {  	s5 =	simm.s32 $_size__tile_overlayer_lowered;
	s6 =	simm.s32 $_tile_overlayer_lowered  }
0x9b: {  	s22 =	simm.s32 $0x1BFF;
	s21 =	sshll.u32 s6, $0x1;
	s3 =	sadd.s32 s4, s19  }
0x9c: {  	s7 =	simm.s32 $0x0;
	s20 =	sshll.u32 s5, $0x1;
	s5 =	sadd.s32 s21, s3  }
0x9d: {  	[timem:s7], [sflag:s22] =	dma.local [hbm:s5], s20  }
0x9e: {  	_ =	swait.ge [sflag:s22], s20  }
0x9f: {  	s4 =	ssub.s32 $0x0, s20;
	[sflag:s22] =	ssyncset.done $0x0  }
0xa0: {  	[sflag:s22] =	ssyncadd.s32 s4;
	_ =	sdelay $0x1  }
0xa1: {  	s23 =	simm.s32 $0x1B8B  }
0xa2: {  	_ =	swait.ge [sflag:s23], $0x1  }
0xa3: {  	[sflag:s23] =	ssyncset.done $0x0  }
0xa4: {  	s25 =	simm.s32 $0x1B8E;
	s24 =	sld [smem:$0x3FFE];
	[sflag:s23] =	ssyncadd.s32 $0xFFFFFFFF  }
0xa5: {  	s26 =	simm.s32 $execute0_lowered;
	[smem:$0x3FD2] =	sst s25  }
0xa6: {  	s5 =	sshll.u32 s26, $0x1;
	_ =	strace $0x80000052;
	[dreg:$0x1] =	wrdreg $0xFFFFFFFF  }
0xa7: {  	s28 =	simm.s32 $_size_execute0_lowered;
	s3 =	sadd.s32 s3, s5;
	[dreg:$0x0] =	wrdreg $0x0  }
0xa8: {  	s5 =	sshll.u32 s28, $0x1;
	[dreg:$0x2] =	wrdreg s3  }
0xa9: {  	[dreg:$0x3] =	wrdreg s5  }
0xaa: {  	[dreg:$0x4] =	wrdreg $0xC0  }
0xab: {  	_ =	task [dreg:s7], $0x5FFFF  }
0xac: {  	[dreg:$0x1] =	wrdreg $0xFFFFFFFF  }
0xad: {  	[dreg:$0x0] =	wrdreg $0x60  }
0xae: {  	[dreg:$0x2] =	wrdreg s2  }
0xaf: {  	[dreg:$0x3] =	wrdreg s24  }
0xb0: {  	[dreg:$0x4] =	wrdreg $0x0  }
0xb1: {  	[dreg:$0x5] =	wrdreg $0x9  }
0xb2: {  	_ =	task.clear_ibuf [dreg:s7], $0x6FFFF;
	_ =	strace $0x90000052  }
0xb3: {  	s29 =	simm.s32 $0x9;
	_ =	strace $0x80000054  }
0xb4: {  	_ =	swait.ge [sflag:s29], $0x1  }
0xb5: {  	[sflag:s29] =	ssyncadd.s32 $0xFFFFFFFF  }
0xb6: {  	_ =	strace $0x90000054  }
0xb7: {  	_ =	sfence  }
0xb8: {  	s30 =	sld [smem:$0x0];
	_ =	sdelay $0x2  }
0xb9: {  	s31 =	sshll.u32 s1, $0xD;
	s1 =	sshrl.u32 s1, $0x2  }
0xba: {  	s3 =	sand.u32 $0x4000, s31;
	s1 =	sadd.s32 s1, s30  }
0xbb: {  	s0 =	sor.u32 s3, s0;
	s1 =	sshll.u32 s1, $0x11  }
0xbc: {  	s0 =	sor.u32 s1, s0  }
0xbd: {  	s0 =	sadd.s32 $0x8F2B, s0  }
0xbe: {  	[sflag:s0] =	ssyncadd.remote.s32 $0x1  }
0xbf: {  	_ =	sfence.sel $0xFFFF  }
0xc0: {  	[dreg:$0x0] =	wrdreg $0xFFFFFFFF;
	(pc) =	sbr.abs _section_cstart, $3  }
0xc1: {  	[dreg:$0x1] =	wrdreg $0xFFFFFFFF  }
0xc2: {  	_ =	task.clear_ibuf [dreg:s7], $0x2FFFF;
	_ =	strace $0x9FFFFFFF  }
0xc3: {  	(tm) =	ssettm $0x7FFFFFFF  }
tec
execute0_lowered:
.L_overlay_start_1:
0x0: {  	(tag) =	ssettag $0x1  }
0x1: {  	s1 =	rddreg [dreg:$0x0]  }
0x2: {  	s0 =	rddreg [dreg:$0x1]  }
0x3: {  	s2 =	rddreg [dreg:$0x2];
	s3 =	simm.s32 $0x0  }
0x4: {  	s6 =	srdreg.scid;
	s12 =	stileid.u32;
	s15 =	simm.s32 $0x13C00  }
0x5: {  	s16 =	simm.s32 $0x13D00;
	s17 =	simm.s32 $0x3;
	s18 =	simm.s32 $0x80  }
0x6: {  	s19 =	simm.s32 $0x13F00;
	s28 =	simm.s32 $0x2;
	s29 =	simm.s32 $0x5  }
0x7: {  	s30 =	simm.s32 $0x13E80;
	s31 =	simm.s32 $0x6;
	[smem:$0x7FF] =	sst s3  }
0x8: {  	s4 =	sadd.s32 $0x1AA00, s0;
	s5 =	sadd.s32 $0x10A00, s0;
	s10 =	smul.u32 $0xA00, s12  }
0x9: {  	s7 =	sadd.s32 $0x6A00, s0;
	s6 =	sand.u32 $0x1, s6;
	s11 =	smul.u32 $0x4F000, s12  }
0xa: {  	s8 =	sadd.s32 $0x41C00, s0;
	s0 =	sadd.s32 $0x69400, s0;
	s26 =	smul.u32 $0x2780, s12  }
0xb: {  	p1 =	sne.s32 s12, $0x0;
	_ =	strace $0x80000053;
	[dreg:$0x4] =	wrdreg s8  }
0xc: {  	s20 =	ssub.s32 $0x2, s6;
	[dreg:$0x5] =	wrdreg s0;
	p0 =	seq.s32 s6, $0x1  }
0xd: {  	s14 =	sshrl.u32 @!p1 s2, $0x3;
	s6 =	simm.s32 $0x8;
	s21 =	sshrl.u32 s20, $0x1  }
0xe: {  	s8 =	sadd.s32 s5, s10;
	s9 =	sadd.s32 s7, s10;
	s22 =	sor.u32 $0x10, s10  }
0xf: {  	s23 =	sshrl.u32 s11, $0x2;
	[dreg:$0x8] =	wrdreg s26;
	s26 =	simm.s32 $0x13E00  }
0x10: {  	s0 =	ssub.s32 s20, s21;
	s5 =	sadd.s32 s5, s22;
	s24 =	sadd.s32 s7, s22  }
.Ltmp0:
0x11: {  	s25 =	sadd.s32 s23, s2;
	s20 =	simm.s32 $0x13C80;
	(pc) =	sbr.rel .LBB2_1-.Ltmp0, $4  }
0x12: {  	s21 =	simm.s32 $0x13D80;
	s22 =	simm.s32 $0x4;
	[dreg:$0x6] =	wrdreg s5  }
0x13: {  	s23 =	simm.s32 $0x17F00;
	s7 =	simm.s32 $0x9;
	[dreg:$0x7] =	wrdreg s24  }
0x14: {  	s0 =	smax.u32 s0, $0x1;
	s24 =	simm.s32 $0x1;
	s25 =	sshrl.u32 s25, $0x3  }
0x15: {  	s5 =	simm.s32 $0x0;
	[dreg:$0x9] =	wrdreg s0;
	s0 =	simm.s32 $0x7  }
.LBB2_8:
0x16: {  	s10 =	rddreg [dreg:$0x5]  }
.LBB2_9:
0x17: {  	_ =	swait.ge [sflag:s0], $0x4000  }
0x18: {  	[sflag:s0] =	ssyncset.done $0x0  }
0x19: {  	[sflag:s0] =	ssyncadd.s32 $0xFFFFC000  }
0x1a: {  	_ =	swait.ge [sflag:s28], $0x4000  }
0x1b: {  	[sflag:s28] =	ssyncset.done $0x0  }
0x1c: {  	[sflag:s28] =	ssyncadd.s32 $0xFFFFC000  }
0x1d: {  	[spmem:s2] =	stream.indirect.scatter.add.f32 [tilespmem:s23], [sflag:$0x8], $0x80, s30, s18, $0xb8;
	[tilespmem:$0x1BF00] =	vst v63  }
0x1e: {  	_ =	swait.ge [sflag:s6], $0x4000  }
0x1f: {  	s11 =	stileid.u32;
	[sflag:s6] =	ssyncset.done $0x0  }
0x20: {  	s11 =	sshll.u32 s11, $0x6;
	s12 =	rddreg [dreg:$0x8];
	[sflag:s6] =	ssyncadd.s32 $0xFFFFC000  }
0x21: {  	s11 =	sor.u32 $0x1C09, s11;
	s10 =	sadd.s32 s10, s12;
	[bflag:$0x0] =	sbarrier.arrive $0xFFFF  }
0x22: {  	[hbm:s10], [sflag:s11] =	dma.local [spmem:s25], $0x2780  }
0x23: {  	_ =	swait.ge [sflag:s7], $0x2780  }
0x24: {  	s5 =	sadd.s32 $0x1, s5;
	s13 =	rddreg [dreg:$0x9]  }
0x25: {  	p2 =	sne.s32 s5, s13  }
.Ltmp1:
0x26: {  	_ = 	snop;
	(pc) =	sbr.rel @!p2 .LBB2_10-.Ltmp1, $3  }
0x27: {  	_ =	sdelay $0x1  }
0x28: {  	[sflag:s7] =	ssyncset.done $0x0  }
0x29: {  	[sflag:s7] =	ssyncadd.s32 $0xFFFFD880  }
.LBB2_1:
.Ltmp2:
0x2a: {  	(pc) =	sbr.rel @!p0 .LBB2_2-.Ltmp2, $1  }
0x2b: {  	_ =	sdelay $0x3  }
0x2c: {  	s10 =	simm.s32 @!p1 $0x1C09  }
0x2d: {  	[spmem:s14], [sflag:s10] =	dma.local @!p1 [hbm:s4], $0x27100  }
0x2e: {  	s10 =	simm.s32 @!p1 $0x9  }
0x2f: {  	_ =	swait.ge @!p1 [sflag:s10], $0x27100  }
0x30: {  	[sflag:s10] =	ssyncset.done @!p1 $0x0  }
0x31: {  	[sflag:s10] =	ssyncadd.s32 @!p1 $0xFFFD8F00  }
0x32: {  	s10 =	simm.s32 $0x0;
	[bflag:$0x0] =	sbarrier.arrive $0xFFFF  }
0x33: {  	[tilespmem:s15], [sflag:$0x3] =	stream.linear.gather [hbm4b:s8+s10], $0x80, $0x38;
	[tilespmem:$0x1BF00] =	vst v63  }
0x34: {  	_ = 	snop  }
0x35: {  	[tilespmem:s16], [sflag:$0x3] =	stream.linear.gather [hbm4b:s9+s10], $0x80, $0x38;
	[tilespmem:$0x1BF00] =	vst v63  }
0x36: {  	_ =	swait.ge [sflag:s17], $0x80  }
0x37: {  	[sflag:s17] =	ssyncset.done $0x0  }
0x38: {  	[sflag:s17] =	ssyncadd.s32 $0xFFFFFF80  }
0x39: {  	_ =	swait.ge [sflag:s17], $0x80  }
0x3a: {  	[sflag:s17] =	ssyncset.done $0x0  }
0x3b: {  	[sflag:s17] =	ssyncadd.s32 $0xFFFFFF80  }
0x3c: {  	[tilespmem:s19], [sflag:$0x1] =	stream.indirect.gather [hbm4b:s4+s18], $0x80, s15, s18, $0xb8;
	[tilespmem:$0x1BF00] =	vst v63  }
0x3d: {  	s11 =	rddreg [dreg:$0x6]  }
0x3e: {  	[tilespmem:s20], [sflag:$0x4] =	stream.linear.gather [hbm4b:s11+s10], $0x80, $0x38;
	[tilespmem:$0x1BF00] =	vst v63  }
0x3f: {  	s13 =	rddreg [dreg:$0x7]  }
0x40: {  	[tilespmem:s21], [sflag:$0x4] =	stream.linear.gather [hbm4b:s13+s10], $0x80, $0x38;
	[tilespmem:$0x1BF00] =	vst v63  }
.LBB2_7:
0x41: {  	p2 =	seq.s32 s10, $0x0  }
0x42: {  	s11 =	simm.s32 @!p2 $0x8  }
0x43: {  	_ =	swait.ge @!p2 [sflag:s11], $0x4000  }
0x44: {  	[sflag:s11] =	ssyncset.done @!p2 $0x0  }
0x45: {  	[sflag:s11] =	ssyncadd.s32 @!p2 $0xFFFFC000  }
0x46: {  	_ =	swait.ge [sflag:s22], $0x80  }
0x47: {  	[sflag:s22] =	ssyncset.done $0x0  }
0x48: {  	[sflag:s22] =	ssyncadd.s32 $0xFFFFFF80  }
0x49: {  	_ =	swait.ge [sflag:s22], $0x80  }
0x4a: {  	[sflag:s22] =	ssyncset.done $0x0  }
0x4b: {  	[sflag:s22] =	ssyncadd.s32 $0xFFFFFF80  }
0x4c: {  	[tilespmem:s23], [sflag:$0x2] =	stream.indirect.gather [hbm4b:s4+s18], $0x80, s20, s18, $0xb8;
	[tilespmem:$0x1BF00] =	vst v63  }
0x4d: {  	_ =	swait.ge [sflag:s24], $0x4000  }
0x4e: {  	[sflag:s24] =	ssyncset.done $0x0  }
0x4f: {  	s11 =	sadd.s32 s10, s8;
	[sflag:s24] =	ssyncadd.s32 $0xFFFFC000  }
0x50: {  	[spmem:s2] =	stream.indirect.scatter.add.f32 [tilespmem:s19], [sflag:$0x5], $0x80, s16, s18, $0xb8;
	[tilespmem:$0x1BF00] =	vst v63  }
0x51: {  	s12 =	sadd.s32 $0x20, s11  }
0x52: {  	[tilespmem:s15], [sflag:$0x3] =	stream.linear.gather [hbm4b:s12+s3], $0x80, $0x38;
	[tilespmem:$0x1BF00] =	vst v63  }
0x53: {  	s12 =	sadd.s32 s10, s9  }
0x54: {  	s13 =	sadd.s32 $0x20, s12  }
0x55: {  	[tilespmem:s26], [sflag:$0x3] =	stream.linear.gather [hbm4b:s13+s3], $0x80, $0x38;
	[tilespmem:$0x1BF00] =	vst v63  }
0x56: {  	_ =	swait.ge [sflag:s28], $0x4000  }
0x57: {  	[sflag:s28] =	ssyncset.done $0x0  }
0x58: {  	[sflag:s28] =	ssyncadd.s32 $0xFFFFC000  }
0x59: {  	[spmem:s2] =	stream.indirect.scatter.add.f32 [tilespmem:s23], [sflag:$0x6], $0x80, s21, s18, $0xb8;
	[tilespmem:$0x1BF00] =	vst v63  }
0x5a: {  	_ =	swait.ge [sflag:s29], $0x4000  }
0x5b: {  	[sflag:s29] =	ssyncset.done $0x0  }
0x5c: {  	[sflag:s29] =	ssyncadd.s32 $0xFFFFC000  }
0x5d: {  	_ =	swait.ge [sflag:s17], $0x80  }
0x5e: {  	[sflag:s17] =	ssyncset.done $0x0  }
0x5f: {  	[sflag:s17] =	ssyncadd.s32 $0xFFFFFF80  }
0x60: {  	_ =	swait.ge [sflag:s17], $0x80  }
0x61: {  	[sflag:s17] =	ssyncset.done $0x0  }
0x62: {  	[sflag:s17] =	ssyncadd.s32 $0xFFFFFF80  }
0x63: {  	[tilespmem:s19], [sflag:$0x1] =	stream.indirect.gather [hbm4b:s4+s18], $0x80, s15, s18, $0xb8;
	[tilespmem:$0x1BF00] =	vst v63  }
0x64: {  	s13 =	sadd.s32 $0x30, s11  }
0x65: {  	[tilespmem:s20], [sflag:$0x4] =	stream.linear.gather [hbm4b:s13+s3], $0x80, $0x38;
	[tilespmem:$0x1BF00] =	vst v63  }
0x66: {  	s13 =	sadd.s32 $0x30, s12  }
0x67: {  	[tilespmem:s30], [sflag:$0x4] =	stream.linear.gather [hbm4b:s13+s3], $0x80, $0x38;
	[tilespmem:$0x1BF00] =	vst v63  }
0x68: {  	_ =	swait.ge [sflag:s31], $0x4000  }
0x69: {  	[sflag:s31] =	ssyncset.done $0x0  }
0x6a: {  	[sflag:s31] =	ssyncadd.s32 $0xFFFFC000  }
0x6b: {  	_ =	swait.ge [sflag:s24], $0x4000  }
0x6c: {  	[sflag:s24] =	ssyncset.done $0x0  }
0x6d: {  	[sflag:s24] =	ssyncadd.s32 $0xFFFFC000  }
0x6e: {  	[spmem:s2] =	stream.indirect.scatter.add.f32 [tilespmem:s19], [sflag:$0x7], $0x80, s26, s18, $0xb8;
	[tilespmem:$0x1BF00] =	vst v63  }
0x6f: {  	_ =	swait.ge [sflag:s22], $0x80  }
0x70: {  	p2 =	seq.s32 s10, $0x9C0;
	[sflag:s22] =	ssyncset.done $0x0  }
.Ltmp3:
0x71: {  	[sflag:s22] =	ssyncadd.s32 $0xFFFFFF80;
	(pc) =	sbr.rel @p2 .LBB2_8-.Ltmp3, $4  }
0x72: {  	_ =	swait.ge [sflag:s22], $0x80  }
0x73: {  	[sflag:s22] =	ssyncset.done $0x0  }
0x74: {  	[sflag:s22] =	ssyncadd.s32 $0xFFFFFF80  }
0x75: {  	[tilespmem:s23], [sflag:$0x2] =	stream.indirect.gather [hbm4b:s4+s18], $0x80, s20, s18, $0xb8;
	[tilespmem:$0x1BF00] =	vst v63  }
0x76: {  	s13 =	sadd.s32 $0x40, s11  }
0x77: {  	[tilespmem:s15], [sflag:$0x3] =	stream.linear.gather [hbm4b:s13+s3], $0x80, $0x38;
	[tilespmem:$0x1BF00] =	vst v63  }
0x78: {  	s13 =	sadd.s32 $0x40, s12  }
0x79: {  	[tilespmem:s16], [sflag:$0x3] =	stream.linear.gather [hbm4b:s13+s3], $0x80, $0x38;
	[tilespmem:$0x1BF00] =	vst v63  }
0x7a: {  	_ =	swait.ge [sflag:s0], $0x4000  }
0x7b: {  	[sflag:s0] =	ssyncset.done $0x0  }
0x7c: {  	[sflag:s0] =	ssyncadd.s32 $0xFFFFC000  }
0x7d: {  	_ =	swait.ge [sflag:s28], $0x4000  }
0x7e: {  	[sflag:s28] =	ssyncset.done $0x0  }
0x7f: {  	[sflag:s28] =	ssyncadd.s32 $0xFFFFC000  }
0x80: {  	[spmem:s2] =	stream.indirect.scatter.add.f32 [tilespmem:s23], [sflag:$0x8], $0x80, s30, s18, $0xb8;
	[tilespmem:$0x1BF00] =	vst v63  }
0x81: {  	_ =	swait.ge [sflag:s17], $0x80  }
0x82: {  	[sflag:s17] =	ssyncset.done $0x0  }
0x83: {  	[sflag:s17] =	ssyncadd.s32 $0xFFFFFF80  }
0x84: {  	_ =	swait.ge [sflag:s17], $0x80  }
0x85: {  	[sflag:s17] =	ssyncset.done $0x0  }
0x86: {  	[sflag:s17] =	ssyncadd.s32 $0xFFFFFF80  }
0x87: {  	[tilespmem:s19], [sflag:$0x1] =	stream.indirect.gather [hbm4b:s4+s18], $0x80, s15, s18, $0xb8;
	[tilespmem:$0x1BF00] =	vst v63  }
.Ltmp4:
0x88: {  	_ = 	snop;
	(pc) =	sbr.rel .LBB2_7-.Ltmp4, $4  }
0x89: {  	s13 =	sadd.s32 $0x50, s11  }
0x8a: {  	[tilespmem:s20], [sflag:$0x4] =	stream.linear.gather [hbm4b:s13+s3], $0x80, $0x38;
	[tilespmem:$0x1BF00] =	vst v63  }
0x8b: {  	s10 =	sadd.s32 $0x40, s10;
	s13 =	sadd.s32 $0x50, s12  }
0x8c: {  	[tilespmem:s21], [sflag:$0x4] =	stream.linear.gather [hbm4b:s13+s3], $0x80, $0x38;
	[tilespmem:$0x1BF00] =	vst v63  }
.LBB2_2:
0x8d: {  	s10 =	simm.s32 @!p1 $0x1C09  }
0x8e: {  	[spmem:s14], [sflag:s10] =	dma.local @!p1 [hbm:s1], $0x27100  }
0x8f: {  	s10 =	simm.s32 @!p1 $0x9  }
0x90: {  	_ =	swait.ge @!p1 [sflag:s10], $0x27100  }
0x91: {  	[sflag:s10] =	ssyncset.done @!p1 $0x0  }
0x92: {  	[sflag:s10] =	ssyncadd.s32 @!p1 $0xFFFD8F00  }
0x93: {  	s10 =	simm.s32 $0x0;
	[bflag:$0x0] =	sbarrier.arrive $0xFFFF  }
0x94: {  	[tilespmem:s15], [sflag:$0x3] =	stream.linear.gather [hbm4b:s8+s10], $0x80, $0x38;
	[tilespmem:$0x1BF00] =	vst v63  }
0x95: {  	_ = 	snop  }
0x96: {  	[tilespmem:s16], [sflag:$0x3] =	stream.linear.gather [hbm4b:s9+s10], $0x80, $0x38;
	[tilespmem:$0x1BF00] =	vst v63  }
0x97: {  	_ =	swait.ge [sflag:s17], $0x80  }
0x98: {  	[sflag:s17] =	ssyncset.done $0x0  }
0x99: {  	[sflag:s17] =	ssyncadd.s32 $0xFFFFFF80  }
0x9a: {  	_ =	swait.ge [sflag:s17], $0x80  }
0x9b: {  	[sflag:s17] =	ssyncset.done $0x0  }
0x9c: {  	[sflag:s17] =	ssyncadd.s32 $0xFFFFFF80  }
0x9d: {  	[tilespmem:s19], [sflag:$0x1] =	stream.indirect.gather [hbm4b:s1+s18], $0x80, s15, s18, $0xb8;
	[tilespmem:$0x1BF00] =	vst v63  }
0x9e: {  	s11 =	rddreg [dreg:$0x6]  }
0x9f: {  	[tilespmem:s20], [sflag:$0x4] =	stream.linear.gather [hbm4b:s11+s10], $0x80, $0x38;
	[tilespmem:$0x1BF00] =	vst v63  }
0xa0: {  	s13 =	rddreg [dreg:$0x7]  }
0xa1: {  	[tilespmem:s21], [sflag:$0x4] =	stream.linear.gather [hbm4b:s13+s10], $0x80, $0x38;
	[tilespmem:$0x1BF00] =	vst v63  }
.LBB2_3:
0xa2: {  	p2 =	seq.s32 s10, $0x0  }
0xa3: {  	s11 =	simm.s32 @!p2 $0x8  }
0xa4: {  	_ =	swait.ge @!p2 [sflag:s11], $0x4000  }
0xa5: {  	[sflag:s11] =	ssyncset.done @!p2 $0x0  }
0xa6: {  	[sflag:s11] =	ssyncadd.s32 @!p2 $0xFFFFC000  }
0xa7: {  	_ =	swait.ge [sflag:s22], $0x80  }
0xa8: {  	[sflag:s22] =	ssyncset.done $0x0  }
0xa9: {  	[sflag:s22] =	ssyncadd.s32 $0xFFFFFF80  }
0xaa: {  	_ =	swait.ge [sflag:s22], $0x80  }
0xab: {  	[sflag:s22] =	ssyncset.done $0x0  }
0xac: {  	[sflag:s22] =	ssyncadd.s32 $0xFFFFFF80  }
0xad: {  	[tilespmem:s23], [sflag:$0x2] =	stream.indirect.gather [hbm4b:s1+s18], $0x80, s20, s18, $0xb8;
	[tilespmem:$0x1BF00] =	vst v63  }
0xae: {  	_ =	swait.ge [sflag:s24], $0x4000  }
0xaf: {  	[sflag:s24] =	ssyncset.done $0x0  }
0xb0: {  	s11 =	sadd.s32 s10, s8;
	[sflag:s24] =	ssyncadd.s32 $0xFFFFC000  }
0xb1: {  	[spmem:s2] =	stream.indirect.scatter.add.f32 [tilespmem:s19], [sflag:$0x5], $0x80, s16, s18, $0xb8;
	[tilespmem:$0x1BF00] =	vst v63  }
0xb2: {  	s12 =	sadd.s32 $0x20, s11  }
0xb3: {  	[tilespmem:s15], [sflag:$0x3] =	stream.linear.gather [hbm4b:s12+s3], $0x80, $0x38;
	[tilespmem:$0x1BF00] =	vst v63  }
0xb4: {  	s12 =	sadd.s32 s10, s9  }
0xb5: {  	s13 =	sadd.s32 $0x20, s12  }
0xb6: {  	[tilespmem:s26], [sflag:$0x3] =	stream.linear.gather [hbm4b:s13+s3], $0x80, $0x38;
	[tilespmem:$0x1BF00] =	vst v63  }
0xb7: {  	_ =	swait.ge [sflag:s28], $0x4000  }
0xb8: {  	[sflag:s28] =	ssyncset.done $0x0  }
0xb9: {  	[sflag:s28] =	ssyncadd.s32 $0xFFFFC000  }
0xba: {  	[spmem:s2] =	stream.indirect.scatter.add.f32 [tilespmem:s23], [sflag:$0x6], $0x80, s21, s18, $0xb8;
	[tilespmem:$0x1BF00] =	vst v63  }
0xbb: {  	_ =	swait.ge [sflag:s29], $0x4000  }
0xbc: {  	[sflag:s29] =	ssyncset.done $0x0  }
0xbd: {  	[sflag:s29] =	ssyncadd.s32 $0xFFFFC000  }
0xbe: {  	_ =	swait.ge [sflag:s17], $0x80  }
0xbf: {  	[sflag:s17] =	ssyncset.done $0x0  }
0xc0: {  	[sflag:s17] =	ssyncadd.s32 $0xFFFFFF80  }
0xc1: {  	_ =	swait.ge [sflag:s17], $0x80  }
0xc2: {  	[sflag:s17] =	ssyncset.done $0x0  }
0xc3: {  	[sflag:s17] =	ssyncadd.s32 $0xFFFFFF80  }
0xc4: {  	[tilespmem:s19], [sflag:$0x1] =	stream.indirect.gather [hbm4b:s1+s18], $0x80, s15, s18, $0xb8;
	[tilespmem:$0x1BF00] =	vst v63  }
0xc5: {  	s13 =	sadd.s32 $0x30, s11  }
0xc6: {  	[tilespmem:s20], [sflag:$0x4] =	stream.linear.gather [hbm4b:s13+s3], $0x80, $0x38;
	[tilespmem:$0x1BF00] =	vst v63  }
0xc7: {  	s13 =	sadd.s32 $0x30, s12  }
0xc8: {  	[tilespmem:s30], [sflag:$0x4] =	stream.linear.gather [hbm4b:s13+s3], $0x80, $0x38;
	[tilespmem:$0x1BF00] =	vst v63  }
0xc9: {  	_ =	swait.ge [sflag:s31], $0x4000  }
0xca: {  	[sflag:s31] =	ssyncset.done $0x0  }
0xcb: {  	[sflag:s31] =	ssyncadd.s32 $0xFFFFC000  }
0xcc: {  	_ =	swait.ge [sflag:s24], $0x4000  }
0xcd: {  	[sflag:s24] =	ssyncset.done $0x0  }
0xce: {  	[sflag:s24] =	ssyncadd.s32 $0xFFFFC000  }
0xcf: {  	[spmem:s2] =	stream.indirect.scatter.add.f32 [tilespmem:s19], [sflag:$0x7], $0x80, s26, s18, $0xb8;
	[tilespmem:$0x1BF00] =	vst v63  }
0xd0: {  	_ =	swait.ge [sflag:s22], $0x80  }
0xd1: {  	p2 =	seq.s32 s10, $0x9C0;
	[sflag:s22] =	ssyncset.done $0x0  }
.Ltmp5:
0xd2: {  	[sflag:s22] =	ssyncadd.s32 $0xFFFFFF80;
	(pc) =	sbr.rel @p2 .LBB2_4-.Ltmp5, $4  }
0xd3: {  	_ =	swait.ge [sflag:s22], $0x80  }
0xd4: {  	[sflag:s22] =	ssyncset.done $0x0  }
0xd5: {  	[sflag:s22] =	ssyncadd.s32 $0xFFFFFF80  }
0xd6: {  	[tilespmem:s23], [sflag:$0x2] =	stream.indirect.gather [hbm4b:s1+s18], $0x80, s20, s18, $0xb8;
	[tilespmem:$0x1BF00] =	vst v63  }
0xd7: {  	s13 =	sadd.s32 $0x40, s11  }
0xd8: {  	[tilespmem:s15], [sflag:$0x3] =	stream.linear.gather [hbm4b:s13+s3], $0x80, $0x38;
	[tilespmem:$0x1BF00] =	vst v63  }
0xd9: {  	s13 =	sadd.s32 $0x40, s12  }
0xda: {  	[tilespmem:s16], [sflag:$0x3] =	stream.linear.gather [hbm4b:s13+s3], $0x80, $0x38;
	[tilespmem:$0x1BF00] =	vst v63  }
0xdb: {  	_ =	swait.ge [sflag:s0], $0x4000  }
0xdc: {  	[sflag:s0] =	ssyncset.done $0x0  }
0xdd: {  	[sflag:s0] =	ssyncadd.s32 $0xFFFFC000  }
0xde: {  	_ =	swait.ge [sflag:s28], $0x4000  }
0xdf: {  	[sflag:s28] =	ssyncset.done $0x0  }
0xe0: {  	[sflag:s28] =	ssyncadd.s32 $0xFFFFC000  }
0xe1: {  	[spmem:s2] =	stream.indirect.scatter.add.f32 [tilespmem:s23], [sflag:$0x8], $0x80, s30, s18, $0xb8;
	[tilespmem:$0x1BF00] =	vst v63  }
0xe2: {  	_ =	swait.ge [sflag:s17], $0x80  }
0xe3: {  	[sflag:s17] =	ssyncset.done $0x0  }
0xe4: {  	[sflag:s17] =	ssyncadd.s32 $0xFFFFFF80  }
0xe5: {  	_ =	swait.ge [sflag:s17], $0x80  }
0xe6: {  	[sflag:s17] =	ssyncset.done $0x0  }
0xe7: {  	[sflag:s17] =	ssyncadd.s32 $0xFFFFFF80  }
0xe8: {  	[tilespmem:s19], [sflag:$0x1] =	stream.indirect.gather [hbm4b:s1+s18], $0x80, s15, s18, $0xb8;
	[tilespmem:$0x1BF00] =	vst v63  }
.Ltmp6:
0xe9: {  	_ = 	snop;
	(pc) =	sbr.rel .LBB2_3-.Ltmp6, $4  }
0xea: {  	s13 =	sadd.s32 $0x50, s11  }
0xeb: {  	[tilespmem:s20], [sflag:$0x4] =	stream.linear.gather [hbm4b:s13+s3], $0x80, $0x38;
	[tilespmem:$0x1BF00] =	vst v63  }
0xec: {  	s10 =	sadd.s32 $0x40, s10;
	s13 =	sadd.s32 $0x50, s12  }
0xed: {  	[tilespmem:s21], [sflag:$0x4] =	stream.linear.gather [hbm4b:s13+s3], $0x80, $0x38;
	[tilespmem:$0x1BF00] =	vst v63  }
.LBB2_4:
.Ltmp7:
0xee: {  	(pc) =	sbr.rel .LBB2_9-.Ltmp7, $2  }
0xef: {  	_ =	sdelay $0x2  }
0xf0: {  	s10 =	rddreg [dreg:$0x4]  }
.LBB2_10:
0xf1: {  	_ =	sfence.sel $0x180000  }
0xf2: {  	[bflag:$0x0] =	sbarrier.arrive $0xFFFF  }
0xf3: {  	_ =	strace $0x90000053  }
0xf4: {  	[bflag:$0x2] =	sbarrier.arrive $0xFFFF  }
0xf5: {  	s0 =	rddreg [dreg:$0x3]  }
0xf6: {  	s0 =	sadd.s32 @!p1 $0x100000, s0  }
0xf7: {  	[sflag:s0] =	ssyncadd.tile.s32 @!p1 $0x1;
	_ =	shalt  }
.Lfunc_end2:
_tile_overlayer_lowered:
.L_overlay_start_2:
0xf8: {  	(tag) =	ssettag $0x2  }
0xf9: {  	s0 =	rddreg [dreg:$0x0];
	s2 =	stileid.u32  }
0xfa: {  	s1 =	rddreg [dreg:$0x1];
	p0 =	sne.s32 s2, $0x0  }
0xfb: {  	s3 =	rddreg [dreg:$0x2];
	[bflag:$0x3] =	sbarrier.arrive $0xFFFF;
	s2 =	simm.s32 @!p0 $0x1C09  }
0xfc: {  	[timem:s3], [sflag:s2] =	dma.local @!p0 [hbm:s0], s1  }
0xfd: {  	s0 =	simm.s32 @!p0 $0x9  }
0xfe: {  	_ =	swait.ge @!p0 [sflag:s0], s1  }
0xff: {  	s1 =	ssub.s32 @!p0 $0x0, s1;
	[sflag:s0] =	ssyncset.done @!p0 $0x0  }
0x100: {  	[sflag:s0] =	ssyncadd.s32 @!p0 s1  }
0x101: {  	[bflag:$0x3] =	sbarrier.arrive $0xFFFF  }
0x102: {  	_ =	shalt  }

</sc_bundles>
